<compile_context>
chip_gen: v7x
topology: tpu7x:2x2x1
jax: 0.10.2.dev20260603
libtpu: 0.0.44.dev20260713+nightly
codegen_flags: <defaults>
</compile_context>

<pallas_src>
import jax
import jax.numpy as jnp
from jax import lax
from jax.experimental import pallas as pl
from jax.experimental.pallas import tpu as pltpu
from jax.experimental.pallas import tpu_sc as plsc

N_NODES = 10000
N_EDGES = 320000
D = 128

NC = 2
NS = 16
NW = NC * NS
CHUNK = 80
NCH = -(-(N_EDGES // NW) // CHUNK)
E_PAD = NW * NCH * CHUNK
N_PAD = 10240
ROWS_PER_TILE = N_PAD // NS


NBUF = 4


def _seg_sum_body(x_hbm, src_hbm, dst_hbm, out_hbm,
                  acc, *scr):
    cid = lax.axis_index("c")
    sid = lax.axis_index("s")
    wid = sid * NC + cid
    base = wid * NCH * CHUNK
    sidx = scr[0:NBUF]
    didx = scr[NBUF:2 * NBUF]
    rows = scr[2 * NBUF:3 * NBUF]
    semi = scr[3 * NBUF:4 * NBUF]
    semg = scr[4 * NBUF:5 * NBUF]
    sems = scr[5 * NBUF:6 * NBUF]

    def load_idx(g, b):
        pltpu.async_copy(src_hbm.at[pl.ds(base + g * CHUNK, CHUNK)],
                         sidx[b], semi[b])
        pltpu.async_copy(dst_hbm.at[pl.ds(base + g * CHUNK, CHUNK)],
                         didx[b], semi[b])

    def wait_idx(b):
        pltpu.make_async_copy(src_hbm.at[pl.ds(base, CHUNK)], sidx[b],
                              semi[b]).wait()
        pltpu.make_async_copy(dst_hbm.at[pl.ds(base, CHUNK)], didx[b],
                              semi[b]).wait()

    def gather(b):
        pltpu.async_copy(x_hbm.at[sidx[b]], rows[b], semg[b])

    def wait_gather_scatter(b):
        pltpu.make_async_copy(x_hbm.at[sidx[b]], rows[b], semg[b]).wait()
        pltpu.async_copy(rows[b], acc.at[didx[b]], sems[b], add=True)

    def wait_scatter(b):
        pltpu.make_async_copy(rows[b], acc.at[didx[b]], sems[b]).wait()

    for b in range(NBUF - 1):
        load_idx(b, b)
    zbuf = rows[NBUF - 1]

    def zstore(i, carry):
        for j in range(D // 16):
            zbuf[i, pl.ds(j * 16, 16)] = jnp.zeros((16,), jnp.float32)
        return carry

    lax.fori_loop(0, CHUNK, zstore, 0)
    for b in range(NBUF - 1):
        wait_idx(b)
        gather(b)
    load_idx(NBUF - 1, NBUF - 1)
    for k in range(ROWS_PER_TILE // CHUNK):
        pltpu.sync_copy(
            zbuf, acc.at[pl.ds(sid * ROWS_PER_TILE + k * CHUNK, CHUNK)])
    plsc.subcore_barrier()

    def step(h, carry):
        g0 = NBUF * h
        for j in range(NBUF):
            gj = g0 + j
            bn = (j + NBUF - 1) % NBUF

            @pl.when(gj + NBUF - 1 < NCH)
            def _():
                wait_idx(bn)

                @pl.when(gj > 0)
                def _():
                    wait_scatter(bn)

                gather(bn)

            wait_gather_scatter(j)

            @pl.when(gj + NBUF < NCH)
            def _():
                load_idx(gj + NBUF, j)

        return carry

    lax.fori_loop(0, NCH // NBUF, step, 0)
    for b in range(NCH % NBUF):
        wait_gather_scatter(b)
    for b in range(NBUF):
        wait_scatter(b)
    plsc.subcore_barrier()

    r0 = sid * ROWS_PER_TILE
    pltpu.sync_copy(acc.at[pl.ds(r0, ROWS_PER_TILE)],
                    out_hbm.at[pl.ds(cid * N_PAD + r0, ROWS_PER_TILE)])


_seg_sum = pl.kernel(
    _seg_sum_body,
    out_type=jax.ShapeDtypeStruct((NC * N_PAD, D), jnp.float32),
    mesh=plsc.VectorSubcoreMesh(core_axis_name="c", subcore_axis_name="s",
                                num_cores=NC, num_subcores=NS),
    scratch_types=(
        [pltpu.VMEM_SHARED((N_PAD, D), jnp.float32)]
        + [pltpu.VMEM((CHUNK,), jnp.int32) for _ in range(2 * NBUF)]
        + [pltpu.VMEM((CHUNK, D), jnp.float32) for _ in range(NBUF)]
        + [pltpu.SemaphoreType.DMA for _ in range(3 * NBUF)]
    ),
)


ROWS_BLK = 2000
GRID = N_NODES // ROWS_BLK


def _combine_mid_body(p0_ref, p1_ref, x_ref, wrel_ref, wroot_ref, b_ref, o_ref):
    agg = p0_ref[0] + p1_ref[0]
    y = (jnp.dot(agg, wrel_ref[...], preferred_element_type=jnp.float32)
         + jnp.dot(x_ref[...], wroot_ref[...], preferred_element_type=jnp.float32)
         + b_ref[...])
    o_ref[...] = jnp.where(y > 0, y, 0.01 * y)


def _combine_last_body(p0_ref, p1_ref, x_ref, wrel_ref, wroot_ref, b_ref,
                       skip_ref, o_ref):
    agg = p0_ref[0] + p1_ref[0]
    y = (jnp.dot(agg, wrel_ref[...], preferred_element_type=jnp.float32)
         + jnp.dot(x_ref[...], wroot_ref[...], preferred_element_type=jnp.float32)
         + b_ref[...])
    y = jnp.where(y > 0, y, 0.01 * y) + skip_ref[...]
    part = jnp.sum(y, axis=0, keepdims=True)

    @pl.when(pl.program_id(0) == 0)
    def _():
        o_ref[...] = jnp.zeros_like(o_ref)

    o_ref[...] += part


def _decoder_body(s_ref, wdec_ref, wlin_ref, o_ref):
    mean = s_ref[...] * (1.0 / N_NODES)
    d = jnp.dot(mean, wdec_ref[...], preferred_element_type=jnp.float32)
    d = jnp.where(d > 0, d, 0.001 * d)
    logits = jnp.dot(d, wlin_ref[...], preferred_element_type=jnp.float32)
    m = jnp.max(logits, axis=-1, keepdims=True)
    e = jnp.exp(logits - m)
    o_ref[...] = e / jnp.sum(e, axis=-1, keepdims=True)


def _row_spec():
    return pl.BlockSpec((ROWS_BLK, D), lambda i: (i, 0))


def _p_spec(c):
    return pl.BlockSpec((1, ROWS_BLK, D), lambda i: (c, i, 0))


_W_SPEC = pl.BlockSpec((D, D), lambda i: (0, 0))
_B_SPEC = pl.BlockSpec((1, D), lambda i: (0, 0))

_combine_mid = pl.pallas_call(
    _combine_mid_body,
    grid=(GRID,),
    in_specs=[_p_spec(0), _p_spec(1),
              _row_spec(), _W_SPEC, _W_SPEC, _B_SPEC],
    out_specs=_row_spec(),
    out_shape=jax.ShapeDtypeStruct((N_NODES, D), jnp.float32),
)

_combine_last = pl.pallas_call(
    _combine_last_body,
    grid=(GRID,),
    in_specs=[_p_spec(0), _p_spec(1),
              _row_spec(), _W_SPEC, _W_SPEC, _B_SPEC, _row_spec()],
    out_specs=pl.BlockSpec((1, D), lambda i: (0, 0)),
    out_shape=jax.ShapeDtypeStruct((1, D), jnp.float32),
)

_decoder = pl.pallas_call(
    _decoder_body,
    in_specs=[pl.BlockSpec((1, D), lambda: (0, 0)),
              pl.BlockSpec((D, 64), lambda: (0, 0)),
              pl.BlockSpec((64, 16), lambda: (0, 0))],
    out_specs=pl.BlockSpec((1, 16), lambda: (0, 0)),
    out_shape=jax.ShapeDtypeStruct((1, 16), jnp.float32),
)


def kernel(x, edge_index, batch, W_rel_0, b_rel_0, W_root_0, W_rel_1, b_rel_1,
           W_root_1, W_rel_2, b_rel_2, W_root_2, W_rel_3, b_rel_3, W_root_3,
           W_dec_0, W_lin):
    pad = E_PAD - N_EDGES
    src = edge_index[0]
    dst = edge_index[1]
    if pad:
        src = jnp.concatenate([src, jnp.zeros((pad,), jnp.int32)])
        pad_dst = N_NODES + (jnp.arange(pad, dtype=jnp.int32)
                             % (N_PAD - N_NODES))
        dst = jnp.concatenate([dst, pad_dst])
    W_rels = (W_rel_0, W_rel_1, W_rel_2, W_rel_3)
    b_rels = (b_rel_0.reshape(1, D), b_rel_1.reshape(1, D),
              b_rel_2.reshape(1, D), b_rel_3.reshape(1, D))
    W_roots = (W_root_0, W_root_1, W_root_2, W_root_3)

    outs = []
    for i in range(3):
        p = _seg_sum(x, src, dst).reshape(NC, N_PAD, D)
        x = _combine_mid(p, p, x, W_rels[i], W_roots[i], b_rels[i])
        outs.append(x)
    p = _seg_sum(x, src, dst).reshape(NC, N_PAD, D)
    sums = _combine_last(p, p, x, W_rels[3], W_roots[3], b_rels[3], outs[1])
    out = _decoder(sums, W_dec_0, W_lin)
    return out.reshape(16)

# --- scband reference (transcript-rebuilt; emitter-appended) ---
"""Pipeline reference for scband-gcnet-82635170775049 (READ-ONLY COPY).

The authoritative reference and input builder live on the scoring server;
editing this copy changes nothing except your own understanding.
"""

import jax, jax.numpy as jnp
import numpy as np

N_NODES = 10000
N_EDGES = 320000
D_IN = 128
HIDDEN = [128, 128, 128, 128]
DEC = [64]
D_OUT = 16


def setup_inputs(seed: int = 0):
    key = jax.random.key(seed)
    ks = jax.random.split(key, 32)
    inp = {}
    inp["x"] = jax.random.normal(ks[0], (N_NODES, D_IN), dtype=jnp.float32)
    inp["edge_index"] = jax.random.randint(ks[1], (2, N_EDGES), 0, N_NODES, dtype=jnp.int32)
    inp["batch"] = jnp.zeros((N_NODES,), dtype=jnp.int32)
    dims = [D_IN] + HIDDEN
    for i in range(len(HIDDEN)):
        inp[f"W_rel_{i}"] = jax.random.normal(ks[2 + 3 * i], (dims[i], dims[i + 1]), dtype=jnp.float32) * 0.05
        inp[f"b_rel_{i}"] = jnp.zeros((dims[i + 1],), dtype=jnp.float32)
        inp[f"W_root_{i}"] = jax.random.normal(ks[3 + 3 * i], (dims[i], dims[i + 1]), dtype=jnp.float32) * 0.05
    decdims = [HIDDEN[-1]] + DEC
    for i in range(len(DEC)):
        inp[f"W_dec_{i}"] = jax.random.normal(ks[20 + i], (decdims[i], decdims[i + 1]), dtype=jnp.float32) * 0.05
    inp["W_lin"] = jax.random.normal(ks[25], (DEC[-1], D_OUT), dtype=jnp.float32) * 0.05
    return inp


def _forward(x, edge_index, batch, W_rels, b_rels, W_roots, W_decs, W_lin):
    # GCNet.internal_forward in eval mode (dropout inactive, poolings never applied).
    N = x.shape[0]
    src = edge_index[0]
    dst = edge_index[1]
    outputs = []
    for i in range(len(W_rels)):
        # PyG GraphConv (aggr='add'): out = lin_rel(sum_{j->i} x_j) + lin_root(x_i)
        agg = jax.ops.segment_sum(x[src], dst, num_segments=N)
        x = agg @ W_rels[i] + b_rels[i] + x @ W_roots[i]
        x = jax.nn.leaky_relu(x, negative_slope=0.01)
        if i > 2 and (i - 1) % 2 == 0:
            x = x + outputs[-2]
        outputs.append(x)
    # global_mean_pool over batch assignment
    num_graphs = 1
    summed = jax.ops.segment_sum(x, batch, num_segments=num_graphs)
    counts = jax.ops.segment_sum(jnp.ones((N,), x.dtype), batch, num_segments=num_graphs)
    x = summed / counts[:, None]
    for Wd in W_decs:
        x = x @ Wd
        x = jax.nn.leaky_relu(x, negative_slope=0.001)
    x = x @ W_lin
    x = jnp.squeeze(x, 0)
    return jax.nn.softmax(x, axis=-1)


def reference(x, edge_index, batch, W_rel_0, b_rel_0, W_root_0, W_rel_1, b_rel_1, W_root_1, W_rel_2, b_rel_2, W_root_2, W_rel_3, b_rel_3, W_root_3, W_dec_0, W_lin):
    W_rels = [W_rel_0, W_rel_1, W_rel_2, W_rel_3]
    b_rels = [b_rel_0, b_rel_1, b_rel_2, b_rel_3]
    W_roots = [W_root_0, W_root_1, W_root_2, W_root_3]
    return _forward(x, edge_index, batch, W_rels, b_rels, W_roots, [W_dec_0], W_lin)

if __name__ == "__main__":
    import jax
    _d = setup_inputs()
    print(jax.jit(kernel)(*tuple(_d.values())))

</pallas_src>

<mosaic_0001>
#map = affine_map<(d0, d1) -> (0, 0)>
#map1 = affine_map<(d0, d1) -> (0)>
module attributes {stable_mosaic.version = 14 : i64} {
  func.func @_seg_sum_body(%arg0: i32, %arg1: i32, %arg2: memref<10000x128xf32, #tpu.memory_space<hbm>>, %arg3: memref<320000xi32, #tpu.memory_space<hbm>>, %arg4: memref<320000xi32, #tpu.memory_space<hbm>>, %arg5: memref<20480x128xf32, #tpu.memory_space<hbm>>, %arg6: memref<10240x128xf32, #tpu.memory_space<vmem_shared>>, %arg7: memref<80xi32, #tpu.memory_space<vmem>>, %arg8: memref<80xi32, #tpu.memory_space<vmem>>, %arg9: memref<80xi32, #tpu.memory_space<vmem>>, %arg10: memref<80xi32, #tpu.memory_space<vmem>>, %arg11: memref<80xi32, #tpu.memory_space<vmem>>, %arg12: memref<80xi32, #tpu.memory_space<vmem>>, %arg13: memref<80xi32, #tpu.memory_space<vmem>>, %arg14: memref<80xi32, #tpu.memory_space<vmem>>, %arg15: memref<80x128xf32, #tpu.memory_space<vmem>>, %arg16: memref<80x128xf32, #tpu.memory_space<vmem>>, %arg17: memref<80x128xf32, #tpu.memory_space<vmem>>, %arg18: memref<80x128xf32, #tpu.memory_space<vmem>>, %arg19: memref<!tpu.dma_semaphore, #tpu.memory_space<semaphore_mem>>, %arg20: memref<!tpu.dma_semaphore, #tpu.memory_space<semaphore_mem>>, %arg21: memref<!tpu.dma_semaphore, #tpu.memory_space<semaphore_mem>>, %arg22: memref<!tpu.dma_semaphore, #tpu.memory_space<semaphore_mem>>, %arg23: memref<!tpu.dma_semaphore, #tpu.memory_space<semaphore_mem>>, %arg24: memref<!tpu.dma_semaphore, #tpu.memory_space<semaphore_mem>>, %arg25: memref<!tpu.dma_semaphore, #tpu.memory_space<semaphore_mem>>, %arg26: memref<!tpu.dma_semaphore, #tpu.memory_space<semaphore_mem>>, %arg27: memref<!tpu.dma_semaphore, #tpu.memory_space<semaphore_mem>>, %arg28: memref<!tpu.dma_semaphore, #tpu.memory_space<semaphore_mem>>, %arg29: memref<!tpu.dma_semaphore, #tpu.memory_space<semaphore_mem>>, %arg30: memref<!tpu.dma_semaphore, #tpu.memory_space<semaphore_mem>>) attributes {dimension_semantics = [#tpu.dimension_semantics<core_parallel>, #tpu.dimension_semantics<subcore_parallel>], iteration_bounds = array<i64: 2, 16>, scalar_prefetch = 0 : i64, scratch_operands = 25 : i64, tpu.core_type = #tpu.core_type<sc_vector_subcore>, window_params = [{transform_indices = #map}, {transform_indices = #map1}, {transform_indices = #map1}, {transform_indices = #map}]} {
    %mul3A = arith.constant 2 : i32
    %mul3A_0 = arith.muli %arg1, %mul3A : i32
    %add3A = arith.addi %mul3A_0, %arg0 : i32
    %mul3A_1 = arith.constant 125 : i32
    %mul3A_2 = arith.muli %add3A, %mul3A_1 : i32
    %mul3A_3 = arith.constant 80 : i32
    %mul3A_4 = arith.muli %mul3A_2, %mul3A_3 : i32
    %add3A_5 = arith.constant 0 : i32
    %add3A_6 = arith.addi %mul3A_4, %add3A_5 : i32
    %dma_start3A = tpu.memref_slice %arg3[%add3A_6] : memref<320000xi32, #tpu.memory_space<hbm>> -> memref<80xi32, #tpu.memory_space<hbm>>
    %dma_start3A_7 = tpu.memref_slice %arg3[%add3A_6] : memref<320000xi32, #tpu.memory_space<hbm>> -> memref<80xi32, #tpu.memory_space<hbm>>
    tpu.enqueue_dma source(%dma_start3A_7 : memref<80xi32, #tpu.memory_space<hbm>>) target(%arg7 : memref<80xi32, #tpu.memory_space<vmem>>) target_semaphore(%arg19 : memref<!tpu.dma_semaphore, #tpu.memory_space<semaphore_mem>>)
    %add3A_8 = arith.constant 0 : i32
    %add3A_9 = arith.addi %mul3A_4, %add3A_8 : i32
    %dma_start3A_10 = tpu.memref_slice %arg4[%add3A_9] : memref<320000xi32, #tpu.memory_space<hbm>> -> memref<80xi32, #tpu.memory_space<hbm>>
    %dma_start3A_11 = tpu.memref_slice %arg4[%add3A_9] : memref<320000xi32, #tpu.memory_space<hbm>> -> memref<80xi32, #tpu.memory_space<hbm>>
    tpu.enqueue_dma source(%dma_start3A_11 : memref<80xi32, #tpu.memory_space<hbm>>) target(%arg11 : memref<80xi32, #tpu.memory_space<vmem>>) target_semaphore(%arg19 : memref<!tpu.dma_semaphore, #tpu.memory_space<semaphore_mem>>)
    %add3A_12 = arith.constant 80 : i32
    %add3A_13 = arith.addi %mul3A_4, %add3A_12 : i32
    %dma_start3A_14 = tpu.memref_slice %arg3[%add3A_13] : memref<320000xi32, #tpu.memory_space<hbm>> -> memref<80xi32, #tpu.memory_space<hbm>>
    %dma_start3A_15 = tpu.memref_slice %arg3[%add3A_13] : memref<320000xi32, #tpu.memory_space<hbm>> -> memref<80xi32, #tpu.memory_space<hbm>>
    tpu.enqueue_dma source(%dma_start3A_15 : memref<80xi32, #tpu.memory_space<hbm>>) target(%arg8 : memref<80xi32, #tpu.memory_space<vmem>>) target_semaphore(%arg20 : memref<!tpu.dma_semaphore, #tpu.memory_space<semaphore_mem>>)
    %add3A_16 = arith.constant 80 : i32
    %add3A_17 = arith.addi %mul3A_4, %add3A_16 : i32
    %dma_start3A_18 = tpu.memref_slice %arg4[%add3A_17] : memref<320000xi32, #tpu.memory_space<hbm>> -> memref<80xi32, #tpu.memory_space<hbm>>
    %dma_start3A_19 = tpu.memref_slice %arg4[%add3A_17] : memref<320000xi32, #tpu.memory_space<hbm>> -> memref<80xi32, #tpu.memory_space<hbm>>
    tpu.enqueue_dma source(%dma_start3A_19 : memref<80xi32, #tpu.memory_space<hbm>>) target(%arg12 : memref<80xi32, #tpu.memory_space<vmem>>) target_semaphore(%arg20 : memref<!tpu.dma_semaphore, #tpu.memory_space<semaphore_mem>>)
    %add3A_20 = arith.constant 160 : i32
    %add3A_21 = arith.addi %mul3A_4, %add3A_20 : i32
    %dma_start3A_22 = tpu.memref_slice %arg3[%add3A_21] : memref<320000xi32, #tpu.memory_space<hbm>> -> memref<80xi32, #tpu.memory_space<hbm>>
    %dma_start3A_23 = tpu.memref_slice %arg3[%add3A_21] : memref<320000xi32, #tpu.memory_space<hbm>> -> memref<80xi32, #tpu.memory_space<hbm>>
    tpu.enqueue_dma source(%dma_start3A_23 : memref<80xi32, #tpu.memory_space<hbm>>) target(%arg9 : memref<80xi32, #tpu.memory_space<vmem>>) target_semaphore(%arg21 : memref<!tpu.dma_semaphore, #tpu.memory_space<semaphore_mem>>)
    %add3A_24 = arith.constant 160 : i32
    %add3A_25 = arith.addi %mul3A_4, %add3A_24 : i32
    %dma_start3A_26 = tpu.memref_slice %arg4[%add3A_25] : memref<320000xi32, #tpu.memory_space<hbm>> -> memref<80xi32, #tpu.memory_space<hbm>>
    %dma_start3A_27 = tpu.memref_slice %arg4[%add3A_25] : memref<320000xi32, #tpu.memory_space<hbm>> -> memref<80xi32, #tpu.memory_space<hbm>>
    tpu.enqueue_dma source(%dma_start3A_27 : memref<80xi32, #tpu.memory_space<hbm>>) target(%arg13 : memref<80xi32, #tpu.memory_space<vmem>>) target_semaphore(%arg21 : memref<!tpu.dma_semaphore, #tpu.memory_space<semaphore_mem>>)
    %scan3A = arith.constant 0 : i32
    %scan3A_28 = arith.constant 0 : i32
    %scan3A_29 = arith.constant 80 : i32
    %scan3A_30 = arith.addi %scan3A_28, %scan3A_29 : i32
    %scan3A_31 = arith.constant 1 : i32
    scf.for %scan3A_123 = %scan3A_28 to %scan3A_30 step %scan3A_31  : i32 {
      %broadcast_in_dim3A = arith.constant 0.000000e+00 : f32
      %broadcast_in_dim3A_124 = vector.broadcast %broadcast_in_dim3A : f32 to vector<16xf32>
      %swap3A = arith.index_cast %scan3A_123 : i32 to index
      %swap3A_125 = arith.constant 0 : index
      %swap3A_126 = tpu.vector_load %arg18[%swap3A, %swap3A_125] {strides = array<i32>} : memref<80x128xf32, #tpu.memory_space<vmem>>, vector<1x16xf32>,
      %swap3A_127 = vector.shape_cast %swap3A_126 : vector<1x16xf32> to vector<16xf32>
      %swap3A_128 = vector.shape_cast %broadcast_in_dim3A_124 : vector<16xf32> to vector<1x16xf32>
      tpu.vector_store %arg18[%swap3A, %swap3A_125], %swap3A_128 {strides = array<i32>} : memref<80x128xf32, #tpu.memory_space<vmem>>, vector<1x16xf32>,
      %broadcast_in_dim3A_129 = arith.constant 0.000000e+00 : f32
      %broadcast_in_dim3A_130 = vector.broadcast %broadcast_in_dim3A_129 : f32 to vector<16xf32>
      %swap3A_131 = arith.index_cast %scan3A_123 : i32 to index
      %swap3A_132 = arith.constant 16 : index
      %swap3A_133 = tpu.vector_load %arg18[%swap3A_131, %swap3A_132] {strides = array<i32>} : memref<80x128xf32, #tpu.memory_space<vmem>>, vector<1x16xf32>,
      %swap3A_134 = vector.shape_cast %swap3A_133 : vector<1x16xf32> to vector<16xf32>
      %swap3A_135 = vector.shape_cast %broadcast_in_dim3A_130 : vector<16xf32> to vector<1x16xf32>
      tpu.vector_store %arg18[%swap3A_131, %swap3A_132], %swap3A_135 {strides = array<i32>} : memref<80x128xf32, #tpu.memory_space<vmem>>, vector<1x16xf32>,
      %broadcast_in_dim3A_136 = arith.constant 0.000000e+00 : f32
      %broadcast_in_dim3A_137 = vector.broadcast %broadcast_in_dim3A_136 : f32 to vector<16xf32>
      %swap3A_138 = arith.index_cast %scan3A_123 : i32 to index
      %swap3A_139 = arith.constant 32 : index
      %swap3A_140 = tpu.vector_load %arg18[%swap3A_138, %swap3A_139] {strides = array<i32>} : memref<80x128xf32, #tpu.memory_space<vmem>>, vector<1x16xf32>,
      %swap3A_141 = vector.shape_cast %swap3A_140 : vector<1x16xf32> to vector<16xf32>
      %swap3A_142 = vector.shape_cast %broadcast_in_dim3A_137 : vector<16xf32> to vector<1x16xf32>
      tpu.vector_store %arg18[%swap3A_138, %swap3A_139], %swap3A_142 {strides = array<i32>} : memref<80x128xf32, #tpu.memory_space<vmem>>, vector<1x16xf32>,
      %broadcast_in_dim3A_143 = arith.constant 0.000000e+00 : f32
      %broadcast_in_dim3A_144 = vector.broadcast %broadcast_in_dim3A_143 : f32 to vector<16xf32>
      %swap3A_145 = arith.index_cast %scan3A_123 : i32 to index
      %swap3A_146 = arith.constant 48 : index
      %swap3A_147 = tpu.vector_load %arg18[%swap3A_145, %swap3A_146] {strides = array<i32>} : memref<80x128xf32, #tpu.memory_space<vmem>>, vector<1x16xf32>,
      %swap3A_148 = vector.shape_cast %swap3A_147 : vector<1x16xf32> to vector<16xf32>
      %swap3A_149 = vector.shape_cast %broadcast_in_dim3A_144 : vector<16xf32> to vector<1x16xf32>
      tpu.vector_store %arg18[%swap3A_145, %swap3A_146], %swap3A_149 {strides = array<i32>} : memref<80x128xf32, #tpu.memory_space<vmem>>, vector<1x16xf32>,
      %broadcast_in_dim3A_150 = arith.constant 0.000000e+00 : f32
      %broadcast_in_dim3A_151 = vector.broadcast %broadcast_in_dim3A_150 : f32 to vector<16xf32>
      %swap3A_152 = arith.index_cast %scan3A_123 : i32 to index
      %swap3A_153 = arith.constant 64 : index
      %swap3A_154 = tpu.vector_load %arg18[%swap3A_152, %swap3A_153] {strides = array<i32>} : memref<80x128xf32, #tpu.memory_space<vmem>>, vector<1x16xf32>,
      %swap3A_155 = vector.shape_cast %swap3A_154 : vector<1x16xf32> to vector<16xf32>
      %swap3A_156 = vector.shape_cast %broadcast_in_dim3A_151 : vector<16xf32> to vector<1x16xf32>
      tpu.vector_store %arg18[%swap3A_152, %swap3A_153], %swap3A_156 {strides = array<i32>} : memref<80x128xf32, #tpu.memory_space<vmem>>, vector<1x16xf32>,
      %broadcast_in_dim3A_157 = arith.constant 0.000000e+00 : f32
      %broadcast_in_dim3A_158 = vector.broadcast %broadcast_in_dim3A_157 : f32 to vector<16xf32>
      %swap3A_159 = arith.index_cast %scan3A_123 : i32 to index
      %swap3A_160 = arith.constant 80 : index
      %swap3A_161 = tpu.vector_load %arg18[%swap3A_159, %swap3A_160] {strides = array<i32>} : memref<80x128xf32, #tpu.memory_space<vmem>>, vector<1x16xf32>,
      %swap3A_162 = vector.shape_cast %swap3A_161 : vector<1x16xf32> to vector<16xf32>
      %swap3A_163 = vector.shape_cast %broadcast_in_dim3A_158 : vector<16xf32> to vector<1x16xf32>
      tpu.vector_store %arg18[%swap3A_159, %swap3A_160], %swap3A_163 {strides = array<i32>} : memref<80x128xf32, #tpu.memory_space<vmem>>, vector<1x16xf32>,
      %broadcast_in_dim3A_164 = arith.constant 0.000000e+00 : f32
      %broadcast_in_dim3A_165 = vector.broadcast %broadcast_in_dim3A_164 : f32 to vector<16xf32>
      %swap3A_166 = arith.index_cast %scan3A_123 : i32 to index
      %swap3A_167 = arith.constant 96 : index
      %swap3A_168 = tpu.vector_load %arg18[%swap3A_166, %swap3A_167] {strides = array<i32>} : memref<80x128xf32, #tpu.memory_space<vmem>>, vector<1x16xf32>,
      %swap3A_169 = vector.shape_cast %swap3A_168 : vector<1x16xf32> to vector<16xf32>
      %swap3A_170 = vector.shape_cast %broadcast_in_dim3A_165 : vector<16xf32> to vector<1x16xf32>
      tpu.vector_store %arg18[%swap3A_166, %swap3A_167], %swap3A_170 {strides = array<i32>} : memref<80x128xf32, #tpu.memory_space<vmem>>, vector<1x16xf32>,
      %broadcast_in_dim3A_171 = arith.constant 0.000000e+00 : f32
      %broadcast_in_dim3A_172 = vector.broadcast %broadcast_in_dim3A_171 : f32 to vector<16xf32>
      %swap3A_173 = arith.index_cast %scan3A_123 : i32 to index
      %swap3A_174 = arith.constant 112 : index
      %swap3A_175 = tpu.vector_load %arg18[%swap3A_173, %swap3A_174] {strides = array<i32>} : memref<80x128xf32, #tpu.memory_space<vmem>>, vector<1x16xf32>,
      %swap3A_176 = vector.shape_cast %swap3A_175 : vector<1x16xf32> to vector<16xf32>
      %swap3A_177 = vector.shape_cast %broadcast_in_dim3A_172 : vector<16xf32> to vector<1x16xf32>
      tpu.vector_store %arg18[%swap3A_173, %swap3A_174], %swap3A_177 {strides = array<i32>} : memref<80x128xf32, #tpu.memory_space<vmem>>, vector<1x16xf32>,
    }
    %scan3A_32 = arith.constant 80 : i32
    %dma_wait3A = tpu.memref_slice %arg3[%mul3A_4] : memref<320000xi32, #tpu.memory_space<hbm>> -> memref<80xi32, #tpu.memory_space<hbm>>
    %dma_wait3A_33 = tpu.memref_slice %arg3[%mul3A_4] : memref<320000xi32, #tpu.memory_space<hbm>> -> memref<80xi32, #tpu.memory_space<hbm>>
    tpu.wait_dma2 semaphore(%arg19 : memref<!tpu.dma_semaphore, #tpu.memory_space<semaphore_mem>>) src(%dma_wait3A_33 : memref<80xi32, #tpu.memory_space<hbm>>) dst(%arg7 : memref<80xi32, #tpu.memory_space<vmem>>)
    %dma_wait3A_34 = tpu.memref_slice %arg4[%mul3A_4] : memref<320000xi32, #tpu.memory_space<hbm>> -> memref<80xi32, #tpu.memory_space<hbm>>
    %dma_wait3A_35 = tpu.memref_slice %arg4[%mul3A_4] : memref<320000xi32, #tpu.memory_space<hbm>> -> memref<80xi32, #tpu.memory_space<hbm>>
    tpu.wait_dma2 semaphore(%arg19 : memref<!tpu.dma_semaphore, #tpu.memory_space<semaphore_mem>>) src(%dma_wait3A_35 : memref<80xi32, #tpu.memory_space<hbm>>) dst(%arg11 : memref<80xi32, #tpu.memory_space<vmem>>)
    %dma_start3A_36 = arith.constant 0 : i32
    %dma_start3A_37 = arith.constant 0 : i32
    %dma_start3A_38 = tpu.memref_slice %arg2[%dma_start3A_36, %dma_start3A_37] : memref<10000x128xf32, #tpu.memory_space<hbm>> -> memref<10000x128xf32, #tpu.memory_space<hbm>>
    tpu.enqueue_indirect_dma source(%dma_start3A_38 : memref<10000x128xf32, #tpu.memory_space<hbm>>) target(%arg15 : memref<80x128xf32, #tpu.memory_space<vmem>>) offsets(%arg7 : memref<80xi32, #tpu.memory_space<vmem>>) semaphore(%arg23 : memref<!tpu.dma_semaphore, #tpu.memory_space<semaphore_mem>>)
    %dma_wait3A_39 = tpu.memref_slice %arg3[%mul3A_4] : memref<320000xi32, #tpu.memory_space<hbm>> -> memref<80xi32, #tpu.memory_space<hbm>>
    %dma_wait3A_40 = tpu.memref_slice %arg3[%mul3A_4] : memref<320000xi32, #tpu.memory_space<hbm>> -> memref<80xi32, #tpu.memory_space<hbm>>
    tpu.wait_dma2 semaphore(%arg20 : memref<!tpu.dma_semaphore, #tpu.memory_space<semaphore_mem>>) src(%dma_wait3A_40 : memref<80xi32, #tpu.memory_space<hbm>>) dst(%arg8 : memref<80xi32, #tpu.memory_space<vmem>>)
    %dma_wait3A_41 = tpu.memref_slice %arg4[%mul3A_4] : memref<320000xi32, #tpu.memory_space<hbm>> -> memref<80xi32, #tpu.memory_space<hbm>>
    %dma_wait3A_42 = tpu.memref_slice %arg4[%mul3A_4] : memref<320000xi32, #tpu.memory_space<hbm>> -> memref<80xi32, #tpu.memory_space<hbm>>
    tpu.wait_dma2 semaphore(%arg20 : memref<!tpu.dma_semaphore, #tpu.memory_space<semaphore_mem>>) src(%dma_wait3A_42 : memref<80xi32, #tpu.memory_space<hbm>>) dst(%arg12 : memref<80xi32, #tpu.memory_space<vmem>>)
    %dma_start3A_43 = arith.constant 0 : i32
    %dma_start3A_44 = arith.constant 0 : i32
    %dma_start3A_45 = tpu.memref_slice %arg2[%dma_start3A_43, %dma_start3A_44] : memref<10000x128xf32, #tpu.memory_space<hbm>> -> memref<10000x128xf32, #tpu.memory_space<hbm>>
    tpu.enqueue_indirect_dma source(%dma_start3A_45 : memref<10000x128xf32, #tpu.memory_space<hbm>>) target(%arg16 : memref<80x128xf32, #tpu.memory_space<vmem>>) offsets(%arg8 : memref<80xi32, #tpu.memory_space<vmem>>) semaphore(%arg24 : memref<!tpu.dma_semaphore, #tpu.memory_space<semaphore_mem>>)
    %dma_wait3A_46 = tpu.memref_slice %arg3[%mul3A_4] : memref<320000xi32, #tpu.memory_space<hbm>> -> memref<80xi32, #tpu.memory_space<hbm>>
    %dma_wait3A_47 = tpu.memref_slice %arg3[%mul3A_4] : memref<320000xi32, #tpu.memory_space<hbm>> -> memref<80xi32, #tpu.memory_space<hbm>>
    tpu.wait_dma2 semaphore(%arg21 : memref<!tpu.dma_semaphore, #tpu.memory_space<semaphore_mem>>) src(%dma_wait3A_47 : memref<80xi32, #tpu.memory_space<hbm>>) dst(%arg9 : memref<80xi32, #tpu.memory_space<vmem>>)
    %dma_wait3A_48 = tpu.memref_slice %arg4[%mul3A_4] : memref<320000xi32, #tpu.memory_space<hbm>> -> memref<80xi32, #tpu.memory_space<hbm>>
    %dma_wait3A_49 = tpu.memref_slice %arg4[%mul3A_4] : memref<320000xi32, #tpu.memory_space<hbm>> -> memref<80xi32, #tpu.memory_space<hbm>>
    tpu.wait_dma2 semaphore(%arg21 : memref<!tpu.dma_semaphore, #tpu.memory_space<semaphore_mem>>) src(%dma_wait3A_49 : memref<80xi32, #tpu.memory_space<hbm>>) dst(%arg13 : memref<80xi32, #tpu.memory_space<vmem>>)
    %dma_start3A_50 = arith.constant 0 : i32
    %dma_start3A_51 = arith.constant 0 : i32
    %dma_start3A_52 = tpu.memref_slice %arg2[%dma_start3A_50, %dma_start3A_51] : memref<10000x128xf32, #tpu.memory_space<hbm>> -> memref<10000x128xf32, #tpu.memory_space<hbm>>
    tpu.enqueue_indirect_dma source(%dma_start3A_52 : memref<10000x128xf32, #tpu.memory_space<hbm>>) target(%arg17 : memref<80x128xf32, #tpu.memory_space<vmem>>) offsets(%arg9 : memref<80xi32, #tpu.memory_space<vmem>>) semaphore(%arg25 : memref<!tpu.dma_semaphore, #tpu.memory_space<semaphore_mem>>)
    %add3A_53 = arith.constant 240 : i32
    %add3A_54 = arith.addi %mul3A_4, %add3A_53 : i32
    %dma_start3A_55 = tpu.memref_slice %arg3[%add3A_54] : memref<320000xi32, #tpu.memory_space<hbm>> -> memref<80xi32, #tpu.memory_space<hbm>>
    %dma_start3A_56 = tpu.memref_slice %arg3[%add3A_54] : memref<320000xi32, #tpu.memory_space<hbm>> -> memref<80xi32, #tpu.memory_space<hbm>>
    tpu.enqueue_dma source(%dma_start3A_56 : memref<80xi32, #tpu.memory_space<hbm>>) target(%arg10 : memref<80xi32, #tpu.memory_space<vmem>>) target_semaphore(%arg22 : memref<!tpu.dma_semaphore, #tpu.memory_space<semaphore_mem>>)
    %add3A_57 = arith.constant 240 : i32
    %add3A_58 = arith.addi %mul3A_4, %add3A_57 : i32
    %dma_start3A_59 = tpu.memref_slice %arg4[%add3A_58] : memref<320000xi32, #tpu.memory_space<hbm>> -> memref<80xi32, #tpu.memory_space<hbm>>
    %dma_start3A_60 = tpu.memref_slice %arg4[%add3A_58] : memref<320000xi32, #tpu.memory_space<hbm>> -> memref<80xi32, #tpu.memory_space<hbm>>
    tpu.enqueue_dma source(%dma_start3A_60 : memref<80xi32, #tpu.memory_space<hbm>>) target(%arg14 : memref<80xi32, #tpu.memory_space<vmem>>) target_semaphore(%arg22 : memref<!tpu.dma_semaphore, #tpu.memory_space<semaphore_mem>>)
    %mul3A_61 = arith.constant 640 : i32
    %mul3A_62 = arith.muli %arg1, %mul3A_61 : i32
    %add3A_63 = arith.constant 0 : i32
    %add3A_64 = arith.addi %mul3A_62, %add3A_63 : i32
    "tpu.region"() ({
      %run_scoped3A = tpu.sem_alloc : memref<!tpu.dma_semaphore, #tpu.memory_space<semaphore_mem>>
      %dma_start3A_123 = arith.constant 0 : i32
      %dma_start3A_124 = tpu.memref_slice %arg6[%add3A_64, %dma_start3A_123] : memref<10240x128xf32, #tpu.memory_space<vmem_shared>> -> memref<80x128xf32, #tpu.memory_space<vmem_shared>>
      %dma_start3A_125 = arith.constant 0 : i32
      %dma_start3A_126 = tpu.memref_slice %arg6[%add3A_64, %dma_start3A_125] : memref<10240x128xf32, #tpu.memory_space<vmem_shared>> -> memref<80x128xf32, #tpu.memory_space<vmem_shared>>
      tpu.enqueue_dma source(%arg18 : memref<80x128xf32, #tpu.memory_space<vmem>>) target(%dma_start3A_126 : memref<80x128xf32, #tpu.memory_space<vmem_shared>>) target_semaphore(%run_scoped3A : memref<!tpu.dma_semaphore, #tpu.memory_space<semaphore_mem>>)
      %dma_wait3A_127 = arith.constant 0 : i32
      %dma_wait3A_128 = tpu.memref_slice %arg6[%add3A_64, %dma_wait3A_127] : memref<10240x128xf32, #tpu.memory_space<vmem_shared>> -> memref<80x128xf32, #tpu.memory_space<vmem_shared>>
      %dma_wait3A_129 = arith.constant 0 : i32
      %dma_wait3A_130 = tpu.memref_slice %arg6[%add3A_64, %dma_wait3A_129] : memref<10240x128xf32, #tpu.memory_space<vmem_shared>> -> memref<80x128xf32, #tpu.memory_space<vmem_shared>>
      tpu.wait_dma2 semaphore(%run_scoped3A : memref<!tpu.dma_semaphore, #tpu.memory_space<semaphore_mem>>) src(%arg18 : memref<80x128xf32, #tpu.memory_space<vmem>>) dst(%dma_wait3A_130 : memref<80x128xf32, #tpu.memory_space<vmem_shared>>)
      tpu.yield
    }) : () -> ()
    %mul3A_65 = arith.constant 640 : i32
    %mul3A_66 = arith.muli %arg1, %mul3A_65 : i32
    %add3A_67 = arith.constant 80 : i32
    %add3A_68 = arith.addi %mul3A_66, %add3A_67 : i32
    "tpu.region"() ({
      %run_scoped3A = tpu.sem_alloc : memref<!tpu.dma_semaphore, #tpu.memory_space<semaphore_mem>>
      %dma_start3A_123 = arith.constant 0 : i32
      %dma_start3A_124 = tpu.memref_slice %arg6[%add3A_68, %dma_start3A_123] : memref<10240x128xf32, #tpu.memory_space<vmem_shared>> -> memref<80x128xf32, #tpu.memory_space<vmem_shared>>
      %dma_start3A_125 = arith.constant 0 : i32
      %dma_start3A_126 = tpu.memref_slice %arg6[%add3A_68, %dma_start3A_125] : memref<10240x128xf32, #tpu.memory_space<vmem_shared>> -> memref<80x128xf32, #tpu.memory_space<vmem_shared>>
      tpu.enqueue_dma source(%arg18 : memref<80x128xf32, #tpu.memory_space<vmem>>) target(%dma_start3A_126 : memref<80x128xf32, #tpu.memory_space<vmem_shared>>) target_semaphore(%run_scoped3A : memref<!tpu.dma_semaphore, #tpu.memory_space<semaphore_mem>>)
      %dma_wait3A_127 = arith.constant 0 : i32
      %dma_wait3A_128 = tpu.memref_slice %arg6[%add3A_68, %dma_wait3A_127] : memref<10240x128xf32, #tpu.memory_space<vmem_shared>> -> memref<80x128xf32, #tpu.memory_space<vmem_shared>>
      %dma_wait3A_129 = arith.constant 0 : i32
      %dma_wait3A_130 = tpu.memref_slice %arg6[%add3A_68, %dma_wait3A_129] : memref<10240x128xf32, #tpu.memory_space<vmem_shared>> -> memref<80x128xf32, #tpu.memory_space<vmem_shared>>
      tpu.wait_dma2 semaphore(%run_scoped3A : memref<!tpu.dma_semaphore, #tpu.memory_space<semaphore_mem>>) src(%arg18 : memref<80x128xf32, #tpu.memory_space<vmem>>) dst(%dma_wait3A_130 : memref<80x128xf32, #tpu.memory_space<vmem_shared>>)
      tpu.yield
    }) : () -> ()
    %mul3A_69 = arith.constant 640 : i32
    %mul3A_70 = arith.muli %arg1, %mul3A_69 : i32
    %add3A_71 = arith.constant 160 : i32
    %add3A_72 = arith.addi %mul3A_70, %add3A_71 : i32
    "tpu.region"() ({
      %run_scoped3A = tpu.sem_alloc : memref<!tpu.dma_semaphore, #tpu.memory_space<semaphore_mem>>
      %dma_start3A_123 = arith.constant 0 : i32
      %dma_start3A_124 = tpu.memref_slice %arg6[%add3A_72, %dma_start3A_123] : memref<10240x128xf32, #tpu.memory_space<vmem_shared>> -> memref<80x128xf32, #tpu.memory_space<vmem_shared>>
      %dma_start3A_125 = arith.constant 0 : i32
      %dma_start3A_126 = tpu.memref_slice %arg6[%add3A_72, %dma_start3A_125] : memref<10240x128xf32, #tpu.memory_space<vmem_shared>> -> memref<80x128xf32, #tpu.memory_space<vmem_shared>>
      tpu.enqueue_dma source(%arg18 : memref<80x128xf32, #tpu.memory_space<vmem>>) target(%dma_start3A_126 : memref<80x128xf32, #tpu.memory_space<vmem_shared>>) target_semaphore(%run_scoped3A : memref<!tpu.dma_semaphore, #tpu.memory_space<semaphore_mem>>)
      %dma_wait3A_127 = arith.constant 0 : i32
      %dma_wait3A_128 = tpu.memref_slice %arg6[%add3A_72, %dma_wait3A_127] : memref<10240x128xf32, #tpu.memory_space<vmem_shared>> -> memref<80x128xf32, #tpu.memory_space<vmem_shared>>
      %dma_wait3A_129 = arith.constant 0 : i32
      %dma_wait3A_130 = tpu.memref_slice %arg6[%add3A_72, %dma_wait3A_129] : memref<10240x128xf32, #tpu.memory_space<vmem_shared>> -> memref<80x128xf32, #tpu.memory_space<vmem_shared>>
      tpu.wait_dma2 semaphore(%run_scoped3A : memref<!tpu.dma_semaphore, #tpu.memory_space<semaphore_mem>>) src(%arg18 : memref<80x128xf32, #tpu.memory_space<vmem>>) dst(%dma_wait3A_130 : memref<80x128xf32, #tpu.memory_space<vmem_shared>>)
      tpu.yield
    }) : () -> ()
    %mul3A_73 = arith.constant 640 : i32
    %mul3A_74 = arith.muli %arg1, %mul3A_73 : i32
    %add3A_75 = arith.constant 240 : i32
    %add3A_76 = arith.addi %mul3A_74, %add3A_75 : i32
    "tpu.region"() ({
      %run_scoped3A = tpu.sem_alloc : memref<!tpu.dma_semaphore, #tpu.memory_space<semaphore_mem>>
      %dma_start3A_123 = arith.constant 0 : i32
      %dma_start3A_124 = tpu.memref_slice %arg6[%add3A_76, %dma_start3A_123] : memref<10240x128xf32, #tpu.memory_space<vmem_shared>> -> memref<80x128xf32, #tpu.memory_space<vmem_shared>>
      %dma_start3A_125 = arith.constant 0 : i32
      %dma_start3A_126 = tpu.memref_slice %arg6[%add3A_76, %dma_start3A_125] : memref<10240x128xf32, #tpu.memory_space<vmem_shared>> -> memref<80x128xf32, #tpu.memory_space<vmem_shared>>
      tpu.enqueue_dma source(%arg18 : memref<80x128xf32, #tpu.memory_space<vmem>>) target(%dma_start3A_126 : memref<80x128xf32, #tpu.memory_space<vmem_shared>>) target_semaphore(%run_scoped3A : memref<!tpu.dma_semaphore, #tpu.memory_space<semaphore_mem>>)
      %dma_wait3A_127 = arith.constant 0 : i32
      %dma_wait3A_128 = tpu.memref_slice %arg6[%add3A_76, %dma_wait3A_127] : memref<10240x128xf32, #tpu.memory_space<vmem_shared>> -> memref<80x128xf32, #tpu.memory_space<vmem_shared>>
      %dma_wait3A_129 = arith.constant 0 : i32
      %dma_wait3A_130 = tpu.memref_slice %arg6[%add3A_76, %dma_wait3A_129] : memref<10240x128xf32, #tpu.memory_space<vmem_shared>> -> memref<80x128xf32, #tpu.memory_space<vmem_shared>>
      tpu.wait_dma2 semaphore(%run_scoped3A : memref<!tpu.dma_semaphore, #tpu.memory_space<semaphore_mem>>) src(%arg18 : memref<80x128xf32, #tpu.memory_space<vmem>>) dst(%dma_wait3A_130 : memref<80x128xf32, #tpu.memory_space<vmem_shared>>)
      tpu.yield
    }) : () -> ()
    %mul3A_77 = arith.constant 640 : i32
    %mul3A_78 = arith.muli %arg1, %mul3A_77 : i32
    %add3A_79 = arith.constant 320 : i32
    %add3A_80 = arith.addi %mul3A_78, %add3A_79 : i32
    "tpu.region"() ({
      %run_scoped3A = tpu.sem_alloc : memref<!tpu.dma_semaphore, #tpu.memory_space<semaphore_mem>>
      %dma_start3A_123 = arith.constant 0 : i32
      %dma_start3A_124 = tpu.memref_slice %arg6[%add3A_80, %dma_start3A_123] : memref<10240x128xf32, #tpu.memory_space<vmem_shared>> -> memref<80x128xf32, #tpu.memory_space<vmem_shared>>
      %dma_start3A_125 = arith.constant 0 : i32
      %dma_start3A_126 = tpu.memref_slice %arg6[%add3A_80, %dma_start3A_125] : memref<10240x128xf32, #tpu.memory_space<vmem_shared>> -> memref<80x128xf32, #tpu.memory_space<vmem_shared>>
      tpu.enqueue_dma source(%arg18 : memref<80x128xf32, #tpu.memory_space<vmem>>) target(%dma_start3A_126 : memref<80x128xf32, #tpu.memory_space<vmem_shared>>) target_semaphore(%run_scoped3A : memref<!tpu.dma_semaphore, #tpu.memory_space<semaphore_mem>>)
      %dma_wait3A_127 = arith.constant 0 : i32
      %dma_wait3A_128 = tpu.memref_slice %arg6[%add3A_80, %dma_wait3A_127] : memref<10240x128xf32, #tpu.memory_space<vmem_shared>> -> memref<80x128xf32, #tpu.memory_space<vmem_shared>>
      %dma_wait3A_129 = arith.constant 0 : i32
      %dma_wait3A_130 = tpu.memref_slice %arg6[%add3A_80, %dma_wait3A_129] : memref<10240x128xf32, #tpu.memory_space<vmem_shared>> -> memref<80x128xf32, #tpu.memory_space<vmem_shared>>
      tpu.wait_dma2 semaphore(%run_scoped3A : memref<!tpu.dma_semaphore, #tpu.memory_space<semaphore_mem>>) src(%arg18 : memref<80x128xf32, #tpu.memory_space<vmem>>) dst(%dma_wait3A_130 : memref<80x128xf32, #tpu.memory_space<vmem_shared>>)
      tpu.yield
    }) : () -> ()
    %mul3A_81 = arith.constant 640 : i32
    %mul3A_82 = arith.muli %arg1, %mul3A_81 : i32
    %add3A_83 = arith.constant 400 : i32
    %add3A_84 = arith.addi %mul3A_82, %add3A_83 : i32
    "tpu.region"() ({
      %run_scoped3A = tpu.sem_alloc : memref<!tpu.dma_semaphore, #tpu.memory_space<semaphore_mem>>
      %dma_start3A_123 = arith.constant 0 : i32
      %dma_start3A_124 = tpu.memref_slice %arg6[%add3A_84, %dma_start3A_123] : memref<10240x128xf32, #tpu.memory_space<vmem_shared>> -> memref<80x128xf32, #tpu.memory_space<vmem_shared>>
      %dma_start3A_125 = arith.constant 0 : i32
      %dma_start3A_126 = tpu.memref_slice %arg6[%add3A_84, %dma_start3A_125] : memref<10240x128xf32, #tpu.memory_space<vmem_shared>> -> memref<80x128xf32, #tpu.memory_space<vmem_shared>>
      tpu.enqueue_dma source(%arg18 : memref<80x128xf32, #tpu.memory_space<vmem>>) target(%dma_start3A_126 : memref<80x128xf32, #tpu.memory_space<vmem_shared>>) target_semaphore(%run_scoped3A : memref<!tpu.dma_semaphore, #tpu.memory_space<semaphore_mem>>)
      %dma_wait3A_127 = arith.constant 0 : i32
      %dma_wait3A_128 = tpu.memref_slice %arg6[%add3A_84, %dma_wait3A_127] : memref<10240x128xf32, #tpu.memory_space<vmem_shared>> -> memref<80x128xf32, #tpu.memory_space<vmem_shared>>
      %dma_wait3A_129 = arith.constant 0 : i32
      %dma_wait3A_130 = tpu.memref_slice %arg6[%add3A_84, %dma_wait3A_129] : memref<10240x128xf32, #tpu.memory_space<vmem_shared>> -> memref<80x128xf32, #tpu.memory_space<vmem_shared>>
      tpu.wait_dma2 semaphore(%run_scoped3A : memref<!tpu.dma_semaphore, #tpu.memory_space<semaphore_mem>>) src(%arg18 : memref<80x128xf32, #tpu.memory_space<vmem>>) dst(%dma_wait3A_130 : memref<80x128xf32, #tpu.memory_space<vmem_shared>>)
      tpu.yield
    }) : () -> ()
    %mul3A_85 = arith.constant 640 : i32
    %mul3A_86 = arith.muli %arg1, %mul3A_85 : i32
    %add3A_87 = arith.constant 480 : i32
    %add3A_88 = arith.addi %mul3A_86, %add3A_87 : i32
    "tpu.region"() ({
      %run_scoped3A = tpu.sem_alloc : memref<!tpu.dma_semaphore, #tpu.memory_space<semaphore_mem>>
      %dma_start3A_123 = arith.constant 0 : i32
      %dma_start3A_124 = tpu.memref_slice %arg6[%add3A_88, %dma_start3A_123] : memref<10240x128xf32, #tpu.memory_space<vmem_shared>> -> memref<80x128xf32, #tpu.memory_space<vmem_shared>>
      %dma_start3A_125 = arith.constant 0 : i32
      %dma_start3A_126 = tpu.memref_slice %arg6[%add3A_88, %dma_start3A_125] : memref<10240x128xf32, #tpu.memory_space<vmem_shared>> -> memref<80x128xf32, #tpu.memory_space<vmem_shared>>
      tpu.enqueue_dma source(%arg18 : memref<80x128xf32, #tpu.memory_space<vmem>>) target(%dma_start3A_126 : memref<80x128xf32, #tpu.memory_space<vmem_shared>>) target_semaphore(%run_scoped3A : memref<!tpu.dma_semaphore, #tpu.memory_space<semaphore_mem>>)
      %dma_wait3A_127 = arith.constant 0 : i32
      %dma_wait3A_128 = tpu.memref_slice %arg6[%add3A_88, %dma_wait3A_127] : memref<10240x128xf32, #tpu.memory_space<vmem_shared>> -> memref<80x128xf32, #tpu.memory_space<vmem_shared>>
      %dma_wait3A_129 = arith.constant 0 : i32
      %dma_wait3A_130 = tpu.memref_slice %arg6[%add3A_88, %dma_wait3A_129] : memref<10240x128xf32, #tpu.memory_space<vmem_shared>> -> memref<80x128xf32, #tpu.memory_space<vmem_shared>>
      tpu.wait_dma2 semaphore(%run_scoped3A : memref<!tpu.dma_semaphore, #tpu.memory_space<semaphore_mem>>) src(%arg18 : memref<80x128xf32, #tpu.memory_space<vmem>>) dst(%dma_wait3A_130 : memref<80x128xf32, #tpu.memory_space<vmem_shared>>)
      tpu.yield
    }) : () -> ()
    %mul3A_89 = arith.constant 640 : i32
    %mul3A_90 = arith.muli %arg1, %mul3A_89 : i32
    %add3A_91 = arith.constant 560 : i32
    %add3A_92 = arith.addi %mul3A_90, %add3A_91 : i32
    "tpu.region"() ({
      %run_scoped3A = tpu.sem_alloc : memref<!tpu.dma_semaphore, #tpu.memory_space<semaphore_mem>>
      %dma_start3A_123 = arith.constant 0 : i32
      %dma_start3A_124 = tpu.memref_slice %arg6[%add3A_92, %dma_start3A_123] : memref<10240x128xf32, #tpu.memory_space<vmem_shared>> -> memref<80x128xf32, #tpu.memory_space<vmem_shared>>
      %dma_start3A_125 = arith.constant 0 : i32
      %dma_start3A_126 = tpu.memref_slice %arg6[%add3A_92, %dma_start3A_125] : memref<10240x128xf32, #tpu.memory_space<vmem_shared>> -> memref<80x128xf32, #tpu.memory_space<vmem_shared>>
      tpu.enqueue_dma source(%arg18 : memref<80x128xf32, #tpu.memory_space<vmem>>) target(%dma_start3A_126 : memref<80x128xf32, #tpu.memory_space<vmem_shared>>) target_semaphore(%run_scoped3A : memref<!tpu.dma_semaphore, #tpu.memory_space<semaphore_mem>>)
      %dma_wait3A_127 = arith.constant 0 : i32
      %dma_wait3A_128 = tpu.memref_slice %arg6[%add3A_92, %dma_wait3A_127] : memref<10240x128xf32, #tpu.memory_space<vmem_shared>> -> memref<80x128xf32, #tpu.memory_space<vmem_shared>>
      %dma_wait3A_129 = arith.constant 0 : i32
      %dma_wait3A_130 = tpu.memref_slice %arg6[%add3A_92, %dma_wait3A_129] : memref<10240x128xf32, #tpu.memory_space<vmem_shared>> -> memref<80x128xf32, #tpu.memory_space<vmem_shared>>
      tpu.wait_dma2 semaphore(%run_scoped3A : memref<!tpu.dma_semaphore, #tpu.memory_space<semaphore_mem>>) src(%arg18 : memref<80x128xf32, #tpu.memory_space<vmem>>) dst(%dma_wait3A_130 : memref<80x128xf32, #tpu.memory_space<vmem_shared>>)
      tpu.yield
    }) : () -> ()
    %barrier3A = arith.constant 0 : index
    tpu.barrier barrier_id(%barrier3A)
    %scan3A_93 = arith.constant 0 : i32
    %scan3A_94 = arith.constant 0 : i32
    %scan3A_95 = arith.constant 31 : i32
    %scan3A_96 = arith.addi %scan3A_94, %scan3A_95 : i32
    %scan3A_97 = arith.constant 1 : i32
    scf.for %scan3A_123 = %scan3A_94 to %scan3A_96 step %scan3A_97  : i32 {
      %mul3A_124 = arith.constant 4 : i32
      %mul3A_125 = arith.muli %mul3A_124, %scan3A_123 : i32
      %add3A_126 = arith.constant 0 : i32
      %add3A_127 = arith.addi %mul3A_125, %add3A_126 : i32
      %add3A_128 = arith.constant 4 : i32
      %add3A_129 = arith.addi %add3A_127, %add3A_128 : i32
      %sub3A = arith.constant 1 : i32
      %sub3A_130 = arith.subi %add3A_129, %sub3A : i32
      %lt3A = arith.constant 125 : i32
      %lt3A_131 = arith.cmpi slt, %sub3A_130, %lt3A : i32
      %convert_element_type3A = arith.extui %lt3A_131 : i1 to i32
      %cond3A = arith.constant 0 : i32
      %cond3A_132 = arith.cmpi ne, %convert_element_type3A, %cond3A : i32
      scf.if %cond3A_132 {
        %dma_wait3A_218 = tpu.memref_slice %arg3[%mul3A_4] : memref<320000xi32, #tpu.memory_space<hbm>> -> memref<80xi32, #tpu.memory_space<hbm>>
        %dma_wait3A_219 = tpu.memref_slice %arg3[%mul3A_4] : memref<320000xi32, #tpu.memory_space<hbm>> -> memref<80xi32, #tpu.memory_space<hbm>>
        tpu.wait_dma2 semaphore(%arg22 : memref<!tpu.dma_semaphore, #tpu.memory_space<semaphore_mem>>) src(%dma_wait3A_219 : memref<80xi32, #tpu.memory_space<hbm>>) dst(%arg10 : memref<80xi32, #tpu.memory_space<vmem>>)
        %dma_wait3A_220 = tpu.memref_slice %arg4[%mul3A_4] : memref<320000xi32, #tpu.memory_space<hbm>> -> memref<80xi32, #tpu.memory_space<hbm>>
        %dma_wait3A_221 = tpu.memref_slice %arg4[%mul3A_4] : memref<320000xi32, #tpu.memory_space<hbm>> -> memref<80xi32, #tpu.memory_space<hbm>>
        tpu.wait_dma2 semaphore(%arg22 : memref<!tpu.dma_semaphore, #tpu.memory_space<semaphore_mem>>) src(%dma_wait3A_221 : memref<80xi32, #tpu.memory_space<hbm>>) dst(%arg14 : memref<80xi32, #tpu.memory_space<vmem>>)
        %gt3A = arith.constant 0 : i32
        %gt3A_222 = arith.cmpi sgt, %add3A_127, %gt3A : i32
        %convert_element_type3A_223 = arith.extui %gt3A_222 : i1 to i32
        %cond3A_224 = arith.constant 0 : i32
        %cond3A_225 = arith.cmpi ne, %convert_element_type3A_223, %cond3A_224 : i32
        scf.if %cond3A_225 {
          %dma_wait3A_229 = arith.constant 0 : i32
          %dma_wait3A_230 = arith.constant 0 : i32
          %dma_wait3A_231 = tpu.memref_slice %arg6[%dma_wait3A_229, %dma_wait3A_230] : memref<10240x128xf32, #tpu.memory_space<vmem_shared>> -> memref<10240x128xf32, #tpu.memory_space<vmem_shared>>
          tpu.wait_indirect_dma semaphore(%arg30 : memref<!tpu.dma_semaphore, #tpu.memory_space<semaphore_mem>>) src(%arg18 : memref<80x128xf32, #tpu.memory_space<vmem>>) dst(%dma_wait3A_231 : memref<10240x128xf32, #tpu.memory_space<vmem_shared>>)
        } else {
        }
        %dma_start3A_226 = arith.constant 0 : i32
        %dma_start3A_227 = arith.constant 0 : i32
        %dma_start3A_228 = tpu.memref_slice %arg2[%dma_start3A_226, %dma_start3A_227] : memref<10000x128xf32, #tpu.memory_space<hbm>> -> memref<10000x128xf32, #tpu.memory_space<hbm>>
        tpu.enqueue_indirect_dma source(%dma_start3A_228 : memref<10000x128xf32, #tpu.memory_space<hbm>>) target(%arg18 : memref<80x128xf32, #tpu.memory_space<vmem>>) offsets(%arg10 : memref<80xi32, #tpu.memory_space<vmem>>) semaphore(%arg26 : memref<!tpu.dma_semaphore, #tpu.memory_space<semaphore_mem>>)
      } else {
      }
      %dma_wait3A_133 = arith.constant 0 : i32
      %dma_wait3A_134 = arith.constant 0 : i32
      %dma_wait3A_135 = tpu.memref_slice %arg2[%dma_wait3A_133, %dma_wait3A_134] : memref<10000x128xf32, #tpu.memory_space<hbm>> -> memref<10000x128xf32, #tpu.memory_space<hbm>>
      tpu.wait_indirect_dma semaphore(%arg23 : memref<!tpu.dma_semaphore, #tpu.memory_space<semaphore_mem>>) src(%dma_wait3A_135 : memref<10000x128xf32, #tpu.memory_space<hbm>>) dst(%arg15 : memref<80x128xf32, #tpu.memory_space<vmem>>)
      %dma_start3A_136 = arith.constant 0 : i32
      %dma_start3A_137 = arith.constant 0 : i32
      %dma_start3A_138 = tpu.memref_slice %arg6[%dma_start3A_136, %dma_start3A_137] : memref<10240x128xf32, #tpu.memory_space<vmem_shared>> -> memref<10240x128xf32, #tpu.memory_space<vmem_shared>>
      tpu.enqueue_indirect_dma source(%arg15 : memref<80x128xf32, #tpu.memory_space<vmem>>) target(%dma_start3A_138 : memref<10240x128xf32, #tpu.memory_space<vmem_shared>>) offsets(%arg11 : memref<80xi32, #tpu.memory_space<vmem>>) semaphore(%arg27 : memref<!tpu.dma_semaphore, #tpu.memory_space<semaphore_mem>>) {add = true}
      %add3A_139 = arith.constant 4 : i32
      %add3A_140 = arith.addi %add3A_127, %add3A_139 : i32
      %lt3A_141 = arith.constant 125 : i32
      %lt3A_142 = arith.cmpi slt, %add3A_140, %lt3A_141 : i32
      %convert_element_type3A_143 = arith.extui %lt3A_142 : i1 to i32
      %cond3A_144 = arith.constant 0 : i32
      %cond3A_145 = arith.cmpi ne, %convert_element_type3A_143, %cond3A_144 : i32
      scf.if %cond3A_145 {
        %add3A_218 = arith.constant 4 : i32
        %add3A_219 = arith.addi %add3A_127, %add3A_218 : i32
        %mul3A_220 = arith.constant 80 : i32
        %mul3A_221 = arith.muli %add3A_219, %mul3A_220 : i32
        %add3A_222 = arith.addi %mul3A_4, %mul3A_221 : i32
        %dma_start3A_223 = tpu.memref_slice %arg3[%add3A_222] : memref<320000xi32, #tpu.memory_space<hbm>> -> memref<80xi32, #tpu.memory_space<hbm>>
        %dma_start3A_224 = tpu.memref_slice %arg3[%add3A_222] : memref<320000xi32, #tpu.memory_space<hbm>> -> memref<80xi32, #tpu.memory_space<hbm>>
        tpu.enqueue_dma source(%dma_start3A_224 : memref<80xi32, #tpu.memory_space<hbm>>) target(%arg7 : memref<80xi32, #tpu.memory_space<vmem>>) target_semaphore(%arg19 : memref<!tpu.dma_semaphore, #tpu.memory_space<semaphore_mem>>)
        %mul3A_225 = arith.constant 80 : i32
        %mul3A_226 = arith.muli %add3A_219, %mul3A_225 : i32
        %add3A_227 = arith.addi %mul3A_4, %mul3A_226 : i32
        %dma_start3A_228 = tpu.memref_slice %arg4[%add3A_227] : memref<320000xi32, #tpu.memory_space<hbm>> -> memref<80xi32, #tpu.memory_space<hbm>>
        %dma_start3A_229 = tpu.memref_slice %arg4[%add3A_227] : memref<320000xi32, #tpu.memory_space<hbm>> -> memref<80xi32, #tpu.memory_space<hbm>>
        tpu.enqueue_dma source(%dma_start3A_229 : memref<80xi32, #tpu.memory_space<hbm>>) target(%arg11 : memref<80xi32, #tpu.memory_space<vmem>>) target_semaphore(%arg19 : memref<!tpu.dma_semaphore, #tpu.memory_space<semaphore_mem>>)
      } else {
      }
      %add3A_146 = arith.constant 1 : i32
      %add3A_147 = arith.addi %mul3A_125, %add3A_146 : i32
      %add3A_148 = arith.constant 4 : i32
      %add3A_149 = arith.addi %add3A_147, %add3A_148 : i32
      %sub3A_150 = arith.constant 1 : i32
      %sub3A_151 = arith.subi %add3A_149, %sub3A_150 : i32
      %lt3A_152 = arith.constant 125 : i32
      %lt3A_153 = arith.cmpi slt, %sub3A_151, %lt3A_152 : i32
      %convert_element_type3A_154 = arith.extui %lt3A_153 : i1 to i32
      %cond3A_155 = arith.constant 0 : i32
      %cond3A_156 = arith.cmpi ne, %convert_element_type3A_154, %cond3A_155 : i32
      scf.if %cond3A_156 {
        %dma_wait3A_218 = tpu.memref_slice %arg3[%mul3A_4] : memref<320000xi32, #tpu.memory_space<hbm>> -> memref<80xi32, #tpu.memory_space<hbm>>
        %dma_wait3A_219 = tpu.memref_slice %arg3[%mul3A_4] : memref<320000xi32, #tpu.memory_space<hbm>> -> memref<80xi32, #tpu.memory_space<hbm>>
        tpu.wait_dma2 semaphore(%arg19 : memref<!tpu.dma_semaphore, #tpu.memory_space<semaphore_mem>>) src(%dma_wait3A_219 : memref<80xi32, #tpu.memory_space<hbm>>) dst(%arg7 : memref<80xi32, #tpu.memory_space<vmem>>)
        %dma_wait3A_220 = tpu.memref_slice %arg4[%mul3A_4] : memref<320000xi32, #tpu.memory_space<hbm>> -> memref<80xi32, #tpu.memory_space<hbm>>
        %dma_wait3A_221 = tpu.memref_slice %arg4[%mul3A_4] : memref<320000xi32, #tpu.memory_space<hbm>> -> memref<80xi32, #tpu.memory_space<hbm>>
        tpu.wait_dma2 semaphore(%arg19 : memref<!tpu.dma_semaphore, #tpu.memory_space<semaphore_mem>>) src(%dma_wait3A_221 : memref<80xi32, #tpu.memory_space<hbm>>) dst(%arg11 : memref<80xi32, #tpu.memory_space<vmem>>)
        %gt3A = arith.constant 0 : i32
        %gt3A_222 = arith.cmpi sgt, %add3A_147, %gt3A : i32
        %convert_element_type3A_223 = arith.extui %gt3A_222 : i1 to i32
        %cond3A_224 = arith.constant 0 : i32
        %cond3A_225 = arith.cmpi ne, %convert_element_type3A_223, %cond3A_224 : i32
        scf.if %cond3A_225 {
          %dma_wait3A_229 = arith.constant 0 : i32
          %dma_wait3A_230 = arith.constant 0 : i32
          %dma_wait3A_231 = tpu.memref_slice %arg6[%dma_wait3A_229, %dma_wait3A_230] : memref<10240x128xf32, #tpu.memory_space<vmem_shared>> -> memref<10240x128xf32, #tpu.memory_space<vmem_shared>>
          tpu.wait_indirect_dma semaphore(%arg27 : memref<!tpu.dma_semaphore, #tpu.memory_space<semaphore_mem>>) src(%arg15 : memref<80x128xf32, #tpu.memory_space<vmem>>) dst(%dma_wait3A_231 : memref<10240x128xf32, #tpu.memory_space<vmem_shared>>)
        } else {
        }
        %dma_start3A_226 = arith.constant 0 : i32
        %dma_start3A_227 = arith.constant 0 : i32
        %dma_start3A_228 = tpu.memref_slice %arg2[%dma_start3A_226, %dma_start3A_227] : memref<10000x128xf32, #tpu.memory_space<hbm>> -> memref<10000x128xf32, #tpu.memory_space<hbm>>
        tpu.enqueue_indirect_dma source(%dma_start3A_228 : memref<10000x128xf32, #tpu.memory_space<hbm>>) target(%arg15 : memref<80x128xf32, #tpu.memory_space<vmem>>) offsets(%arg7 : memref<80xi32, #tpu.memory_space<vmem>>) semaphore(%arg23 : memref<!tpu.dma_semaphore, #tpu.memory_space<semaphore_mem>>)
      } else {
      }
      %dma_wait3A_157 = arith.constant 0 : i32
      %dma_wait3A_158 = arith.constant 0 : i32
      %dma_wait3A_159 = tpu.memref_slice %arg2[%dma_wait3A_157, %dma_wait3A_158] : memref<10000x128xf32, #tpu.memory_space<hbm>> -> memref<10000x128xf32, #tpu.memory_space<hbm>>
      tpu.wait_indirect_dma semaphore(%arg24 : memref<!tpu.dma_semaphore, #tpu.memory_space<semaphore_mem>>) src(%dma_wait3A_159 : memref<10000x128xf32, #tpu.memory_space<hbm>>) dst(%arg16 : memref<80x128xf32, #tpu.memory_space<vmem>>)
      %dma_start3A_160 = arith.constant 0 : i32
      %dma_start3A_161 = arith.constant 0 : i32
      %dma_start3A_162 = tpu.memref_slice %arg6[%dma_start3A_160, %dma_start3A_161] : memref<10240x128xf32, #tpu.memory_space<vmem_shared>> -> memref<10240x128xf32, #tpu.memory_space<vmem_shared>>
      tpu.enqueue_indirect_dma source(%arg16 : memref<80x128xf32, #tpu.memory_space<vmem>>) target(%dma_start3A_162 : memref<10240x128xf32, #tpu.memory_space<vmem_shared>>) offsets(%arg12 : memref<80xi32, #tpu.memory_space<vmem>>) semaphore(%arg28 : memref<!tpu.dma_semaphore, #tpu.memory_space<semaphore_mem>>) {add = true}
      %add3A_163 = arith.constant 4 : i32
      %add3A_164 = arith.addi %add3A_147, %add3A_163 : i32
      %lt3A_165 = arith.constant 125 : i32
      %lt3A_166 = arith.cmpi slt, %add3A_164, %lt3A_165 : i32
      %convert_element_type3A_167 = arith.extui %lt3A_166 : i1 to i32
      %cond3A_168 = arith.constant 0 : i32
      %cond3A_169 = arith.cmpi ne, %convert_element_type3A_167, %cond3A_168 : i32
      scf.if %cond3A_169 {
        %add3A_218 = arith.constant 4 : i32
        %add3A_219 = arith.addi %add3A_147, %add3A_218 : i32
        %mul3A_220 = arith.constant 80 : i32
        %mul3A_221 = arith.muli %add3A_219, %mul3A_220 : i32
        %add3A_222 = arith.addi %mul3A_4, %mul3A_221 : i32
        %dma_start3A_223 = tpu.memref_slice %arg3[%add3A_222] : memref<320000xi32, #tpu.memory_space<hbm>> -> memref<80xi32, #tpu.memory_space<hbm>>
        %dma_start3A_224 = tpu.memref_slice %arg3[%add3A_222] : memref<320000xi32, #tpu.memory_space<hbm>> -> memref<80xi32, #tpu.memory_space<hbm>>
        tpu.enqueue_dma source(%dma_start3A_224 : memref<80xi32, #tpu.memory_space<hbm>>) target(%arg8 : memref<80xi32, #tpu.memory_space<vmem>>) target_semaphore(%arg20 : memref<!tpu.dma_semaphore, #tpu.memory_space<semaphore_mem>>)
        %mul3A_225 = arith.constant 80 : i32
        %mul3A_226 = arith.muli %add3A_219, %mul3A_225 : i32
        %add3A_227 = arith.addi %mul3A_4, %mul3A_226 : i32
        %dma_start3A_228 = tpu.memref_slice %arg4[%add3A_227] : memref<320000xi32, #tpu.memory_space<hbm>> -> memref<80xi32, #tpu.memory_space<hbm>>
        %dma_start3A_229 = tpu.memref_slice %arg4[%add3A_227] : memref<320000xi32, #tpu.memory_space<hbm>> -> memref<80xi32, #tpu.memory_space<hbm>>
        tpu.enqueue_dma source(%dma_start3A_229 : memref<80xi32, #tpu.memory_space<hbm>>) target(%arg12 : memref<80xi32, #tpu.memory_space<vmem>>) target_semaphore(%arg20 : memref<!tpu.dma_semaphore, #tpu.memory_space<semaphore_mem>>)
      } else {
      }
      %add3A_170 = arith.constant 2 : i32
      %add3A_171 = arith.addi %mul3A_125, %add3A_170 : i32
      %add3A_172 = arith.constant 4 : i32
      %add3A_173 = arith.addi %add3A_171, %add3A_172 : i32
      %sub3A_174 = arith.constant 1 : i32
      %sub3A_175 = arith.subi %add3A_173, %sub3A_174 : i32
      %lt3A_176 = arith.constant 125 : i32
      %lt3A_177 = arith.cmpi slt, %sub3A_175, %lt3A_176 : i32
      %convert_element_type3A_178 = arith.extui %lt3A_177 : i1 to i32
      %cond3A_179 = arith.constant 0 : i32
      %cond3A_180 = arith.cmpi ne, %convert_element_type3A_178, %cond3A_179 : i32
      scf.if %cond3A_180 {
        %dma_wait3A_218 = tpu.memref_slice %arg3[%mul3A_4] : memref<320000xi32, #tpu.memory_space<hbm>> -> memref<80xi32, #tpu.memory_space<hbm>>
        %dma_wait3A_219 = tpu.memref_slice %arg3[%mul3A_4] : memref<320000xi32, #tpu.memory_space<hbm>> -> memref<80xi32, #tpu.memory_space<hbm>>
        tpu.wait_dma2 semaphore(%arg20 : memref<!tpu.dma_semaphore, #tpu.memory_space<semaphore_mem>>) src(%dma_wait3A_219 : memref<80xi32, #tpu.memory_space<hbm>>) dst(%arg8 : memref<80xi32, #tpu.memory_space<vmem>>)
        %dma_wait3A_220 = tpu.memref_slice %arg4[%mul3A_4] : memref<320000xi32, #tpu.memory_space<hbm>> -> memref<80xi32, #tpu.memory_space<hbm>>
        %dma_wait3A_221 = tpu.memref_slice %arg4[%mul3A_4] : memref<320000xi32, #tpu.memory_space<hbm>> -> memref<80xi32, #tpu.memory_space<hbm>>
        tpu.wait_dma2 semaphore(%arg20 : memref<!tpu.dma_semaphore, #tpu.memory_space<semaphore_mem>>) src(%dma_wait3A_221 : memref<80xi32, #tpu.memory_space<hbm>>) dst(%arg12 : memref<80xi32, #tpu.memory_space<vmem>>)
        %gt3A = arith.constant 0 : i32
        %gt3A_222 = arith.cmpi sgt, %add3A_171, %gt3A : i32
        %convert_element_type3A_223 = arith.extui %gt3A_222 : i1 to i32
        %cond3A_224 = arith.constant 0 : i32
        %cond3A_225 = arith.cmpi ne, %convert_element_type3A_223, %cond3A_224 : i32
        scf.if %cond3A_225 {
          %dma_wait3A_229 = arith.constant 0 : i32
          %dma_wait3A_230 = arith.constant 0 : i32
          %dma_wait3A_231 = tpu.memref_slice %arg6[%dma_wait3A_229, %dma_wait3A_230] : memref<10240x128xf32, #tpu.memory_space<vmem_shared>> -> memref<10240x128xf32, #tpu.memory_space<vmem_shared>>
          tpu.wait_indirect_dma semaphore(%arg28 : memref<!tpu.dma_semaphore, #tpu.memory_space<semaphore_mem>>) src(%arg16 : memref<80x128xf32, #tpu.memory_space<vmem>>) dst(%dma_wait3A_231 : memref<10240x128xf32, #tpu.memory_space<vmem_shared>>)
        } else {
        }
        %dma_start3A_226 = arith.constant 0 : i32
        %dma_start3A_227 = arith.constant 0 : i32
        %dma_start3A_228 = tpu.memref_slice %arg2[%dma_start3A_226, %dma_start3A_227] : memref<10000x128xf32, #tpu.memory_space<hbm>> -> memref<10000x128xf32, #tpu.memory_space<hbm>>
        tpu.enqueue_indirect_dma source(%dma_start3A_228 : memref<10000x128xf32, #tpu.memory_space<hbm>>) target(%arg16 : memref<80x128xf32, #tpu.memory_space<vmem>>) offsets(%arg8 : memref<80xi32, #tpu.memory_space<vmem>>) semaphore(%arg24 : memref<!tpu.dma_semaphore, #tpu.memory_space<semaphore_mem>>)
      } else {
      }
      %dma_wait3A_181 = arith.constant 0 : i32
      %dma_wait3A_182 = arith.constant 0 : i32
      %dma_wait3A_183 = tpu.memref_slice %arg2[%dma_wait3A_181, %dma_wait3A_182] : memref<10000x128xf32, #tpu.memory_space<hbm>> -> memref<10000x128xf32, #tpu.memory_space<hbm>>
      tpu.wait_indirect_dma semaphore(%arg25 : memref<!tpu.dma_semaphore, #tpu.memory_space<semaphore_mem>>) src(%dma_wait3A_183 : memref<10000x128xf32, #tpu.memory_space<hbm>>) dst(%arg17 : memref<80x128xf32, #tpu.memory_space<vmem>>)
      %dma_start3A_184 = arith.constant 0 : i32
      %dma_start3A_185 = arith.constant 0 : i32
      %dma_start3A_186 = tpu.memref_slice %arg6[%dma_start3A_184, %dma_start3A_185] : memref<10240x128xf32, #tpu.memory_space<vmem_shared>> -> memref<10240x128xf32, #tpu.memory_space<vmem_shared>>
      tpu.enqueue_indirect_dma source(%arg17 : memref<80x128xf32, #tpu.memory_space<vmem>>) target(%dma_start3A_186 : memref<10240x128xf32, #tpu.memory_space<vmem_shared>>) offsets(%arg13 : memref<80xi32, #tpu.memory_space<vmem>>) semaphore(%arg29 : memref<!tpu.dma_semaphore, #tpu.memory_space<semaphore_mem>>) {add = true}
      %add3A_187 = arith.constant 4 : i32
      %add3A_188 = arith.addi %add3A_171, %add3A_187 : i32
      %lt3A_189 = arith.constant 125 : i32
      %lt3A_190 = arith.cmpi slt, %add3A_188, %lt3A_189 : i32
      %convert_element_type3A_191 = arith.extui %lt3A_190 : i1 to i32
      %cond3A_192 = arith.constant 0 : i32
      %cond3A_193 = arith.cmpi ne, %convert_element_type3A_191, %cond3A_192 : i32
      scf.if %cond3A_193 {
        %add3A_218 = arith.constant 4 : i32
        %add3A_219 = arith.addi %add3A_171, %add3A_218 : i32
        %mul3A_220 = arith.constant 80 : i32
        %mul3A_221 = arith.muli %add3A_219, %mul3A_220 : i32
        %add3A_222 = arith.addi %mul3A_4, %mul3A_221 : i32
        %dma_start3A_223 = tpu.memref_slice %arg3[%add3A_222] : memref<320000xi32, #tpu.memory_space<hbm>> -> memref<80xi32, #tpu.memory_space<hbm>>
        %dma_start3A_224 = tpu.memref_slice %arg3[%add3A_222] : memref<320000xi32, #tpu.memory_space<hbm>> -> memref<80xi32, #tpu.memory_space<hbm>>
        tpu.enqueue_dma source(%dma_start3A_224 : memref<80xi32, #tpu.memory_space<hbm>>) target(%arg9 : memref<80xi32, #tpu.memory_space<vmem>>) target_semaphore(%arg21 : memref<!tpu.dma_semaphore, #tpu.memory_space<semaphore_mem>>)
        %mul3A_225 = arith.constant 80 : i32
        %mul3A_226 = arith.muli %add3A_219, %mul3A_225 : i32
        %add3A_227 = arith.addi %mul3A_4, %mul3A_226 : i32
        %dma_start3A_228 = tpu.memref_slice %arg4[%add3A_227] : memref<320000xi32, #tpu.memory_space<hbm>> -> memref<80xi32, #tpu.memory_space<hbm>>
        %dma_start3A_229 = tpu.memref_slice %arg4[%add3A_227] : memref<320000xi32, #tpu.memory_space<hbm>> -> memref<80xi32, #tpu.memory_space<hbm>>
        tpu.enqueue_dma source(%dma_start3A_229 : memref<80xi32, #tpu.memory_space<hbm>>) target(%arg13 : memref<80xi32, #tpu.memory_space<vmem>>) target_semaphore(%arg21 : memref<!tpu.dma_semaphore, #tpu.memory_space<semaphore_mem>>)
      } else {
      }
      %add3A_194 = arith.constant 3 : i32
      %add3A_195 = arith.addi %mul3A_125, %add3A_194 : i32
      %add3A_196 = arith.constant 4 : i32
      %add3A_197 = arith.addi %add3A_195, %add3A_196 : i32
      %sub3A_198 = arith.constant 1 : i32
      %sub3A_199 = arith.subi %add3A_197, %sub3A_198 : i32
      %lt3A_200 = arith.constant 125 : i32
      %lt3A_201 = arith.cmpi slt, %sub3A_199, %lt3A_200 : i32
      %convert_element_type3A_202 = arith.extui %lt3A_201 : i1 to i32
      %cond3A_203 = arith.constant 0 : i32
      %cond3A_204 = arith.cmpi ne, %convert_element_type3A_202, %cond3A_203 : i32
      scf.if %cond3A_204 {
        %dma_wait3A_218 = tpu.memref_slice %arg3[%mul3A_4] : memref<320000xi32, #tpu.memory_space<hbm>> -> memref<80xi32, #tpu.memory_space<hbm>>
        %dma_wait3A_219 = tpu.memref_slice %arg3[%mul3A_4] : memref<320000xi32, #tpu.memory_space<hbm>> -> memref<80xi32, #tpu.memory_space<hbm>>
        tpu.wait_dma2 semaphore(%arg21 : memref<!tpu.dma_semaphore, #tpu.memory_space<semaphore_mem>>) src(%dma_wait3A_219 : memref<80xi32, #tpu.memory_space<hbm>>) dst(%arg9 : memref<80xi32, #tpu.memory_space<vmem>>)
        %dma_wait3A_220 = tpu.memref_slice %arg4[%mul3A_4] : memref<320000xi32, #tpu.memory_space<hbm>> -> memref<80xi32, #tpu.memory_space<hbm>>
        %dma_wait3A_221 = tpu.memref_slice %arg4[%mul3A_4] : memref<320000xi32, #tpu.memory_space<hbm>> -> memref<80xi32, #tpu.memory_space<hbm>>
        tpu.wait_dma2 semaphore(%arg21 : memref<!tpu.dma_semaphore, #tpu.memory_space<semaphore_mem>>) src(%dma_wait3A_221 : memref<80xi32, #tpu.memory_space<hbm>>) dst(%arg13 : memref<80xi32, #tpu.memory_space<vmem>>)
        %gt3A = arith.constant 0 : i32
        %gt3A_222 = arith.cmpi sgt, %add3A_195, %gt3A : i32
        %convert_element_type3A_223 = arith.extui %gt3A_222 : i1 to i32
        %cond3A_224 = arith.constant 0 : i32
        %cond3A_225 = arith.cmpi ne, %convert_element_type3A_223, %cond3A_224 : i32
        scf.if %cond3A_225 {
          %dma_wait3A_229 = arith.constant 0 : i32
          %dma_wait3A_230 = arith.constant 0 : i32
          %dma_wait3A_231 = tpu.memref_slice %arg6[%dma_wait3A_229, %dma_wait3A_230] : memref<10240x128xf32, #tpu.memory_space<vmem_shared>> -> memref<10240x128xf32, #tpu.memory_space<vmem_shared>>
          tpu.wait_indirect_dma semaphore(%arg29 : memref<!tpu.dma_semaphore, #tpu.memory_space<semaphore_mem>>) src(%arg17 : memref<80x128xf32, #tpu.memory_space<vmem>>) dst(%dma_wait3A_231 : memref<10240x128xf32, #tpu.memory_space<vmem_shared>>)
        } else {
        }
        %dma_start3A_226 = arith.constant 0 : i32
        %dma_start3A_227 = arith.constant 0 : i32
        %dma_start3A_228 = tpu.memref_slice %arg2[%dma_start3A_226, %dma_start3A_227] : memref<10000x128xf32, #tpu.memory_space<hbm>> -> memref<10000x128xf32, #tpu.memory_space<hbm>>
        tpu.enqueue_indirect_dma source(%dma_start3A_228 : memref<10000x128xf32, #tpu.memory_space<hbm>>) target(%arg17 : memref<80x128xf32, #tpu.memory_space<vmem>>) offsets(%arg9 : memref<80xi32, #tpu.memory_space<vmem>>) semaphore(%arg25 : memref<!tpu.dma_semaphore, #tpu.memory_space<semaphore_mem>>)
      } else {
      }
      %dma_wait3A_205 = arith.constant 0 : i32
      %dma_wait3A_206 = arith.constant 0 : i32
      %dma_wait3A_207 = tpu.memref_slice %arg2[%dma_wait3A_205, %dma_wait3A_206] : memref<10000x128xf32, #tpu.memory_space<hbm>> -> memref<10000x128xf32, #tpu.memory_space<hbm>>
      tpu.wait_indirect_dma semaphore(%arg26 : memref<!tpu.dma_semaphore, #tpu.memory_space<semaphore_mem>>) src(%dma_wait3A_207 : memref<10000x128xf32, #tpu.memory_space<hbm>>) dst(%arg18 : memref<80x128xf32, #tpu.memory_space<vmem>>)
      %dma_start3A_208 = arith.constant 0 : i32
      %dma_start3A_209 = arith.constant 0 : i32
      %dma_start3A_210 = tpu.memref_slice %arg6[%dma_start3A_208, %dma_start3A_209] : memref<10240x128xf32, #tpu.memory_space<vmem_shared>> -> memref<10240x128xf32, #tpu.memory_space<vmem_shared>>
      tpu.enqueue_indirect_dma source(%arg18 : memref<80x128xf32, #tpu.memory_space<vmem>>) target(%dma_start3A_210 : memref<10240x128xf32, #tpu.memory_space<vmem_shared>>) offsets(%arg14 : memref<80xi32, #tpu.memory_space<vmem>>) semaphore(%arg30 : memref<!tpu.dma_semaphore, #tpu.memory_space<semaphore_mem>>) {add = true}
      %add3A_211 = arith.constant 4 : i32
      %add3A_212 = arith.addi %add3A_195, %add3A_211 : i32
      %lt3A_213 = arith.constant 125 : i32
      %lt3A_214 = arith.cmpi slt, %add3A_212, %lt3A_213 : i32
      %convert_element_type3A_215 = arith.extui %lt3A_214 : i1 to i32
      %cond3A_216 = arith.constant 0 : i32
      %cond3A_217 = arith.cmpi ne, %convert_element_type3A_215, %cond3A_216 : i32
      scf.if %cond3A_217 {
        %add3A_218 = arith.constant 4 : i32
        %add3A_219 = arith.addi %add3A_195, %add3A_218 : i32
        %mul3A_220 = arith.constant 80 : i32
        %mul3A_221 = arith.muli %add3A_219, %mul3A_220 : i32
        %add3A_222 = arith.addi %mul3A_4, %mul3A_221 : i32
        %dma_start3A_223 = tpu.memref_slice %arg3[%add3A_222] : memref<320000xi32, #tpu.memory_space<hbm>> -> memref<80xi32, #tpu.memory_space<hbm>>
        %dma_start3A_224 = tpu.memref_slice %arg3[%add3A_222] : memref<320000xi32, #tpu.memory_space<hbm>> -> memref<80xi32, #tpu.memory_space<hbm>>
        tpu.enqueue_dma source(%dma_start3A_224 : memref<80xi32, #tpu.memory_space<hbm>>) target(%arg10 : memref<80xi32, #tpu.memory_space<vmem>>) target_semaphore(%arg22 : memref<!tpu.dma_semaphore, #tpu.memory_space<semaphore_mem>>)
        %mul3A_225 = arith.constant 80 : i32
        %mul3A_226 = arith.muli %add3A_219, %mul3A_225 : i32
        %add3A_227 = arith.addi %mul3A_4, %mul3A_226 : i32
        %dma_start3A_228 = tpu.memref_slice %arg4[%add3A_227] : memref<320000xi32, #tpu.memory_space<hbm>> -> memref<80xi32, #tpu.memory_space<hbm>>
        %dma_start3A_229 = tpu.memref_slice %arg4[%add3A_227] : memref<320000xi32, #tpu.memory_space<hbm>> -> memref<80xi32, #tpu.memory_space<hbm>>
        tpu.enqueue_dma source(%dma_start3A_229 : memref<80xi32, #tpu.memory_space<hbm>>) target(%arg14 : memref<80xi32, #tpu.memory_space<vmem>>) target_semaphore(%arg22 : memref<!tpu.dma_semaphore, #tpu.memory_space<semaphore_mem>>)
      } else {
      }
    }
    %scan3A_98 = arith.constant 31 : i32
    %dma_wait3A_99 = arith.constant 0 : i32
    %dma_wait3A_100 = arith.constant 0 : i32
    %dma_wait3A_101 = tpu.memref_slice %arg2[%dma_wait3A_99, %dma_wait3A_100] : memref<10000x128xf32, #tpu.memory_space<hbm>> -> memref<10000x128xf32, #tpu.memory_space<hbm>>
    tpu.wait_indirect_dma semaphore(%arg23 : memref<!tpu.dma_semaphore, #tpu.memory_space<semaphore_mem>>) src(%dma_wait3A_101 : memref<10000x128xf32, #tpu.memory_space<hbm>>) dst(%arg15 : memref<80x128xf32, #tpu.memory_space<vmem>>)
    %dma_start3A_102 = arith.constant 0 : i32
    %dma_start3A_103 = arith.constant 0 : i32
    %dma_start3A_104 = tpu.memref_slice %arg6[%dma_start3A_102, %dma_start3A_103] : memref<10240x128xf32, #tpu.memory_space<vmem_shared>> -> memref<10240x128xf32, #tpu.memory_space<vmem_shared>>
    tpu.enqueue_indirect_dma source(%arg15 : memref<80x128xf32, #tpu.memory_space<vmem>>) target(%dma_start3A_104 : memref<10240x128xf32, #tpu.memory_space<vmem_shared>>) offsets(%arg11 : memref<80xi32, #tpu.memory_space<vmem>>) semaphore(%arg27 : memref<!tpu.dma_semaphore, #tpu.memory_space<semaphore_mem>>) {add = true}
    %dma_wait3A_105 = arith.constant 0 : i32
    %dma_wait3A_106 = arith.constant 0 : i32
    %dma_wait3A_107 = tpu.memref_slice %arg6[%dma_wait3A_105, %dma_wait3A_106] : memref<10240x128xf32, #tpu.memory_space<vmem_shared>> -> memref<10240x128xf32, #tpu.memory_space<vmem_shared>>
    tpu.wait_indirect_dma semaphore(%arg27 : memref<!tpu.dma_semaphore, #tpu.memory_space<semaphore_mem>>) src(%arg15 : memref<80x128xf32, #tpu.memory_space<vmem>>) dst(%dma_wait3A_107 : memref<10240x128xf32, #tpu.memory_space<vmem_shared>>)
    %dma_wait3A_108 = arith.constant 0 : i32
    %dma_wait3A_109 = arith.constant 0 : i32
    %dma_wait3A_110 = tpu.memref_slice %arg6[%dma_wait3A_108, %dma_wait3A_109] : memref<10240x128xf32, #tpu.memory_space<vmem_shared>> -> memref<10240x128xf32, #tpu.memory_space<vmem_shared>>
    tpu.wait_indirect_dma semaphore(%arg28 : memref<!tpu.dma_semaphore, #tpu.memory_space<semaphore_mem>>) src(%arg16 : memref<80x128xf32, #tpu.memory_space<vmem>>) dst(%dma_wait3A_110 : memref<10240x128xf32, #tpu.memory_space<vmem_shared>>)
    %dma_wait3A_111 = arith.constant 0 : i32
    %dma_wait3A_112 = arith.constant 0 : i32
    %dma_wait3A_113 = tpu.memref_slice %arg6[%dma_wait3A_111, %dma_wait3A_112] : memref<10240x128xf32, #tpu.memory_space<vmem_shared>> -> memref<10240x128xf32, #tpu.memory_space<vmem_shared>>
    tpu.wait_indirect_dma semaphore(%arg29 : memref<!tpu.dma_semaphore, #tpu.memory_space<semaphore_mem>>) src(%arg17 : memref<80x128xf32, #tpu.memory_space<vmem>>) dst(%dma_wait3A_113 : memref<10240x128xf32, #tpu.memory_space<vmem_shared>>)
    %dma_wait3A_114 = arith.constant 0 : i32
    %dma_wait3A_115 = arith.constant 0 : i32
    %dma_wait3A_116 = tpu.memref_slice %arg6[%dma_wait3A_114, %dma_wait3A_115] : memref<10240x128xf32, #tpu.memory_space<vmem_shared>> -> memref<10240x128xf32, #tpu.memory_space<vmem_shared>>
    tpu.wait_indirect_dma semaphore(%arg30 : memref<!tpu.dma_semaphore, #tpu.memory_space<semaphore_mem>>) src(%arg18 : memref<80x128xf32, #tpu.memory_space<vmem>>) dst(%dma_wait3A_116 : memref<10240x128xf32, #tpu.memory_space<vmem_shared>>)
    %barrier3A_117 = arith.constant 0 : index
    tpu.barrier barrier_id(%barrier3A_117)
    %mul3A_118 = arith.constant 640 : i32
    %mul3A_119 = arith.muli %arg1, %mul3A_118 : i32
    %mul3A_120 = arith.constant 10240 : i32
    %mul3A_121 = arith.muli %arg0, %mul3A_120 : i32
    %add3A_122 = arith.addi %mul3A_121, %mul3A_119 : i32
    "tpu.region"() ({
      %run_scoped3A = tpu.sem_alloc : memref<!tpu.dma_semaphore, #tpu.memory_space<semaphore_mem>>
      %dma_start3A_123 = arith.constant 0 : i32
      %dma_start3A_124 = tpu.memref_slice %arg5[%add3A_122, %dma_start3A_123] : memref<20480x128xf32, #tpu.memory_space<hbm>> -> memref<640x128xf32, #tpu.memory_space<hbm>>
      %dma_start3A_125 = arith.constant 0 : i32
      %dma_start3A_126 = tpu.memref_slice %arg6[%mul3A_119, %dma_start3A_125] : memref<10240x128xf32, #tpu.memory_space<vmem_shared>> -> memref<640x128xf32, #tpu.memory_space<vmem_shared>>
      tpu.enqueue_dma source(%dma_start3A_126 : memref<640x128xf32, #tpu.memory_space<vmem_shared>>) target(%dma_start3A_124 : memref<640x128xf32, #tpu.memory_space<hbm>>) target_semaphore(%run_scoped3A : memref<!tpu.dma_semaphore, #tpu.memory_space<semaphore_mem>>)
      %dma_wait3A_127 = arith.constant 0 : i32
      %dma_wait3A_128 = tpu.memref_slice %arg5[%add3A_122, %dma_wait3A_127] : memref<20480x128xf32, #tpu.memory_space<hbm>> -> memref<640x128xf32, #tpu.memory_space<hbm>>
      %dma_wait3A_129 = arith.constant 0 : i32
      %dma_wait3A_130 = tpu.memref_slice %arg6[%mul3A_119, %dma_wait3A_129] : memref<10240x128xf32, #tpu.memory_space<vmem_shared>> -> memref<640x128xf32, #tpu.memory_space<vmem_shared>>
      tpu.wait_dma2 semaphore(%run_scoped3A : memref<!tpu.dma_semaphore, #tpu.memory_space<semaphore_mem>>) src(%dma_wait3A_130 : memref<640x128xf32, #tpu.memory_space<vmem_shared>>) dst(%dma_wait3A_128 : memref<640x128xf32, #tpu.memory_space<hbm>>)
      tpu.yield
    }) : () -> ()
    return
  }
}

#map = affine_map<(d0, d1) -> (0, 0)>
#map1 = affine_map<(d0, d1) -> (0)>
module attributes {stable_mosaic.version = 14 : i64} {
  func.func @_seg_sum_body(%arg0: i32, %arg1: i32, %arg2: memref<10000x128xf32, #tpu.memory_space<hbm>>, %arg3: memref<320000xi32, #tpu.memory_space<hbm>>, %arg4: memref<320000xi32, #tpu.memory_space<hbm>>, %arg5: memref<20480x128xf32, #tpu.memory_space<hbm>>, %arg6: memref<10240x128xf32, #tpu.memory_space<vmem_shared>>, %arg7: memref<80xi32, #tpu.memory_space<vmem>>, %arg8: memref<80xi32, #tpu.memory_space<vmem>>, %arg9: memref<80xi32, #tpu.memory_space<vmem>>, %arg10: memref<80xi32, #tpu.memory_space<vmem>>, %arg11: memref<80xi32, #tpu.memory_space<vmem>>, %arg12: memref<80xi32, #tpu.memory_space<vmem>>, %arg13: memref<80xi32, #tpu.memory_space<vmem>>, %arg14: memref<80xi32, #tpu.memory_space<vmem>>, %arg15: memref<80x128xf32, #tpu.memory_space<vmem>>, %arg16: memref<80x128xf32, #tpu.memory_space<vmem>>, %arg17: memref<80x128xf32, #tpu.memory_space<vmem>>, %arg18: memref<80x128xf32, #tpu.memory_space<vmem>>, %arg19: memref<!tpu.dma_semaphore, #tpu.memory_space<semaphore_mem>>, %arg20: memref<!tpu.dma_semaphore, #tpu.memory_space<semaphore_mem>>, %arg21: memref<!tpu.dma_semaphore, #tpu.memory_space<semaphore_mem>>, %arg22: memref<!tpu.dma_semaphore, #tpu.memory_space<semaphore_mem>>, %arg23: memref<!tpu.dma_semaphore, #tpu.memory_space<semaphore_mem>>, %arg24: memref<!tpu.dma_semaphore, #tpu.memory_space<semaphore_mem>>, %arg25: memref<!tpu.dma_semaphore, #tpu.memory_space<semaphore_mem>>, %arg26: memref<!tpu.dma_semaphore, #tpu.memory_space<semaphore_mem>>, %arg27: memref<!tpu.dma_semaphore, #tpu.memory_space<semaphore_mem>>, %arg28: memref<!tpu.dma_semaphore, #tpu.memory_space<semaphore_mem>>, %arg29: memref<!tpu.dma_semaphore, #tpu.memory_space<semaphore_mem>>, %arg30: memref<!tpu.dma_semaphore, #tpu.memory_space<semaphore_mem>>) attributes {dimension_semantics = [#tpu.dimension_semantics<core_parallel>, #tpu.dimension_semantics<subcore_parallel>], iteration_bounds = array<i64: 2, 16>, scalar_prefetch = 0 : i64, scratch_operands = 25 : i64, tpu.core_type = #tpu.core_type<sc_vector_subcore>, window_params = [{transform_indices = #map}, {transform_indices = #map1}, {transform_indices = #map1}, {transform_indices = #map}]} {
    %mul3A = arith.constant 2 : i32
    %mul3A_0 = arith.muli %arg1, %mul3A : i32
    %add3A = arith.addi %mul3A_0, %arg0 : i32
    %mul3A_1 = arith.constant 125 : i32
    %mul3A_2 = arith.muli %add3A, %mul3A_1 : i32
    %mul3A_3 = arith.constant 80 : i32
    %mul3A_4 = arith.muli %mul3A_2, %mul3A_3 : i32
    %add3A_5 = arith.constant 0 : i32
    %add3A_6 = arith.addi %mul3A_4, %add3A_5 : i32
    %dma_start3A = tpu.memref_slice %arg3[%add3A_6] : memref<320000xi32, #tpu.memory_space<hbm>> -> memref<80xi32, #tpu.memory_space<hbm>>
    %dma_start3A_7 = tpu.memref_slice %arg3[%add3A_6] : memref<320000xi32, #tpu.memory_space<hbm>> -> memref<80xi32, #tpu.memory_space<hbm>>
    tpu.enqueue_dma source(%dma_start3A_7 : memref<80xi32, #tpu.memory_space<hbm>>) target(%arg7 : memref<80xi32, #tpu.memory_space<vmem>>) target_semaphore(%arg19 : memref<!tpu.dma_semaphore, #tpu.memory_space<semaphore_mem>>)
    %add3A_8 = arith.constant 0 : i32
    %add3A_9 = arith.addi %mul3A_4, %add3A_8 : i32
    %dma_start3A_10 = tpu.memref_slice %arg4[%add3A_9] : memref<320000xi32, #tpu.memory_space<hbm>> -> memref<80xi32, #tpu.memory_space<hbm>>
    %dma_start3A_11 = tpu.memref_slice %arg4[%add3A_9] : memref<320000xi32, #tpu.memory_space<hbm>> -> memref<80xi32, #tpu.memory_space<hbm>>
    tpu.enqueue_dma source(%dma_start3A_11 : memref<80xi32, #tpu.memory_space<hbm>>) target(%arg11 : memref<80xi32, #tpu.memory_space<vmem>>) target_semaphore(%arg19 : memref<!tpu.dma_semaphore, #tpu.memory_space<semaphore_mem>>)
    %add3A_12 = arith.constant 80 : i32
    %add3A_13 = arith.addi %mul3A_4, %add3A_12 : i32
    %dma_start3A_14 = tpu.memref_slice %arg3[%add3A_13] : memref<320000xi32, #tpu.memory_space<hbm>> -> memref<80xi32, #tpu.memory_space<hbm>>
    %dma_start3A_15 = tpu.memref_slice %arg3[%add3A_13] : memref<320000xi32, #tpu.memory_space<hbm>> -> memref<80xi32, #tpu.memory_space<hbm>>
    tpu.enqueue_dma source(%dma_start3A_15 : memref<80xi32, #tpu.memory_space<hbm>>) target(%arg8 : memref<80xi32, #tpu.memory_space<vmem>>) target_semaphore(%arg20 : memref<!tpu.dma_semaphore, #tpu.memory_space<semaphore_mem>>)
    %add3A_16 = arith.constant 80 : i32
    %add3A_17 = arith.addi %mul3A_4, %add3A_16 : i32
    %dma_start3A_18 = tpu.memref_slice %arg4[%add3A_17] : memref<320000xi32, #tpu.memory_space<hbm>> -> memref<80xi32, #tpu.memory_space<hbm>>
    %dma_start3A_19 = tpu.memref_slice %arg4[%add3A_17] : memref<320000xi32, #tpu.memory_space<hbm>> -> memref<80xi32, #tpu.memory_space<hbm>>
    tpu.enqueue_dma source(%dma_start3A_19 : memref<80xi32, #tpu.memory_space<hbm>>) target(%arg12 : memref<80xi32, #tpu.memory_space<vmem>>) target_semaphore(%arg20 : memref<!tpu.dma_semaphore, #tpu.memory_space<semaphore_mem>>)
    %add3A_20 = arith.constant 160 : i32
    %add3A_21 = arith.addi %mul3A_4, %add3A_20 : i32
    %dma_start3A_22 = tpu.memref_slice %arg3[%add3A_21] : memref<320000xi32, #tpu.memory_space<hbm>> -> memref<80xi32, #tpu.memory_space<hbm>>
    %dma_start3A_23 = tpu.memref_slice %arg3[%add3A_21] : memref<320000xi32, #tpu.memory_space<hbm>> -> memref<80xi32, #tpu.memory_space<hbm>>
    tpu.enqueue_dma source(%dma_start3A_23 : memref<80xi32, #tpu.memory_space<hbm>>) target(%arg9 : memref<80xi32, #tpu.memory_space<vmem>>) target_semaphore(%arg21 : memref<!tpu.dma_semaphore, #tpu.memory_space<semaphore_mem>>)
    %add3A_24 = arith.constant 160 : i32
    %add3A_25 = arith.addi %mul3A_4, %add3A_24 : i32
    %dma_start3A_26 = tpu.memref_slice %arg4[%add3A_25] : memref<320000xi32, #tpu.memory_space<hbm>> -> memref<80xi32, #tpu.memory_space<hbm>>
    %dma_start3A_27 = tpu.memref_slice %arg4[%add3A_25] : memref<320000xi32, #tpu.memory_space<hbm>> -> memref<80xi32, #tpu.memory_space<hbm>>
    tpu.enqueue_dma source(%dma_start3A_27 : memref<80xi32, #tpu.memory_space<hbm>>) target(%arg13 : memref<80xi32, #tpu.memory_space<vmem>>) target_semaphore(%arg21 : memref<!tpu.dma_semaphore, #tpu.memory_space<semaphore_mem>>)
    %scan3A = arith.constant 0 : i32
    %scan3A_28 = arith.constant 0 : i32
    %scan3A_29 = arith.constant 80 : i32
    %scan3A_30 = arith.addi %scan3A_28, %scan3A_29 : i32
    %scan3A_31 = arith.constant 1 : i32
    scf.for %scan3A_123 = %scan3A_28 to %scan3A_30 step %scan3A_31  : i32 {
      %broadcast_in_dim3A = arith.constant 0.000000e+00 : f32
      %broadcast_in_dim3A_124 = vector.broadcast %broadcast_in_dim3A : f32 to vector<16xf32>
      %swap3A = arith.index_cast %scan3A_123 : i32 to index
      %swap3A_125 = arith.constant 0 : index
      %swap3A_126 = tpu.vector_load %arg18[%swap3A, %swap3A_125] {strides = array<i32>} : memref<80x128xf32, #tpu.memory_space<vmem>>, vector<1x16xf32>,
      %swap3A_127 = vector.shape_cast %swap3A_126 : vector<1x16xf32> to vector<16xf32>
      %swap3A_128 = vector.shape_cast %broadcast_in_dim3A_124 : vector<16xf32> to vector<1x16xf32>
      tpu.vector_store %arg18[%swap3A, %swap3A_125], %swap3A_128 {strides = array<i32>} : memref<80x128xf32, #tpu.memory_space<vmem>>, vector<1x16xf32>,
      %broadcast_in_dim3A_129 = arith.constant 0.000000e+00 : f32
      %broadcast_in_dim3A_130 = vector.broadcast %broadcast_in_dim3A_129 : f32 to vector<16xf32>
      %swap3A_131 = arith.index_cast %scan3A_123 : i32 to index
      %swap3A_132 = arith.constant 16 : index
      %swap3A_133 = tpu.vector_load %arg18[%swap3A_131, %swap3A_132] {strides = array<i32>} : memref<80x128xf32, #tpu.memory_space<vmem>>, vector<1x16xf32>,
      %swap3A_134 = vector.shape_cast %swap3A_133 : vector<1x16xf32> to vector<16xf32>
      %swap3A_135 = vector.shape_cast %broadcast_in_dim3A_130 : vector<16xf32> to vector<1x16xf32>
      tpu.vector_store %arg18[%swap3A_131, %swap3A_132], %swap3A_135 {strides = array<i32>} : memref<80x128xf32, #tpu.memory_space<vmem>>, vector<1x16xf32>,
      %broadcast_in_dim3A_136 = arith.constant 0.000000e+00 : f32
      %broadcast_in_dim3A_137 = vector.broadcast %broadcast_in_dim3A_136 : f32 to vector<16xf32>
      %swap3A_138 = arith.index_cast %scan3A_123 : i32 to index
      %swap3A_139 = arith.constant 32 : index
      %swap3A_140 = tpu.vector_load %arg18[%swap3A_138, %swap3A_139] {strides = array<i32>} : memref<80x128xf32, #tpu.memory_space<vmem>>, vector<1x16xf32>,
      %swap3A_141 = vector.shape_cast %swap3A_140 : vector<1x16xf32> to vector<16xf32>
      %swap3A_142 = vector.shape_cast %broadcast_in_dim3A_137 : vector<16xf32> to vector<1x16xf32>
      tpu.vector_store %arg18[%swap3A_138, %swap3A_139], %swap3A_142 {strides = array<i32>} : memref<80x128xf32, #tpu.memory_space<vmem>>, vector<1x16xf32>,
      %broadcast_in_dim3A_143 = arith.constant 0.000000e+00 : f32
      %broadcast_in_dim3A_144 = vector.broadcast %broadcast_in_dim3A_143 : f32 to vector<16xf32>
      %swap3A_145 = arith.index_cast %scan3A_123 : i32 to index
      %swap3A_146 = arith.constant 48 : index
      %swap3A_147 = tpu.vector_load %arg18[%swap3A_145, %swap3A_146] {strides = array<i32>} : memref<80x128xf32, #tpu.memory_space<vmem>>, vector<1x16xf32>,
      %swap3A_148 = vector.shape_cast %swap3A_147 : vector<1x16xf32> to vector<16xf32>
      %swap3A_149 = vector.shape_cast %broadcast_in_dim3A_144 : vector<16xf32> to vector<1x16xf32>
      tpu.vector_store %arg18[%swap3A_145, %swap3A_146], %swap3A_149 {strides = array<i32>} : memref<80x128xf32, #tpu.memory_space<vmem>>, vector<1x16xf32>,
      %broadcast_in_dim3A_150 = arith.constant 0.000000e+00 : f32
      %broadcast_in_dim3A_151 = vector.broadcast %broadcast_in_dim3A_150 : f32 to vector<16xf32>
      %swap3A_152 = arith.index_cast %scan3A_123 : i32 to index
      %swap3A_153 = arith.constant 64 : index
      %swap3A_154 = tpu.vector_load %arg18[%swap3A_152, %swap3A_153] {strides = array<i32>} : memref<80x128xf32, #tpu.memory_space<vmem>>, vector<1x16xf32>,
      %swap3A_155 = vector.shape_cast %swap3A_154 : vector<1x16xf32> to vector<16xf32>
      %swap3A_156 = vector.shape_cast %broadcast_in_dim3A_151 : vector<16xf32> to vector<1x16xf32>
      tpu.vector_store %arg18[%swap3A_152, %swap3A_153], %swap3A_156 {strides = array<i32>} : memref<80x128xf32, #tpu.memory_space<vmem>>, vector<1x16xf32>,
      %broadcast_in_dim3A_157 = arith.constant 0.000000e+00 : f32
      %broadcast_in_dim3A_158 = vector.broadcast %broadcast_in_dim3A_157 : f32 to vector<16xf32>
      %swap3A_159 = arith.index_cast %scan3A_123 : i32 to index
      %swap3A_160 = arith.constant 80 : index
      %swap3A_161 = tpu.vector_load %arg18[%swap3A_159, %swap3A_160] {strides = array<i32>} : memref<80x128xf32, #tpu.memory_space<vmem>>, vector<1x16xf32>,
      %swap3A_162 = vector.shape_cast %swap3A_161 : vector<1x16xf32> to vector<16xf32>
      %swap3A_163 = vector.shape_cast %broadcast_in_dim3A_158 : vector<16xf32> to vector<1x16xf32>
      tpu.vector_store %arg18[%swap3A_159, %swap3A_160], %swap3A_163 {strides = array<i32>} : memref<80x128xf32, #tpu.memory_space<vmem>>, vector<1x16xf32>,
      %broadcast_in_dim3A_164 = arith.constant 0.000000e+00 : f32
      %broadcast_in_dim3A_165 = vector.broadcast %broadcast_in_dim3A_164 : f32 to vector<16xf32>
      %swap3A_166 = arith.index_cast %scan3A_123 : i32 to index
      %swap3A_167 = arith.constant 96 : index
      %swap3A_168 = tpu.vector_load %arg18[%swap3A_166, %swap3A_167] {strides = array<i32>} : memref<80x128xf32, #tpu.memory_space<vmem>>, vector<1x16xf32>,
      %swap3A_169 = vector.shape_cast %swap3A_168 : vector<1x16xf32> to vector<16xf32>
      %swap3A_170 = vector.shape_cast %broadcast_in_dim3A_165 : vector<16xf32> to vector<1x16xf32>
      tpu.vector_store %arg18[%swap3A_166, %swap3A_167], %swap3A_170 {strides = array<i32>} : memref<80x128xf32, #tpu.memory_space<vmem>>, vector<1x16xf32>,
      %broadcast_in_dim3A_171 = arith.constant 0.000000e+00 : f32
      %broadcast_in_dim3A_172 = vector.broadcast %broadcast_in_dim3A_171 : f32 to vector<16xf32>
      %swap3A_173 = arith.index_cast %scan3A_123 : i32 to index
      %swap3A_174 = arith.constant 112 : index
      %swap3A_175 = tpu.vector_load %arg18[%swap3A_173, %swap3A_174] {strides = array<i32>} : memref<80x128xf32, #tpu.memory_space<vmem>>, vector<1x16xf32>,
      %swap3A_176 = vector.shape_cast %swap3A_175 : vector<1x16xf32> to vector<16xf32>
      %swap3A_177 = vector.shape_cast %broadcast_in_dim3A_172 : vector<16xf32> to vector<1x16xf32>
      tpu.vector_store %arg18[%swap3A_173, %swap3A_174], %swap3A_177 {strides = array<i32>} : memref<80x128xf32, #tpu.memory_space<vmem>>, vector<1x16xf32>,
    }
    %scan3A_32 = arith.constant 80 : i32
    %dma_wait3A = tpu.memref_slice %arg3[%mul3A_4] : memref<320000xi32, #tpu.memory_space<hbm>> -> memref<80xi32, #tpu.memory_space<hbm>>
    %dma_wait3A_33 = tpu.memref_slice %arg3[%mul3A_4] : memref<320000xi32, #tpu.memory_space<hbm>> -> memref<80xi32, #tpu.memory_space<hbm>>
    tpu.wait_dma2 semaphore(%arg19 : memref<!tpu.dma_semaphore, #tpu.memory_space<semaphore_mem>>) src(%dma_wait3A_33 : memref<80xi32, #tpu.memory_space<hbm>>) dst(%arg7 : memref<80xi32, #tpu.memory_space<vmem>>)
    %dma_wait3A_34 = tpu.memref_slice %arg4[%mul3A_4] : memref<320000xi32, #tpu.memory_space<hbm>> -> memref<80xi32, #tpu.memory_space<hbm>>
    %dma_wait3A_35 = tpu.memref_slice %arg4[%mul3A_4] : memref<320000xi32, #tpu.memory_space<hbm>> -> memref<80xi32, #tpu.memory_space<hbm>>
    tpu.wait_dma2 semaphore(%arg19 : memref<!tpu.dma_semaphore, #tpu.memory_space<semaphore_mem>>) src(%dma_wait3A_35 : memref<80xi32, #tpu.memory_space<hbm>>) dst(%arg11 : memref<80xi32, #tpu.memory_space<vmem>>)
    %dma_start3A_36 = arith.constant 0 : i32
    %dma_start3A_37 = arith.constant 0 : i32
    %dma_start3A_38 = tpu.memref_slice %arg2[%dma_start3A_36, %dma_start3A_37] : memref<10000x128xf32, #tpu.memory_space<hbm>> -> memref<10000x128xf32, #tpu.memory_space<hbm>>
    tpu.enqueue_indirect_dma source(%dma_start3A_38 : memref<10000x128xf32, #tpu.memory_space<hbm>>) target(%arg15 : memref<80x128xf32, #tpu.memory_space<vmem>>) offsets(%arg7 : memref<80xi32, #tpu.memory_space<vmem>>) semaphore(%arg23 : memref<!tpu.dma_semaphore, #tpu.memory_space<semaphore_mem>>)
    %dma_wait3A_39 = tpu.memref_slice %arg3[%mul3A_4] : memref<320000xi32, #tpu.memory_space<hbm>> -> memref<80xi32, #tpu.memory_space<hbm>>
    %dma_wait3A_40 = tpu.memref_slice %arg3[%mul3A_4] : memref<320000xi32, #tpu.memory_space<hbm>> -> memref<80xi32, #tpu.memory_space<hbm>>
    tpu.wait_dma2 semaphore(%arg20 : memref<!tpu.dma_semaphore, #tpu.memory_space<semaphore_mem>>) src(%dma_wait3A_40 : memref<80xi32, #tpu.memory_space<hbm>>) dst(%arg8 : memref<80xi32, #tpu.memory_space<vmem>>)
    %dma_wait3A_41 = tpu.memref_slice %arg4[%mul3A_4] : memref<320000xi32, #tpu.memory_space<hbm>> -> memref<80xi32, #tpu.memory_space<hbm>>
    %dma_wait3A_42 = tpu.memref_slice %arg4[%mul3A_4] : memref<320000xi32, #tpu.memory_space<hbm>> -> memref<80xi32, #tpu.memory_space<hbm>>
    tpu.wait_dma2 semaphore(%arg20 : memref<!tpu.dma_semaphore, #tpu.memory_space<semaphore_mem>>) src(%dma_wait3A_42 : memref<80xi32, #tpu.memory_space<hbm>>) dst(%arg12 : memref<80xi32, #tpu.memory_space<vmem>>)
    %dma_start3A_43 = arith.constant 0 : i32
    %dma_start3A_44 = arith.constant 0 : i32
    %dma_start3A_45 = tpu.memref_slice %arg2[%dma_start3A_43, %dma_start3A_44] : memref<10000x128xf32, #tpu.memory_space<hbm>> -> memref<10000x128xf32, #tpu.memory_space<hbm>>
    tpu.enqueue_indirect_dma source(%dma_start3A_45 : memref<10000x128xf32, #tpu.memory_space<hbm>>) target(%arg16 : memref<80x128xf32, #tpu.memory_space<vmem>>) offsets(%arg8 : memref<80xi32, #tpu.memory_space<vmem>>) semaphore(%arg24 : memref<!tpu.dma_semaphore, #tpu.memory_space<semaphore_mem>>)
    %dma_wait3A_46 = tpu.memref_slice %arg3[%mul3A_4] : memref<320000xi32, #tpu.memory_space<hbm>> -> memref<80xi32, #tpu.memory_space<hbm>>
    %dma_wait3A_47 = tpu.memref_slice %arg3[%mul3A_4] : memref<320000xi32, #tpu.memory_space<hbm>> -> memref<80xi32, #tpu.memory_space<hbm>>
    tpu.wait_dma2 semaphore(%arg21 : memref<!tpu.dma_semaphore, #tpu.memory_space<semaphore_mem>>) src(%dma_wait3A_47 : memref<80xi32, #tpu.memory_space<hbm>>) dst(%arg9 : memref<80xi32, #tpu.memory_space<vmem>>)
    %dma_wait3A_48 = tpu.memref_slice %arg4[%mul3A_4] : memref<320000xi32, #tpu.memory_space<hbm>> -> memref<80xi32, #tpu.memory_space<hbm>>
    %dma_wait3A_49 = tpu.memref_slice %arg4[%mul3A_4] : memref<320000xi32, #tpu.memory_space<hbm>> -> memref<80xi32, #tpu.memory_space<hbm>>
    tpu.wait_dma2 semaphore(%arg21 : memref<!tpu.dma_semaphore, #tpu.memory_space<semaphore_mem>>) src(%dma_wait3A_49 : memref<80xi32, #tpu.memory_space<hbm>>) dst(%arg13 : memref<80xi32, #tpu.memory_space<vmem>>)
    %dma_start3A_50 = arith.constant 0 : i32
    %dma_start3A_51 = arith.constant 0 : i32
    %dma_start3A_52 = tpu.memref_slice %arg2[%dma_start3A_50, %dma_start3A_51] : memref<10000x128xf32, #tpu.memory_space<hbm>> -> memref<10000x128xf32, #tpu.memory_space<hbm>>
    tpu.enqueue_indirect_dma source(%dma_start3A_52 : memref<10000x128xf32, #tpu.memory_space<hbm>>) target(%arg17 : memref<80x128xf32, #tpu.memory_space<vmem>>) offsets(%arg9 : memref<80xi32, #tpu.memory_space<vmem>>) semaphore(%arg25 : memref<!tpu.dma_semaphore, #tpu.memory_space<semaphore_mem>>)
    %add3A_53 = arith.constant 240 : i32
    %add3A_54 = arith.addi %mul3A_4, %add3A_53 : i32
    %dma_start3A_55 = tpu.memref_slice %arg3[%add3A_54] : memref<320000xi32, #tpu.memory_space<hbm>> -> memref<80xi32, #tpu.memory_space<hbm>>
    %dma_start3A_56 = tpu.memref_slice %arg3[%add3A_54] : memref<320000xi32, #tpu.memory_space<hbm>> -> memref<80xi32, #tpu.memory_space<hbm>>
    tpu.enqueue_dma source(%dma_start3A_56 : memref<80xi32, #tpu.memory_space<hbm>>) target(%arg10 : memref<80xi32, #tpu.memory_space<vmem>>) target_semaphore(%arg22 : memref<!tpu.dma_semaphore, #tpu.memory_space<semaphore_mem>>)
    %add3A_57 = arith.constant 240 : i32
    %add3A_58 = arith.addi %mul3A_4, %add3A_57 : i32
    %dma_start3A_59 = tpu.memref_slice %arg4[%add3A_58] : memref<320000xi32, #tpu.memory_space<hbm>> -> memref<80xi32, #tpu.memory_space<hbm>>
    %dma_start3A_60 = tpu.memref_slice %arg4[%add3A_58] : memref<320000xi32, #tpu.memory_space<hbm>> -> memref<80xi32, #tpu.memory_space<hbm>>
    tpu.enqueue_dma source(%dma_start3A_60 : memref<80xi32, #tpu.memory_space<hbm>>) target(%arg14 : memref<80xi32, #tpu.memory_space<vmem>>) target_semaphore(%arg22 : memref<!tpu.dma_semaphore, #tpu.memory_space<semaphore_mem>>)
    %mul3A_61 = arith.constant 640 : i32
    %mul3A_62 = arith.muli %arg1, %mul3A_61 : i32
    %add3A_63 = arith.constant 0 : i32
    %add3A_64 = arith.addi %mul3A_62, %add3A_63 : i32
    "tpu.region"() ({
      %run_scoped3A = tpu.sem_alloc : memref<!tpu.dma_semaphore, #tpu.memory_space<semaphore_mem>>
      %dma_start3A_123 = arith.constant 0 : i32
      %dma_start3A_124 = tpu.memref_slice %arg6[%add3A_64, %dma_start3A_123] : memref<10240x128xf32, #tpu.memory_space<vmem_shared>> -> memref<80x128xf32, #tpu.memory_space<vmem_shared>>
      %dma_start3A_125 = arith.constant 0 : i32
      %dma_start3A_126 = tpu.memref_slice %arg6[%add3A_64, %dma_start3A_125] : memref<10240x128xf32, #tpu.memory_space<vmem_shared>> -> memref<80x128xf32, #tpu.memory_space<vmem_shared>>
      tpu.enqueue_dma source(%arg18 : memref<80x128xf32, #tpu.memory_space<vmem>>) target(%dma_start3A_126 : memref<80x128xf32, #tpu.memory_space<vmem_shared>>) target_semaphore(%run_scoped3A : memref<!tpu.dma_semaphore, #tpu.memory_space<semaphore_mem>>)
      %dma_wait3A_127 = arith.constant 0 : i32
      %dma_wait3A_128 = tpu.memref_slice %arg6[%add3A_64, %dma_wait3A_127] : memref<10240x128xf32, #tpu.memory_space<vmem_shared>> -> memref<80x128xf32, #tpu.memory_space<vmem_shared>>
      %dma_wait3A_129 = arith.constant 0 : i32
      %dma_wait3A_130 = tpu.memref_slice %arg6[%add3A_64, %dma_wait3A_129] : memref<10240x128xf32, #tpu.memory_space<vmem_shared>> -> memref<80x128xf32, #tpu.memory_space<vmem_shared>>
      tpu.wait_dma2 semaphore(%run_scoped3A : memref<!tpu.dma_semaphore, #tpu.memory_space<semaphore_mem>>) src(%arg18 : memref<80x128xf32, #tpu.memory_space<vmem>>) dst(%dma_wait3A_130 : memref<80x128xf32, #tpu.memory_space<vmem_shared>>)
      tpu.yield
    }) : () -> ()
    %mul3A_65 = arith.constant 640 : i32
    %mul3A_66 = arith.muli %arg1, %mul3A_65 : i32
    %add3A_67 = arith.constant 80 : i32
    %add3A_68 = arith.addi %mul3A_66, %add3A_67 : i32
    "tpu.region"() ({
      %run_scoped3A = tpu.sem_alloc : memref<!tpu.dma_semaphore, #tpu.memory_space<semaphore_mem>>
      %dma_start3A_123 = arith.constant 0 : i32
      %dma_start3A_124 = tpu.memref_slice %arg6[%add3A_68, %dma_start3A_123] : memref<10240x128xf32, #tpu.memory_space<vmem_shared>> -> memref<80x128xf32, #tpu.memory_space<vmem_shared>>
      %dma_start3A_125 = arith.constant 0 : i32
      %dma_start3A_126 = tpu.memref_slice %arg6[%add3A_68, %dma_start3A_125] : memref<10240x128xf32, #tpu.memory_space<vmem_shared>> -> memref<80x128xf32, #tpu.memory_space<vmem_shared>>
      tpu.enqueue_dma source(%arg18 : memref<80x128xf32, #tpu.memory_space<vmem>>) target(%dma_start3A_126 : memref<80x128xf32, #tpu.memory_space<vmem_shared>>) target_semaphore(%run_scoped3A : memref<!tpu.dma_semaphore, #tpu.memory_space<semaphore_mem>>)
      %dma_wait3A_127 = arith.constant 0 : i32
      %dma_wait3A_128 = tpu.memref_slice %arg6[%add3A_68, %dma_wait3A_127] : memref<10240x128xf32, #tpu.memory_space<vmem_shared>> -> memref<80x128xf32, #tpu.memory_space<vmem_shared>>
      %dma_wait3A_129 = arith.constant 0 : i32
      %dma_wait3A_130 = tpu.memref_slice %arg6[%add3A_68, %dma_wait3A_129] : memref<10240x128xf32, #tpu.memory_space<vmem_shared>> -> memref<80x128xf32, #tpu.memory_space<vmem_shared>>
      tpu.wait_dma2 semaphore(%run_scoped3A : memref<!tpu.dma_semaphore, #tpu.memory_space<semaphore_mem>>) src(%arg18 : memref<80x128xf32, #tpu.memory_space<vmem>>) dst(%dma_wait3A_130 : memref<80x128xf32, #tpu.memory_space<vmem_shared>>)
      tpu.yield
    }) : () -> ()
    %mul3A_69 = arith.constant 640 : i32
    %mul3A_70 = arith.muli %arg1, %mul3A_69 : i32
    %add3A_71 = arith.constant 160 : i32
    %add3A_72 = arith.addi %mul3A_70, %add3A_71 : i32
    "tpu.region"() ({
      %run_scoped3A = tpu.sem_alloc : memref<!tpu.dma_semaphore, #tpu.memory_space<semaphore_mem>>
      %dma_start3A_123 = arith.constant 0 : i32
      %dma_start3A_124 = tpu.memref_slice %arg6[%add3A_72, %dma_start3A_123] : memref<10240x128xf32, #tpu.memory_space<vmem_shared>> -> memref<80x128xf32, #tpu.memory_space<vmem_shared>>
      %dma_start3A_125 = arith.constant 0 : i32
      %dma_start3A_126 = tpu.memref_slice %arg6[%add3A_72, %dma_start3A_125] : memref<10240x128xf32, #tpu.memory_space<vmem_shared>> -> memref<80x128xf32, #tpu.memory_space<vmem_shared>>
      tpu.enqueue_dma source(%arg18 : memref<80x128xf32, #tpu.memory_space<vmem>>) target(%dma_start3A_126 : memref<80x128xf32, #tpu.memory_space<vmem_shared>>) target_semaphore(%run_scoped3A : memref<!tpu.dma_semaphore, #tpu.memory_space<semaphore_mem>>)
      %dma_wait3A_127 = arith.constant 0 : i32
      %dma_wait3A_128 = tpu.memref_slice %arg6[%add3A_72, %dma_wait3A_127] : memref<10240x128xf32, #tpu.memory_space<vmem_shared>> -> memref<80x128xf32, #tpu.memory_space<vmem_shared>>
      %dma_wait3A_129 = arith.constant 0 : i32
      %dma_wait3A_130 = tpu.memref_slice %arg6[%add3A_72, %dma_wait3A_129] : memref<10240x128xf32, #tpu.memory_space<vmem_shared>> -> memref<80x128xf32, #tpu.memory_space<vmem_shared>>
      tpu.wait_dma2 semaphore(%run_scoped3A : memref<!tpu.dma_semaphore, #tpu.memory_space<semaphore_mem>>) src(%arg18 : memref<80x128xf32, #tpu.memory_space<vmem>>) dst(%dma_wait3A_130 : memref<80x128xf32, #tpu.memory_space<vmem_shared>>)
      tpu.yield
    }) : () -> ()
    %mul3A_73 = arith.constant 640 : i32
    %mul3A_74 = arith.muli %arg1, %mul3A_73 : i32
    %add3A_75 = arith.constant 240 : i32
    %add3A_76 = arith.addi %mul3A_74, %add3A_75 : i32
    "tpu.region"() ({
      %run_scoped3A = tpu.sem_alloc : memref<!tpu.dma_semaphore, #tpu.memory_space<semaphore_mem>>
      %dma_start3A_123 = arith.constant 0 : i32
      %dma_start3A_124 = tpu.memref_slice %arg6[%add3A_76, %dma_start3A_123] : memref<10240x128xf32, #tpu.memory_space<vmem_shared>> -> memref<80x128xf32, #tpu.memory_space<vmem_shared>>
      %dma_start3A_125 = arith.constant 0 : i32
      %dma_start3A_126 = tpu.memref_slice %arg6[%add3A_76, %dma_start3A_125] : memref<10240x128xf32, #tpu.memory_space<vmem_shared>> -> memref<80x128xf32, #tpu.memory_space<vmem_shared>>
      tpu.enqueue_dma source(%arg18 : memref<80x128xf32, #tpu.memory_space<vmem>>) target(%dma_start3A_126 : memref<80x128xf32, #tpu.memory_space<vmem_shared>>) target_semaphore(%run_scoped3A : memref<!tpu.dma_semaphore, #tpu.memory_space<semaphore_mem>>)
      %dma_wait3A_127 = arith.constant 0 : i32
      %dma_wait3A_128 = tpu.memref_slice %arg6[%add3A_76, %dma_wait3A_127] : memref<10240x128xf32, #tpu.memory_space<vmem_shared>> -> memref<80x128xf32, #tpu.memory_space<vmem_shared>>
      %dma_wait3A_129 = arith.constant 0 : i32
      %dma_wait3A_130 = tpu.memref_slice %arg6[%add3A_76, %dma_wait3A_129] : memref<10240x128xf32, #tpu.memory_space<vmem_shared>> -> memref<80x128xf32, #tpu.memory_space<vmem_shared>>
      tpu.wait_dma2 semaphore(%run_scoped3A : memref<!tpu.dma_semaphore, #tpu.memory_space<semaphore_mem>>) src(%arg18 : memref<80x128xf32, #tpu.memory_space<vmem>>) dst(%dma_wait3A_130 : memref<80x128xf32, #tpu.memory_space<vmem_shared>>)
      tpu.yield
    }) : () -> ()
    %mul3A_77 = arith.constant 640 : i32
    %mul3A_78 = arith.muli %arg1, %mul3A_77 : i32
    %add3A_79 = arith.constant 320 : i32
    %add3A_80 = arith.addi %mul3A_78, %add3A_79 : i32
    "tpu.region"() ({
      %run_scoped3A = tpu.sem_alloc : memref<!tpu.dma_semaphore, #tpu.memory_space<semaphore_mem>>
      %dma_start3A_123 = arith.constant 0 : i32
      %dma_start3A_124 = tpu.memref_slice %arg6[%add3A_80, %dma_start3A_123] : memref<10240x128xf32, #tpu.memory_space<vmem_shared>> -> memref<80x128xf32, #tpu.memory_space<vmem_shared>>
      %dma_start3A_125 = arith.constant 0 : i32
      %dma_start3A_126 = tpu.memref_slice %arg6[%add3A_80, %dma_start3A_125] : memref<10240x128xf32, #tpu.memory_space<vmem_shared>> -> memref<80x128xf32, #tpu.memory_space<vmem_shared>>
      tpu.enqueue_dma source(%arg18 : memref<80x128xf32, #tpu.memory_space<vmem>>) target(%dma_start3A_126 : memref<80x128xf32, #tpu.memory_space<vmem_shared>>) target_semaphore(%run_scoped3A : memref<!tpu.dma_semaphore, #tpu.memory_space<semaphore_mem>>)
      %dma_wait3A_127 = arith.constant 0 : i32
      %dma_wait3A_128 = tpu.memref_slice %arg6[%add3A_80, %dma_wait3A_127] : memref<10240x128xf32, #tpu.memory_space<vmem_shared>> -> memref<80x128xf32, #tpu.memory_space<vmem_shared>>
      %dma_wait3A_129 = arith.constant 0 : i32
      %dma_wait3A_130 = tpu.memref_slice %arg6[%add3A_80, %dma_wait3A_129] : memref<10240x128xf32, #tpu.memory_space<vmem_shared>> -> memref<80x128xf32, #tpu.memory_space<vmem_shared>>
      tpu.wait_dma2 semaphore(%run_scoped3A : memref<!tpu.dma_semaphore, #tpu.memory_space<semaphore_mem>>) src(%arg18 : memref<80x128xf32, #tpu.memory_space<vmem>>) dst(%dma_wait3A_130 : memref<80x128xf32, #tpu.memory_space<vmem_shared>>)
      tpu.yield
    }) : () -> ()
    %mul3A_81 = arith.constant 640 : i32
    %mul3A_82 = arith.muli %arg1, %mul3A_81 : i32
    %add3A_83 = arith.constant 400 : i32
    %add3A_84 = arith.addi %mul3A_82, %add3A_83 : i32
    "tpu.region"() ({
      %run_scoped3A = tpu.sem_alloc : memref<!tpu.dma_semaphore, #tpu.memory_space<semaphore_mem>>
      %dma_start3A_123 = arith.constant 0 : i32
      %dma_start3A_124 = tpu.memref_slice %arg6[%add3A_84, %dma_start3A_123] : memref<10240x128xf32, #tpu.memory_space<vmem_shared>> -> memref<80x128xf32, #tpu.memory_space<vmem_shared>>
      %dma_start3A_125 = arith.constant 0 : i32
      %dma_start3A_126 = tpu.memref_slice %arg6[%add3A_84, %dma_start3A_125] : memref<10240x128xf32, #tpu.memory_space<vmem_shared>> -> memref<80x128xf32, #tpu.memory_space<vmem_shared>>
      tpu.enqueue_dma source(%arg18 : memref<80x128xf32, #tpu.memory_space<vmem>>) target(%dma_start3A_126 : memref<80x128xf32, #tpu.memory_space<vmem_shared>>) target_semaphore(%run_scoped3A : memref<!tpu.dma_semaphore, #tpu.memory_space<semaphore_mem>>)
      %dma_wait3A_127 = arith.constant 0 : i32
      %dma_wait3A_128 = tpu.memref_slice %arg6[%add3A_84, %dma_wait3A_127] : memref<10240x128xf32, #tpu.memory_space<vmem_shared>> -> memref<80x128xf32, #tpu.memory_space<vmem_shared>>
      %dma_wait3A_129 = arith.constant 0 : i32
      %dma_wait3A_130 = tpu.memref_slice %arg6[%add3A_84, %dma_wait3A_129] : memref<10240x128xf32, #tpu.memory_space<vmem_shared>> -> memref<80x128xf32, #tpu.memory_space<vmem_shared>>
      tpu.wait_dma2 semaphore(%run_scoped3A : memref<!tpu.dma_semaphore, #tpu.memory_space<semaphore_mem>>) src(%arg18 : memref<80x128xf32, #tpu.memory_space<vmem>>) dst(%dma_wait3A_130 : memref<80x128xf32, #tpu.memory_space<vmem_shared>>)
      tpu.yield
    }) : () -> ()
    %mul3A_85 = arith.constant 640 : i32
    %mul3A_86 = arith.muli %arg1, %mul3A_85 : i32
    %add3A_87 = arith.constant 480 : i32
    %add3A_88 = arith.addi %mul3A_86, %add3A_87 : i32
    "tpu.region"() ({
      %run_scoped3A = tpu.sem_alloc : memref<!tpu.dma_semaphore, #tpu.memory_space<semaphore_mem>>
      %dma_start3A_123 = arith.constant 0 : i32
      %dma_start3A_124 = tpu.memref_slice %arg6[%add3A_88, %dma_start3A_123] : memref<10240x128xf32, #tpu.memory_space<vmem_shared>> -> memref<80x128xf32, #tpu.memory_space<vmem_shared>>
      %dma_start3A_125 = arith.constant 0 : i32
      %dma_start3A_126 = tpu.memref_slice %arg6[%add3A_88, %dma_start3A_125] : memref<10240x128xf32, #tpu.memory_space<vmem_shared>> -> memref<80x128xf32, #tpu.memory_space<vmem_shared>>
      tpu.enqueue_dma source(%arg18 : memref<80x128xf32, #tpu.memory_space<vmem>>) target(%dma_start3A_126 : memref<80x128xf32, #tpu.memory_space<vmem_shared>>) target_semaphore(%run_scoped3A : memref<!tpu.dma_semaphore, #tpu.memory_space<semaphore_mem>>)
      %dma_wait3A_127 = arith.constant 0 : i32
      %dma_wait3A_128 = tpu.memref_slice %arg6[%add3A_88, %dma_wait3A_127] : memref<10240x128xf32, #tpu.memory_space<vmem_shared>> -> memref<80x128xf32, #tpu.memory_space<vmem_shared>>
      %dma_wait3A_129 = arith.constant 0 : i32
      %dma_wait3A_130 = tpu.memref_slice %arg6[%add3A_88, %dma_wait3A_129] : memref<10240x128xf32, #tpu.memory_space<vmem_shared>> -> memref<80x128xf32, #tpu.memory_space<vmem_shared>>
      tpu.wait_dma2 semaphore(%run_scoped3A : memref<!tpu.dma_semaphore, #tpu.memory_space<semaphore_mem>>) src(%arg18 : memref<80x128xf32, #tpu.memory_space<vmem>>) dst(%dma_wait3A_130 : memref<80x128xf32, #tpu.memory_space<vmem_shared>>)
      tpu.yield
    }) : () -> ()
    %mul3A_89 = arith.constant 640 : i32
    %mul3A_90 = arith.muli %arg1, %mul3A_89 : i32
    %add3A_91 = arith.constant 560 : i32
    %add3A_92 = arith.addi %mul3A_90, %add3A_91 : i32
    "tpu.region"() ({
      %run_scoped3A = tpu.sem_alloc : memref<!tpu.dma_semaphore, #tpu.memory_space<semaphore_mem>>
      %dma_start3A_123 = arith.constant 0 : i32
      %dma_start3A_124 = tpu.memref_slice %arg6[%add3A_92, %dma_start3A_123] : memref<10240x128xf32, #tpu.memory_space<vmem_shared>> -> memref<80x128xf32, #tpu.memory_space<vmem_shared>>
      %dma_start3A_125 = arith.constant 0 : i32
      %dma_start3A_126 = tpu.memref_slice %arg6[%add3A_92, %dma_start3A_125] : memref<10240x128xf32, #tpu.memory_space<vmem_shared>> -> memref<80x128xf32, #tpu.memory_space<vmem_shared>>
      tpu.enqueue_dma source(%arg18 : memref<80x128xf32, #tpu.memory_space<vmem>>) target(%dma_start3A_126 : memref<80x128xf32, #tpu.memory_space<vmem_shared>>) target_semaphore(%run_scoped3A : memref<!tpu.dma_semaphore, #tpu.memory_space<semaphore_mem>>)
      %dma_wait3A_127 = arith.constant 0 : i32
      %dma_wait3A_128 = tpu.memref_slice %arg6[%add3A_92, %dma_wait3A_127] : memref<10240x128xf32, #tpu.memory_space<vmem_shared>> -> memref<80x128xf32, #tpu.memory_space<vmem_shared>>
      %dma_wait3A_129 = arith.constant 0 : i32
      %dma_wait3A_130 = tpu.memref_slice %arg6[%add3A_92, %dma_wait3A_129] : memref<10240x128xf32, #tpu.memory_space<vmem_shared>> -> memref<80x128xf32, #tpu.memory_space<vmem_shared>>
      tpu.wait_dma2 semaphore(%run_scoped3A : memref<!tpu.dma_semaphore, #tpu.memory_space<semaphore_mem>>) src(%arg18 : memref<80x128xf32, #tpu.memory_space<vmem>>) dst(%dma_wait3A_130 : memref<80x128xf32, #tpu.memory_space<vmem_shared>>)
      tpu.yield
    }) : () -> ()
    %barrier3A = arith.constant 0 : index
    tpu.barrier barrier_id(%barrier3A)
    %scan3A_93 = arith.constant 0 : i32
    %scan3A_94 = arith.constant 0 : i32
    %scan3A_95 = arith.constant 31 : i32
    %scan3A_96 = arith.addi %scan3A_94, %scan3A_95 : i32
    %scan3A_97 = arith.constant 1 : i32
    scf.for %scan3A_123 = %scan3A_94 to %scan3A_96 step %scan3A_97  : i32 {
      %mul3A_124 = arith.constant 4 : i32
      %mul3A_125 = arith.muli %mul3A_124, %scan3A_123 : i32
      %add3A_126 = arith.constant 0 : i32
      %add3A_127 = arith.addi %mul3A_125, %add3A_126 : i32
      %add3A_128 = arith.constant 4 : i32
      %add3A_129 = arith.addi %add3A_127, %add3A_128 : i32
      %sub3A = arith.constant 1 : i32
      %sub3A_130 = arith.subi %add3A_129, %sub3A : i32
      %lt3A = arith.constant 125 : i32
      %lt3A_131 = arith.cmpi slt, %sub3A_130, %lt3A : i32
      %convert_element_type3A = arith.extui %lt3A_131 : i1 to i32
      %cond3A = arith.constant 0 : i32
      %cond3A_132 = arith.cmpi ne, %convert_element_type3A, %cond3A : i32
      scf.if %cond3A_132 {
        %dma_wait3A_218 = tpu.memref_slice %arg3[%mul3A_4] : memref<320000xi32, #tpu.memory_space<hbm>> -> memref<80xi32, #tpu.memory_space<hbm>>
        %dma_wait3A_219 = tpu.memref_slice %arg3[%mul3A_4] : memref<320000xi32, #tpu.memory_space<hbm>> -> memref<80xi32, #tpu.memory_space<hbm>>
        tpu.wait_dma2 semaphore(%arg22 : memref<!tpu.dma_semaphore, #tpu.memory_space<semaphore_mem>>) src(%dma_wait3A_219 : memref<80xi32, #tpu.memory_space<hbm>>) dst(%arg10 : memref<80xi32, #tpu.memory_space<vmem>>)
        %dma_wait3A_220 = tpu.memref_slice %arg4[%mul3A_4] : memref<320000xi32, #tpu.memory_space<hbm>> -> memref<80xi32, #tpu.memory_space<hbm>>
        %dma_wait3A_221 = tpu.memref_slice %arg4[%mul3A_4] : memref<320000xi32, #tpu.memory_space<hbm>> -> memref<80xi32, #tpu.memory_space<hbm>>
        tpu.wait_dma2 semaphore(%arg22 : memref<!tpu.dma_semaphore, #tpu.memory_space<semaphore_mem>>) src(%dma_wait3A_221 : memref<80xi32, #tpu.memory_space<hbm>>) dst(%arg14 : memref<80xi32, #tpu.memory_space<vmem>>)
        %gt3A = arith.constant 0 : i32
        %gt3A_222 = arith.cmpi sgt, %add3A_127, %gt3A : i32
        %convert_element_type3A_223 = arith.extui %gt3A_222 : i1 to i32
        %cond3A_224 = arith.constant 0 : i32
        %cond3A_225 = arith.cmpi ne, %convert_element_type3A_223, %cond3A_224 : i32
        scf.if %cond3A_225 {
          %dma_wait3A_229 = arith.constant 0 : i32
          %dma_wait3A_230 = arith.constant 0 : i32
          %dma_wait3A_231 = tpu.memref_slice %arg6[%dma_wait3A_229, %dma_wait3A_230] : memref<10240x128xf32, #tpu.memory_space<vmem_shared>> -> memref<10240x128xf32, #tpu.memory_space<vmem_shared>>
          tpu.wait_indirect_dma semaphore(%arg30 : memref<!tpu.dma_semaphore, #tpu.memory_space<semaphore_mem>>) src(%arg18 : memref<80x128xf32, #tpu.memory_space<vmem>>) dst(%dma_wait3A_231 : memref<10240x128xf32, #tpu.memory_space<vmem_shared>>)
        } else {
        }
        %dma_start3A_226 = arith.constant 0 : i32
        %dma_start3A_227 = arith.constant 0 : i32
        %dma_start3A_228 = tpu.memref_slice %arg2[%dma_start3A_226, %dma_start3A_227] : memref<10000x128xf32, #tpu.memory_space<hbm>> -> memref<10000x128xf32, #tpu.memory_space<hbm>>
        tpu.enqueue_indirect_dma source(%dma_start3A_228 : memref<10000x128xf32, #tpu.memory_space<hbm>>) target(%arg18 : memref<80x128xf32, #tpu.memory_space<vmem>>) offsets(%arg10 : memref<80xi32, #tpu.memory_space<vmem>>) semaphore(%arg26 : memref<!tpu.dma_semaphore, #tpu.memory_space<semaphore_mem>>)
      } else {
      }
      %dma_wait3A_133 = arith.constant 0 : i32
      %dma_wait3A_134 = arith.constant 0 : i32
      %dma_wait3A_135 = tpu.memref_slice %arg2[%dma_wait3A_133, %dma_wait3A_134] : memref<10000x128xf32, #tpu.memory_space<hbm>> -> memref<10000x128xf32, #tpu.memory_space<hbm>>
      tpu.wait_indirect_dma semaphore(%arg23 : memref<!tpu.dma_semaphore, #tpu.memory_space<semaphore_mem>>) src(%dma_wait3A_135 : memref<10000x128xf32, #tpu.memory_space<hbm>>) dst(%arg15 : memref<80x128xf32, #tpu.memory_space<vmem>>)
      %dma_start3A_136 = arith.constant 0 : i32
      %dma_start3A_137 = arith.constant 0 : i32
      %dma_start3A_138 = tpu.memref_slice %arg6[%dma_start3A_136, %dma_start3A_137] : memref<10240x128xf32, #tpu.memory_space<vmem_shared>> -> memref<10240x128xf32, #tpu.memory_space<vmem_shared>>
      tpu.enqueue_indirect_dma source(%arg15 : memref<80x128xf32, #tpu.memory_space<vmem>>) target(%dma_start3A_138 : memref<10240x128xf32, #tpu.memory_space<vmem_shared>>) offsets(%arg11 : memref<80xi32, #tpu.memory_space<vmem>>) semaphore(%arg27 : memref<!tpu.dma_semaphore, #tpu.memory_space<semaphore_mem>>) {add = true}
      %add3A_139 = arith.constant 4 : i32
      %add3A_140 = arith.addi %add3A_127, %add3A_139 : i32
      %lt3A_141 = arith.constant 125 : i32
      %lt3A_142 = arith.cmpi slt, %add3A_140, %lt3A_141 : i32
      %convert_element_type3A_143 = arith.extui %lt3A_142 : i1 to i32
      %cond3A_144 = arith.constant 0 : i32
      %cond3A_145 = arith.cmpi ne, %convert_element_type3A_143, %cond3A_144 : i32
      scf.if %cond3A_145 {
        %add3A_218 = arith.constant 4 : i32
        %add3A_219 = arith.addi %add3A_127, %add3A_218 : i32
        %mul3A_220 = arith.constant 80 : i32
        %mul3A_221 = arith.muli %add3A_219, %mul3A_220 : i32
        %add3A_222 = arith.addi %mul3A_4, %mul3A_221 : i32
        %dma_start3A_223 = tpu.memref_slice %arg3[%add3A_222] : memref<320000xi32, #tpu.memory_space<hbm>> -> memref<80xi32, #tpu.memory_space<hbm>>
        %dma_start3A_224 = tpu.memref_slice %arg3[%add3A_222] : memref<320000xi32, #tpu.memory_space<hbm>> -> memref<80xi32, #tpu.memory_space<hbm>>
        tpu.enqueue_dma source(%dma_start3A_224 : memref<80xi32, #tpu.memory_space<hbm>>) target(%arg7 : memref<80xi32, #tpu.memory_space<vmem>>) target_semaphore(%arg19 : memref<!tpu.dma_semaphore, #tpu.memory_space<semaphore_mem>>)
        %mul3A_225 = arith.constant 80 : i32
        %mul3A_226 = arith.muli %add3A_219, %mul3A_225 : i32
        %add3A_227 = arith.addi %mul3A_4, %mul3A_226 : i32
        %dma_start3A_228 = tpu.memref_slice %arg4[%add3A_227] : memref<320000xi32, #tpu.memory_space<hbm>> -> memref<80xi32, #tpu.memory_space<hbm>>
        %dma_start3A_229 = tpu.memref_slice %arg4[%add3A_227] : memref<320000xi32, #tpu.memory_space<hbm>> -> memref<80xi32, #tpu.memory_space<hbm>>
        tpu.enqueue_dma source(%dma_start3A_229 : memref<80xi32, #tpu.memory_space<hbm>>) target(%arg11 : memref<80xi32, #tpu.memory_space<vmem>>) target_semaphore(%arg19 : memref<!tpu.dma_semaphore, #tpu.memory_space<semaphore_mem>>)
      } else {
      }
      %add3A_146 = arith.constant 1 : i32
      %add3A_147 = arith.addi %mul3A_125, %add3A_146 : i32
      %add3A_148 = arith.constant 4 : i32
      %add3A_149 = arith.addi %add3A_147, %add3A_148 : i32
      %sub3A_150 = arith.constant 1 : i32
      %sub3A_151 = arith.subi %add3A_149, %sub3A_150 : i32
      %lt3A_152 = arith.constant 125 : i32
      %lt3A_153 = arith.cmpi slt, %sub3A_151, %lt3A_152 : i32
      %convert_element_type3A_154 = arith.extui %lt3A_153 : i1 to i32
      %cond3A_155 = arith.constant 0 : i32
      %cond3A_156 = arith.cmpi ne, %convert_element_type3A_154, %cond3A_155 : i32
      scf.if %cond3A_156 {
        %dma_wait3A_218 = tpu.memref_slice %arg3[%mul3A_4] : memref<320000xi32, #tpu.memory_space<hbm>> -> memref<80xi32, #tpu.memory_space<hbm>>
        %dma_wait3A_219 = tpu.memref_slice %arg3[%mul3A_4] : memref<320000xi32, #tpu.memory_space<hbm>> -> memref<80xi32, #tpu.memory_space<hbm>>
        tpu.wait_dma2 semaphore(%arg19 : memref<!tpu.dma_semaphore, #tpu.memory_space<semaphore_mem>>) src(%dma_wait3A_219 : memref<80xi32, #tpu.memory_space<hbm>>) dst(%arg7 : memref<80xi32, #tpu.memory_space<vmem>>)
        %dma_wait3A_220 = tpu.memref_slice %arg4[%mul3A_4] : memref<320000xi32, #tpu.memory_space<hbm>> -> memref<80xi32, #tpu.memory_space<hbm>>
        %dma_wait3A_221 = tpu.memref_slice %arg4[%mul3A_4] : memref<320000xi32, #tpu.memory_space<hbm>> -> memref<80xi32, #tpu.memory_space<hbm>>
        tpu.wait_dma2 semaphore(%arg19 : memref<!tpu.dma_semaphore, #tpu.memory_space<semaphore_mem>>) src(%dma_wait3A_221 : memref<80xi32, #tpu.memory_space<hbm>>) dst(%arg11 : memref<80xi32, #tpu.memory_space<vmem>>)
        %gt3A = arith.constant 0 : i32
        %gt3A_222 = arith.cmpi sgt, %add3A_147, %gt3A : i32
        %convert_element_type3A_223 = arith.extui %gt3A_222 : i1 to i32
        %cond3A_224 = arith.constant 0 : i32
        %cond3A_225 = arith.cmpi ne, %convert_element_type3A_223, %cond3A_224 : i32
        scf.if %cond3A_225 {
          %dma_wait3A_229 = arith.constant 0 : i32
          %dma_wait3A_230 = arith.constant 0 : i32
          %dma_wait3A_231 = tpu.memref_slice %arg6[%dma_wait3A_229, %dma_wait3A_230] : memref<10240x128xf32, #tpu.memory_space<vmem_shared>> -> memref<10240x128xf32, #tpu.memory_space<vmem_shared>>
          tpu.wait_indirect_dma semaphore(%arg27 : memref<!tpu.dma_semaphore, #tpu.memory_space<semaphore_mem>>) src(%arg15 : memref<80x128xf32, #tpu.memory_space<vmem>>) dst(%dma_wait3A_231 : memref<10240x128xf32, #tpu.memory_space<vmem_shared>>)
        } else {
        }
        %dma_start3A_226 = arith.constant 0 : i32
        %dma_start3A_227 = arith.constant 0 : i32
        %dma_start3A_228 = tpu.memref_slice %arg2[%dma_start3A_226, %dma_start3A_227] : memref<10000x128xf32, #tpu.memory_space<hbm>> -> memref<10000x128xf32, #tpu.memory_space<hbm>>
        tpu.enqueue_indirect_dma source(%dma_start3A_228 : memref<10000x128xf32, #tpu.memory_space<hbm>>) target(%arg15 : memref<80x128xf32, #tpu.memory_space<vmem>>) offsets(%arg7 : memref<80xi32, #tpu.memory_space<vmem>>) semaphore(%arg23 : memref<!tpu.dma_semaphore, #tpu.memory_space<semaphore_mem>>)
      } else {
      }
      %dma_wait3A_157 = arith.constant 0 : i32
      %dma_wait3A_158 = arith.constant 0 : i32
      %dma_wait3A_159 = tpu.memref_slice %arg2[%dma_wait3A_157, %dma_wait3A_158] : memref<10000x128xf32, #tpu.memory_space<hbm>> -> memref<10000x128xf32, #tpu.memory_space<hbm>>
      tpu.wait_indirect_dma semaphore(%arg24 : memref<!tpu.dma_semaphore, #tpu.memory_space<semaphore_mem>>) src(%dma_wait3A_159 : memref<10000x128xf32, #tpu.memory_space<hbm>>) dst(%arg16 : memref<80x128xf32, #tpu.memory_space<vmem>>)
      %dma_start3A_160 = arith.constant 0 : i32
      %dma_start3A_161 = arith.constant 0 : i32
      %dma_start3A_162 = tpu.memref_slice %arg6[%dma_start3A_160, %dma_start3A_161] : memref<10240x128xf32, #tpu.memory_space<vmem_shared>> -> memref<10240x128xf32, #tpu.memory_space<vmem_shared>>
      tpu.enqueue_indirect_dma source(%arg16 : memref<80x128xf32, #tpu.memory_space<vmem>>) target(%dma_start3A_162 : memref<10240x128xf32, #tpu.memory_space<vmem_shared>>) offsets(%arg12 : memref<80xi32, #tpu.memory_space<vmem>>) semaphore(%arg28 : memref<!tpu.dma_semaphore, #tpu.memory_space<semaphore_mem>>) {add = true}
      %add3A_163 = arith.constant 4 : i32
      %add3A_164 = arith.addi %add3A_147, %add3A_163 : i32
      %lt3A_165 = arith.constant 125 : i32
      %lt3A_166 = arith.cmpi slt, %add3A_164, %lt3A_165 : i32
      %convert_element_type3A_167 = arith.extui %lt3A_166 : i1 to i32
      %cond3A_168 = arith.constant 0 : i32
      %cond3A_169 = arith.cmpi ne, %convert_element_type3A_167, %cond3A_168 : i32
      scf.if %cond3A_169 {
        %add3A_218 = arith.constant 4 : i32
        %add3A_219 = arith.addi %add3A_147, %add3A_218 : i32
        %mul3A_220 = arith.constant 80 : i32
        %mul3A_221 = arith.muli %add3A_219, %mul3A_220 : i32
        %add3A_222 = arith.addi %mul3A_4, %mul3A_221 : i32
        %dma_start3A_223 = tpu.memref_slice %arg3[%add3A_222] : memref<320000xi32, #tpu.memory_space<hbm>> -> memref<80xi32, #tpu.memory_space<hbm>>
        %dma_start3A_224 = tpu.memref_slice %arg3[%add3A_222] : memref<320000xi32, #tpu.memory_space<hbm>> -> memref<80xi32, #tpu.memory_space<hbm>>
        tpu.enqueue_dma source(%dma_start3A_224 : memref<80xi32, #tpu.memory_space<hbm>>) target(%arg8 : memref<80xi32, #tpu.memory_space<vmem>>) target_semaphore(%arg20 : memref<!tpu.dma_semaphore, #tpu.memory_space<semaphore_mem>>)
        %mul3A_225 = arith.constant 80 : i32
        %mul3A_226 = arith.muli %add3A_219, %mul3A_225 : i32
        %add3A_227 = arith.addi %mul3A_4, %mul3A_226 : i32
        %dma_start3A_228 = tpu.memref_slice %arg4[%add3A_227] : memref<320000xi32, #tpu.memory_space<hbm>> -> memref<80xi32, #tpu.memory_space<hbm>>
        %dma_start3A_229 = tpu.memref_slice %arg4[%add3A_227] : memref<320000xi32, #tpu.memory_space<hbm>> -> memref<80xi32, #tpu.memory_space<hbm>>
        tpu.enqueue_dma source(%dma_start3A_229 : memref<80xi32, #tpu.memory_space<hbm>>) target(%arg12 : memref<80xi32, #tpu.memory_space<vmem>>) target_semaphore(%arg20 : memref<!tpu.dma_semaphore, #tpu.memory_space<semaphore_mem>>)
      } else {
      }
      %add3A_170 = arith.constant 2 : i32
      %add3A_171 = arith.addi %mul3A_125, %add3A_170 : i32
      %add3A_172 = arith.constant 4 : i32
      %add3A_173 = arith.addi %add3A_171, %add3A_172 : i32
      %sub3A_174 = arith.constant 1 : i32
      %sub3A_175 = arith.subi %add3A_173, %sub3A_174 : i32
      %lt3A_176 = arith.constant 125 : i32
      %lt3A_177 = arith.cmpi slt, %sub3A_175, %lt3A_176 : i32
      %convert_element_type3A_178 = arith.extui %lt3A_177 : i1 to i32
      %cond3A_179 = arith.constant 0 : i32
      %cond3A_180 = arith.cmpi ne, %convert_element_type3A_178, %cond3A_179 : i32
      scf.if %cond3A_180 {
        %dma_wait3A_218 = tpu.memref_slice %arg3[%mul3A_4] : memref<320000xi32, #tpu.memory_space<hbm>> -> memref<80xi32, #tpu.memory_space<hbm>>
        %dma_wait3A_219 = tpu.memref_slice %arg3[%mul3A_4] : memref<320000xi32, #tpu.memory_space<hbm>> -> memref<80xi32, #tpu.memory_space<hbm>>
        tpu.wait_dma2 semaphore(%arg20 : memref<!tpu.dma_semaphore, #tpu.memory_space<semaphore_mem>>) src(%dma_wait3A_219 : memref<80xi32, #tpu.memory_space<hbm>>) dst(%arg8 : memref<80xi32, #tpu.memory_space<vmem>>)
        %dma_wait3A_220 = tpu.memref_slice %arg4[%mul3A_4] : memref<320000xi32, #tpu.memory_space<hbm>> -> memref<80xi32, #tpu.memory_space<hbm>>
        %dma_wait3A_221 = tpu.memref_slice %arg4[%mul3A_4] : memref<320000xi32, #tpu.memory_space<hbm>> -> memref<80xi32, #tpu.memory_space<hbm>>
        tpu.wait_dma2 semaphore(%arg20 : memref<!tpu.dma_semaphore, #tpu.memory_space<semaphore_mem>>) src(%dma_wait3A_221 : memref<80xi32, #tpu.memory_space<hbm>>) dst(%arg12 : memref<80xi32, #tpu.memory_space<vmem>>)
        %gt3A = arith.constant 0 : i32
        %gt3A_222 = arith.cmpi sgt, %add3A_171, %gt3A : i32
        %convert_element_type3A_223 = arith.extui %gt3A_222 : i1 to i32
        %cond3A_224 = arith.constant 0 : i32
        %cond3A_225 = arith.cmpi ne, %convert_element_type3A_223, %cond3A_224 : i32
        scf.if %cond3A_225 {
          %dma_wait3A_229 = arith.constant 0 : i32
          %dma_wait3A_230 = arith.constant 0 : i32
          %dma_wait3A_231 = tpu.memref_slice %arg6[%dma_wait3A_229, %dma_wait3A_230] : memref<10240x128xf32, #tpu.memory_space<vmem_shared>> -> memref<10240x128xf32, #tpu.memory_space<vmem_shared>>
          tpu.wait_indirect_dma semaphore(%arg28 : memref<!tpu.dma_semaphore, #tpu.memory_space<semaphore_mem>>) src(%arg16 : memref<80x128xf32, #tpu.memory_space<vmem>>) dst(%dma_wait3A_231 : memref<10240x128xf32, #tpu.memory_space<vmem_shared>>)
        } else {
        }
        %dma_start3A_226 = arith.constant 0 : i32
        %dma_start3A_227 = arith.constant 0 : i32
        %dma_start3A_228 = tpu.memref_slice %arg2[%dma_start3A_226, %dma_start3A_227] : memref<10000x128xf32, #tpu.memory_space<hbm>> -> memref<10000x128xf32, #tpu.memory_space<hbm>>
        tpu.enqueue_indirect_dma source(%dma_start3A_228 : memref<10000x128xf32, #tpu.memory_space<hbm>>) target(%arg16 : memref<80x128xf32, #tpu.memory_space<vmem>>) offsets(%arg8 : memref<80xi32, #tpu.memory_space<vmem>>) semaphore(%arg24 : memref<!tpu.dma_semaphore, #tpu.memory_space<semaphore_mem>>)
      } else {
      }
      %dma_wait3A_181 = arith.constant 0 : i32
      %dma_wait3A_182 = arith.constant 0 : i32
      %dma_wait3A_183 = tpu.memref_slice %arg2[%dma_wait3A_181, %dma_wait3A_182] : memref<10000x128xf32, #tpu.memory_space<hbm>> -> memref<10000x128xf32, #tpu.memory_space<hbm>>
      tpu.wait_indirect_dma semaphore(%arg25 : memref<!tpu.dma_semaphore, #tpu.memory_space<semaphore_mem>>) src(%dma_wait3A_183 : memref<10000x128xf32, #tpu.memory_space<hbm>>) dst(%arg17 : memref<80x128xf32, #tpu.memory_space<vmem>>)
      %dma_start3A_184 = arith.constant 0 : i32
      %dma_start3A_185 = arith.constant 0 : i32
      %dma_start3A_186 = tpu.memref_slice %arg6[%dma_start3A_184, %dma_start3A_185] : memref<10240x128xf32, #tpu.memory_space<vmem_shared>> -> memref<10240x128xf32, #tpu.memory_space<vmem_shared>>
      tpu.enqueue_indirect_dma source(%arg17 : memref<80x128xf32, #tpu.memory_space<vmem>>) target(%dma_start3A_186 : memref<10240x128xf32, #tpu.memory_space<vmem_shared>>) offsets(%arg13 : memref<80xi32, #tpu.memory_space<vmem>>) semaphore(%arg29 : memref<!tpu.dma_semaphore, #tpu.memory_space<semaphore_mem>>) {add = true}
      %add3A_187 = arith.constant 4 : i32
      %add3A_188 = arith.addi %add3A_171, %add3A_187 : i32
      %lt3A_189 = arith.constant 125 : i32
      %lt3A_190 = arith.cmpi slt, %add3A_188, %lt3A_189 : i32
      %convert_element_type3A_191 = arith.extui %lt3A_190 : i1 to i32
      %cond3A_192 = arith.constant 0 : i32
      %cond3A_193 = arith.cmpi ne, %convert_element_type3A_191, %cond3A_192 : i32
      scf.if %cond3A_193 {
        %add3A_218 = arith.constant 4 : i32
        %add3A_219 = arith.addi %add3A_171, %add3A_218 : i32
        %mul3A_220 = arith.constant 80 : i32
        %mul3A_221 = arith.muli %add3A_219, %mul3A_220 : i32
        %add3A_222 = arith.addi %mul3A_4, %mul3A_221 : i32
        %dma_start3A_223 = tpu.memref_slice %arg3[%add3A_222] : memref<320000xi32, #tpu.memory_space<hbm>> -> memref<80xi32, #tpu.memory_space<hbm>>
        %dma_start3A_224 = tpu.memref_slice %arg3[%add3A_222] : memref<320000xi32, #tpu.memory_space<hbm>> -> memref<80xi32, #tpu.memory_space<hbm>>
        tpu.enqueue_dma source(%dma_start3A_224 : memref<80xi32, #tpu.memory_space<hbm>>) target(%arg9 : memref<80xi32, #tpu.memory_space<vmem>>) target_semaphore(%arg21 : memref<!tpu.dma_semaphore, #tpu.memory_space<semaphore_mem>>)
        %mul3A_225 = arith.constant 80 : i32
        %mul3A_226 = arith.muli %add3A_219, %mul3A_225 : i32
        %add3A_227 = arith.addi %mul3A_4, %mul3A_226 : i32
        %dma_start3A_228 = tpu.memref_slice %arg4[%add3A_227] : memref<320000xi32, #tpu.memory_space<hbm>> -> memref<80xi32, #tpu.memory_space<hbm>>
        %dma_start3A_229 = tpu.memref_slice %arg4[%add3A_227] : memref<320000xi32, #tpu.memory_space<hbm>> -> memref<80xi32, #tpu.memory_space<hbm>>
        tpu.enqueue_dma source(%dma_start3A_229 : memref<80xi32, #tpu.memory_space<hbm>>) target(%arg13 : memref<80xi32, #tpu.memory_space<vmem>>) target_semaphore(%arg21 : memref<!tpu.dma_semaphore, #tpu.memory_space<semaphore_mem>>)
      } else {
      }
      %add3A_194 = arith.constant 3 : i32
      %add3A_195 = arith.addi %mul3A_125, %add3A_194 : i32
      %add3A_196 = arith.constant 4 : i32
      %add3A_197 = arith.addi %add3A_195, %add3A_196 : i32
      %sub3A_198 = arith.constant 1 : i32
      %sub3A_199 = arith.subi %add3A_197, %sub3A_198 : i32
      %lt3A_200 = arith.constant 125 : i32
      %lt3A_201 = arith.cmpi slt, %sub3A_199, %lt3A_200 : i32
      %convert_element_type3A_202 = arith.extui %lt3A_201 : i1 to i32
      %cond3A_203 = arith.constant 0 : i32
      %cond3A_204 = arith.cmpi ne, %convert_element_type3A_202, %cond3A_203 : i32
      scf.if %cond3A_204 {
        %dma_wait3A_218 = tpu.memref_slice %arg3[%mul3A_4] : memref<320000xi32, #tpu.memory_space<hbm>> -> memref<80xi32, #tpu.memory_space<hbm>>
        %dma_wait3A_219 = tpu.memref_slice %arg3[%mul3A_4] : memref<320000xi32, #tpu.memory_space<hbm>> -> memref<80xi32, #tpu.memory_space<hbm>>
        tpu.wait_dma2 semaphore(%arg21 : memref<!tpu.dma_semaphore, #tpu.memory_space<semaphore_mem>>) src(%dma_wait3A_219 : memref<80xi32, #tpu.memory_space<hbm>>) dst(%arg9 : memref<80xi32, #tpu.memory_space<vmem>>)
        %dma_wait3A_220 = tpu.memref_slice %arg4[%mul3A_4] : memref<320000xi32, #tpu.memory_space<hbm>> -> memref<80xi32, #tpu.memory_space<hbm>>
        %dma_wait3A_221 = tpu.memref_slice %arg4[%mul3A_4] : memref<320000xi32, #tpu.memory_space<hbm>> -> memref<80xi32, #tpu.memory_space<hbm>>
        tpu.wait_dma2 semaphore(%arg21 : memref<!tpu.dma_semaphore, #tpu.memory_space<semaphore_mem>>) src(%dma_wait3A_221 : memref<80xi32, #tpu.memory_space<hbm>>) dst(%arg13 : memref<80xi32, #tpu.memory_space<vmem>>)
        %gt3A = arith.constant 0 : i32
        %gt3A_222 = arith.cmpi sgt, %add3A_195, %gt3A : i32
        %convert_element_type3A_223 = arith.extui %gt3A_222 : i1 to i32
        %cond3A_224 = arith.constant 0 : i32
        %cond3A_225 = arith.cmpi ne, %convert_element_type3A_223, %cond3A_224 : i32
        scf.if %cond3A_225 {
          %dma_wait3A_229 = arith.constant 0 : i32
          %dma_wait3A_230 = arith.constant 0 : i32
          %dma_wait3A_231 = tpu.memref_slice %arg6[%dma_wait3A_229, %dma_wait3A_230] : memref<10240x128xf32, #tpu.memory_space<vmem_shared>> -> memref<10240x128xf32, #tpu.memory_space<vmem_shared>>
          tpu.wait_indirect_dma semaphore(%arg29 : memref<!tpu.dma_semaphore, #tpu.memory_space<semaphore_mem>>) src(%arg17 : memref<80x128xf32, #tpu.memory_space<vmem>>) dst(%dma_wait3A_231 : memref<10240x128xf32, #tpu.memory_space<vmem_shared>>)
        } else {
        }
        %dma_start3A_226 = arith.constant 0 : i32
        %dma_start3A_227 = arith.constant 0 : i32
        %dma_start3A_228 = tpu.memref_slice %arg2[%dma_start3A_226, %dma_start3A_227] : memref<10000x128xf32, #tpu.memory_space<hbm>> -> memref<10000x128xf32, #tpu.memory_space<hbm>>
        tpu.enqueue_indirect_dma source(%dma_start3A_228 : memref<10000x128xf32, #tpu.memory_space<hbm>>) target(%arg17 : memref<80x128xf32, #tpu.memory_space<vmem>>) offsets(%arg9 : memref<80xi32, #tpu.memory_space<vmem>>) semaphore(%arg25 : memref<!tpu.dma_semaphore, #tpu.memory_space<semaphore_mem>>)
      } else {
      }
      %dma_wait3A_205 = arith.constant 0 : i32
      %dma_wait3A_206 = arith.constant 0 : i32
      %dma_wait3A_207 = tpu.memref_slice %arg2[%dma_wait3A_205, %dma_wait3A_206] : memref<10000x128xf32, #tpu.memory_space<hbm>> -> memref<10000x128xf32, #tpu.memory_space<hbm>>
      tpu.wait_indirect_dma semaphore(%arg26 : memref<!tpu.dma_semaphore, #tpu.memory_space<semaphore_mem>>) src(%dma_wait3A_207 : memref<10000x128xf32, #tpu.memory_space<hbm>>) dst(%arg18 : memref<80x128xf32, #tpu.memory_space<vmem>>)
      %dma_start3A_208 = arith.constant 0 : i32
      %dma_start3A_209 = arith.constant 0 : i32
      %dma_start3A_210 = tpu.memref_slice %arg6[%dma_start3A_208, %dma_start3A_209] : memref<10240x128xf32, #tpu.memory_space<vmem_shared>> -> memref<10240x128xf32, #tpu.memory_space<vmem_shared>>
      tpu.enqueue_indirect_dma source(%arg18 : memref<80x128xf32, #tpu.memory_space<vmem>>) target(%dma_start3A_210 : memref<10240x128xf32, #tpu.memory_space<vmem_shared>>) offsets(%arg14 : memref<80xi32, #tpu.memory_space<vmem>>) semaphore(%arg30 : memref<!tpu.dma_semaphore, #tpu.memory_space<semaphore_mem>>) {add = true}
      %add3A_211 = arith.constant 4 : i32
      %add3A_212 = arith.addi %add3A_195, %add3A_211 : i32
      %lt3A_213 = arith.constant 125 : i32
      %lt3A_214 = arith.cmpi slt, %add3A_212, %lt3A_213 : i32
      %convert_element_type3A_215 = arith.extui %lt3A_214 : i1 to i32
      %cond3A_216 = arith.constant 0 : i32
      %cond3A_217 = arith.cmpi ne, %convert_element_type3A_215, %cond3A_216 : i32
      scf.if %cond3A_217 {
        %add3A_218 = arith.constant 4 : i32
        %add3A_219 = arith.addi %add3A_195, %add3A_218 : i32
        %mul3A_220 = arith.constant 80 : i32
        %mul3A_221 = arith.muli %add3A_219, %mul3A_220 : i32
        %add3A_222 = arith.addi %mul3A_4, %mul3A_221 : i32
        %dma_start3A_223 = tpu.memref_slice %arg3[%add3A_222] : memref<320000xi32, #tpu.memory_space<hbm>> -> memref<80xi32, #tpu.memory_space<hbm>>
        %dma_start3A_224 = tpu.memref_slice %arg3[%add3A_222] : memref<320000xi32, #tpu.memory_space<hbm>> -> memref<80xi32, #tpu.memory_space<hbm>>
        tpu.enqueue_dma source(%dma_start3A_224 : memref<80xi32, #tpu.memory_space<hbm>>) target(%arg10 : memref<80xi32, #tpu.memory_space<vmem>>) target_semaphore(%arg22 : memref<!tpu.dma_semaphore, #tpu.memory_space<semaphore_mem>>)
        %mul3A_225 = arith.constant 80 : i32
        %mul3A_226 = arith.muli %add3A_219, %mul3A_225 : i32
        %add3A_227 = arith.addi %mul3A_4, %mul3A_226 : i32
        %dma_start3A_228 = tpu.memref_slice %arg4[%add3A_227] : memref<320000xi32, #tpu.memory_space<hbm>> -> memref<80xi32, #tpu.memory_space<hbm>>
        %dma_start3A_229 = tpu.memref_slice %arg4[%add3A_227] : memref<320000xi32, #tpu.memory_space<hbm>> -> memref<80xi32, #tpu.memory_space<hbm>>
        tpu.enqueue_dma source(%dma_start3A_229 : memref<80xi32, #tpu.memory_space<hbm>>) target(%arg14 : memref<80xi32, #tpu.memory_space<vmem>>) target_semaphore(%arg22 : memref<!tpu.dma_semaphore, #tpu.memory_space<semaphore_mem>>)
      } else {
      }
    }
    %scan3A_98 = arith.constant 31 : i32
    %dma_wait3A_99 = arith.constant 0 : i32
    %dma_wait3A_100 = arith.constant 0 : i32
    %dma_wait3A_101 = tpu.memref_slice %arg2[%dma_wait3A_99, %dma_wait3A_100] : memref<10000x128xf32, #tpu.memory_space<hbm>> -> memref<10000x128xf32, #tpu.memory_space<hbm>>
    tpu.wait_indirect_dma semaphore(%arg23 : memref<!tpu.dma_semaphore, #tpu.memory_space<semaphore_mem>>) src(%dma_wait3A_101 : memref<10000x128xf32, #tpu.memory_space<hbm>>) dst(%arg15 : memref<80x128xf32, #tpu.memory_space<vmem>>)
    %dma_start3A_102 = arith.constant 0 : i32
    %dma_start3A_103 = arith.constant 0 : i32
    %dma_start3A_104 = tpu.memref_slice %arg6[%dma_start3A_102, %dma_start3A_103] : memref<10240x128xf32, #tpu.memory_space<vmem_shared>> -> memref<10240x128xf32, #tpu.memory_space<vmem_shared>>
    tpu.enqueue_indirect_dma source(%arg15 : memref<80x128xf32, #tpu.memory_space<vmem>>) target(%dma_start3A_104 : memref<10240x128xf32, #tpu.memory_space<vmem_shared>>) offsets(%arg11 : memref<80xi32, #tpu.memory_space<vmem>>) semaphore(%arg27 : memref<!tpu.dma_semaphore, #tpu.memory_space<semaphore_mem>>) {add = true}
    %dma_wait3A_105 = arith.constant 0 : i32
    %dma_wait3A_106 = arith.constant 0 : i32
    %dma_wait3A_107 = tpu.memref_slice %arg6[%dma_wait3A_105, %dma_wait3A_106] : memref<10240x128xf32, #tpu.memory_space<vmem_shared>> -> memref<10240x128xf32, #tpu.memory_space<vmem_shared>>
    tpu.wait_indirect_dma semaphore(%arg27 : memref<!tpu.dma_semaphore, #tpu.memory_space<semaphore_mem>>) src(%arg15 : memref<80x128xf32, #tpu.memory_space<vmem>>) dst(%dma_wait3A_107 : memref<10240x128xf32, #tpu.memory_space<vmem_shared>>)
    %dma_wait3A_108 = arith.constant 0 : i32
    %dma_wait3A_109 = arith.constant 0 : i32
    %dma_wait3A_110 = tpu.memref_slice %arg6[%dma_wait3A_108, %dma_wait3A_109] : memref<10240x128xf32, #tpu.memory_space<vmem_shared>> -> memref<10240x128xf32, #tpu.memory_space<vmem_shared>>
    tpu.wait_indirect_dma semaphore(%arg28 : memref<!tpu.dma_semaphore, #tpu.memory_space<semaphore_mem>>) src(%arg16 : memref<80x128xf32, #tpu.memory_space<vmem>>) dst(%dma_wait3A_110 : memref<10240x128xf32, #tpu.memory_space<vmem_shared>>)
    %dma_wait3A_111 = arith.constant 0 : i32
    %dma_wait3A_112 = arith.constant 0 : i32
    %dma_wait3A_113 = tpu.memref_slice %arg6[%dma_wait3A_111, %dma_wait3A_112] : memref<10240x128xf32, #tpu.memory_space<vmem_shared>> -> memref<10240x128xf32, #tpu.memory_space<vmem_shared>>
    tpu.wait_indirect_dma semaphore(%arg29 : memref<!tpu.dma_semaphore, #tpu.memory_space<semaphore_mem>>) src(%arg17 : memref<80x128xf32, #tpu.memory_space<vmem>>) dst(%dma_wait3A_113 : memref<10240x128xf32, #tpu.memory_space<vmem_shared>>)
    %dma_wait3A_114 = arith.constant 0 : i32
    %dma_wait3A_115 = arith.constant 0 : i32
    %dma_wait3A_116 = tpu.memref_slice %arg6[%dma_wait3A_114, %dma_wait3A_115] : memref<10240x128xf32, #tpu.memory_space<vmem_shared>> -> memref<10240x128xf32, #tpu.memory_space<vmem_shared>>
    tpu.wait_indirect_dma semaphore(%arg30 : memref<!tpu.dma_semaphore, #tpu.memory_space<semaphore_mem>>) src(%arg18 : memref<80x128xf32, #tpu.memory_space<vmem>>) dst(%dma_wait3A_116 : memref<10240x128xf32, #tpu.memory_space<vmem_shared>>)
    %barrier3A_117 = arith.constant 0 : index
    tpu.barrier barrier_id(%barrier3A_117)
    %mul3A_118 = arith.constant 640 : i32
    %mul3A_119 = arith.muli %arg1, %mul3A_118 : i32
    %mul3A_120 = arith.constant 10240 : i32
    %mul3A_121 = arith.muli %arg0, %mul3A_120 : i32
    %add3A_122 = arith.addi %mul3A_121, %mul3A_119 : i32
    "tpu.region"() ({
      %run_scoped3A = tpu.sem_alloc : memref<!tpu.dma_semaphore, #tpu.memory_space<semaphore_mem>>
      %dma_start3A_123 = arith.constant 0 : i32
      %dma_start3A_124 = tpu.memref_slice %arg5[%add3A_122, %dma_start3A_123] : memref<20480x128xf32, #tpu.memory_space<hbm>> -> memref<640x128xf32, #tpu.memory_space<hbm>>
      %dma_start3A_125 = arith.constant 0 : i32
      %dma_start3A_126 = tpu.memref_slice %arg6[%mul3A_119, %dma_start3A_125] : memref<10240x128xf32, #tpu.memory_space<vmem_shared>> -> memref<640x128xf32, #tpu.memory_space<vmem_shared>>
      tpu.enqueue_dma source(%dma_start3A_126 : memref<640x128xf32, #tpu.memory_space<vmem_shared>>) target(%dma_start3A_124 : memref<640x128xf32, #tpu.memory_space<hbm>>) target_semaphore(%run_scoped3A : memref<!tpu.dma_semaphore, #tpu.memory_space<semaphore_mem>>)
      %dma_wait3A_127 = arith.constant 0 : i32
      %dma_wait3A_128 = tpu.memref_slice %arg5[%add3A_122, %dma_wait3A_127] : memref<20480x128xf32, #tpu.memory_space<hbm>> -> memref<640x128xf32, #tpu.memory_space<hbm>>
      %dma_wait3A_129 = arith.constant 0 : i32
      %dma_wait3A_130 = tpu.memref_slice %arg6[%mul3A_119, %dma_wait3A_129] : memref<10240x128xf32, #tpu.memory_space<vmem_shared>> -> memref<640x128xf32, #tpu.memory_space<vmem_shared>>
      tpu.wait_dma2 semaphore(%run_scoped3A : memref<!tpu.dma_semaphore, #tpu.memory_space<semaphore_mem>>) src(%dma_wait3A_130 : memref<640x128xf32, #tpu.memory_space<vmem_shared>>) dst(%dma_wait3A_128 : memref<640x128xf32, #tpu.memory_space<hbm>>)
      tpu.yield
    }) : () -> ()
    return
  }
}

#map = affine_map<(d0, d1) -> (0, 0)>
#map1 = affine_map<(d0, d1) -> (0)>
module attributes {stable_mosaic.version = 14 : i64} {
  func.func @_seg_sum_body(%arg0: i32, %arg1: i32, %arg2: memref<10000x128xf32, #tpu.memory_space<hbm>>, %arg3: memref<320000xi32, #tpu.memory_space<hbm>>, %arg4: memref<320000xi32, #tpu.memory_space<hbm>>, %arg5: memref<20480x128xf32, #tpu.memory_space<hbm>>, %arg6: memref<10240x128xf32, #tpu.memory_space<vmem_shared>>, %arg7: memref<80xi32, #tpu.memory_space<vmem>>, %arg8: memref<80xi32, #tpu.memory_space<vmem>>, %arg9: memref<80xi32, #tpu.memory_space<vmem>>, %arg10: memref<80xi32, #tpu.memory_space<vmem>>, %arg11: memref<80xi32, #tpu.memory_space<vmem>>, %arg12: memref<80xi32, #tpu.memory_space<vmem>>, %arg13: memref<80xi32, #tpu.memory_space<vmem>>, %arg14: memref<80xi32, #tpu.memory_space<vmem>>, %arg15: memref<80x128xf32, #tpu.memory_space<vmem>>, %arg16: memref<80x128xf32, #tpu.memory_space<vmem>>, %arg17: memref<80x128xf32, #tpu.memory_space<vmem>>, %arg18: memref<80x128xf32, #tpu.memory_space<vmem>>, %arg19: memref<!tpu.dma_semaphore, #tpu.memory_space<semaphore_mem>>, %arg20: memref<!tpu.dma_semaphore, #tpu.memory_space<semaphore_mem>>, %arg21: memref<!tpu.dma_semaphore, #tpu.memory_space<semaphore_mem>>, %arg22: memref<!tpu.dma_semaphore, #tpu.memory_space<semaphore_mem>>, %arg23: memref<!tpu.dma_semaphore, #tpu.memory_space<semaphore_mem>>, %arg24: memref<!tpu.dma_semaphore, #tpu.memory_space<semaphore_mem>>, %arg25: memref<!tpu.dma_semaphore, #tpu.memory_space<semaphore_mem>>, %arg26: memref<!tpu.dma_semaphore, #tpu.memory_space<semaphore_mem>>, %arg27: memref<!tpu.dma_semaphore, #tpu.memory_space<semaphore_mem>>, %arg28: memref<!tpu.dma_semaphore, #tpu.memory_space<semaphore_mem>>, %arg29: memref<!tpu.dma_semaphore, #tpu.memory_space<semaphore_mem>>, %arg30: memref<!tpu.dma_semaphore, #tpu.memory_space<semaphore_mem>>) attributes {dimension_semantics = [#tpu.dimension_semantics<core_parallel>, #tpu.dimension_semantics<subcore_parallel>], iteration_bounds = array<i64: 2, 16>, scalar_prefetch = 0 : i64, scratch_operands = 25 : i64, tpu.core_type = #tpu.core_type<sc_vector_subcore>, window_params = [{transform_indices = #map}, {transform_indices = #map1}, {transform_indices = #map1}, {transform_indices = #map}]} {
    %mul3A = arith.constant 2 : i32
    %mul3A_0 = arith.muli %arg1, %mul3A : i32
    %add3A = arith.addi %mul3A_0, %arg0 : i32
    %mul3A_1 = arith.constant 125 : i32
    %mul3A_2 = arith.muli %add3A, %mul3A_1 : i32
    %mul3A_3 = arith.constant 80 : i32
    %mul3A_4 = arith.muli %mul3A_2, %mul3A_3 : i32
    %add3A_5 = arith.constant 0 : i32
    %add3A_6 = arith.addi %mul3A_4, %add3A_5 : i32
    %dma_start3A = tpu.memref_slice %arg3[%add3A_6] : memref<320000xi32, #tpu.memory_space<hbm>> -> memref<80xi32, #tpu.memory_space<hbm>>
    %dma_start3A_7 = tpu.memref_slice %arg3[%add3A_6] : memref<320000xi32, #tpu.memory_space<hbm>> -> memref<80xi32, #tpu.memory_space<hbm>>
    tpu.enqueue_dma source(%dma_start3A_7 : memref<80xi32, #tpu.memory_space<hbm>>) target(%arg7 : memref<80xi32, #tpu.memory_space<vmem>>) target_semaphore(%arg19 : memref<!tpu.dma_semaphore, #tpu.memory_space<semaphore_mem>>)
    %add3A_8 = arith.constant 0 : i32
    %add3A_9 = arith.addi %mul3A_4, %add3A_8 : i32
    %dma_start3A_10 = tpu.memref_slice %arg4[%add3A_9] : memref<320000xi32, #tpu.memory_space<hbm>> -> memref<80xi32, #tpu.memory_space<hbm>>
    %dma_start3A_11 = tpu.memref_slice %arg4[%add3A_9] : memref<320000xi32, #tpu.memory_space<hbm>> -> memref<80xi32, #tpu.memory_space<hbm>>
    tpu.enqueue_dma source(%dma_start3A_11 : memref<80xi32, #tpu.memory_space<hbm>>) target(%arg11 : memref<80xi32, #tpu.memory_space<vmem>>) target_semaphore(%arg19 : memref<!tpu.dma_semaphore, #tpu.memory_space<semaphore_mem>>)
    %add3A_12 = arith.constant 80 : i32
    %add3A_13 = arith.addi %mul3A_4, %add3A_12 : i32
    %dma_start3A_14 = tpu.memref_slice %arg3[%add3A_13] : memref<320000xi32, #tpu.memory_space<hbm>> -> memref<80xi32, #tpu.memory_space<hbm>>
    %dma_start3A_15 = tpu.memref_slice %arg3[%add3A_13] : memref<320000xi32, #tpu.memory_space<hbm>> -> memref<80xi32, #tpu.memory_space<hbm>>
    tpu.enqueue_dma source(%dma_start3A_15 : memref<80xi32, #tpu.memory_space<hbm>>) target(%arg8 : memref<80xi32, #tpu.memory_space<vmem>>) target_semaphore(%arg20 : memref<!tpu.dma_semaphore, #tpu.memory_space<semaphore_mem>>)
    %add3A_16 = arith.constant 80 : i32
    %add3A_17 = arith.addi %mul3A_4, %add3A_16 : i32
    %dma_start3A_18 = tpu.memref_slice %arg4[%add3A_17] : memref<320000xi32, #tpu.memory_space<hbm>> -> memref<80xi32, #tpu.memory_space<hbm>>
    %dma_start3A_19 = tpu.memref_slice %arg4[%add3A_17] : memref<320000xi32, #tpu.memory_space<hbm>> -> memref<80xi32, #tpu.memory_space<hbm>>
    tpu.enqueue_dma source(%dma_start3A_19 : memref<80xi32, #tpu.memory_space<hbm>>) target(%arg12 : memref<80xi32, #tpu.memory_space<vmem>>) target_semaphore(%arg20 : memref<!tpu.dma_semaphore, #tpu.memory_space<semaphore_mem>>)
    %add3A_20 = arith.constant 160 : i32
    %add3A_21 = arith.addi %mul3A_4, %add3A_20 : i32
    %dma_start3A_22 = tpu.memref_slice %arg3[%add3A_21] : memref<320000xi32, #tpu.memory_space<hbm>> -> memref<80xi32, #tpu.memory_space<hbm>>
    %dma_start3A_23 = tpu.memref_slice %arg3[%add3A_21] : memref<320000xi32, #tpu.memory_space<hbm>> -> memref<80xi32, #tpu.memory_space<hbm>>
    tpu.enqueue_dma source(%dma_start3A_23 : memref<80xi32, #tpu.memory_space<hbm>>) target(%arg9 : memref<80xi32, #tpu.memory_space<vmem>>) target_semaphore(%arg21 : memref<!tpu.dma_semaphore, #tpu.memory_space<semaphore_mem>>)
    %add3A_24 = arith.constant 160 : i32
    %add3A_25 = arith.addi %mul3A_4, %add3A_24 : i32
    %dma_start3A_26 = tpu.memref_slice %arg4[%add3A_25] : memref<320000xi32, #tpu.memory_space<hbm>> -> memref<80xi32, #tpu.memory_space<hbm>>
    %dma_start3A_27 = tpu.memref_slice %arg4[%add3A_25] : memref<320000xi32, #tpu.memory_space<hbm>> -> memref<80xi32, #tpu.memory_space<hbm>>
    tpu.enqueue_dma source(%dma_start3A_27 : memref<80xi32, #tpu.memory_space<hbm>>) target(%arg13 : memref<80xi32, #tpu.memory_space<vmem>>) target_semaphore(%arg21 : memref<!tpu.dma_semaphore, #tpu.memory_space<semaphore_mem>>)
    %scan3A = arith.constant 0 : i32
    %scan3A_28 = arith.constant 0 : i32
    %scan3A_29 = arith.constant 80 : i32
    %scan3A_30 = arith.addi %scan3A_28, %scan3A_29 : i32
    %scan3A_31 = arith.constant 1 : i32
    scf.for %scan3A_123 = %scan3A_28 to %scan3A_30 step %scan3A_31  : i32 {
      %broadcast_in_dim3A = arith.constant 0.000000e+00 : f32
      %broadcast_in_dim3A_124 = vector.broadcast %broadcast_in_dim3A : f32 to vector<16xf32>
      %swap3A = arith.index_cast %scan3A_123 : i32 to index
      %swap3A_125 = arith.constant 0 : index
      %swap3A_126 = tpu.vector_load %arg18[%swap3A, %swap3A_125] {strides = array<i32>} : memref<80x128xf32, #tpu.memory_space<vmem>>, vector<1x16xf32>,
      %swap3A_127 = vector.shape_cast %swap3A_126 : vector<1x16xf32> to vector<16xf32>
      %swap3A_128 = vector.shape_cast %broadcast_in_dim3A_124 : vector<16xf32> to vector<1x16xf32>
      tpu.vector_store %arg18[%swap3A, %swap3A_125], %swap3A_128 {strides = array<i32>} : memref<80x128xf32, #tpu.memory_space<vmem>>, vector<1x16xf32>,
      %broadcast_in_dim3A_129 = arith.constant 0.000000e+00 : f32
      %broadcast_in_dim3A_130 = vector.broadcast %broadcast_in_dim3A_129 : f32 to vector<16xf32>
      %swap3A_131 = arith.index_cast %scan3A_123 : i32 to index
      %swap3A_132 = arith.constant 16 : index
      %swap3A_133 = tpu.vector_load %arg18[%swap3A_131, %swap3A_132] {strides = array<i32>} : memref<80x128xf32, #tpu.memory_space<vmem>>, vector<1x16xf32>,
      %swap3A_134 = vector.shape_cast %swap3A_133 : vector<1x16xf32> to vector<16xf32>
      %swap3A_135 = vector.shape_cast %broadcast_in_dim3A_130 : vector<16xf32> to vector<1x16xf32>
      tpu.vector_store %arg18[%swap3A_131, %swap3A_132], %swap3A_135 {strides = array<i32>} : memref<80x128xf32, #tpu.memory_space<vmem>>, vector<1x16xf32>,
      %broadcast_in_dim3A_136 = arith.constant 0.000000e+00 : f32
      %broadcast_in_dim3A_137 = vector.broadcast %broadcast_in_dim3A_136 : f32 to vector<16xf32>
      %swap3A_138 = arith.index_cast %scan3A_123 : i32 to index
      %swap3A_139 = arith.constant 32 : index
      %swap3A_140 = tpu.vector_load %arg18[%swap3A_138, %swap3A_139] {strides = array<i32>} : memref<80x128xf32, #tpu.memory_space<vmem>>, vector<1x16xf32>,
      %swap3A_141 = vector.shape_cast %swap3A_140 : vector<1x16xf32> to vector<16xf32>
      %swap3A_142 = vector.shape_cast %broadcast_in_dim3A_137 : vector<16xf32> to vector<1x16xf32>
      tpu.vector_store %arg18[%swap3A_138, %swap3A_139], %swap3A_142 {strides = array<i32>} : memref<80x128xf32, #tpu.memory_space<vmem>>, vector<1x16xf32>,
      %broadcast_in_dim3A_143 = arith.constant 0.000000e+00 : f32
      %broadcast_in_dim3A_144 = vector.broadcast %broadcast_in_dim3A_143 : f32 to vector<16xf32>
      %swap3A_145 = arith.index_cast %scan3A_123 : i32 to index
      %swap3A_146 = arith.constant 48 : index
      %swap3A_147 = tpu.vector_load %arg18[%swap3A_145, %swap3A_146] {strides = array<i32>} : memref<80x128xf32, #tpu.memory_space<vmem>>, vector<1x16xf32>,
      %swap3A_148 = vector.shape_cast %swap3A_147 : vector<1x16xf32> to vector<16xf32>
      %swap3A_149 = vector.shape_cast %broadcast_in_dim3A_144 : vector<16xf32> to vector<1x16xf32>
      tpu.vector_store %arg18[%swap3A_145, %swap3A_146], %swap3A_149 {strides = array<i32>} : memref<80x128xf32, #tpu.memory_space<vmem>>, vector<1x16xf32>,
      %broadcast_in_dim3A_150 = arith.constant 0.000000e+00 : f32
      %broadcast_in_dim3A_151 = vector.broadcast %broadcast_in_dim3A_150 : f32 to vector<16xf32>
      %swap3A_152 = arith.index_cast %scan3A_123 : i32 to index
      %swap3A_153 = arith.constant 64 : index
      %swap3A_154 = tpu.vector_load %arg18[%swap3A_152, %swap3A_153] {strides = array<i32>} : memref<80x128xf32, #tpu.memory_space<vmem>>, vector<1x16xf32>,
      %swap3A_155 = vector.shape_cast %swap3A_154 : vector<1x16xf32> to vector<16xf32>
      %swap3A_156 = vector.shape_cast %broadcast_in_dim3A_151 : vector<16xf32> to vector<1x16xf32>
      tpu.vector_store %arg18[%swap3A_152, %swap3A_153], %swap3A_156 {strides = array<i32>} : memref<80x128xf32, #tpu.memory_space<vmem>>, vector<1x16xf32>,
      %broadcast_in_dim3A_157 = arith.constant 0.000000e+00 : f32
      %broadcast_in_dim3A_158 = vector.broadcast %broadcast_in_dim3A_157 : f32 to vector<16xf32>
      %swap3A_159 = arith.index_cast %scan3A_123 : i32 to index
      %swap3A_160 = arith.constant 80 : index
      %swap3A_161 = tpu.vector_load %arg18[%swap3A_159, %swap3A_160] {strides = array<i32>} : memref<80x128xf32, #tpu.memory_space<vmem>>, vector<1x16xf32>,
      %swap3A_162 = vector.shape_cast %swap3A_161 : vector<1x16xf32> to vector<16xf32>
      %swap3A_163 = vector.shape_cast %broadcast_in_dim3A_158 : vector<16xf32> to vector<1x16xf32>
      tpu.vector_store %arg18[%swap3A_159, %swap3A_160], %swap3A_163 {strides = array<i32>} : memref<80x128xf32, #tpu.memory_space<vmem>>, vector<1x16xf32>,
      %broadcast_in_dim3A_164 = arith.constant 0.000000e+00 : f32
      %broadcast_in_dim3A_165 = vector.broadcast %broadcast_in_dim3A_164 : f32 to vector<16xf32>
      %swap3A_166 = arith.index_cast %scan3A_123 : i32 to index
      %swap3A_167 = arith.constant 96 : index
      %swap3A_168 = tpu.vector_load %arg18[%swap3A_166, %swap3A_167] {strides = array<i32>} : memref<80x128xf32, #tpu.memory_space<vmem>>, vector<1x16xf32>,
      %swap3A_169 = vector.shape_cast %swap3A_168 : vector<1x16xf32> to vector<16xf32>
      %swap3A_170 = vector.shape_cast %broadcast_in_dim3A_165 : vector<16xf32> to vector<1x16xf32>
      tpu.vector_store %arg18[%swap3A_166, %swap3A_167], %swap3A_170 {strides = array<i32>} : memref<80x128xf32, #tpu.memory_space<vmem>>, vector<1x16xf32>,
      %broadcast_in_dim3A_171 = arith.constant 0.000000e+00 : f32
      %broadcast_in_dim3A_172 = vector.broadcast %broadcast_in_dim3A_171 : f32 to vector<16xf32>
      %swap3A_173 = arith.index_cast %scan3A_123 : i32 to index
      %swap3A_174 = arith.constant 112 : index
      %swap3A_175 = tpu.vector_load %arg18[%swap3A_173, %swap3A_174] {strides = array<i32>} : memref<80x128xf32, #tpu.memory_space<vmem>>, vector<1x16xf32>,
      %swap3A_176 = vector.shape_cast %swap3A_175 : vector<1x16xf32> to vector<16xf32>
      %swap3A_177 = vector.shape_cast %broadcast_in_dim3A_172 : vector<16xf32> to vector<1x16xf32>
      tpu.vector_store %arg18[%swap3A_173, %swap3A_174], %swap3A_177 {strides = array<i32>} : memref<80x128xf32, #tpu.memory_space<vmem>>, vector<1x16xf32>,
    }
    %scan3A_32 = arith.constant 80 : i32
    %dma_wait3A = tpu.memref_slice %arg3[%mul3A_4] : memref<320000xi32, #tpu.memory_space<hbm>> -> memref<80xi32, #tpu.memory_space<hbm>>
    %dma_wait3A_33 = tpu.memref_slice %arg3[%mul3A_4] : memref<320000xi32, #tpu.memory_space<hbm>> -> memref<80xi32, #tpu.memory_space<hbm>>
    tpu.wait_dma2 semaphore(%arg19 : memref<!tpu.dma_semaphore, #tpu.memory_space<semaphore_mem>>) src(%dma_wait3A_33 : memref<80xi32, #tpu.memory_space<hbm>>) dst(%arg7 : memref<80xi32, #tpu.memory_space<vmem>>)
    %dma_wait3A_34 = tpu.memref_slice %arg4[%mul3A_4] : memref<320000xi32, #tpu.memory_space<hbm>> -> memref<80xi32, #tpu.memory_space<hbm>>
    %dma_wait3A_35 = tpu.memref_slice %arg4[%mul3A_4] : memref<320000xi32, #tpu.memory_space<hbm>> -> memref<80xi32, #tpu.memory_space<hbm>>
    tpu.wait_dma2 semaphore(%arg19 : memref<!tpu.dma_semaphore, #tpu.memory_space<semaphore_mem>>) src(%dma_wait3A_35 : memref<80xi32, #tpu.memory_space<hbm>>) dst(%arg11 : memref<80xi32, #tpu.memory_space<vmem>>)
    %dma_start3A_36 = arith.constant 0 : i32
    %dma_start3A_37 = arith.constant 0 : i32
    %dma_start3A_38 = tpu.memref_slice %arg2[%dma_start3A_36, %dma_start3A_37] : memref<10000x128xf32, #tpu.memory_space<hbm>> -> memref<10000x128xf32, #tpu.memory_space<hbm>>
    tpu.enqueue_indirect_dma source(%dma_start3A_38 : memref<10000x128xf32, #tpu.memory_space<hbm>>) target(%arg15 : memref<80x128xf32, #tpu.memory_space<vmem>>) offsets(%arg7 : memref<80xi32, #tpu.memory_space<vmem>>) semaphore(%arg23 : memref<!tpu.dma_semaphore, #tpu.memory_space<semaphore_mem>>)
    %dma_wait3A_39 = tpu.memref_slice %arg3[%mul3A_4] : memref<320000xi32, #tpu.memory_space<hbm>> -> memref<80xi32, #tpu.memory_space<hbm>>
    %dma_wait3A_40 = tpu.memref_slice %arg3[%mul3A_4] : memref<320000xi32, #tpu.memory_space<hbm>> -> memref<80xi32, #tpu.memory_space<hbm>>
    tpu.wait_dma2 semaphore(%arg20 : memref<!tpu.dma_semaphore, #tpu.memory_space<semaphore_mem>>) src(%dma_wait3A_40 : memref<80xi32, #tpu.memory_space<hbm>>) dst(%arg8 : memref<80xi32, #tpu.memory_space<vmem>>)
    %dma_wait3A_41 = tpu.memref_slice %arg4[%mul3A_4] : memref<320000xi32, #tpu.memory_space<hbm>> -> memref<80xi32, #tpu.memory_space<hbm>>
    %dma_wait3A_42 = tpu.memref_slice %arg4[%mul3A_4] : memref<320000xi32, #tpu.memory_space<hbm>> -> memref<80xi32, #tpu.memory_space<hbm>>
    tpu.wait_dma2 semaphore(%arg20 : memref<!tpu.dma_semaphore, #tpu.memory_space<semaphore_mem>>) src(%dma_wait3A_42 : memref<80xi32, #tpu.memory_space<hbm>>) dst(%arg12 : memref<80xi32, #tpu.memory_space<vmem>>)
    %dma_start3A_43 = arith.constant 0 : i32
    %dma_start3A_44 = arith.constant 0 : i32
    %dma_start3A_45 = tpu.memref_slice %arg2[%dma_start3A_43, %dma_start3A_44] : memref<10000x128xf32, #tpu.memory_space<hbm>> -> memref<10000x128xf32, #tpu.memory_space<hbm>>
    tpu.enqueue_indirect_dma source(%dma_start3A_45 : memref<10000x128xf32, #tpu.memory_space<hbm>>) target(%arg16 : memref<80x128xf32, #tpu.memory_space<vmem>>) offsets(%arg8 : memref<80xi32, #tpu.memory_space<vmem>>) semaphore(%arg24 : memref<!tpu.dma_semaphore, #tpu.memory_space<semaphore_mem>>)
    %dma_wait3A_46 = tpu.memref_slice %arg3[%mul3A_4] : memref<320000xi32, #tpu.memory_space<hbm>> -> memref<80xi32, #tpu.memory_space<hbm>>
    %dma_wait3A_47 = tpu.memref_slice %arg3[%mul3A_4] : memref<320000xi32, #tpu.memory_space<hbm>> -> memref<80xi32, #tpu.memory_space<hbm>>
    tpu.wait_dma2 semaphore(%arg21 : memref<!tpu.dma_semaphore, #tpu.memory_space<semaphore_mem>>) src(%dma_wait3A_47 : memref<80xi32, #tpu.memory_space<hbm>>) dst(%arg9 : memref<80xi32, #tpu.memory_space<vmem>>)
    %dma_wait3A_48 = tpu.memref_slice %arg4[%mul3A_4] : memref<320000xi32, #tpu.memory_space<hbm>> -> memref<80xi32, #tpu.memory_space<hbm>>
    %dma_wait3A_49 = tpu.memref_slice %arg4[%mul3A_4] : memref<320000xi32, #tpu.memory_space<hbm>> -> memref<80xi32, #tpu.memory_space<hbm>>
    tpu.wait_dma2 semaphore(%arg21 : memref<!tpu.dma_semaphore, #tpu.memory_space<semaphore_mem>>) src(%dma_wait3A_49 : memref<80xi32, #tpu.memory_space<hbm>>) dst(%arg13 : memref<80xi32, #tpu.memory_space<vmem>>)
    %dma_start3A_50 = arith.constant 0 : i32
    %dma_start3A_51 = arith.constant 0 : i32
    %dma_start3A_52 = tpu.memref_slice %arg2[%dma_start3A_50, %dma_start3A_51] : memref<10000x128xf32, #tpu.memory_space<hbm>> -> memref<10000x128xf32, #tpu.memory_space<hbm>>
    tpu.enqueue_indirect_dma source(%dma_start3A_52 : memref<10000x128xf32, #tpu.memory_space<hbm>>) target(%arg17 : memref<80x128xf32, #tpu.memory_space<vmem>>) offsets(%arg9 : memref<80xi32, #tpu.memory_space<vmem>>) semaphore(%arg25 : memref<!tpu.dma_semaphore, #tpu.memory_space<semaphore_mem>>)
    %add3A_53 = arith.constant 240 : i32
    %add3A_54 = arith.addi %mul3A_4, %add3A_53 : i32
    %dma_start3A_55 = tpu.memref_slice %arg3[%add3A_54] : memref<320000xi32, #tpu.memory_space<hbm>> -> memref<80xi32, #tpu.memory_space<hbm>>
    %dma_start3A_56 = tpu.memref_slice %arg3[%add3A_54] : memref<320000xi32, #tpu.memory_space<hbm>> -> memref<80xi32, #tpu.memory_space<hbm>>
    tpu.enqueue_dma source(%dma_start3A_56 : memref<80xi32, #tpu.memory_space<hbm>>) target(%arg10 : memref<80xi32, #tpu.memory_space<vmem>>) target_semaphore(%arg22 : memref<!tpu.dma_semaphore, #tpu.memory_space<semaphore_mem>>)
    %add3A_57 = arith.constant 240 : i32
    %add3A_58 = arith.addi %mul3A_4, %add3A_57 : i32
    %dma_start3A_59 = tpu.memref_slice %arg4[%add3A_58] : memref<320000xi32, #tpu.memory_space<hbm>> -> memref<80xi32, #tpu.memory_space<hbm>>
    %dma_start3A_60 = tpu.memref_slice %arg4[%add3A_58] : memref<320000xi32, #tpu.memory_space<hbm>> -> memref<80xi32, #tpu.memory_space<hbm>>
    tpu.enqueue_dma source(%dma_start3A_60 : memref<80xi32, #tpu.memory_space<hbm>>) target(%arg14 : memref<80xi32, #tpu.memory_space<vmem>>) target_semaphore(%arg22 : memref<!tpu.dma_semaphore, #tpu.memory_space<semaphore_mem>>)
    %mul3A_61 = arith.constant 640 : i32
    %mul3A_62 = arith.muli %arg1, %mul3A_61 : i32
    %add3A_63 = arith.constant 0 : i32
    %add3A_64 = arith.addi %mul3A_62, %add3A_63 : i32
    "tpu.region"() ({
      %run_scoped3A = tpu.sem_alloc : memref<!tpu.dma_semaphore, #tpu.memory_space<semaphore_mem>>
      %dma_start3A_123 = arith.constant 0 : i32
      %dma_start3A_124 = tpu.memref_slice %arg6[%add3A_64, %dma_start3A_123] : memref<10240x128xf32, #tpu.memory_space<vmem_shared>> -> memref<80x128xf32, #tpu.memory_space<vmem_shared>>
      %dma_start3A_125 = arith.constant 0 : i32
      %dma_start3A_126 = tpu.memref_slice %arg6[%add3A_64, %dma_start3A_125] : memref<10240x128xf32, #tpu.memory_space<vmem_shared>> -> memref<80x128xf32, #tpu.memory_space<vmem_shared>>
      tpu.enqueue_dma source(%arg18 : memref<80x128xf32, #tpu.memory_space<vmem>>) target(%dma_start3A_126 : memref<80x128xf32, #tpu.memory_space<vmem_shared>>) target_semaphore(%run_scoped3A : memref<!tpu.dma_semaphore, #tpu.memory_space<semaphore_mem>>)
      %dma_wait3A_127 = arith.constant 0 : i32
      %dma_wait3A_128 = tpu.memref_slice %arg6[%add3A_64, %dma_wait3A_127] : memref<10240x128xf32, #tpu.memory_space<vmem_shared>> -> memref<80x128xf32, #tpu.memory_space<vmem_shared>>
      %dma_wait3A_129 = arith.constant 0 : i32
      %dma_wait3A_130 = tpu.memref_slice %arg6[%add3A_64, %dma_wait3A_129] : memref<10240x128xf32, #tpu.memory_space<vmem_shared>> -> memref<80x128xf32, #tpu.memory_space<vmem_shared>>
      tpu.wait_dma2 semaphore(%run_scoped3A : memref<!tpu.dma_semaphore, #tpu.memory_space<semaphore_mem>>) src(%arg18 : memref<80x128xf32, #tpu.memory_space<vmem>>) dst(%dma_wait3A_130 : memref<80x128xf32, #tpu.memory_space<vmem_shared>>)
      tpu.yield
    }) : () -> ()
    %mul3A_65 = arith.constant 640 : i32
    %mul3A_66 = arith.muli %arg1, %mul3A_65 : i32
    %add3A_67 = arith.constant 80 : i32
    %add3A_68 = arith.addi %mul3A_66, %add3A_67 : i32
    "tpu.region"() ({
      %run_scoped3A = tpu.sem_alloc : memref<!tpu.dma_semaphore, #tpu.memory_space<semaphore_mem>>
      %dma_start3A_123 = arith.constant 0 : i32
      %dma_start3A_124 = tpu.memref_slice %arg6[%add3A_68, %dma_start3A_123] : memref<10240x128xf32, #tpu.memory_space<vmem_shared>> -> memref<80x128xf32, #tpu.memory_space<vmem_shared>>
      %dma_start3A_125 = arith.constant 0 : i32
      %dma_start3A_126 = tpu.memref_slice %arg6[%add3A_68, %dma_start3A_125] : memref<10240x128xf32, #tpu.memory_space<vmem_shared>> -> memref<80x128xf32, #tpu.memory_space<vmem_shared>>
      tpu.enqueue_dma source(%arg18 : memref<80x128xf32, #tpu.memory_space<vmem>>) target(%dma_start3A_126 : memref<80x128xf32, #tpu.memory_space<vmem_shared>>) target_semaphore(%run_scoped3A : memref<!tpu.dma_semaphore, #tpu.memory_space<semaphore_mem>>)
      %dma_wait3A_127 = arith.constant 0 : i32
      %dma_wait3A_128 = tpu.memref_slice %arg6[%add3A_68, %dma_wait3A_127] : memref<10240x128xf32, #tpu.memory_space<vmem_shared>> -> memref<80x128xf32, #tpu.memory_space<vmem_shared>>
      %dma_wait3A_129 = arith.constant 0 : i32
      %dma_wait3A_130 = tpu.memref_slice %arg6[%add3A_68, %dma_wait3A_129] : memref<10240x128xf32, #tpu.memory_space<vmem_shared>> -> memref<80x128xf32, #tpu.memory_space<vmem_shared>>
      tpu.wait_dma2 semaphore(%run_scoped3A : memref<!tpu.dma_semaphore, #tpu.memory_space<semaphore_mem>>) src(%arg18 : memref<80x128xf32, #tpu.memory_space<vmem>>) dst(%dma_wait3A_130 : memref<80x128xf32, #tpu.memory_space<vmem_shared>>)
      tpu.yield
    }) : () -> ()
    %mul3A_69 = arith.constant 640 : i32
    %mul3A_70 = arith.muli %arg1, %mul3A_69 : i32
    %add3A_71 = arith.constant 160 : i32
    %add3A_72 = arith.addi %mul3A_70, %add3A_71 : i32
    "tpu.region"() ({
      %run_scoped3A = tpu.sem_alloc : memref<!tpu.dma_semaphore, #tpu.memory_space<semaphore_mem>>
      %dma_start3A_123 = arith.constant 0 : i32
      %dma_start3A_124 = tpu.memref_slice %arg6[%add3A_72, %dma_start3A_123] : memref<10240x128xf32, #tpu.memory_space<vmem_shared>> -> memref<80x128xf32, #tpu.memory_space<vmem_shared>>
      %dma_start3A_125 = arith.constant 0 : i32
      %dma_start3A_126 = tpu.memref_slice %arg6[%add3A_72, %dma_start3A_125] : memref<10240x128xf32, #tpu.memory_space<vmem_shared>> -> memref<80x128xf32, #tpu.memory_space<vmem_shared>>
      tpu.enqueue_dma source(%arg18 : memref<80x128xf32, #tpu.memory_space<vmem>>) target(%dma_start3A_126 : memref<80x128xf32, #tpu.memory_space<vmem_shared>>) target_semaphore(%run_scoped3A : memref<!tpu.dma_semaphore, #tpu.memory_space<semaphore_mem>>)
      %dma_wait3A_127 = arith.constant 0 : i32
      %dma_wait3A_128 = tpu.memref_slice %arg6[%add3A_72, %dma_wait3A_127] : memref<10240x128xf32, #tpu.memory_space<vmem_shared>> -> memref<80x128xf32, #tpu.memory_space<vmem_shared>>
      %dma_wait3A_129 = arith.constant 0 : i32
      %dma_wait3A_130 = tpu.memref_slice %arg6[%add3A_72, %dma_wait3A_129] : memref<10240x128xf32, #tpu.memory_space<vmem_shared>> -> memref<80x128xf32, #tpu.memory_space<vmem_shared>>
      tpu.wait_dma2 semaphore(%run_scoped3A : memref<!tpu.dma_semaphore, #tpu.memory_space<semaphore_mem>>) src(%arg18 : memref<80x128xf32, #tpu.memory_space<vmem>>) dst(%dma_wait3A_130 : memref<80x128xf32, #tpu.memory_space<vmem_shared>>)
      tpu.yield
    }) : () -> ()
    %mul3A_73 = arith.constant 640 : i32
    %mul3A_74 = arith.muli %arg1, %mul3A_73 : i32
    %add3A_75 = arith.constant 240 : i32
    %add3A_76 = arith.addi %mul3A_74, %add3A_75 : i32
    "tpu.region"() ({
      %run_scoped3A = tpu.sem_alloc : memref<!tpu.dma_semaphore, #tpu.memory_space<semaphore_mem>>
      %dma_start3A_123 = arith.constant 0 : i32
      %dma_start3A_124 = tpu.memref_slice %arg6[%add3A_76, %dma_start3A_123] : memref<10240x128xf32, #tpu.memory_space<vmem_shared>> -> memref<80x128xf32, #tpu.memory_space<vmem_shared>>
      %dma_start3A_125 = arith.constant 0 : i32
      %dma_start3A_126 = tpu.memref_slice %arg6[%add3A_76, %dma_start3A_125] : memref<10240x128xf32, #tpu.memory_space<vmem_shared>> -> memref<80x128xf32, #tpu.memory_space<vmem_shared>>
      tpu.enqueue_dma source(%arg18 : memref<80x128xf32, #tpu.memory_space<vmem>>) target(%dma_start3A_126 : memref<80x128xf32, #tpu.memory_space<vmem_shared>>) target_semaphore(%run_scoped3A : memref<!tpu.dma_semaphore, #tpu.memory_space<semaphore_mem>>)
      %dma_wait3A_127 = arith.constant 0 : i32
      %dma_wait3A_128 = tpu.memref_slice %arg6[%add3A_76, %dma_wait3A_127] : memref<10240x128xf32, #tpu.memory_space<vmem_shared>> -> memref<80x128xf32, #tpu.memory_space<vmem_shared>>
      %dma_wait3A_129 = arith.constant 0 : i32
      %dma_wait3A_130 = tpu.memref_slice %arg6[%add3A_76, %dma_wait3A_129] : memref<10240x128xf32, #tpu.memory_space<vmem_shared>> -> memref<80x128xf32, #tpu.memory_space<vmem_shared>>
      tpu.wait_dma2 semaphore(%run_scoped3A : memref<!tpu.dma_semaphore, #tpu.memory_space<semaphore_mem>>) src(%arg18 : memref<80x128xf32, #tpu.memory_space<vmem>>) dst(%dma_wait3A_130 : memref<80x128xf32, #tpu.memory_space<vmem_shared>>)
      tpu.yield
    }) : () -> ()
    %mul3A_77 = arith.constant 640 : i32
    %mul3A_78 = arith.muli %arg1, %mul3A_77 : i32
    %add3A_79 = arith.constant 320 : i32
    %add3A_80 = arith.addi %mul3A_78, %add3A_79 : i32
    "tpu.region"() ({
      %run_scoped3A = tpu.sem_alloc : memref<!tpu.dma_semaphore, #tpu.memory_space<semaphore_mem>>
      %dma_start3A_123 = arith.constant 0 : i32
      %dma_start3A_124 = tpu.memref_slice %arg6[%add3A_80, %dma_start3A_123] : memref<10240x128xf32, #tpu.memory_space<vmem_shared>> -> memref<80x128xf32, #tpu.memory_space<vmem_shared>>
      %dma_start3A_125 = arith.constant 0 : i32
      %dma_start3A_126 = tpu.memref_slice %arg6[%add3A_80, %dma_start3A_125] : memref<10240x128xf32, #tpu.memory_space<vmem_shared>> -> memref<80x128xf32, #tpu.memory_space<vmem_shared>>
      tpu.enqueue_dma source(%arg18 : memref<80x128xf32, #tpu.memory_space<vmem>>) target(%dma_start3A_126 : memref<80x128xf32, #tpu.memory_space<vmem_shared>>) target_semaphore(%run_scoped3A : memref<!tpu.dma_semaphore, #tpu.memory_space<semaphore_mem>>)
      %dma_wait3A_127 = arith.constant 0 : i32
      %dma_wait3A_128 = tpu.memref_slice %arg6[%add3A_80, %dma_wait3A_127] : memref<10240x128xf32, #tpu.memory_space<vmem_shared>> -> memref<80x128xf32, #tpu.memory_space<vmem_shared>>
      %dma_wait3A_129 = arith.constant 0 : i32
      %dma_wait3A_130 = tpu.memref_slice %arg6[%add3A_80, %dma_wait3A_129] : memref<10240x128xf32, #tpu.memory_space<vmem_shared>> -> memref<80x128xf32, #tpu.memory_space<vmem_shared>>
      tpu.wait_dma2 semaphore(%run_scoped3A : memref<!tpu.dma_semaphore, #tpu.memory_space<semaphore_mem>>) src(%arg18 : memref<80x128xf32, #tpu.memory_space<vmem>>) dst(%dma_wait3A_130 : memref<80x128xf32, #tpu.memory_space<vmem_shared>>)
      tpu.yield
    }) : () -> ()
    %mul3A_81 = arith.constant 640 : i32
    %mul3A_82 = arith.muli %arg1, %mul3A_81 : i32
    %add3A_83 = arith.constant 400 : i32
    %add3A_84 = arith.addi %mul3A_82, %add3A_83 : i32
    "tpu.region"() ({
      %run_scoped3A = tpu.sem_alloc : memref<!tpu.dma_semaphore, #tpu.memory_space<semaphore_mem>>
      %dma_start3A_123 = arith.constant 0 : i32
      %dma_start3A_124 = tpu.memref_slice %arg6[%add3A_84, %dma_start3A_123] : memref<10240x128xf32, #tpu.memory_space<vmem_shared>> -> memref<80x128xf32, #tpu.memory_space<vmem_shared>>
      %dma_start3A_125 = arith.constant 0 : i32
      %dma_start3A_126 = tpu.memref_slice %arg6[%add3A_84, %dma_start3A_125] : memref<10240x128xf32, #tpu.memory_space<vmem_shared>> -> memref<80x128xf32, #tpu.memory_space<vmem_shared>>
      tpu.enqueue_dma source(%arg18 : memref<80x128xf32, #tpu.memory_space<vmem>>) target(%dma_start3A_126 : memref<80x128xf32, #tpu.memory_space<vmem_shared>>) target_semaphore(%run_scoped3A : memref<!tpu.dma_semaphore, #tpu.memory_space<semaphore_mem>>)
      %dma_wait3A_127 = arith.constant 0 : i32
      %dma_wait3A_128 = tpu.memref_slice %arg6[%add3A_84, %dma_wait3A_127] : memref<10240x128xf32, #tpu.memory_space<vmem_shared>> -> memref<80x128xf32, #tpu.memory_space<vmem_shared>>
      %dma_wait3A_129 = arith.constant 0 : i32
      %dma_wait3A_130 = tpu.memref_slice %arg6[%add3A_84, %dma_wait3A_129] : memref<10240x128xf32, #tpu.memory_space<vmem_shared>> -> memref<80x128xf32, #tpu.memory_space<vmem_shared>>
      tpu.wait_dma2 semaphore(%run_scoped3A : memref<!tpu.dma_semaphore, #tpu.memory_space<semaphore_mem>>) src(%arg18 : memref<80x128xf32, #tpu.memory_space<vmem>>) dst(%dma_wait3A_130 : memref<80x128xf32, #tpu.memory_space<vmem_shared>>)
      tpu.yield
    }) : () -> ()
    %mul3A_85 = arith.constant 640 : i32
    %mul3A_86 = arith.muli %arg1, %mul3A_85 : i32
    %add3A_87 = arith.constant 480 : i32
    %add3A_88 = arith.addi %mul3A_86, %add3A_87 : i32
    "tpu.region"() ({
      %run_scoped3A = tpu.sem_alloc : memref<!tpu.dma_semaphore, #tpu.memory_space<semaphore_mem>>
      %dma_start3A_123 = arith.constant 0 : i32
      %dma_start3A_124 = tpu.memref_slice %arg6[%add3A_88, %dma_start3A_123] : memref<10240x128xf32, #tpu.memory_space<vmem_shared>> -> memref<80x128xf32, #tpu.memory_space<vmem_shared>>
      %dma_start3A_125 = arith.constant 0 : i32
      %dma_start3A_126 = tpu.memref_slice %arg6[%add3A_88, %dma_start3A_125] : memref<10240x128xf32, #tpu.memory_space<vmem_shared>> -> memref<80x128xf32, #tpu.memory_space<vmem_shared>>
      tpu.enqueue_dma source(%arg18 : memref<80x128xf32, #tpu.memory_space<vmem>>) target(%dma_start3A_126 : memref<80x128xf32, #tpu.memory_space<vmem_shared>>) target_semaphore(%run_scoped3A : memref<!tpu.dma_semaphore, #tpu.memory_space<semaphore_mem>>)
      %dma_wait3A_127 = arith.constant 0 : i32
      %dma_wait3A_128 = tpu.memref_slice %arg6[%add3A_88, %dma_wait3A_127] : memref<10240x128xf32, #tpu.memory_space<vmem_shared>> -> memref<80x128xf32, #tpu.memory_space<vmem_shared>>
      %dma_wait3A_129 = arith.constant 0 : i32
      %dma_wait3A_130 = tpu.memref_slice %arg6[%add3A_88, %dma_wait3A_129] : memref<10240x128xf32, #tpu.memory_space<vmem_shared>> -> memref<80x128xf32, #tpu.memory_space<vmem_shared>>
      tpu.wait_dma2 semaphore(%run_scoped3A : memref<!tpu.dma_semaphore, #tpu.memory_space<semaphore_mem>>) src(%arg18 : memref<80x128xf32, #tpu.memory_space<vmem>>) dst(%dma_wait3A_130 : memref<80x128xf32, #tpu.memory_space<vmem_shared>>)
      tpu.yield
    }) : () -> ()
    %mul3A_89 = arith.constant 640 : i32
    %mul3A_90 = arith.muli %arg1, %mul3A_89 : i32
    %add3A_91 = arith.constant 560 : i32
    %add3A_92 = arith.addi %mul3A_90, %add3A_91 : i32
    "tpu.region"() ({
      %run_scoped3A = tpu.sem_alloc : memref<!tpu.dma_semaphore, #tpu.memory_space<semaphore_mem>>
      %dma_start3A_123 = arith.constant 0 : i32
      %dma_start3A_124 = tpu.memref_slice %arg6[%add3A_92, %dma_start3A_123] : memref<10240x128xf32, #tpu.memory_space<vmem_shared>> -> memref<80x128xf32, #tpu.memory_space<vmem_shared>>
      %dma_start3A_125 = arith.constant 0 : i32
      %dma_start3A_126 = tpu.memref_slice %arg6[%add3A_92, %dma_start3A_125] : memref<10240x128xf32, #tpu.memory_space<vmem_shared>> -> memref<80x128xf32, #tpu.memory_space<vmem_shared>>
      tpu.enqueue_dma source(%arg18 : memref<80x128xf32, #tpu.memory_space<vmem>>) target(%dma_start3A_126 : memref<80x128xf32, #tpu.memory_space<vmem_shared>>) target_semaphore(%run_scoped3A : memref<!tpu.dma_semaphore, #tpu.memory_space<semaphore_mem>>)
      %dma_wait3A_127 = arith.constant 0 : i32
      %dma_wait3A_128 = tpu.memref_slice %arg6[%add3A_92, %dma_wait3A_127] : memref<10240x128xf32, #tpu.memory_space<vmem_shared>> -> memref<80x128xf32, #tpu.memory_space<vmem_shared>>
      %dma_wait3A_129 = arith.constant 0 : i32
      %dma_wait3A_130 = tpu.memref_slice %arg6[%add3A_92, %dma_wait3A_129] : memref<10240x128xf32, #tpu.memory_space<vmem_shared>> -> memref<80x128xf32, #tpu.memory_space<vmem_shared>>
      tpu.wait_dma2 semaphore(%run_scoped3A : memref<!tpu.dma_semaphore, #tpu.memory_space<semaphore_mem>>) src(%arg18 : memref<80x128xf32, #tpu.memory_space<vmem>>) dst(%dma_wait3A_130 : memref<80x128xf32, #tpu.memory_space<vmem_shared>>)
      tpu.yield
    }) : () -> ()
    %barrier3A = arith.constant 0 : index
    tpu.barrier barrier_id(%barrier3A)
    %scan3A_93 = arith.constant 0 : i32
    %scan3A_94 = arith.constant 0 : i32
    %scan3A_95 = arith.constant 31 : i32
    %scan3A_96 = arith.addi %scan3A_94, %scan3A_95 : i32
    %scan3A_97 = arith.constant 1 : i32
    scf.for %scan3A_123 = %scan3A_94 to %scan3A_96 step %scan3A_97  : i32 {
      %mul3A_124 = arith.constant 4 : i32
      %mul3A_125 = arith.muli %mul3A_124, %scan3A_123 : i32
      %add3A_126 = arith.constant 0 : i32
      %add3A_127 = arith.addi %mul3A_125, %add3A_126 : i32
      %add3A_128 = arith.constant 4 : i32
      %add3A_129 = arith.addi %add3A_127, %add3A_128 : i32
      %sub3A = arith.constant 1 : i32
      %sub3A_130 = arith.subi %add3A_129, %sub3A : i32
      %lt3A = arith.constant 125 : i32
      %lt3A_131 = arith.cmpi slt, %sub3A_130, %lt3A : i32
      %convert_element_type3A = arith.extui %lt3A_131 : i1 to i32
      %cond3A = arith.constant 0 : i32
      %cond3A_132 = arith.cmpi ne, %convert_element_type3A, %cond3A : i32
      scf.if %cond3A_132 {
        %dma_wait3A_218 = tpu.memref_slice %arg3[%mul3A_4] : memref<320000xi32, #tpu.memory_space<hbm>> -> memref<80xi32, #tpu.memory_space<hbm>>
        %dma_wait3A_219 = tpu.memref_slice %arg3[%mul3A_4] : memref<320000xi32, #tpu.memory_space<hbm>> -> memref<80xi32, #tpu.memory_space<hbm>>
        tpu.wait_dma2 semaphore(%arg22 : memref<!tpu.dma_semaphore, #tpu.memory_space<semaphore_mem>>) src(%dma_wait3A_219 : memref<80xi32, #tpu.memory_space<hbm>>) dst(%arg10 : memref<80xi32, #tpu.memory_space<vmem>>)
        %dma_wait3A_220 = tpu.memref_slice %arg4[%mul3A_4] : memref<320000xi32, #tpu.memory_space<hbm>> -> memref<80xi32, #tpu.memory_space<hbm>>
        %dma_wait3A_221 = tpu.memref_slice %arg4[%mul3A_4] : memref<320000xi32, #tpu.memory_space<hbm>> -> memref<80xi32, #tpu.memory_space<hbm>>
        tpu.wait_dma2 semaphore(%arg22 : memref<!tpu.dma_semaphore, #tpu.memory_space<semaphore_mem>>) src(%dma_wait3A_221 : memref<80xi32, #tpu.memory_space<hbm>>) dst(%arg14 : memref<80xi32, #tpu.memory_space<vmem>>)
        %gt3A = arith.constant 0 : i32
        %gt3A_222 = arith.cmpi sgt, %add3A_127, %gt3A : i32
        %convert_element_type3A_223 = arith.extui %gt3A_222 : i1 to i32
        %cond3A_224 = arith.constant 0 : i32
        %cond3A_225 = arith.cmpi ne, %convert_element_type3A_223, %cond3A_224 : i32
        scf.if %cond3A_225 {
          %dma_wait3A_229 = arith.constant 0 : i32
          %dma_wait3A_230 = arith.constant 0 : i32
          %dma_wait3A_231 = tpu.memref_slice %arg6[%dma_wait3A_229, %dma_wait3A_230] : memref<10240x128xf32, #tpu.memory_space<vmem_shared>> -> memref<10240x128xf32, #tpu.memory_space<vmem_shared>>
          tpu.wait_indirect_dma semaphore(%arg30 : memref<!tpu.dma_semaphore, #tpu.memory_space<semaphore_mem>>) src(%arg18 : memref<80x128xf32, #tpu.memory_space<vmem>>) dst(%dma_wait3A_231 : memref<10240x128xf32, #tpu.memory_space<vmem_shared>>)
        } else {
        }
        %dma_start3A_226 = arith.constant 0 : i32
        %dma_start3A_227 = arith.constant 0 : i32
        %dma_start3A_228 = tpu.memref_slice %arg2[%dma_start3A_226, %dma_start3A_227] : memref<10000x128xf32, #tpu.memory_space<hbm>> -> memref<10000x128xf32, #tpu.memory_space<hbm>>
        tpu.enqueue_indirect_dma source(%dma_start3A_228 : memref<10000x128xf32, #tpu.memory_space<hbm>>) target(%arg18 : memref<80x128xf32, #tpu.memory_space<vmem>>) offsets(%arg10 : memref<80xi32, #tpu.memory_space<vmem>>) semaphore(%arg26 : memref<!tpu.dma_semaphore, #tpu.memory_space<semaphore_mem>>)
      } else {
      }
      %dma_wait3A_133 = arith.constant 0 : i32
      %dma_wait3A_134 = arith.constant 0 : i32
      %dma_wait3A_135 = tpu.memref_slice %arg2[%dma_wait3A_133, %dma_wait3A_134] : memref<10000x128xf32, #tpu.memory_space<hbm>> -> memref<10000x128xf32, #tpu.memory_space<hbm>>
      tpu.wait_indirect_dma semaphore(%arg23 : memref<!tpu.dma_semaphore, #tpu.memory_space<semaphore_mem>>) src(%dma_wait3A_135 : memref<10000x128xf32, #tpu.memory_space<hbm>>) dst(%arg15 : memref<80x128xf32, #tpu.memory_space<vmem>>)
      %dma_start3A_136 = arith.constant 0 : i32
      %dma_start3A_137 = arith.constant 0 : i32
      %dma_start3A_138 = tpu.memref_slice %arg6[%dma_start3A_136, %dma_start3A_137] : memref<10240x128xf32, #tpu.memory_space<vmem_shared>> -> memref<10240x128xf32, #tpu.memory_space<vmem_shared>>
      tpu.enqueue_indirect_dma source(%arg15 : memref<80x128xf32, #tpu.memory_space<vmem>>) target(%dma_start3A_138 : memref<10240x128xf32, #tpu.memory_space<vmem_shared>>) offsets(%arg11 : memref<80xi32, #tpu.memory_space<vmem>>) semaphore(%arg27 : memref<!tpu.dma_semaphore, #tpu.memory_space<semaphore_mem>>) {add = true}
      %add3A_139 = arith.constant 4 : i32
      %add3A_140 = arith.addi %add3A_127, %add3A_139 : i32
      %lt3A_141 = arith.constant 125 : i32
      %lt3A_142 = arith.cmpi slt, %add3A_140, %lt3A_141 : i32
      %convert_element_type3A_143 = arith.extui %lt3A_142 : i1 to i32
      %cond3A_144 = arith.constant 0 : i32
      %cond3A_145 = arith.cmpi ne, %convert_element_type3A_143, %cond3A_144 : i32
      scf.if %cond3A_145 {
        %add3A_218 = arith.constant 4 : i32
        %add3A_219 = arith.addi %add3A_127, %add3A_218 : i32
        %mul3A_220 = arith.constant 80 : i32
        %mul3A_221 = arith.muli %add3A_219, %mul3A_220 : i32
        %add3A_222 = arith.addi %mul3A_4, %mul3A_221 : i32
        %dma_start3A_223 = tpu.memref_slice %arg3[%add3A_222] : memref<320000xi32, #tpu.memory_space<hbm>> -> memref<80xi32, #tpu.memory_space<hbm>>
        %dma_start3A_224 = tpu.memref_slice %arg3[%add3A_222] : memref<320000xi32, #tpu.memory_space<hbm>> -> memref<80xi32, #tpu.memory_space<hbm>>
        tpu.enqueue_dma source(%dma_start3A_224 : memref<80xi32, #tpu.memory_space<hbm>>) target(%arg7 : memref<80xi32, #tpu.memory_space<vmem>>) target_semaphore(%arg19 : memref<!tpu.dma_semaphore, #tpu.memory_space<semaphore_mem>>)
        %mul3A_225 = arith.constant 80 : i32
        %mul3A_226 = arith.muli %add3A_219, %mul3A_225 : i32
        %add3A_227 = arith.addi %mul3A_4, %mul3A_226 : i32
        %dma_start3A_228 = tpu.memref_slice %arg4[%add3A_227] : memref<320000xi32, #tpu.memory_space<hbm>> -> memref<80xi32, #tpu.memory_space<hbm>>
        %dma_start3A_229 = tpu.memref_slice %arg4[%add3A_227] : memref<320000xi32, #tpu.memory_space<hbm>> -> memref<80xi32, #tpu.memory_space<hbm>>
        tpu.enqueue_dma source(%dma_start3A_229 : memref<80xi32, #tpu.memory_space<hbm>>) target(%arg11 : memref<80xi32, #tpu.memory_space<vmem>>) target_semaphore(%arg19 : memref<!tpu.dma_semaphore, #tpu.memory_space<semaphore_mem>>)
      } else {
      }
      %add3A_146 = arith.constant 1 : i32
      %add3A_147 = arith.addi %mul3A_125, %add3A_146 : i32
      %add3A_148 = arith.constant 4 : i32
      %add3A_149 = arith.addi %add3A_147, %add3A_148 : i32
      %sub3A_150 = arith.constant 1 : i32
      %sub3A_151 = arith.subi %add3A_149, %sub3A_150 : i32
      %lt3A_152 = arith.constant 125 : i32
      %lt3A_153 = arith.cmpi slt, %sub3A_151, %lt3A_152 : i32
      %convert_element_type3A_154 = arith.extui %lt3A_153 : i1 to i32
      %cond3A_155 = arith.constant 0 : i32
      %cond3A_156 = arith.cmpi ne, %convert_element_type3A_154, %cond3A_155 : i32
      scf.if %cond3A_156 {
        %dma_wait3A_218 = tpu.memref_slice %arg3[%mul3A_4] : memref<320000xi32, #tpu.memory_space<hbm>> -> memref<80xi32, #tpu.memory_space<hbm>>
        %dma_wait3A_219 = tpu.memref_slice %arg3[%mul3A_4] : memref<320000xi32, #tpu.memory_space<hbm>> -> memref<80xi32, #tpu.memory_space<hbm>>
        tpu.wait_dma2 semaphore(%arg19 : memref<!tpu.dma_semaphore, #tpu.memory_space<semaphore_mem>>) src(%dma_wait3A_219 : memref<80xi32, #tpu.memory_space<hbm>>) dst(%arg7 : memref<80xi32, #tpu.memory_space<vmem>>)
        %dma_wait3A_220 = tpu.memref_slice %arg4[%mul3A_4] : memref<320000xi32, #tpu.memory_space<hbm>> -> memref<80xi32, #tpu.memory_space<hbm>>
        %dma_wait3A_221 = tpu.memref_slice %arg4[%mul3A_4] : memref<320000xi32, #tpu.memory_space<hbm>> -> memref<80xi32, #tpu.memory_space<hbm>>
        tpu.wait_dma2 semaphore(%arg19 : memref<!tpu.dma_semaphore, #tpu.memory_space<semaphore_mem>>) src(%dma_wait3A_221 : memref<80xi32, #tpu.memory_space<hbm>>) dst(%arg11 : memref<80xi32, #tpu.memory_space<vmem>>)
        %gt3A = arith.constant 0 : i32
        %gt3A_222 = arith.cmpi sgt, %add3A_147, %gt3A : i32
        %convert_element_type3A_223 = arith.extui %gt3A_222 : i1 to i32
        %cond3A_224 = arith.constant 0 : i32
        %cond3A_225 = arith.cmpi ne, %convert_element_type3A_223, %cond3A_224 : i32
        scf.if %cond3A_225 {
          %dma_wait3A_229 = arith.constant 0 : i32
          %dma_wait3A_230 = arith.constant 0 : i32
          %dma_wait3A_231 = tpu.memref_slice %arg6[%dma_wait3A_229, %dma_wait3A_230] : memref<10240x128xf32, #tpu.memory_space<vmem_shared>> -> memref<10240x128xf32, #tpu.memory_space<vmem_shared>>
          tpu.wait_indirect_dma semaphore(%arg27 : memref<!tpu.dma_semaphore, #tpu.memory_space<semaphore_mem>>) src(%arg15 : memref<80x128xf32, #tpu.memory_space<vmem>>) dst(%dma_wait3A_231 : memref<10240x128xf32, #tpu.memory_space<vmem_shared>>)
        } else {
        }
        %dma_start3A_226 = arith.constant 0 : i32
        %dma_start3A_227 = arith.constant 0 : i32
        %dma_start3A_228 = tpu.memref_slice %arg2[%dma_start3A_226, %dma_start3A_227] : memref<10000x128xf32, #tpu.memory_space<hbm>> -> memref<10000x128xf32, #tpu.memory_space<hbm>>
        tpu.enqueue_indirect_dma source(%dma_start3A_228 : memref<10000x128xf32, #tpu.memory_space<hbm>>) target(%arg15 : memref<80x128xf32, #tpu.memory_space<vmem>>) offsets(%arg7 : memref<80xi32, #tpu.memory_space<vmem>>) semaphore(%arg23 : memref<!tpu.dma_semaphore, #tpu.memory_space<semaphore_mem>>)
      } else {
      }
      %dma_wait3A_157 = arith.constant 0 : i32
      %dma_wait3A_158 = arith.constant 0 : i32
      %dma_wait3A_159 = tpu.memref_slice %arg2[%dma_wait3A_157, %dma_wait3A_158] : memref<10000x128xf32, #tpu.memory_space<hbm>> -> memref<10000x128xf32, #tpu.memory_space<hbm>>
      tpu.wait_indirect_dma semaphore(%arg24 : memref<!tpu.dma_semaphore, #tpu.memory_space<semaphore_mem>>) src(%dma_wait3A_159 : memref<10000x128xf32, #tpu.memory_space<hbm>>) dst(%arg16 : memref<80x128xf32, #tpu.memory_space<vmem>>)
      %dma_start3A_160 = arith.constant 0 : i32
      %dma_start3A_161 = arith.constant 0 : i32
      %dma_start3A_162 = tpu.memref_slice %arg6[%dma_start3A_160, %dma_start3A_161] : memref<10240x128xf32, #tpu.memory_space<vmem_shared>> -> memref<10240x128xf32, #tpu.memory_space<vmem_shared>>
      tpu.enqueue_indirect_dma source(%arg16 : memref<80x128xf32, #tpu.memory_space<vmem>>) target(%dma_start3A_162 : memref<10240x128xf32, #tpu.memory_space<vmem_shared>>) offsets(%arg12 : memref<80xi32, #tpu.memory_space<vmem>>) semaphore(%arg28 : memref<!tpu.dma_semaphore, #tpu.memory_space<semaphore_mem>>) {add = true}
      %add3A_163 = arith.constant 4 : i32
      %add3A_164 = arith.addi %add3A_147, %add3A_163 : i32
      %lt3A_165 = arith.constant 125 : i32
      %lt3A_166 = arith.cmpi slt, %add3A_164, %lt3A_165 : i32
      %convert_element_type3A_167 = arith.extui %lt3A_166 : i1 to i32
      %cond3A_168 = arith.constant 0 : i32
      %cond3A_169 = arith.cmpi ne, %convert_element_type3A_167, %cond3A_168 : i32
      scf.if %cond3A_169 {
        %add3A_218 = arith.constant 4 : i32
        %add3A_219 = arith.addi %add3A_147, %add3A_218 : i32
        %mul3A_220 = arith.constant 80 : i32
        %mul3A_221 = arith.muli %add3A_219, %mul3A_220 : i32
        %add3A_222 = arith.addi %mul3A_4, %mul3A_221 : i32
        %dma_start3A_223 = tpu.memref_slice %arg3[%add3A_222] : memref<320000xi32, #tpu.memory_space<hbm>> -> memref<80xi32, #tpu.memory_space<hbm>>
        %dma_start3A_224 = tpu.memref_slice %arg3[%add3A_222] : memref<320000xi32, #tpu.memory_space<hbm>> -> memref<80xi32, #tpu.memory_space<hbm>>
        tpu.enqueue_dma source(%dma_start3A_224 : memref<80xi32, #tpu.memory_space<hbm>>) target(%arg8 : memref<80xi32, #tpu.memory_space<vmem>>) target_semaphore(%arg20 : memref<!tpu.dma_semaphore, #tpu.memory_space<semaphore_mem>>)
        %mul3A_225 = arith.constant 80 : i32
        %mul3A_226 = arith.muli %add3A_219, %mul3A_225 : i32
        %add3A_227 = arith.addi %mul3A_4, %mul3A_226 : i32
        %dma_start3A_228 = tpu.memref_slice %arg4[%add3A_227] : memref<320000xi32, #tpu.memory_space<hbm>> -> memref<80xi32, #tpu.memory_space<hbm>>
        %dma_start3A_229 = tpu.memref_slice %arg4[%add3A_227] : memref<320000xi32, #tpu.memory_space<hbm>> -> memref<80xi32, #tpu.memory_space<hbm>>
        tpu.enqueue_dma source(%dma_start3A_229 : memref<80xi32, #tpu.memory_space<hbm>>) target(%arg12 : memref<80xi32, #tpu.memory_space<vmem>>) target_semaphore(%arg20 : memref<!tpu.dma_semaphore, #tpu.memory_space<semaphore_mem>>)
      } else {
      }
      %add3A_170 = arith.constant 2 : i32
      %add3A_171 = arith.addi %mul3A_125, %add3A_170 : i32
      %add3A_172 = arith.constant 4 : i32
      %add3A_173 = arith.addi %add3A_171, %add3A_172 : i32
      %sub3A_174 = arith.constant 1 : i32
      %sub3A_175 = arith.subi %add3A_173, %sub3A_174 : i32
      %lt3A_176 = arith.constant 125 : i32
      %lt3A_177 = arith.cmpi slt, %sub3A_175, %lt3A_176 : i32
      %convert_element_type3A_178 = arith.extui %lt3A_177 : i1 to i32
      %cond3A_179 = arith.constant 0 : i32
      %cond3A_180 = arith.cmpi ne, %convert_element_type3A_178, %cond3A_179 : i32
      scf.if %cond3A_180 {
        %dma_wait3A_218 = tpu.memref_slice %arg3[%mul3A_4] : memref<320000xi32, #tpu.memory_space<hbm>> -> memref<80xi32, #tpu.memory_space<hbm>>
        %dma_wait3A_219 = tpu.memref_slice %arg3[%mul3A_4] : memref<320000xi32, #tpu.memory_space<hbm>> -> memref<80xi32, #tpu.memory_space<hbm>>
        tpu.wait_dma2 semaphore(%arg20 : memref<!tpu.dma_semaphore, #tpu.memory_space<semaphore_mem>>) src(%dma_wait3A_219 : memref<80xi32, #tpu.memory_space<hbm>>) dst(%arg8 : memref<80xi32, #tpu.memory_space<vmem>>)
        %dma_wait3A_220 = tpu.memref_slice %arg4[%mul3A_4] : memref<320000xi32, #tpu.memory_space<hbm>> -> memref<80xi32, #tpu.memory_space<hbm>>
        %dma_wait3A_221 = tpu.memref_slice %arg4[%mul3A_4] : memref<320000xi32, #tpu.memory_space<hbm>> -> memref<80xi32, #tpu.memory_space<hbm>>
        tpu.wait_dma2 semaphore(%arg20 : memref<!tpu.dma_semaphore, #tpu.memory_space<semaphore_mem>>) src(%dma_wait3A_221 : memref<80xi32, #tpu.memory_space<hbm>>) dst(%arg12 : memref<80xi32, #tpu.memory_space<vmem>>)
        %gt3A = arith.constant 0 : i32
        %gt3A_222 = arith.cmpi sgt, %add3A_171, %gt3A : i32
        %convert_element_type3A_223 = arith.extui %gt3A_222 : i1 to i32
        %cond3A_224 = arith.constant 0 : i32
        %cond3A_225 = arith.cmpi ne, %convert_element_type3A_223, %cond3A_224 : i32
        scf.if %cond3A_225 {
          %dma_wait3A_229 = arith.constant 0 : i32
          %dma_wait3A_230 = arith.constant 0 : i32
          %dma_wait3A_231 = tpu.memref_slice %arg6[%dma_wait3A_229, %dma_wait3A_230] : memref<10240x128xf32, #tpu.memory_space<vmem_shared>> -> memref<10240x128xf32, #tpu.memory_space<vmem_shared>>
          tpu.wait_indirect_dma semaphore(%arg28 : memref<!tpu.dma_semaphore, #tpu.memory_space<semaphore_mem>>) src(%arg16 : memref<80x128xf32, #tpu.memory_space<vmem>>) dst(%dma_wait3A_231 : memref<10240x128xf32, #tpu.memory_space<vmem_shared>>)
        } else {
        }
        %dma_start3A_226 = arith.constant 0 : i32
        %dma_start3A_227 = arith.constant 0 : i32
        %dma_start3A_228 = tpu.memref_slice %arg2[%dma_start3A_226, %dma_start3A_227] : memref<10000x128xf32, #tpu.memory_space<hbm>> -> memref<10000x128xf32, #tpu.memory_space<hbm>>
        tpu.enqueue_indirect_dma source(%dma_start3A_228 : memref<10000x128xf32, #tpu.memory_space<hbm>>) target(%arg16 : memref<80x128xf32, #tpu.memory_space<vmem>>) offsets(%arg8 : memref<80xi32, #tpu.memory_space<vmem>>) semaphore(%arg24 : memref<!tpu.dma_semaphore, #tpu.memory_space<semaphore_mem>>)
      } else {
      }
      %dma_wait3A_181 = arith.constant 0 : i32
      %dma_wait3A_182 = arith.constant 0 : i32
      %dma_wait3A_183 = tpu.memref_slice %arg2[%dma_wait3A_181, %dma_wait3A_182] : memref<10000x128xf32, #tpu.memory_space<hbm>> -> memref<10000x128xf32, #tpu.memory_space<hbm>>
      tpu.wait_indirect_dma semaphore(%arg25 : memref<!tpu.dma_semaphore, #tpu.memory_space<semaphore_mem>>) src(%dma_wait3A_183 : memref<10000x128xf32, #tpu.memory_space<hbm>>) dst(%arg17 : memref<80x128xf32, #tpu.memory_space<vmem>>)
      %dma_start3A_184 = arith.constant 0 : i32
      %dma_start3A_185 = arith.constant 0 : i32
      %dma_start3A_186 = tpu.memref_slice %arg6[%dma_start3A_184, %dma_start3A_185] : memref<10240x128xf32, #tpu.memory_space<vmem_shared>> -> memref<10240x128xf32, #tpu.memory_space<vmem_shared>>
      tpu.enqueue_indirect_dma source(%arg17 : memref<80x128xf32, #tpu.memory_space<vmem>>) target(%dma_start3A_186 : memref<10240x128xf32, #tpu.memory_space<vmem_shared>>) offsets(%arg13 : memref<80xi32, #tpu.memory_space<vmem>>) semaphore(%arg29 : memref<!tpu.dma_semaphore, #tpu.memory_space<semaphore_mem>>) {add = true}
      %add3A_187 = arith.constant 4 : i32
      %add3A_188 = arith.addi %add3A_171, %add3A_187 : i32
      %lt3A_189 = arith.constant 125 : i32
      %lt3A_190 = arith.cmpi slt, %add3A_188, %lt3A_189 : i32
      %convert_element_type3A_191 = arith.extui %lt3A_190 : i1 to i32
      %cond3A_192 = arith.constant 0 : i32
      %cond3A_193 = arith.cmpi ne, %convert_element_type3A_191, %cond3A_192 : i32
      scf.if %cond3A_193 {
        %add3A_218 = arith.constant 4 : i32
        %add3A_219 = arith.addi %add3A_171, %add3A_218 : i32
        %mul3A_220 = arith.constant 80 : i32
        %mul3A_221 = arith.muli %add3A_219, %mul3A_220 : i32
        %add3A_222 = arith.addi %mul3A_4, %mul3A_221 : i32
        %dma_start3A_223 = tpu.memref_slice %arg3[%add3A_222] : memref<320000xi32, #tpu.memory_space<hbm>> -> memref<80xi32, #tpu.memory_space<hbm>>
        %dma_start3A_224 = tpu.memref_slice %arg3[%add3A_222] : memref<320000xi32, #tpu.memory_space<hbm>> -> memref<80xi32, #tpu.memory_space<hbm>>
        tpu.enqueue_dma source(%dma_start3A_224 : memref<80xi32, #tpu.memory_space<hbm>>) target(%arg9 : memref<80xi32, #tpu.memory_space<vmem>>) target_semaphore(%arg21 : memref<!tpu.dma_semaphore, #tpu.memory_space<semaphore_mem>>)
        %mul3A_225 = arith.constant 80 : i32
        %mul3A_226 = arith.muli %add3A_219, %mul3A_225 : i32
        %add3A_227 = arith.addi %mul3A_4, %mul3A_226 : i32
        %dma_start3A_228 = tpu.memref_slice %arg4[%add3A_227] : memref<320000xi32, #tpu.memory_space<hbm>> -> memref<80xi32, #tpu.memory_space<hbm>>
        %dma_start3A_229 = tpu.memref_slice %arg4[%add3A_227] : memref<320000xi32, #tpu.memory_space<hbm>> -> memref<80xi32, #tpu.memory_space<hbm>>
        tpu.enqueue_dma source(%dma_start3A_229 : memref<80xi32, #tpu.memory_space<hbm>>) target(%arg13 : memref<80xi32, #tpu.memory_space<vmem>>) target_semaphore(%arg21 : memref<!tpu.dma_semaphore, #tpu.memory_space<semaphore_mem>>)
      } else {
      }
      %add3A_194 = arith.constant 3 : i32
      %add3A_195 = arith.addi %mul3A_125, %add3A_194 : i32
      %add3A_196 = arith.constant 4 : i32
      %add3A_197 = arith.addi %add3A_195, %add3A_196 : i32
      %sub3A_198 = arith.constant 1 : i32
      %sub3A_199 = arith.subi %add3A_197, %sub3A_198 : i32
      %lt3A_200 = arith.constant 125 : i32
      %lt3A_201 = arith.cmpi slt, %sub3A_199, %lt3A_200 : i32
      %convert_element_type3A_202 = arith.extui %lt3A_201 : i1 to i32
      %cond3A_203 = arith.constant 0 : i32
      %cond3A_204 = arith.cmpi ne, %convert_element_type3A_202, %cond3A_203 : i32
      scf.if %cond3A_204 {
        %dma_wait3A_218 = tpu.memref_slice %arg3[%mul3A_4] : memref<320000xi32, #tpu.memory_space<hbm>> -> memref<80xi32, #tpu.memory_space<hbm>>
        %dma_wait3A_219 = tpu.memref_slice %arg3[%mul3A_4] : memref<320000xi32, #tpu.memory_space<hbm>> -> memref<80xi32, #tpu.memory_space<hbm>>
        tpu.wait_dma2 semaphore(%arg21 : memref<!tpu.dma_semaphore, #tpu.memory_space<semaphore_mem>>) src(%dma_wait3A_219 : memref<80xi32, #tpu.memory_space<hbm>>) dst(%arg9 : memref<80xi32, #tpu.memory_space<vmem>>)
        %dma_wait3A_220 = tpu.memref_slice %arg4[%mul3A_4] : memref<320000xi32, #tpu.memory_space<hbm>> -> memref<80xi32, #tpu.memory_space<hbm>>
        %dma_wait3A_221 = tpu.memref_slice %arg4[%mul3A_4] : memref<320000xi32, #tpu.memory_space<hbm>> -> memref<80xi32, #tpu.memory_space<hbm>>
        tpu.wait_dma2 semaphore(%arg21 : memref<!tpu.dma_semaphore, #tpu.memory_space<semaphore_mem>>) src(%dma_wait3A_221 : memref<80xi32, #tpu.memory_space<hbm>>) dst(%arg13 : memref<80xi32, #tpu.memory_space<vmem>>)
        %gt3A = arith.constant 0 : i32
        %gt3A_222 = arith.cmpi sgt, %add3A_195, %gt3A : i32
        %convert_element_type3A_223 = arith.extui %gt3A_222 : i1 to i32
        %cond3A_224 = arith.constant 0 : i32
        %cond3A_225 = arith.cmpi ne, %convert_element_type3A_223, %cond3A_224 : i32
        scf.if %cond3A_225 {
          %dma_wait3A_229 = arith.constant 0 : i32
          %dma_wait3A_230 = arith.constant 0 : i32
          %dma_wait3A_231 = tpu.memref_slice %arg6[%dma_wait3A_229, %dma_wait3A_230] : memref<10240x128xf32, #tpu.memory_space<vmem_shared>> -> memref<10240x128xf32, #tpu.memory_space<vmem_shared>>
          tpu.wait_indirect_dma semaphore(%arg29 : memref<!tpu.dma_semaphore, #tpu.memory_space<semaphore_mem>>) src(%arg17 : memref<80x128xf32, #tpu.memory_space<vmem>>) dst(%dma_wait3A_231 : memref<10240x128xf32, #tpu.memory_space<vmem_shared>>)
        } else {
        }
        %dma_start3A_226 = arith.constant 0 : i32
        %dma_start3A_227 = arith.constant 0 : i32
        %dma_start3A_228 = tpu.memref_slice %arg2[%dma_start3A_226, %dma_start3A_227] : memref<10000x128xf32, #tpu.memory_space<hbm>> -> memref<10000x128xf32, #tpu.memory_space<hbm>>
        tpu.enqueue_indirect_dma source(%dma_start3A_228 : memref<10000x128xf32, #tpu.memory_space<hbm>>) target(%arg17 : memref<80x128xf32, #tpu.memory_space<vmem>>) offsets(%arg9 : memref<80xi32, #tpu.memory_space<vmem>>) semaphore(%arg25 : memref<!tpu.dma_semaphore, #tpu.memory_space<semaphore_mem>>)
      } else {
      }
      %dma_wait3A_205 = arith.constant 0 : i32
      %dma_wait3A_206 = arith.constant 0 : i32
      %dma_wait3A_207 = tpu.memref_slice %arg2[%dma_wait3A_205, %dma_wait3A_206] : memref<10000x128xf32, #tpu.memory_space<hbm>> -> memref<10000x128xf32, #tpu.memory_space<hbm>>
      tpu.wait_indirect_dma semaphore(%arg26 : memref<!tpu.dma_semaphore, #tpu.memory_space<semaphore_mem>>) src(%dma_wait3A_207 : memref<10000x128xf32, #tpu.memory_space<hbm>>) dst(%arg18 : memref<80x128xf32, #tpu.memory_space<vmem>>)
      %dma_start3A_208 = arith.constant 0 : i32
      %dma_start3A_209 = arith.constant 0 : i32
      %dma_start3A_210 = tpu.memref_slice %arg6[%dma_start3A_208, %dma_start3A_209] : memref<10240x128xf32, #tpu.memory_space<vmem_shared>> -> memref<10240x128xf32, #tpu.memory_space<vmem_shared>>
      tpu.enqueue_indirect_dma source(%arg18 : memref<80x128xf32, #tpu.memory_space<vmem>>) target(%dma_start3A_210 : memref<10240x128xf32, #tpu.memory_space<vmem_shared>>) offsets(%arg14 : memref<80xi32, #tpu.memory_space<vmem>>) semaphore(%arg30 : memref<!tpu.dma_semaphore, #tpu.memory_space<semaphore_mem>>) {add = true}
      %add3A_211 = arith.constant 4 : i32
      %add3A_212 = arith.addi %add3A_195, %add3A_211 : i32
      %lt3A_213 = arith.constant 125 : i32
      %lt3A_214 = arith.cmpi slt, %add3A_212, %lt3A_213 : i32
      %convert_element_type3A_215 = arith.extui %lt3A_214 : i1 to i32
      %cond3A_216 = arith.constant 0 : i32
      %cond3A_217 = arith.cmpi ne, %convert_element_type3A_215, %cond3A_216 : i32
      scf.if %cond3A_217 {
        %add3A_218 = arith.constant 4 : i32
        %add3A_219 = arith.addi %add3A_195, %add3A_218 : i32
        %mul3A_220 = arith.constant 80 : i32
        %mul3A_221 = arith.muli %add3A_219, %mul3A_220 : i32
        %add3A_222 = arith.addi %mul3A_4, %mul3A_221 : i32
        %dma_start3A_223 = tpu.memref_slice %arg3[%add3A_222] : memref<320000xi32, #tpu.memory_space<hbm>> -> memref<80xi32, #tpu.memory_space<hbm>>
        %dma_start3A_224 = tpu.memref_slice %arg3[%add3A_222] : memref<320000xi32, #tpu.memory_space<hbm>> -> memref<80xi32, #tpu.memory_space<hbm>>
        tpu.enqueue_dma source(%dma_start3A_224 : memref<80xi32, #tpu.memory_space<hbm>>) target(%arg10 : memref<80xi32, #tpu.memory_space<vmem>>) target_semaphore(%arg22 : memref<!tpu.dma_semaphore, #tpu.memory_space<semaphore_mem>>)
        %mul3A_225 = arith.constant 80 : i32
        %mul3A_226 = arith.muli %add3A_219, %mul3A_225 : i32
        %add3A_227 = arith.addi %mul3A_4, %mul3A_226 : i32
        %dma_start3A_228 = tpu.memref_slice %arg4[%add3A_227] : memref<320000xi32, #tpu.memory_space<hbm>> -> memref<80xi32, #tpu.memory_space<hbm>>
        %dma_start3A_229 = tpu.memref_slice %arg4[%add3A_227] : memref<320000xi32, #tpu.memory_space<hbm>> -> memref<80xi32, #tpu.memory_space<hbm>>
        tpu.enqueue_dma source(%dma_start3A_229 : memref<80xi32, #tpu.memory_space<hbm>>) target(%arg14 : memref<80xi32, #tpu.memory_space<vmem>>) target_semaphore(%arg22 : memref<!tpu.dma_semaphore, #tpu.memory_space<semaphore_mem>>)
      } else {
      }
    }
    %scan3A_98 = arith.constant 31 : i32
    %dma_wait3A_99 = arith.constant 0 : i32
    %dma_wait3A_100 = arith.constant 0 : i32
    %dma_wait3A_101 = tpu.memref_slice %arg2[%dma_wait3A_99, %dma_wait3A_100] : memref<10000x128xf32, #tpu.memory_space<hbm>> -> memref<10000x128xf32, #tpu.memory_space<hbm>>
    tpu.wait_indirect_dma semaphore(%arg23 : memref<!tpu.dma_semaphore, #tpu.memory_space<semaphore_mem>>) src(%dma_wait3A_101 : memref<10000x128xf32, #tpu.memory_space<hbm>>) dst(%arg15 : memref<80x128xf32, #tpu.memory_space<vmem>>)
    %dma_start3A_102 = arith.constant 0 : i32
    %dma_start3A_103 = arith.constant 0 : i32
    %dma_start3A_104 = tpu.memref_slice %arg6[%dma_start3A_102, %dma_start3A_103] : memref<10240x128xf32, #tpu.memory_space<vmem_shared>> -> memref<10240x128xf32, #tpu.memory_space<vmem_shared>>
    tpu.enqueue_indirect_dma source(%arg15 : memref<80x128xf32, #tpu.memory_space<vmem>>) target(%dma_start3A_104 : memref<10240x128xf32, #tpu.memory_space<vmem_shared>>) offsets(%arg11 : memref<80xi32, #tpu.memory_space<vmem>>) semaphore(%arg27 : memref<!tpu.dma_semaphore, #tpu.memory_space<semaphore_mem>>) {add = true}
    %dma_wait3A_105 = arith.constant 0 : i32
    %dma_wait3A_106 = arith.constant 0 : i32
    %dma_wait3A_107 = tpu.memref_slice %arg6[%dma_wait3A_105, %dma_wait3A_106] : memref<10240x128xf32, #tpu.memory_space<vmem_shared>> -> memref<10240x128xf32, #tpu.memory_space<vmem_shared>>
    tpu.wait_indirect_dma semaphore(%arg27 : memref<!tpu.dma_semaphore, #tpu.memory_space<semaphore_mem>>) src(%arg15 : memref<80x128xf32, #tpu.memory_space<vmem>>) dst(%dma_wait3A_107 : memref<10240x128xf32, #tpu.memory_space<vmem_shared>>)
    %dma_wait3A_108 = arith.constant 0 : i32
    %dma_wait3A_109 = arith.constant 0 : i32
    %dma_wait3A_110 = tpu.memref_slice %arg6[%dma_wait3A_108, %dma_wait3A_109] : memref<10240x128xf32, #tpu.memory_space<vmem_shared>> -> memref<10240x128xf32, #tpu.memory_space<vmem_shared>>
    tpu.wait_indirect_dma semaphore(%arg28 : memref<!tpu.dma_semaphore, #tpu.memory_space<semaphore_mem>>) src(%arg16 : memref<80x128xf32, #tpu.memory_space<vmem>>) dst(%dma_wait3A_110 : memref<10240x128xf32, #tpu.memory_space<vmem_shared>>)
    %dma_wait3A_111 = arith.constant 0 : i32
    %dma_wait3A_112 = arith.constant 0 : i32
    %dma_wait3A_113 = tpu.memref_slice %arg6[%dma_wait3A_111, %dma_wait3A_112] : memref<10240x128xf32, #tpu.memory_space<vmem_shared>> -> memref<10240x128xf32, #tpu.memory_space<vmem_shared>>
    tpu.wait_indirect_dma semaphore(%arg29 : memref<!tpu.dma_semaphore, #tpu.memory_space<semaphore_mem>>) src(%arg17 : memref<80x128xf32, #tpu.memory_space<vmem>>) dst(%dma_wait3A_113 : memref<10240x128xf32, #tpu.memory_space<vmem_shared>>)
    %dma_wait3A_114 = arith.constant 0 : i32
    %dma_wait3A_115 = arith.constant 0 : i32
    %dma_wait3A_116 = tpu.memref_slice %arg6[%dma_wait3A_114, %dma_wait3A_115] : memref<10240x128xf32, #tpu.memory_space<vmem_shared>> -> memref<10240x128xf32, #tpu.memory_space<vmem_shared>>
    tpu.wait_indirect_dma semaphore(%arg30 : memref<!tpu.dma_semaphore, #tpu.memory_space<semaphore_mem>>) src(%arg18 : memref<80x128xf32, #tpu.memory_space<vmem>>) dst(%dma_wait3A_116 : memref<10240x128xf32, #tpu.memory_space<vmem_shared>>)
    %barrier3A_117 = arith.constant 0 : index
    tpu.barrier barrier_id(%barrier3A_117)
    %mul3A_118 = arith.constant 640 : i32
    %mul3A_119 = arith.muli %arg1, %mul3A_118 : i32
    %mul3A_120 = arith.constant 10240 : i32
    %mul3A_121 = arith.muli %arg0, %mul3A_120 : i32
    %add3A_122 = arith.addi %mul3A_121, %mul3A_119 : i32
    "tpu.region"() ({
      %run_scoped3A = tpu.sem_alloc : memref<!tpu.dma_semaphore, #tpu.memory_space<semaphore_mem>>
      %dma_start3A_123 = arith.constant 0 : i32
      %dma_start3A_124 = tpu.memref_slice %arg5[%add3A_122, %dma_start3A_123] : memref<20480x128xf32, #tpu.memory_space<hbm>> -> memref<640x128xf32, #tpu.memory_space<hbm>>
      %dma_start3A_125 = arith.constant 0 : i32
      %dma_start3A_126 = tpu.memref_slice %arg6[%mul3A_119, %dma_start3A_125] : memref<10240x128xf32, #tpu.memory_space<vmem_shared>> -> memref<640x128xf32, #tpu.memory_space<vmem_shared>>
      tpu.enqueue_dma source(%dma_start3A_126 : memref<640x128xf32, #tpu.memory_space<vmem_shared>>) target(%dma_start3A_124 : memref<640x128xf32, #tpu.memory_space<hbm>>) target_semaphore(%run_scoped3A : memref<!tpu.dma_semaphore, #tpu.memory_space<semaphore_mem>>)
      %dma_wait3A_127 = arith.constant 0 : i32
      %dma_wait3A_128 = tpu.memref_slice %arg5[%add3A_122, %dma_wait3A_127] : memref<20480x128xf32, #tpu.memory_space<hbm>> -> memref<640x128xf32, #tpu.memory_space<hbm>>
      %dma_wait3A_129 = arith.constant 0 : i32
      %dma_wait3A_130 = tpu.memref_slice %arg6[%mul3A_119, %dma_wait3A_129] : memref<10240x128xf32, #tpu.memory_space<vmem_shared>> -> memref<640x128xf32, #tpu.memory_space<vmem_shared>>
      tpu.wait_dma2 semaphore(%run_scoped3A : memref<!tpu.dma_semaphore, #tpu.memory_space<semaphore_mem>>) src(%dma_wait3A_130 : memref<640x128xf32, #tpu.memory_space<vmem_shared>>) dst(%dma_wait3A_128 : memref<640x128xf32, #tpu.memory_space<hbm>>)
      tpu.yield
    }) : () -> ()
    return
  }
}

#map = affine_map<(d0, d1) -> (0, 0)>
#map1 = affine_map<(d0, d1) -> (0)>
module attributes {stable_mosaic.version = 14 : i64} {
  func.func @_seg_sum_body(%arg0: i32, %arg1: i32, %arg2: memref<10000x128xf32, #tpu.memory_space<hbm>>, %arg3: memref<320000xi32, #tpu.memory_space<hbm>>, %arg4: memref<320000xi32, #tpu.memory_space<hbm>>, %arg5: memref<20480x128xf32, #tpu.memory_space<hbm>>, %arg6: memref<10240x128xf32, #tpu.memory_space<vmem_shared>>, %arg7: memref<80xi32, #tpu.memory_space<vmem>>, %arg8: memref<80xi32, #tpu.memory_space<vmem>>, %arg9: memref<80xi32, #tpu.memory_space<vmem>>, %arg10: memref<80xi32, #tpu.memory_space<vmem>>, %arg11: memref<80xi32, #tpu.memory_space<vmem>>, %arg12: memref<80xi32, #tpu.memory_space<vmem>>, %arg13: memref<80xi32, #tpu.memory_space<vmem>>, %arg14: memref<80xi32, #tpu.memory_space<vmem>>, %arg15: memref<80x128xf32, #tpu.memory_space<vmem>>, %arg16: memref<80x128xf32, #tpu.memory_space<vmem>>, %arg17: memref<80x128xf32, #tpu.memory_space<vmem>>, %arg18: memref<80x128xf32, #tpu.memory_space<vmem>>, %arg19: memref<!tpu.dma_semaphore, #tpu.memory_space<semaphore_mem>>, %arg20: memref<!tpu.dma_semaphore, #tpu.memory_space<semaphore_mem>>, %arg21: memref<!tpu.dma_semaphore, #tpu.memory_space<semaphore_mem>>, %arg22: memref<!tpu.dma_semaphore, #tpu.memory_space<semaphore_mem>>, %arg23: memref<!tpu.dma_semaphore, #tpu.memory_space<semaphore_mem>>, %arg24: memref<!tpu.dma_semaphore, #tpu.memory_space<semaphore_mem>>, %arg25: memref<!tpu.dma_semaphore, #tpu.memory_space<semaphore_mem>>, %arg26: memref<!tpu.dma_semaphore, #tpu.memory_space<semaphore_mem>>, %arg27: memref<!tpu.dma_semaphore, #tpu.memory_space<semaphore_mem>>, %arg28: memref<!tpu.dma_semaphore, #tpu.memory_space<semaphore_mem>>, %arg29: memref<!tpu.dma_semaphore, #tpu.memory_space<semaphore_mem>>, %arg30: memref<!tpu.dma_semaphore, #tpu.memory_space<semaphore_mem>>) attributes {dimension_semantics = [#tpu.dimension_semantics<core_parallel>, #tpu.dimension_semantics<subcore_parallel>], iteration_bounds = array<i64: 2, 16>, scalar_prefetch = 0 : i64, scratch_operands = 25 : i64, tpu.core_type = #tpu.core_type<sc_vector_subcore>, window_params = [{transform_indices = #map}, {transform_indices = #map1}, {transform_indices = #map1}, {transform_indices = #map}]} {
    %mul3A = arith.constant 2 : i32
    %mul3A_0 = arith.muli %arg1, %mul3A : i32
    %add3A = arith.addi %mul3A_0, %arg0 : i32
    %mul3A_1 = arith.constant 125 : i32
    %mul3A_2 = arith.muli %add3A, %mul3A_1 : i32
    %mul3A_3 = arith.constant 80 : i32
    %mul3A_4 = arith.muli %mul3A_2, %mul3A_3 : i32
    %add3A_5 = arith.constant 0 : i32
    %add3A_6 = arith.addi %mul3A_4, %add3A_5 : i32
    %dma_start3A = tpu.memref_slice %arg3[%add3A_6] : memref<320000xi32, #tpu.memory_space<hbm>> -> memref<80xi32, #tpu.memory_space<hbm>>
    %dma_start3A_7 = tpu.memref_slice %arg3[%add3A_6] : memref<320000xi32, #tpu.memory_space<hbm>> -> memref<80xi32, #tpu.memory_space<hbm>>
    tpu.enqueue_dma source(%dma_start3A_7 : memref<80xi32, #tpu.memory_space<hbm>>) target(%arg7 : memref<80xi32, #tpu.memory_space<vmem>>) target_semaphore(%arg19 : memref<!tpu.dma_semaphore, #tpu.memory_space<semaphore_mem>>)
    %add3A_8 = arith.constant 0 : i32
    %add3A_9 = arith.addi %mul3A_4, %add3A_8 : i32
    %dma_start3A_10 = tpu.memref_slice %arg4[%add3A_9] : memref<320000xi32, #tpu.memory_space<hbm>> -> memref<80xi32, #tpu.memory_space<hbm>>
    %dma_start3A_11 = tpu.memref_slice %arg4[%add3A_9] : memref<320000xi32, #tpu.memory_space<hbm>> -> memref<80xi32, #tpu.memory_space<hbm>>
    tpu.enqueue_dma source(%dma_start3A_11 : memref<80xi32, #tpu.memory_space<hbm>>) target(%arg11 : memref<80xi32, #tpu.memory_space<vmem>>) target_semaphore(%arg19 : memref<!tpu.dma_semaphore, #tpu.memory_space<semaphore_mem>>)
    %add3A_12 = arith.constant 80 : i32
    %add3A_13 = arith.addi %mul3A_4, %add3A_12 : i32
    %dma_start3A_14 = tpu.memref_slice %arg3[%add3A_13] : memref<320000xi32, #tpu.memory_space<hbm>> -> memref<80xi32, #tpu.memory_space<hbm>>
    %dma_start3A_15 = tpu.memref_slice %arg3[%add3A_13] : memref<320000xi32, #tpu.memory_space<hbm>> -> memref<80xi32, #tpu.memory_space<hbm>>
    tpu.enqueue_dma source(%dma_start3A_15 : memref<80xi32, #tpu.memory_space<hbm>>) target(%arg8 : memref<80xi32, #tpu.memory_space<vmem>>) target_semaphore(%arg20 : memref<!tpu.dma_semaphore, #tpu.memory_space<semaphore_mem>>)
    %add3A_16 = arith.constant 80 : i32
    %add3A_17 = arith.addi %mul3A_4, %add3A_16 : i32
    %dma_start3A_18 = tpu.memref_slice %arg4[%add3A_17] : memref<320000xi32, #tpu.memory_space<hbm>> -> memref<80xi32, #tpu.memory_space<hbm>>
    %dma_start3A_19 = tpu.memref_slice %arg4[%add3A_17] : memref<320000xi32, #tpu.memory_space<hbm>> -> memref<80xi32, #tpu.memory_space<hbm>>
    tpu.enqueue_dma source(%dma_start3A_19 : memref<80xi32, #tpu.memory_space<hbm>>) target(%arg12 : memref<80xi32, #tpu.memory_space<vmem>>) target_semaphore(%arg20 : memref<!tpu.dma_semaphore, #tpu.memory_space<semaphore_mem>>)
    %add3A_20 = arith.constant 160 : i32
    %add3A_21 = arith.addi %mul3A_4, %add3A_20 : i32
    %dma_start3A_22 = tpu.memref_slice %arg3[%add3A_21] : memref<320000xi32, #tpu.memory_space<hbm>> -> memref<80xi32, #tpu.memory_space<hbm>>
    %dma_start3A_23 = tpu.memref_slice %arg3[%add3A_21] : memref<320000xi32, #tpu.memory_space<hbm>> -> memref<80xi32, #tpu.memory_space<hbm>>
    tpu.enqueue_dma source(%dma_start3A_23 : memref<80xi32, #tpu.memory_space<hbm>>) target(%arg9 : memref<80xi32, #tpu.memory_space<vmem>>) target_semaphore(%arg21 : memref<!tpu.dma_semaphore, #tpu.memory_space<semaphore_mem>>)
    %add3A_24 = arith.constant 160 : i32
    %add3A_25 = arith.addi %mul3A_4, %add3A_24 : i32
    %dma_start3A_26 = tpu.memref_slice %arg4[%add3A_25] : memref<320000xi32, #tpu.memory_space<hbm>> -> memref<80xi32, #tpu.memory_space<hbm>>
    %dma_start3A_27 = tpu.memref_slice %arg4[%add3A_25] : memref<320000xi32, #tpu.memory_space<hbm>> -> memref<80xi32, #tpu.memory_space<hbm>>
    tpu.enqueue_dma source(%dma_start3A_27 : memref<80xi32, #tpu.memory_space<hbm>>) target(%arg13 : memref<80xi32, #tpu.memory_space<vmem>>) target_semaphore(%arg21 : memref<!tpu.dma_semaphore, #tpu.memory_space<semaphore_mem>>)
    %scan3A = arith.constant 0 : i32
    %scan3A_28 = arith.constant 0 : i32
    %scan3A_29 = arith.constant 80 : i32
    %scan3A_30 = arith.addi %scan3A_28, %scan3A_29 : i32
    %scan3A_31 = arith.constant 1 : i32
    scf.for %scan3A_123 = %scan3A_28 to %scan3A_30 step %scan3A_31  : i32 {
      %broadcast_in_dim3A = arith.constant 0.000000e+00 : f32
      %broadcast_in_dim3A_124 = vector.broadcast %broadcast_in_dim3A : f32 to vector<16xf32>
      %swap3A = arith.index_cast %scan3A_123 : i32 to index
      %swap3A_125 = arith.constant 0 : index
      %swap3A_126 = tpu.vector_load %arg18[%swap3A, %swap3A_125] {strides = array<i32>} : memref<80x128xf32, #tpu.memory_space<vmem>>, vector<1x16xf32>,
      %swap3A_127 = vector.shape_cast %swap3A_126 : vector<1x16xf32> to vector<16xf32>
      %swap3A_128 = vector.shape_cast %broadcast_in_dim3A_124 : vector<16xf32> to vector<1x16xf32>
      tpu.vector_store %arg18[%swap3A, %swap3A_125], %swap3A_128 {strides = array<i32>} : memref<80x128xf32, #tpu.memory_space<vmem>>, vector<1x16xf32>,
      %broadcast_in_dim3A_129 = arith.constant 0.000000e+00 : f32
      %broadcast_in_dim3A_130 = vector.broadcast %broadcast_in_dim3A_129 : f32 to vector<16xf32>
      %swap3A_131 = arith.index_cast %scan3A_123 : i32 to index
      %swap3A_132 = arith.constant 16 : index
      %swap3A_133 = tpu.vector_load %arg18[%swap3A_131, %swap3A_132] {strides = array<i32>} : memref<80x128xf32, #tpu.memory_space<vmem>>, vector<1x16xf32>,
      %swap3A_134 = vector.shape_cast %swap3A_133 : vector<1x16xf32> to vector<16xf32>
      %swap3A_135 = vector.shape_cast %broadcast_in_dim3A_130 : vector<16xf32> to vector<1x16xf32>
      tpu.vector_store %arg18[%swap3A_131, %swap3A_132], %swap3A_135 {strides = array<i32>} : memref<80x128xf32, #tpu.memory_space<vmem>>, vector<1x16xf32>,
      %broadcast_in_dim3A_136 = arith.constant 0.000000e+00 : f32
      %broadcast_in_dim3A_137 = vector.broadcast %broadcast_in_dim3A_136 : f32 to vector<16xf32>
      %swap3A_138 = arith.index_cast %scan3A_123 : i32 to index
      %swap3A_139 = arith.constant 32 : index
      %swap3A_140 = tpu.vector_load %arg18[%swap3A_138, %swap3A_139] {strides = array<i32>} : memref<80x128xf32, #tpu.memory_space<vmem>>, vector<1x16xf32>,
      %swap3A_141 = vector.shape_cast %swap3A_140 : vector<1x16xf32> to vector<16xf32>
      %swap3A_142 = vector.shape_cast %broadcast_in_dim3A_137 : vector<16xf32> to vector<1x16xf32>
      tpu.vector_store %arg18[%swap3A_138, %swap3A_139], %swap3A_142 {strides = array<i32>} : memref<80x128xf32, #tpu.memory_space<vmem>>, vector<1x16xf32>,
      %broadcast_in_dim3A_143 = arith.constant 0.000000e+00 : f32
      %broadcast_in_dim3A_144 = vector.broadcast %broadcast_in_dim3A_143 : f32 to vector<16xf32>
      %swap3A_145 = arith.index_cast %scan3A_123 : i32 to index
      %swap3A_146 = arith.constant 48 : index
      %swap3A_147 = tpu.vector_load %arg18[%swap3A_145, %swap3A_146] {strides = array<i32>} : memref<80x128xf32, #tpu.memory_space<vmem>>, vector<1x16xf32>,
      %swap3A_148 = vector.shape_cast %swap3A_147 : vector<1x16xf32> to vector<16xf32>
      %swap3A_149 = vector.shape_cast %broadcast_in_dim3A_144 : vector<16xf32> to vector<1x16xf32>
      tpu.vector_store %arg18[%swap3A_145, %swap3A_146], %swap3A_149 {strides = array<i32>} : memref<80x128xf32, #tpu.memory_space<vmem>>, vector<1x16xf32>,
      %broadcast_in_dim3A_150 = arith.constant 0.000000e+00 : f32
      %broadcast_in_dim3A_151 = vector.broadcast %broadcast_in_dim3A_150 : f32 to vector<16xf32>
      %swap3A_152 = arith.index_cast %scan3A_123 : i32 to index
      %swap3A_153 = arith.constant 64 : index
      %swap3A_154 = tpu.vector_load %arg18[%swap3A_152, %swap3A_153] {strides = array<i32>} : memref<80x128xf32, #tpu.memory_space<vmem>>, vector<1x16xf32>,
      %swap3A_155 = vector.shape_cast %swap3A_154 : vector<1x16xf32> to vector<16xf32>
      %swap3A_156 = vector.shape_cast %broadcast_in_dim3A_151 : vector<16xf32> to vector<1x16xf32>
      tpu.vector_store %arg18[%swap3A_152, %swap3A_153], %swap3A_156 {strides = array<i32>} : memref<80x128xf32, #tpu.memory_space<vmem>>, vector<1x16xf32>,
      %broadcast_in_dim3A_157 = arith.constant 0.000000e+00 : f32
      %broadcast_in_dim3A_158 = vector.broadcast %broadcast_in_dim3A_157 : f32 to vector<16xf32>
      %swap3A_159 = arith.index_cast %scan3A_123 : i32 to index
      %swap3A_160 = arith.constant 80 : index
      %swap3A_161 = tpu.vector_load %arg18[%swap3A_159, %swap3A_160] {strides = array<i32>} : memref<80x128xf32, #tpu.memory_space<vmem>>, vector<1x16xf32>,
      %swap3A_162 = vector.shape_cast %swap3A_161 : vector<1x16xf32> to vector<16xf32>
      %swap3A_163 = vector.shape_cast %broadcast_in_dim3A_158 : vector<16xf32> to vector<1x16xf32>
      tpu.vector_store %arg18[%swap3A_159, %swap3A_160], %swap3A_163 {strides = array<i32>} : memref<80x128xf32, #tpu.memory_space<vmem>>, vector<1x16xf32>,
      %broadcast_in_dim3A_164 = arith.constant 0.000000e+00 : f32
      %broadcast_in_dim3A_165 = vector.broadcast %broadcast_in_dim3A_164 : f32 to vector<16xf32>
      %swap3A_166 = arith.index_cast %scan3A_123 : i32 to index
      %swap3A_167 = arith.constant 96 : index
      %swap3A_168 = tpu.vector_load %arg18[%swap3A_166, %swap3A_167] {strides = array<i32>} : memref<80x128xf32, #tpu.memory_space<vmem>>, vector<1x16xf32>,
      %swap3A_169 = vector.shape_cast %swap3A_168 : vector<1x16xf32> to vector<16xf32>
      %swap3A_170 = vector.shape_cast %broadcast_in_dim3A_165 : vector<16xf32> to vector<1x16xf32>
      tpu.vector_store %arg18[%swap3A_166, %swap3A_167], %swap3A_170 {strides = array<i32>} : memref<80x128xf32, #tpu.memory_space<vmem>>, vector<1x16xf32>,
      %broadcast_in_dim3A_171 = arith.constant 0.000000e+00 : f32
      %broadcast_in_dim3A_172 = vector.broadcast %broadcast_in_dim3A_171 : f32 to vector<16xf32>
      %swap3A_173 = arith.index_cast %scan3A_123 : i32 to index
      %swap3A_174 = arith.constant 112 : index
      %swap3A_175 = tpu.vector_load %arg18[%swap3A_173, %swap3A_174] {strides = array<i32>} : memref<80x128xf32, #tpu.memory_space<vmem>>, vector<1x16xf32>,
      %swap3A_176 = vector.shape_cast %swap3A_175 : vector<1x16xf32> to vector<16xf32>
      %swap3A_177 = vector.shape_cast %broadcast_in_dim3A_172 : vector<16xf32> to vector<1x16xf32>
      tpu.vector_store %arg18[%swap3A_173, %swap3A_174], %swap3A_177 {strides = array<i32>} : memref<80x128xf32, #tpu.memory_space<vmem>>, vector<1x16xf32>,
    }
    %scan3A_32 = arith.constant 80 : i32
    %dma_wait3A = tpu.memref_slice %arg3[%mul3A_4] : memref<320000xi32, #tpu.memory_space<hbm>> -> memref<80xi32, #tpu.memory_space<hbm>>
    %dma_wait3A_33 = tpu.memref_slice %arg3[%mul3A_4] : memref<320000xi32, #tpu.memory_space<hbm>> -> memref<80xi32, #tpu.memory_space<hbm>>
    tpu.wait_dma2 semaphore(%arg19 : memref<!tpu.dma_semaphore, #tpu.memory_space<semaphore_mem>>) src(%dma_wait3A_33 : memref<80xi32, #tpu.memory_space<hbm>>) dst(%arg7 : memref<80xi32, #tpu.memory_space<vmem>>)
    %dma_wait3A_34 = tpu.memref_slice %arg4[%mul3A_4] : memref<320000xi32, #tpu.memory_space<hbm>> -> memref<80xi32, #tpu.memory_space<hbm>>
    %dma_wait3A_35 = tpu.memref_slice %arg4[%mul3A_4] : memref<320000xi32, #tpu.memory_space<hbm>> -> memref<80xi32, #tpu.memory_space<hbm>>
    tpu.wait_dma2 semaphore(%arg19 : memref<!tpu.dma_semaphore, #tpu.memory_space<semaphore_mem>>) src(%dma_wait3A_35 : memref<80xi32, #tpu.memory_space<hbm>>) dst(%arg11 : memref<80xi32, #tpu.memory_space<vmem>>)
    %dma_start3A_36 = arith.constant 0 : i32
    %dma_start3A_37 = arith.constant 0 : i32
    %dma_start3A_38 = tpu.memref_slice %arg2[%dma_start3A_36, %dma_start3A_37] : memref<10000x128xf32, #tpu.memory_space<hbm>> -> memref<10000x128xf32, #tpu.memory_space<hbm>>
    tpu.enqueue_indirect_dma source(%dma_start3A_38 : memref<10000x128xf32, #tpu.memory_space<hbm>>) target(%arg15 : memref<80x128xf32, #tpu.memory_space<vmem>>) offsets(%arg7 : memref<80xi32, #tpu.memory_space<vmem>>) semaphore(%arg23 : memref<!tpu.dma_semaphore, #tpu.memory_space<semaphore_mem>>)
    %dma_wait3A_39 = tpu.memref_slice %arg3[%mul3A_4] : memref<320000xi32, #tpu.memory_space<hbm>> -> memref<80xi32, #tpu.memory_space<hbm>>
    %dma_wait3A_40 = tpu.memref_slice %arg3[%mul3A_4] : memref<320000xi32, #tpu.memory_space<hbm>> -> memref<80xi32, #tpu.memory_space<hbm>>
    tpu.wait_dma2 semaphore(%arg20 : memref<!tpu.dma_semaphore, #tpu.memory_space<semaphore_mem>>) src(%dma_wait3A_40 : memref<80xi32, #tpu.memory_space<hbm>>) dst(%arg8 : memref<80xi32, #tpu.memory_space<vmem>>)
    %dma_wait3A_41 = tpu.memref_slice %arg4[%mul3A_4] : memref<320000xi32, #tpu.memory_space<hbm>> -> memref<80xi32, #tpu.memory_space<hbm>>
    %dma_wait3A_42 = tpu.memref_slice %arg4[%mul3A_4] : memref<320000xi32, #tpu.memory_space<hbm>> -> memref<80xi32, #tpu.memory_space<hbm>>
    tpu.wait_dma2 semaphore(%arg20 : memref<!tpu.dma_semaphore, #tpu.memory_space<semaphore_mem>>) src(%dma_wait3A_42 : memref<80xi32, #tpu.memory_space<hbm>>) dst(%arg12 : memref<80xi32, #tpu.memory_space<vmem>>)
    %dma_start3A_43 = arith.constant 0 : i32
    %dma_start3A_44 = arith.constant 0 : i32
    %dma_start3A_45 = tpu.memref_slice %arg2[%dma_start3A_43, %dma_start3A_44] : memref<10000x128xf32, #tpu.memory_space<hbm>> -> memref<10000x128xf32, #tpu.memory_space<hbm>>
    tpu.enqueue_indirect_dma source(%dma_start3A_45 : memref<10000x128xf32, #tpu.memory_space<hbm>>) target(%arg16 : memref<80x128xf32, #tpu.memory_space<vmem>>) offsets(%arg8 : memref<80xi32, #tpu.memory_space<vmem>>) semaphore(%arg24 : memref<!tpu.dma_semaphore, #tpu.memory_space<semaphore_mem>>)
    %dma_wait3A_46 = tpu.memref_slice %arg3[%mul3A_4] : memref<320000xi32, #tpu.memory_space<hbm>> -> memref<80xi32, #tpu.memory_space<hbm>>
    %dma_wait3A_47 = tpu.memref_slice %arg3[%mul3A_4] : memref<320000xi32, #tpu.memory_space<hbm>> -> memref<80xi32, #tpu.memory_space<hbm>>
    tpu.wait_dma2 semaphore(%arg21 : memref<!tpu.dma_semaphore, #tpu.memory_space<semaphore_mem>>) src(%dma_wait3A_47 : memref<80xi32, #tpu.memory_space<hbm>>) dst(%arg9 : memref<80xi32, #tpu.memory_space<vmem>>)
    %dma_wait3A_48 = tpu.memref_slice %arg4[%mul3A_4] : memref<320000xi32, #tpu.memory_space<hbm>> -> memref<80xi32, #tpu.memory_space<hbm>>
    %dma_wait3A_49 = tpu.memref_slice %arg4[%mul3A_4] : memref<320000xi32, #tpu.memory_space<hbm>> -> memref<80xi32, #tpu.memory_space<hbm>>
    tpu.wait_dma2 semaphore(%arg21 : memref<!tpu.dma_semaphore, #tpu.memory_space<semaphore_mem>>) src(%dma_wait3A_49 : memref<80xi32, #tpu.memory_space<hbm>>) dst(%arg13 : memref<80xi32, #tpu.memory_space<vmem>>)
    %dma_start3A_50 = arith.constant 0 : i32
    %dma_start3A_51 = arith.constant 0 : i32
    %dma_start3A_52 = tpu.memref_slice %arg2[%dma_start3A_50, %dma_start3A_51] : memref<10000x128xf32, #tpu.memory_space<hbm>> -> memref<10000x128xf32, #tpu.memory_space<hbm>>
    tpu.enqueue_indirect_dma source(%dma_start3A_52 : memref<10000x128xf32, #tpu.memory_space<hbm>>) target(%arg17 : memref<80x128xf32, #tpu.memory_space<vmem>>) offsets(%arg9 : memref<80xi32, #tpu.memory_space<vmem>>) semaphore(%arg25 : memref<!tpu.dma_semaphore, #tpu.memory_space<semaphore_mem>>)
    %add3A_53 = arith.constant 240 : i32
    %add3A_54 = arith.addi %mul3A_4, %add3A_53 : i32
    %dma_start3A_55 = tpu.memref_slice %arg3[%add3A_54] : memref<320000xi32, #tpu.memory_space<hbm>> -> memref<80xi32, #tpu.memory_space<hbm>>
    %dma_start3A_56 = tpu.memref_slice %arg3[%add3A_54] : memref<320000xi32, #tpu.memory_space<hbm>> -> memref<80xi32, #tpu.memory_space<hbm>>
    tpu.enqueue_dma source(%dma_start3A_56 : memref<80xi32, #tpu.memory_space<hbm>>) target(%arg10 : memref<80xi32, #tpu.memory_space<vmem>>) target_semaphore(%arg22 : memref<!tpu.dma_semaphore, #tpu.memory_space<semaphore_mem>>)
    %add3A_57 = arith.constant 240 : i32
    %add3A_58 = arith.addi %mul3A_4, %add3A_57 : i32
    %dma_start3A_59 = tpu.memref_slice %arg4[%add3A_58] : memref<320000xi32, #tpu.memory_space<hbm>> -> memref<80xi32, #tpu.memory_space<hbm>>
    %dma_start3A_60 = tpu.memref_slice %arg4[%add3A_58] : memref<320000xi32, #tpu.memory_space<hbm>> -> memref<80xi32, #tpu.memory_space<hbm>>
    tpu.enqueue_dma source(%dma_start3A_60 : memref<80xi32, #tpu.memory_space<hbm>>) target(%arg14 : memref<80xi32, #tpu.memory_space<vmem>>) target_semaphore(%arg22 : memref<!tpu.dma_semaphore, #tpu.memory_space<semaphore_mem>>)
    %mul3A_61 = arith.constant 640 : i32
    %mul3A_62 = arith.muli %arg1, %mul3A_61 : i32
    %add3A_63 = arith.constant 0 : i32
    %add3A_64 = arith.addi %mul3A_62, %add3A_63 : i32
    "tpu.region"() ({
      %run_scoped3A = tpu.sem_alloc : memref<!tpu.dma_semaphore, #tpu.memory_space<semaphore_mem>>
      %dma_start3A_123 = arith.constant 0 : i32
      %dma_start3A_124 = tpu.memref_slice %arg6[%add3A_64, %dma_start3A_123] : memref<10240x128xf32, #tpu.memory_space<vmem_shared>> -> memref<80x128xf32, #tpu.memory_space<vmem_shared>>
      %dma_start3A_125 = arith.constant 0 : i32
      %dma_start3A_126 = tpu.memref_slice %arg6[%add3A_64, %dma_start3A_125] : memref<10240x128xf32, #tpu.memory_space<vmem_shared>> -> memref<80x128xf32, #tpu.memory_space<vmem_shared>>
      tpu.enqueue_dma source(%arg18 : memref<80x128xf32, #tpu.memory_space<vmem>>) target(%dma_start3A_126 : memref<80x128xf32, #tpu.memory_space<vmem_shared>>) target_semaphore(%run_scoped3A : memref<!tpu.dma_semaphore, #tpu.memory_space<semaphore_mem>>)
      %dma_wait3A_127 = arith.constant 0 : i32
      %dma_wait3A_128 = tpu.memref_slice %arg6[%add3A_64, %dma_wait3A_127] : memref<10240x128xf32, #tpu.memory_space<vmem_shared>> -> memref<80x128xf32, #tpu.memory_space<vmem_shared>>
      %dma_wait3A_129 = arith.constant 0 : i32
      %dma_wait3A_130 = tpu.memref_slice %arg6[%add3A_64, %dma_wait3A_129] : memref<10240x128xf32, #tpu.memory_space<vmem_shared>> -> memref<80x128xf32, #tpu.memory_space<vmem_shared>>
      tpu.wait_dma2 semaphore(%run_scoped3A : memref<!tpu.dma_semaphore, #tpu.memory_space<semaphore_mem>>) src(%arg18 : memref<80x128xf32, #tpu.memory_space<vmem>>) dst(%dma_wait3A_130 : memref<80x128xf32, #tpu.memory_space<vmem_shared>>)
      tpu.yield
    }) : () -> ()
    %mul3A_65 = arith.constant 640 : i32
    %mul3A_66 = arith.muli %arg1, %mul3A_65 : i32
    %add3A_67 = arith.constant 80 : i32
    %add3A_68 = arith.addi %mul3A_66, %add3A_67 : i32
    "tpu.region"() ({
      %run_scoped3A = tpu.sem_alloc : memref<!tpu.dma_semaphore, #tpu.memory_space<semaphore_mem>>
      %dma_start3A_123 = arith.constant 0 : i32
      %dma_start3A_124 = tpu.memref_slice %arg6[%add3A_68, %dma_start3A_123] : memref<10240x128xf32, #tpu.memory_space<vmem_shared>> -> memref<80x128xf32, #tpu.memory_space<vmem_shared>>
      %dma_start3A_125 = arith.constant 0 : i32
      %dma_start3A_126 = tpu.memref_slice %arg6[%add3A_68, %dma_start3A_125] : memref<10240x128xf32, #tpu.memory_space<vmem_shared>> -> memref<80x128xf32, #tpu.memory_space<vmem_shared>>
      tpu.enqueue_dma source(%arg18 : memref<80x128xf32, #tpu.memory_space<vmem>>) target(%dma_start3A_126 : memref<80x128xf32, #tpu.memory_space<vmem_shared>>) target_semaphore(%run_scoped3A : memref<!tpu.dma_semaphore, #tpu.memory_space<semaphore_mem>>)
      %dma_wait3A_127 = arith.constant 0 : i32
      %dma_wait3A_128 = tpu.memref_slice %arg6[%add3A_68, %dma_wait3A_127] : memref<10240x128xf32, #tpu.memory_space<vmem_shared>> -> memref<80x128xf32, #tpu.memory_space<vmem_shared>>
      %dma_wait3A_129 = arith.constant 0 : i32
      %dma_wait3A_130 = tpu.memref_slice %arg6[%add3A_68, %dma_wait3A_129] : memref<10240x128xf32, #tpu.memory_space<vmem_shared>> -> memref<80x128xf32, #tpu.memory_space<vmem_shared>>
      tpu.wait_dma2 semaphore(%run_scoped3A : memref<!tpu.dma_semaphore, #tpu.memory_space<semaphore_mem>>) src(%arg18 : memref<80x128xf32, #tpu.memory_space<vmem>>) dst(%dma_wait3A_130 : memref<80x128xf32, #tpu.memory_space<vmem_shared>>)
      tpu.yield
    }) : () -> ()
    %mul3A_69 = arith.constant 640 : i32
    %mul3A_70 = arith.muli %arg1, %mul3A_69 : i32
    %add3A_71 = arith.constant 160 : i32
    %add3A_72 = arith.addi %mul3A_70, %add3A_71 : i32
    "tpu.region"() ({
      %run_scoped3A = tpu.sem_alloc : memref<!tpu.dma_semaphore, #tpu.memory_space<semaphore_mem>>
      %dma_start3A_123 = arith.constant 0 : i32
      %dma_start3A_124 = tpu.memref_slice %arg6[%add3A_72, %dma_start3A_123] : memref<10240x128xf32, #tpu.memory_space<vmem_shared>> -> memref<80x128xf32, #tpu.memory_space<vmem_shared>>
      %dma_start3A_125 = arith.constant 0 : i32
      %dma_start3A_126 = tpu.memref_slice %arg6[%add3A_72, %dma_start3A_125] : memref<10240x128xf32, #tpu.memory_space<vmem_shared>> -> memref<80x128xf32, #tpu.memory_space<vmem_shared>>
      tpu.enqueue_dma source(%arg18 : memref<80x128xf32, #tpu.memory_space<vmem>>) target(%dma_start3A_126 : memref<80x128xf32, #tpu.memory_space<vmem_shared>>) target_semaphore(%run_scoped3A : memref<!tpu.dma_semaphore, #tpu.memory_space<semaphore_mem>>)
      %dma_wait3A_127 = arith.constant 0 : i32
      %dma_wait3A_128 = tpu.memref_slice %arg6[%add3A_72, %dma_wait3A_127] : memref<10240x128xf32, #tpu.memory_space<vmem_shared>> -> memref<80x128xf32, #tpu.memory_space<vmem_shared>>
      %dma_wait3A_129 = arith.constant 0 : i32
      %dma_wait3A_130 = tpu.memref_slice %arg6[%add3A_72, %dma_wait3A_129] : memref<10240x128xf32, #tpu.memory_space<vmem_shared>> -> memref<80x128xf32, #tpu.memory_space<vmem_shared>>
      tpu.wait_dma2 semaphore(%run_scoped3A : memref<!tpu.dma_semaphore, #tpu.memory_space<semaphore_mem>>) src(%arg18 : memref<80x128xf32, #tpu.memory_space<vmem>>) dst(%dma_wait3A_130 : memref<80x128xf32, #tpu.memory_space<vmem_shared>>)
      tpu.yield
    }) : () -> ()
    %mul3A_73 = arith.constant 640 : i32
    %mul3A_74 = arith.muli %arg1, %mul3A_73 : i32
    %add3A_75 = arith.constant 240 : i32
    %add3A_76 = arith.addi %mul3A_74, %add3A_75 : i32
    "tpu.region"() ({
      %run_scoped3A = tpu.sem_alloc : memref<!tpu.dma_semaphore, #tpu.memory_space<semaphore_mem>>
      %dma_start3A_123 = arith.constant 0 : i32
      %dma_start3A_124 = tpu.memref_slice %arg6[%add3A_76, %dma_start3A_123] : memref<10240x128xf32, #tpu.memory_space<vmem_shared>> -> memref<80x128xf32, #tpu.memory_space<vmem_shared>>
      %dma_start3A_125 = arith.constant 0 : i32
      %dma_start3A_126 = tpu.memref_slice %arg6[%add3A_76, %dma_start3A_125] : memref<10240x128xf32, #tpu.memory_space<vmem_shared>> -> memref<80x128xf32, #tpu.memory_space<vmem_shared>>
      tpu.enqueue_dma source(%arg18 : memref<80x128xf32, #tpu.memory_space<vmem>>) target(%dma_start3A_126 : memref<80x128xf32, #tpu.memory_space<vmem_shared>>) target_semaphore(%run_scoped3A : memref<!tpu.dma_semaphore, #tpu.memory_space<semaphore_mem>>)
      %dma_wait3A_127 = arith.constant 0 : i32
      %dma_wait3A_128 = tpu.memref_slice %arg6[%add3A_76, %dma_wait3A_127] : memref<10240x128xf32, #tpu.memory_space<vmem_shared>> -> memref<80x128xf32, #tpu.memory_space<vmem_shared>>
      %dma_wait3A_129 = arith.constant 0 : i32
      %dma_wait3A_130 = tpu.memref_slice %arg6[%add3A_76, %dma_wait3A_129] : memref<10240x128xf32, #tpu.memory_space<vmem_shared>> -> memref<80x128xf32, #tpu.memory_space<vmem_shared>>
      tpu.wait_dma2 semaphore(%run_scoped3A : memref<!tpu.dma_semaphore, #tpu.memory_space<semaphore_mem>>) src(%arg18 : memref<80x128xf32, #tpu.memory_space<vmem>>) dst(%dma_wait3A_130 : memref<80x128xf32, #tpu.memory_space<vmem_shared>>)
      tpu.yield
    }) : () -> ()
    %mul3A_77 = arith.constant 640 : i32
    %mul3A_78 = arith.muli %arg1, %mul3A_77 : i32
    %add3A_79 = arith.constant 320 : i32
    %add3A_80 = arith.addi %mul3A_78, %add3A_79 : i32
    "tpu.region"() ({
      %run_scoped3A = tpu.sem_alloc : memref<!tpu.dma_semaphore, #tpu.memory_space<semaphore_mem>>
      %dma_start3A_123 = arith.constant 0 : i32
      %dma_start3A_124 = tpu.memref_slice %arg6[%add3A_80, %dma_start3A_123] : memref<10240x128xf32, #tpu.memory_space<vmem_shared>> -> memref<80x128xf32, #tpu.memory_space<vmem_shared>>
      %dma_start3A_125 = arith.constant 0 : i32
      %dma_start3A_126 = tpu.memref_slice %arg6[%add3A_80, %dma_start3A_125] : memref<10240x128xf32, #tpu.memory_space<vmem_shared>> -> memref<80x128xf32, #tpu.memory_space<vmem_shared>>
      tpu.enqueue_dma source(%arg18 : memref<80x128xf32, #tpu.memory_space<vmem>>) target(%dma_start3A_126 : memref<80x128xf32, #tpu.memory_space<vmem_shared>>) target_semaphore(%run_scoped3A : memref<!tpu.dma_semaphore, #tpu.memory_space<semaphore_mem>>)
      %dma_wait3A_127 = arith.constant 0 : i32
      %dma_wait3A_128 = tpu.memref_slice %arg6[%add3A_80, %dma_wait3A_127] : memref<10240x128xf32, #tpu.memory_space<vmem_shared>> -> memref<80x128xf32, #tpu.memory_space<vmem_shared>>
      %dma_wait3A_129 = arith.constant 0 : i32
      %dma_wait3A_130 = tpu.memref_slice %arg6[%add3A_80, %dma_wait3A_129] : memref<10240x128xf32, #tpu.memory_space<vmem_shared>> -> memref<80x128xf32, #tpu.memory_space<vmem_shared>>
      tpu.wait_dma2 semaphore(%run_scoped3A : memref<!tpu.dma_semaphore, #tpu.memory_space<semaphore_mem>>) src(%arg18 : memref<80x128xf32, #tpu.memory_space<vmem>>) dst(%dma_wait3A_130 : memref<80x128xf32, #tpu.memory_space<vmem_shared>>)
      tpu.yield
    }) : () -> ()
    %mul3A_81 = arith.constant 640 : i32
    %mul3A_82 = arith.muli %arg1, %mul3A_81 : i32
    %add3A_83 = arith.constant 400 : i32
    %add3A_84 = arith.addi %mul3A_82, %add3A_83 : i32
    "tpu.region"() ({
      %run_scoped3A = tpu.sem_alloc : memref<!tpu.dma_semaphore, #tpu.memory_space<semaphore_mem>>
      %dma_start3A_123 = arith.constant 0 : i32
      %dma_start3A_124 = tpu.memref_slice %arg6[%add3A_84, %dma_start3A_123] : memref<10240x128xf32, #tpu.memory_space<vmem_shared>> -> memref<80x128xf32, #tpu.memory_space<vmem_shared>>
      %dma_start3A_125 = arith.constant 0 : i32
      %dma_start3A_126 = tpu.memref_slice %arg6[%add3A_84, %dma_start3A_125] : memref<10240x128xf32, #tpu.memory_space<vmem_shared>> -> memref<80x128xf32, #tpu.memory_space<vmem_shared>>
      tpu.enqueue_dma source(%arg18 : memref<80x128xf32, #tpu.memory_space<vmem>>) target(%dma_start3A_126 : memref<80x128xf32, #tpu.memory_space<vmem_shared>>) target_semaphore(%run_scoped3A : memref<!tpu.dma_semaphore, #tpu.memory_space<semaphore_mem>>)
      %dma_wait3A_127 = arith.constant 0 : i32
      %dma_wait3A_128 = tpu.memref_slice %arg6[%add3A_84, %dma_wait3A_127] : memref<10240x128xf32, #tpu.memory_space<vmem_shared>> -> memref<80x128xf32, #tpu.memory_space<vmem_shared>>
      %dma_wait3A_129 = arith.constant 0 : i32
      %dma_wait3A_130 = tpu.memref_slice %arg6[%add3A_84, %dma_wait3A_129] : memref<10240x128xf32, #tpu.memory_space<vmem_shared>> -> memref<80x128xf32, #tpu.memory_space<vmem_shared>>
      tpu.wait_dma2 semaphore(%run_scoped3A : memref<!tpu.dma_semaphore, #tpu.memory_space<semaphore_mem>>) src(%arg18 : memref<80x128xf32, #tpu.memory_space<vmem>>) dst(%dma_wait3A_130 : memref<80x128xf32, #tpu.memory_space<vmem_shared>>)
      tpu.yield
    }) : () -> ()
    %mul3A_85 = arith.constant 640 : i32
    %mul3A_86 = arith.muli %arg1, %mul3A_85 : i32
    %add3A_87 = arith.constant 480 : i32
    %add3A_88 = arith.addi %mul3A_86, %add3A_87 : i32
    "tpu.region"() ({
      %run_scoped3A = tpu.sem_alloc : memref<!tpu.dma_semaphore, #tpu.memory_space<semaphore_mem>>
      %dma_start3A_123 = arith.constant 0 : i32
      %dma_start3A_124 = tpu.memref_slice %arg6[%add3A_88, %dma_start3A_123] : memref<10240x128xf32, #tpu.memory_space<vmem_shared>> -> memref<80x128xf32, #tpu.memory_space<vmem_shared>>
      %dma_start3A_125 = arith.constant 0 : i32
      %dma_start3A_126 = tpu.memref_slice %arg6[%add3A_88, %dma_start3A_125] : memref<10240x128xf32, #tpu.memory_space<vmem_shared>> -> memref<80x128xf32, #tpu.memory_space<vmem_shared>>
      tpu.enqueue_dma source(%arg18 : memref<80x128xf32, #tpu.memory_space<vmem>>) target(%dma_start3A_126 : memref<80x128xf32, #tpu.memory_space<vmem_shared>>) target_semaphore(%run_scoped3A : memref<!tpu.dma_semaphore, #tpu.memory_space<semaphore_mem>>)
      %dma_wait3A_127 = arith.constant 0 : i32
      %dma_wait3A_128 = tpu.memref_slice %arg6[%add3A_88, %dma_wait3A_127] : memref<10240x128xf32, #tpu.memory_space<vmem_shared>> -> memref<80x128xf32, #tpu.memory_space<vmem_shared>>
      %dma_wait3A_129 = arith.constant 0 : i32
      %dma_wait3A_130 = tpu.memref_slice %arg6[%add3A_88, %dma_wait3A_129] : memref<10240x128xf32, #tpu.memory_space<vmem_shared>> -> memref<80x128xf32, #tpu.memory_space<vmem_shared>>
      tpu.wait_dma2 semaphore(%run_scoped3A : memref<!tpu.dma_semaphore, #tpu.memory_space<semaphore_mem>>) src(%arg18 : memref<80x128xf32, #tpu.memory_space<vmem>>) dst(%dma_wait3A_130 : memref<80x128xf32, #tpu.memory_space<vmem_shared>>)
      tpu.yield
    }) : () -> ()
    %mul3A_89 = arith.constant 640 : i32
    %mul3A_90 = arith.muli %arg1, %mul3A_89 : i32
    %add3A_91 = arith.constant 560 : i32
    %add3A_92 = arith.addi %mul3A_90, %add3A_91 : i32
    "tpu.region"() ({
      %run_scoped3A = tpu.sem_alloc : memref<!tpu.dma_semaphore, #tpu.memory_space<semaphore_mem>>
      %dma_start3A_123 = arith.constant 0 : i32
      %dma_start3A_124 = tpu.memref_slice %arg6[%add3A_92, %dma_start3A_123] : memref<10240x128xf32, #tpu.memory_space<vmem_shared>> -> memref<80x128xf32, #tpu.memory_space<vmem_shared>>
      %dma_start3A_125 = arith.constant 0 : i32
      %dma_start3A_126 = tpu.memref_slice %arg6[%add3A_92, %dma_start3A_125] : memref<10240x128xf32, #tpu.memory_space<vmem_shared>> -> memref<80x128xf32, #tpu.memory_space<vmem_shared>>
      tpu.enqueue_dma source(%arg18 : memref<80x128xf32, #tpu.memory_space<vmem>>) target(%dma_start3A_126 : memref<80x128xf32, #tpu.memory_space<vmem_shared>>) target_semaphore(%run_scoped3A : memref<!tpu.dma_semaphore, #tpu.memory_space<semaphore_mem>>)
      %dma_wait3A_127 = arith.constant 0 : i32
      %dma_wait3A_128 = tpu.memref_slice %arg6[%add3A_92, %dma_wait3A_127] : memref<10240x128xf32, #tpu.memory_space<vmem_shared>> -> memref<80x128xf32, #tpu.memory_space<vmem_shared>>
      %dma_wait3A_129 = arith.constant 0 : i32
      %dma_wait3A_130 = tpu.memref_slice %arg6[%add3A_92, %dma_wait3A_129] : memref<10240x128xf32, #tpu.memory_space<vmem_shared>> -> memref<80x128xf32, #tpu.memory_space<vmem_shared>>
      tpu.wait_dma2 semaphore(%run_scoped3A : memref<!tpu.dma_semaphore, #tpu.memory_space<semaphore_mem>>) src(%arg18 : memref<80x128xf32, #tpu.memory_space<vmem>>) dst(%dma_wait3A_130 : memref<80x128xf32, #tpu.memory_space<vmem_shared>>)
      tpu.yield
    }) : () -> ()
    %barrier3A = arith.constant 0 : index
    tpu.barrier barrier_id(%barrier3A)
    %scan3A_93 = arith.constant 0 : i32
    %scan3A_94 = arith.constant 0 : i32
    %scan3A_95 = arith.constant 31 : i32
    %scan3A_96 = arith.addi %scan3A_94, %scan3A_95 : i32
    %scan3A_97 = arith.constant 1 : i32
    scf.for %scan3A_123 = %scan3A_94 to %scan3A_96 step %scan3A_97  : i32 {
      %mul3A_124 = arith.constant 4 : i32
      %mul3A_125 = arith.muli %mul3A_124, %scan3A_123 : i32
      %add3A_126 = arith.constant 0 : i32
      %add3A_127 = arith.addi %mul3A_125, %add3A_126 : i32
      %add3A_128 = arith.constant 4 : i32
      %add3A_129 = arith.addi %add3A_127, %add3A_128 : i32
      %sub3A = arith.constant 1 : i32
      %sub3A_130 = arith.subi %add3A_129, %sub3A : i32
      %lt3A = arith.constant 125 : i32
      %lt3A_131 = arith.cmpi slt, %sub3A_130, %lt3A : i32
      %convert_element_type3A = arith.extui %lt3A_131 : i1 to i32
      %cond3A = arith.constant 0 : i32
      %cond3A_132 = arith.cmpi ne, %convert_element_type3A, %cond3A : i32
      scf.if %cond3A_132 {
        %dma_wait3A_218 = tpu.memref_slice %arg3[%mul3A_4] : memref<320000xi32, #tpu.memory_space<hbm>> -> memref<80xi32, #tpu.memory_space<hbm>>
        %dma_wait3A_219 = tpu.memref_slice %arg3[%mul3A_4] : memref<320000xi32, #tpu.memory_space<hbm>> -> memref<80xi32, #tpu.memory_space<hbm>>
        tpu.wait_dma2 semaphore(%arg22 : memref<!tpu.dma_semaphore, #tpu.memory_space<semaphore_mem>>) src(%dma_wait3A_219 : memref<80xi32, #tpu.memory_space<hbm>>) dst(%arg10 : memref<80xi32, #tpu.memory_space<vmem>>)
        %dma_wait3A_220 = tpu.memref_slice %arg4[%mul3A_4] : memref<320000xi32, #tpu.memory_space<hbm>> -> memref<80xi32, #tpu.memory_space<hbm>>
        %dma_wait3A_221 = tpu.memref_slice %arg4[%mul3A_4] : memref<320000xi32, #tpu.memory_space<hbm>> -> memref<80xi32, #tpu.memory_space<hbm>>
        tpu.wait_dma2 semaphore(%arg22 : memref<!tpu.dma_semaphore, #tpu.memory_space<semaphore_mem>>) src(%dma_wait3A_221 : memref<80xi32, #tpu.memory_space<hbm>>) dst(%arg14 : memref<80xi32, #tpu.memory_space<vmem>>)
        %gt3A = arith.constant 0 : i32
        %gt3A_222 = arith.cmpi sgt, %add3A_127, %gt3A : i32
        %convert_element_type3A_223 = arith.extui %gt3A_222 : i1 to i32
        %cond3A_224 = arith.constant 0 : i32
        %cond3A_225 = arith.cmpi ne, %convert_element_type3A_223, %cond3A_224 : i32
        scf.if %cond3A_225 {
          %dma_wait3A_229 = arith.constant 0 : i32
          %dma_wait3A_230 = arith.constant 0 : i32
          %dma_wait3A_231 = tpu.memref_slice %arg6[%dma_wait3A_229, %dma_wait3A_230] : memref<10240x128xf32, #tpu.memory_space<vmem_shared>> -> memref<10240x128xf32, #tpu.memory_space<vmem_shared>>
          tpu.wait_indirect_dma semaphore(%arg30 : memref<!tpu.dma_semaphore, #tpu.memory_space<semaphore_mem>>) src(%arg18 : memref<80x128xf32, #tpu.memory_space<vmem>>) dst(%dma_wait3A_231 : memref<10240x128xf32, #tpu.memory_space<vmem_shared>>)
        } else {
        }
        %dma_start3A_226 = arith.constant 0 : i32
        %dma_start3A_227 = arith.constant 0 : i32
        %dma_start3A_228 = tpu.memref_slice %arg2[%dma_start3A_226, %dma_start3A_227] : memref<10000x128xf32, #tpu.memory_space<hbm>> -> memref<10000x128xf32, #tpu.memory_space<hbm>>
        tpu.enqueue_indirect_dma source(%dma_start3A_228 : memref<10000x128xf32, #tpu.memory_space<hbm>>) target(%arg18 : memref<80x128xf32, #tpu.memory_space<vmem>>) offsets(%arg10 : memref<80xi32, #tpu.memory_space<vmem>>) semaphore(%arg26 : memref<!tpu.dma_semaphore, #tpu.memory_space<semaphore_mem>>)
      } else {
      }
      %dma_wait3A_133 = arith.constant 0 : i32
      %dma_wait3A_134 = arith.constant 0 : i32
      %dma_wait3A_135 = tpu.memref_slice %arg2[%dma_wait3A_133, %dma_wait3A_134] : memref<10000x128xf32, #tpu.memory_space<hbm>> -> memref<10000x128xf32, #tpu.memory_space<hbm>>
      tpu.wait_indirect_dma semaphore(%arg23 : memref<!tpu.dma_semaphore, #tpu.memory_space<semaphore_mem>>) src(%dma_wait3A_135 : memref<10000x128xf32, #tpu.memory_space<hbm>>) dst(%arg15 : memref<80x128xf32, #tpu.memory_space<vmem>>)
      %dma_start3A_136 = arith.constant 0 : i32
      %dma_start3A_137 = arith.constant 0 : i32
      %dma_start3A_138 = tpu.memref_slice %arg6[%dma_start3A_136, %dma_start3A_137] : memref<10240x128xf32, #tpu.memory_space<vmem_shared>> -> memref<10240x128xf32, #tpu.memory_space<vmem_shared>>
      tpu.enqueue_indirect_dma source(%arg15 : memref<80x128xf32, #tpu.memory_space<vmem>>) target(%dma_start3A_138 : memref<10240x128xf32, #tpu.memory_space<vmem_shared>>) offsets(%arg11 : memref<80xi32, #tpu.memory_space<vmem>>) semaphore(%arg27 : memref<!tpu.dma_semaphore, #tpu.memory_space<semaphore_mem>>) {add = true}
      %add3A_139 = arith.constant 4 : i32
      %add3A_140 = arith.addi %add3A_127, %add3A_139 : i32
      %lt3A_141 = arith.constant 125 : i32
      %lt3A_142 = arith.cmpi slt, %add3A_140, %lt3A_141 : i32
      %convert_element_type3A_143 = arith.extui %lt3A_142 : i1 to i32
      %cond3A_144 = arith.constant 0 : i32
      %cond3A_145 = arith.cmpi ne, %convert_element_type3A_143, %cond3A_144 : i32
      scf.if %cond3A_145 {
        %add3A_218 = arith.constant 4 : i32
        %add3A_219 = arith.addi %add3A_127, %add3A_218 : i32
        %mul3A_220 = arith.constant 80 : i32
        %mul3A_221 = arith.muli %add3A_219, %mul3A_220 : i32
        %add3A_222 = arith.addi %mul3A_4, %mul3A_221 : i32
        %dma_start3A_223 = tpu.memref_slice %arg3[%add3A_222] : memref<320000xi32, #tpu.memory_space<hbm>> -> memref<80xi32, #tpu.memory_space<hbm>>
        %dma_start3A_224 = tpu.memref_slice %arg3[%add3A_222] : memref<320000xi32, #tpu.memory_space<hbm>> -> memref<80xi32, #tpu.memory_space<hbm>>
        tpu.enqueue_dma source(%dma_start3A_224 : memref<80xi32, #tpu.memory_space<hbm>>) target(%arg7 : memref<80xi32, #tpu.memory_space<vmem>>) target_semaphore(%arg19 : memref<!tpu.dma_semaphore, #tpu.memory_space<semaphore_mem>>)
        %mul3A_225 = arith.constant 80 : i32
        %mul3A_226 = arith.muli %add3A_219, %mul3A_225 : i32
        %add3A_227 = arith.addi %mul3A_4, %mul3A_226 : i32
        %dma_start3A_228 = tpu.memref_slice %arg4[%add3A_227] : memref<320000xi32, #tpu.memory_space<hbm>> -> memref<80xi32, #tpu.memory_space<hbm>>
        %dma_start3A_229 = tpu.memref_slice %arg4[%add3A_227] : memref<320000xi32, #tpu.memory_space<hbm>> -> memref<80xi32, #tpu.memory_space<hbm>>
        tpu.enqueue_dma source(%dma_start3A_229 : memref<80xi32, #tpu.memory_space<hbm>>) target(%arg11 : memref<80xi32, #tpu.memory_space<vmem>>) target_semaphore(%arg19 : memref<!tpu.dma_semaphore, #tpu.memory_space<semaphore_mem>>)
      } else {
      }
      %add3A_146 = arith.constant 1 : i32
      %add3A_147 = arith.addi %mul3A_125, %add3A_146 : i32
      %add3A_148 = arith.constant 4 : i32
      %add3A_149 = arith.addi %add3A_147, %add3A_148 : i32
      %sub3A_150 = arith.constant 1 : i32
      %sub3A_151 = arith.subi %add3A_149, %sub3A_150 : i32
      %lt3A_152 = arith.constant 125 : i32
      %lt3A_153 = arith.cmpi slt, %sub3A_151, %lt3A_152 : i32
      %convert_element_type3A_154 = arith.extui %lt3A_153 : i1 to i32
      %cond3A_155 = arith.constant 0 : i32
      %cond3A_156 = arith.cmpi ne, %convert_element_type3A_154, %cond3A_155 : i32
      scf.if %cond3A_156 {
        %dma_wait3A_218 = tpu.memref_slice %arg3[%mul3A_4] : memref<320000xi32, #tpu.memory_space<hbm>> -> memref<80xi32, #tpu.memory_space<hbm>>
        %dma_wait3A_219 = tpu.memref_slice %arg3[%mul3A_4] : memref<320000xi32, #tpu.memory_space<hbm>> -> memref<80xi32, #tpu.memory_space<hbm>>
        tpu.wait_dma2 semaphore(%arg19 : memref<!tpu.dma_semaphore, #tpu.memory_space<semaphore_mem>>) src(%dma_wait3A_219 : memref<80xi32, #tpu.memory_space<hbm>>) dst(%arg7 : memref<80xi32, #tpu.memory_space<vmem>>)
        %dma_wait3A_220 = tpu.memref_slice %arg4[%mul3A_4] : memref<320000xi32, #tpu.memory_space<hbm>> -> memref<80xi32, #tpu.memory_space<hbm>>
        %dma_wait3A_221 = tpu.memref_slice %arg4[%mul3A_4] : memref<320000xi32, #tpu.memory_space<hbm>> -> memref<80xi32, #tpu.memory_space<hbm>>
        tpu.wait_dma2 semaphore(%arg19 : memref<!tpu.dma_semaphore, #tpu.memory_space<semaphore_mem>>) src(%dma_wait3A_221 : memref<80xi32, #tpu.memory_space<hbm>>) dst(%arg11 : memref<80xi32, #tpu.memory_space<vmem>>)
        %gt3A = arith.constant 0 : i32
        %gt3A_222 = arith.cmpi sgt, %add3A_147, %gt3A : i32
        %convert_element_type3A_223 = arith.extui %gt3A_222 : i1 to i32
        %cond3A_224 = arith.constant 0 : i32
        %cond3A_225 = arith.cmpi ne, %convert_element_type3A_223, %cond3A_224 : i32
        scf.if %cond3A_225 {
          %dma_wait3A_229 = arith.constant 0 : i32
          %dma_wait3A_230 = arith.constant 0 : i32
          %dma_wait3A_231 = tpu.memref_slice %arg6[%dma_wait3A_229, %dma_wait3A_230] : memref<10240x128xf32, #tpu.memory_space<vmem_shared>> -> memref<10240x128xf32, #tpu.memory_space<vmem_shared>>
          tpu.wait_indirect_dma semaphore(%arg27 : memref<!tpu.dma_semaphore, #tpu.memory_space<semaphore_mem>>) src(%arg15 : memref<80x128xf32, #tpu.memory_space<vmem>>) dst(%dma_wait3A_231 : memref<10240x128xf32, #tpu.memory_space<vmem_shared>>)
        } else {
        }
        %dma_start3A_226 = arith.constant 0 : i32
        %dma_start3A_227 = arith.constant 0 : i32
        %dma_start3A_228 = tpu.memref_slice %arg2[%dma_start3A_226, %dma_start3A_227] : memref<10000x128xf32, #tpu.memory_space<hbm>> -> memref<10000x128xf32, #tpu.memory_space<hbm>>
        tpu.enqueue_indirect_dma source(%dma_start3A_228 : memref<10000x128xf32, #tpu.memory_space<hbm>>) target(%arg15 : memref<80x128xf32, #tpu.memory_space<vmem>>) offsets(%arg7 : memref<80xi32, #tpu.memory_space<vmem>>) semaphore(%arg23 : memref<!tpu.dma_semaphore, #tpu.memory_space<semaphore_mem>>)
      } else {
      }
      %dma_wait3A_157 = arith.constant 0 : i32
      %dma_wait3A_158 = arith.constant 0 : i32
      %dma_wait3A_159 = tpu.memref_slice %arg2[%dma_wait3A_157, %dma_wait3A_158] : memref<10000x128xf32, #tpu.memory_space<hbm>> -> memref<10000x128xf32, #tpu.memory_space<hbm>>
      tpu.wait_indirect_dma semaphore(%arg24 : memref<!tpu.dma_semaphore, #tpu.memory_space<semaphore_mem>>) src(%dma_wait3A_159 : memref<10000x128xf32, #tpu.memory_space<hbm>>) dst(%arg16 : memref<80x128xf32, #tpu.memory_space<vmem>>)
      %dma_start3A_160 = arith.constant 0 : i32
      %dma_start3A_161 = arith.constant 0 : i32
      %dma_start3A_162 = tpu.memref_slice %arg6[%dma_start3A_160, %dma_start3A_161] : memref<10240x128xf32, #tpu.memory_space<vmem_shared>> -> memref<10240x128xf32, #tpu.memory_space<vmem_shared>>
      tpu.enqueue_indirect_dma source(%arg16 : memref<80x128xf32, #tpu.memory_space<vmem>>) target(%dma_start3A_162 : memref<10240x128xf32, #tpu.memory_space<vmem_shared>>) offsets(%arg12 : memref<80xi32, #tpu.memory_space<vmem>>) semaphore(%arg28 : memref<!tpu.dma_semaphore, #tpu.memory_space<semaphore_mem>>) {add = true}
      %add3A_163 = arith.constant 4 : i32
      %add3A_164 = arith.addi %add3A_147, %add3A_163 : i32
      %lt3A_165 = arith.constant 125 : i32
      %lt3A_166 = arith.cmpi slt, %add3A_164, %lt3A_165 : i32
      %convert_element_type3A_167 = arith.extui %lt3A_166 : i1 to i32
      %cond3A_168 = arith.constant 0 : i32
      %cond3A_169 = arith.cmpi ne, %convert_element_type3A_167, %cond3A_168 : i32
      scf.if %cond3A_169 {
        %add3A_218 = arith.constant 4 : i32
        %add3A_219 = arith.addi %add3A_147, %add3A_218 : i32
        %mul3A_220 = arith.constant 80 : i32
        %mul3A_221 = arith.muli %add3A_219, %mul3A_220 : i32
        %add3A_222 = arith.addi %mul3A_4, %mul3A_221 : i32
        %dma_start3A_223 = tpu.memref_slice %arg3[%add3A_222] : memref<320000xi32, #tpu.memory_space<hbm>> -> memref<80xi32, #tpu.memory_space<hbm>>
        %dma_start3A_224 = tpu.memref_slice %arg3[%add3A_222] : memref<320000xi32, #tpu.memory_space<hbm>> -> memref<80xi32, #tpu.memory_space<hbm>>
        tpu.enqueue_dma source(%dma_start3A_224 : memref<80xi32, #tpu.memory_space<hbm>>) target(%arg8 : memref<80xi32, #tpu.memory_space<vmem>>) target_semaphore(%arg20 : memref<!tpu.dma_semaphore, #tpu.memory_space<semaphore_mem>>)
        %mul3A_225 = arith.constant 80 : i32
        %mul3A_226 = arith.muli %add3A_219, %mul3A_225 : i32
        %add3A_227 = arith.addi %mul3A_4, %mul3A_226 : i32
        %dma_start3A_228 = tpu.memref_slice %arg4[%add3A_227] : memref<320000xi32, #tpu.memory_space<hbm>> -> memref<80xi32, #tpu.memory_space<hbm>>
        %dma_start3A_229 = tpu.memref_slice %arg4[%add3A_227] : memref<320000xi32, #tpu.memory_space<hbm>> -> memref<80xi32, #tpu.memory_space<hbm>>
        tpu.enqueue_dma source(%dma_start3A_229 : memref<80xi32, #tpu.memory_space<hbm>>) target(%arg12 : memref<80xi32, #tpu.memory_space<vmem>>) target_semaphore(%arg20 : memref<!tpu.dma_semaphore, #tpu.memory_space<semaphore_mem>>)
      } else {
      }
      %add3A_170 = arith.constant 2 : i32
      %add3A_171 = arith.addi %mul3A_125, %add3A_170 : i32
      %add3A_172 = arith.constant 4 : i32
      %add3A_173 = arith.addi %add3A_171, %add3A_172 : i32
      %sub3A_174 = arith.constant 1 : i32
      %sub3A_175 = arith.subi %add3A_173, %sub3A_174 : i32
      %lt3A_176 = arith.constant 125 : i32
      %lt3A_177 = arith.cmpi slt, %sub3A_175, %lt3A_176 : i32
      %convert_element_type3A_178 = arith.extui %lt3A_177 : i1 to i32
      %cond3A_179 = arith.constant 0 : i32
      %cond3A_180 = arith.cmpi ne, %convert_element_type3A_178, %cond3A_179 : i32
      scf.if %cond3A_180 {
        %dma_wait3A_218 = tpu.memref_slice %arg3[%mul3A_4] : memref<320000xi32, #tpu.memory_space<hbm>> -> memref<80xi32, #tpu.memory_space<hbm>>
        %dma_wait3A_219 = tpu.memref_slice %arg3[%mul3A_4] : memref<320000xi32, #tpu.memory_space<hbm>> -> memref<80xi32, #tpu.memory_space<hbm>>
        tpu.wait_dma2 semaphore(%arg20 : memref<!tpu.dma_semaphore, #tpu.memory_space<semaphore_mem>>) src(%dma_wait3A_219 : memref<80xi32, #tpu.memory_space<hbm>>) dst(%arg8 : memref<80xi32, #tpu.memory_space<vmem>>)
        %dma_wait3A_220 = tpu.memref_slice %arg4[%mul3A_4] : memref<320000xi32, #tpu.memory_space<hbm>> -> memref<80xi32, #tpu.memory_space<hbm>>
        %dma_wait3A_221 = tpu.memref_slice %arg4[%mul3A_4] : memref<320000xi32, #tpu.memory_space<hbm>> -> memref<80xi32, #tpu.memory_space<hbm>>
        tpu.wait_dma2 semaphore(%arg20 : memref<!tpu.dma_semaphore, #tpu.memory_space<semaphore_mem>>) src(%dma_wait3A_221 : memref<80xi32, #tpu.memory_space<hbm>>) dst(%arg12 : memref<80xi32, #tpu.memory_space<vmem>>)
        %gt3A = arith.constant 0 : i32
        %gt3A_222 = arith.cmpi sgt, %add3A_171, %gt3A : i32
        %convert_element_type3A_223 = arith.extui %gt3A_222 : i1 to i32
        %cond3A_224 = arith.constant 0 : i32
        %cond3A_225 = arith.cmpi ne, %convert_element_type3A_223, %cond3A_224 : i32
        scf.if %cond3A_225 {
          %dma_wait3A_229 = arith.constant 0 : i32
          %dma_wait3A_230 = arith.constant 0 : i32
          %dma_wait3A_231 = tpu.memref_slice %arg6[%dma_wait3A_229, %dma_wait3A_230] : memref<10240x128xf32, #tpu.memory_space<vmem_shared>> -> memref<10240x128xf32, #tpu.memory_space<vmem_shared>>
          tpu.wait_indirect_dma semaphore(%arg28 : memref<!tpu.dma_semaphore, #tpu.memory_space<semaphore_mem>>) src(%arg16 : memref<80x128xf32, #tpu.memory_space<vmem>>) dst(%dma_wait3A_231 : memref<10240x128xf32, #tpu.memory_space<vmem_shared>>)
        } else {
        }
        %dma_start3A_226 = arith.constant 0 : i32
        %dma_start3A_227 = arith.constant 0 : i32
        %dma_start3A_228 = tpu.memref_slice %arg2[%dma_start3A_226, %dma_start3A_227] : memref<10000x128xf32, #tpu.memory_space<hbm>> -> memref<10000x128xf32, #tpu.memory_space<hbm>>
        tpu.enqueue_indirect_dma source(%dma_start3A_228 : memref<10000x128xf32, #tpu.memory_space<hbm>>) target(%arg16 : memref<80x128xf32, #tpu.memory_space<vmem>>) offsets(%arg8 : memref<80xi32, #tpu.memory_space<vmem>>) semaphore(%arg24 : memref<!tpu.dma_semaphore, #tpu.memory_space<semaphore_mem>>)
      } else {
      }
      %dma_wait3A_181 = arith.constant 0 : i32
      %dma_wait3A_182 = arith.constant 0 : i32
      %dma_wait3A_183 = tpu.memref_slice %arg2[%dma_wait3A_181, %dma_wait3A_182] : memref<10000x128xf32, #tpu.memory_space<hbm>> -> memref<10000x128xf32, #tpu.memory_space<hbm>>
      tpu.wait_indirect_dma semaphore(%arg25 : memref<!tpu.dma_semaphore, #tpu.memory_space<semaphore_mem>>) src(%dma_wait3A_183 : memref<10000x128xf32, #tpu.memory_space<hbm>>) dst(%arg17 : memref<80x128xf32, #tpu.memory_space<vmem>>)
      %dma_start3A_184 = arith.constant 0 : i32
      %dma_start3A_185 = arith.constant 0 : i32
      %dma_start3A_186 = tpu.memref_slice %arg6[%dma_start3A_184, %dma_start3A_185] : memref<10240x128xf32, #tpu.memory_space<vmem_shared>> -> memref<10240x128xf32, #tpu.memory_space<vmem_shared>>
      tpu.enqueue_indirect_dma source(%arg17 : memref<80x128xf32, #tpu.memory_space<vmem>>) target(%dma_start3A_186 : memref<10240x128xf32, #tpu.memory_space<vmem_shared>>) offsets(%arg13 : memref<80xi32, #tpu.memory_space<vmem>>) semaphore(%arg29 : memref<!tpu.dma_semaphore, #tpu.memory_space<semaphore_mem>>) {add = true}
      %add3A_187 = arith.constant 4 : i32
      %add3A_188 = arith.addi %add3A_171, %add3A_187 : i32
      %lt3A_189 = arith.constant 125 : i32
      %lt3A_190 = arith.cmpi slt, %add3A_188, %lt3A_189 : i32
      %convert_element_type3A_191 = arith.extui %lt3A_190 : i1 to i32
      %cond3A_192 = arith.constant 0 : i32
      %cond3A_193 = arith.cmpi ne, %convert_element_type3A_191, %cond3A_192 : i32
      scf.if %cond3A_193 {
        %add3A_218 = arith.constant 4 : i32
        %add3A_219 = arith.addi %add3A_171, %add3A_218 : i32
        %mul3A_220 = arith.constant 80 : i32
        %mul3A_221 = arith.muli %add3A_219, %mul3A_220 : i32
        %add3A_222 = arith.addi %mul3A_4, %mul3A_221 : i32
        %dma_start3A_223 = tpu.memref_slice %arg3[%add3A_222] : memref<320000xi32, #tpu.memory_space<hbm>> -> memref<80xi32, #tpu.memory_space<hbm>>
        %dma_start3A_224 = tpu.memref_slice %arg3[%add3A_222] : memref<320000xi32, #tpu.memory_space<hbm>> -> memref<80xi32, #tpu.memory_space<hbm>>
        tpu.enqueue_dma source(%dma_start3A_224 : memref<80xi32, #tpu.memory_space<hbm>>) target(%arg9 : memref<80xi32, #tpu.memory_space<vmem>>) target_semaphore(%arg21 : memref<!tpu.dma_semaphore, #tpu.memory_space<semaphore_mem>>)
        %mul3A_225 = arith.constant 80 : i32
        %mul3A_226 = arith.muli %add3A_219, %mul3A_225 : i32
        %add3A_227 = arith.addi %mul3A_4, %mul3A_226 : i32
        %dma_start3A_228 = tpu.memref_slice %arg4[%add3A_227] : memref<320000xi32, #tpu.memory_space<hbm>> -> memref<80xi32, #tpu.memory_space<hbm>>
        %dma_start3A_229 = tpu.memref_slice %arg4[%add3A_227] : memref<320000xi32, #tpu.memory_space<hbm>> -> memref<80xi32, #tpu.memory_space<hbm>>
        tpu.enqueue_dma source(%dma_start3A_229 : memref<80xi32, #tpu.memory_space<hbm>>) target(%arg13 : memref<80xi32, #tpu.memory_space<vmem>>) target_semaphore(%arg21 : memref<!tpu.dma_semaphore, #tpu.memory_space<semaphore_mem>>)
      } else {
      }
      %add3A_194 = arith.constant 3 : i32
      %add3A_195 = arith.addi %mul3A_125, %add3A_194 : i32
      %add3A_196 = arith.constant 4 : i32
      %add3A_197 = arith.addi %add3A_195, %add3A_196 : i32
      %sub3A_198 = arith.constant 1 : i32
      %sub3A_199 = arith.subi %add3A_197, %sub3A_198 : i32
      %lt3A_200 = arith.constant 125 : i32
      %lt3A_201 = arith.cmpi slt, %sub3A_199, %lt3A_200 : i32
      %convert_element_type3A_202 = arith.extui %lt3A_201 : i1 to i32
      %cond3A_203 = arith.constant 0 : i32
      %cond3A_204 = arith.cmpi ne, %convert_element_type3A_202, %cond3A_203 : i32
      scf.if %cond3A_204 {
        %dma_wait3A_218 = tpu.memref_slice %arg3[%mul3A_4] : memref<320000xi32, #tpu.memory_space<hbm>> -> memref<80xi32, #tpu.memory_space<hbm>>
        %dma_wait3A_219 = tpu.memref_slice %arg3[%mul3A_4] : memref<320000xi32, #tpu.memory_space<hbm>> -> memref<80xi32, #tpu.memory_space<hbm>>
        tpu.wait_dma2 semaphore(%arg21 : memref<!tpu.dma_semaphore, #tpu.memory_space<semaphore_mem>>) src(%dma_wait3A_219 : memref<80xi32, #tpu.memory_space<hbm>>) dst(%arg9 : memref<80xi32, #tpu.memory_space<vmem>>)
        %dma_wait3A_220 = tpu.memref_slice %arg4[%mul3A_4] : memref<320000xi32, #tpu.memory_space<hbm>> -> memref<80xi32, #tpu.memory_space<hbm>>
        %dma_wait3A_221 = tpu.memref_slice %arg4[%mul3A_4] : memref<320000xi32, #tpu.memory_space<hbm>> -> memref<80xi32, #tpu.memory_space<hbm>>
        tpu.wait_dma2 semaphore(%arg21 : memref<!tpu.dma_semaphore, #tpu.memory_space<semaphore_mem>>) src(%dma_wait3A_221 : memref<80xi32, #tpu.memory_space<hbm>>) dst(%arg13 : memref<80xi32, #tpu.memory_space<vmem>>)
        %gt3A = arith.constant 0 : i32
        %gt3A_222 = arith.cmpi sgt, %add3A_195, %gt3A : i32
        %convert_element_type3A_223 = arith.extui %gt3A_222 : i1 to i32
        %cond3A_224 = arith.constant 0 : i32
        %cond3A_225 = arith.cmpi ne, %convert_element_type3A_223, %cond3A_224 : i32
        scf.if %cond3A_225 {
          %dma_wait3A_229 = arith.constant 0 : i32
          %dma_wait3A_230 = arith.constant 0 : i32
          %dma_wait3A_231 = tpu.memref_slice %arg6[%dma_wait3A_229, %dma_wait3A_230] : memref<10240x128xf32, #tpu.memory_space<vmem_shared>> -> memref<10240x128xf32, #tpu.memory_space<vmem_shared>>
          tpu.wait_indirect_dma semaphore(%arg29 : memref<!tpu.dma_semaphore, #tpu.memory_space<semaphore_mem>>) src(%arg17 : memref<80x128xf32, #tpu.memory_space<vmem>>) dst(%dma_wait3A_231 : memref<10240x128xf32, #tpu.memory_space<vmem_shared>>)
        } else {
        }
        %dma_start3A_226 = arith.constant 0 : i32
        %dma_start3A_227 = arith.constant 0 : i32
        %dma_start3A_228 = tpu.memref_slice %arg2[%dma_start3A_226, %dma_start3A_227] : memref<10000x128xf32, #tpu.memory_space<hbm>> -> memref<10000x128xf32, #tpu.memory_space<hbm>>
        tpu.enqueue_indirect_dma source(%dma_start3A_228 : memref<10000x128xf32, #tpu.memory_space<hbm>>) target(%arg17 : memref<80x128xf32, #tpu.memory_space<vmem>>) offsets(%arg9 : memref<80xi32, #tpu.memory_space<vmem>>) semaphore(%arg25 : memref<!tpu.dma_semaphore, #tpu.memory_space<semaphore_mem>>)
      } else {
      }
      %dma_wait3A_205 = arith.constant 0 : i32
      %dma_wait3A_206 = arith.constant 0 : i32
      %dma_wait3A_207 = tpu.memref_slice %arg2[%dma_wait3A_205, %dma_wait3A_206] : memref<10000x128xf32, #tpu.memory_space<hbm>> -> memref<10000x128xf32, #tpu.memory_space<hbm>>
      tpu.wait_indirect_dma semaphore(%arg26 : memref<!tpu.dma_semaphore, #tpu.memory_space<semaphore_mem>>) src(%dma_wait3A_207 : memref<10000x128xf32, #tpu.memory_space<hbm>>) dst(%arg18 : memref<80x128xf32, #tpu.memory_space<vmem>>)
      %dma_start3A_208 = arith.constant 0 : i32
      %dma_start3A_209 = arith.constant 0 : i32
      %dma_start3A_210 = tpu.memref_slice %arg6[%dma_start3A_208, %dma_start3A_209] : memref<10240x128xf32, #tpu.memory_space<vmem_shared>> -> memref<10240x128xf32, #tpu.memory_space<vmem_shared>>
      tpu.enqueue_indirect_dma source(%arg18 : memref<80x128xf32, #tpu.memory_space<vmem>>) target(%dma_start3A_210 : memref<10240x128xf32, #tpu.memory_space<vmem_shared>>) offsets(%arg14 : memref<80xi32, #tpu.memory_space<vmem>>) semaphore(%arg30 : memref<!tpu.dma_semaphore, #tpu.memory_space<semaphore_mem>>) {add = true}
      %add3A_211 = arith.constant 4 : i32
      %add3A_212 = arith.addi %add3A_195, %add3A_211 : i32
      %lt3A_213 = arith.constant 125 : i32
      %lt3A_214 = arith.cmpi slt, %add3A_212, %lt3A_213 : i32
      %convert_element_type3A_215 = arith.extui %lt3A_214 : i1 to i32
      %cond3A_216 = arith.constant 0 : i32
      %cond3A_217 = arith.cmpi ne, %convert_element_type3A_215, %cond3A_216 : i32
      scf.if %cond3A_217 {
        %add3A_218 = arith.constant 4 : i32
        %add3A_219 = arith.addi %add3A_195, %add3A_218 : i32
        %mul3A_220 = arith.constant 80 : i32
        %mul3A_221 = arith.muli %add3A_219, %mul3A_220 : i32
        %add3A_222 = arith.addi %mul3A_4, %mul3A_221 : i32
        %dma_start3A_223 = tpu.memref_slice %arg3[%add3A_222] : memref<320000xi32, #tpu.memory_space<hbm>> -> memref<80xi32, #tpu.memory_space<hbm>>
        %dma_start3A_224 = tpu.memref_slice %arg3[%add3A_222] : memref<320000xi32, #tpu.memory_space<hbm>> -> memref<80xi32, #tpu.memory_space<hbm>>
        tpu.enqueue_dma source(%dma_start3A_224 : memref<80xi32, #tpu.memory_space<hbm>>) target(%arg10 : memref<80xi32, #tpu.memory_space<vmem>>) target_semaphore(%arg22 : memref<!tpu.dma_semaphore, #tpu.memory_space<semaphore_mem>>)
        %mul3A_225 = arith.constant 80 : i32
        %mul3A_226 = arith.muli %add3A_219, %mul3A_225 : i32
        %add3A_227 = arith.addi %mul3A_4, %mul3A_226 : i32
        %dma_start3A_228 = tpu.memref_slice %arg4[%add3A_227] : memref<320000xi32, #tpu.memory_space<hbm>> -> memref<80xi32, #tpu.memory_space<hbm>>
        %dma_start3A_229 = tpu.memref_slice %arg4[%add3A_227] : memref<320000xi32, #tpu.memory_space<hbm>> -> memref<80xi32, #tpu.memory_space<hbm>>
        tpu.enqueue_dma source(%dma_start3A_229 : memref<80xi32, #tpu.memory_space<hbm>>) target(%arg14 : memref<80xi32, #tpu.memory_space<vmem>>) target_semaphore(%arg22 : memref<!tpu.dma_semaphore, #tpu.memory_space<semaphore_mem>>)
      } else {
      }
    }
    %scan3A_98 = arith.constant 31 : i32
    %dma_wait3A_99 = arith.constant 0 : i32
    %dma_wait3A_100 = arith.constant 0 : i32
    %dma_wait3A_101 = tpu.memref_slice %arg2[%dma_wait3A_99, %dma_wait3A_100] : memref<10000x128xf32, #tpu.memory_space<hbm>> -> memref<10000x128xf32, #tpu.memory_space<hbm>>
    tpu.wait_indirect_dma semaphore(%arg23 : memref<!tpu.dma_semaphore, #tpu.memory_space<semaphore_mem>>) src(%dma_wait3A_101 : memref<10000x128xf32, #tpu.memory_space<hbm>>) dst(%arg15 : memref<80x128xf32, #tpu.memory_space<vmem>>)
    %dma_start3A_102 = arith.constant 0 : i32
    %dma_start3A_103 = arith.constant 0 : i32
    %dma_start3A_104 = tpu.memref_slice %arg6[%dma_start3A_102, %dma_start3A_103] : memref<10240x128xf32, #tpu.memory_space<vmem_shared>> -> memref<10240x128xf32, #tpu.memory_space<vmem_shared>>
    tpu.enqueue_indirect_dma source(%arg15 : memref<80x128xf32, #tpu.memory_space<vmem>>) target(%dma_start3A_104 : memref<10240x128xf32, #tpu.memory_space<vmem_shared>>) offsets(%arg11 : memref<80xi32, #tpu.memory_space<vmem>>) semaphore(%arg27 : memref<!tpu.dma_semaphore, #tpu.memory_space<semaphore_mem>>) {add = true}
    %dma_wait3A_105 = arith.constant 0 : i32
    %dma_wait3A_106 = arith.constant 0 : i32
    %dma_wait3A_107 = tpu.memref_slice %arg6[%dma_wait3A_105, %dma_wait3A_106] : memref<10240x128xf32, #tpu.memory_space<vmem_shared>> -> memref<10240x128xf32, #tpu.memory_space<vmem_shared>>
    tpu.wait_indirect_dma semaphore(%arg27 : memref<!tpu.dma_semaphore, #tpu.memory_space<semaphore_mem>>) src(%arg15 : memref<80x128xf32, #tpu.memory_space<vmem>>) dst(%dma_wait3A_107 : memref<10240x128xf32, #tpu.memory_space<vmem_shared>>)
    %dma_wait3A_108 = arith.constant 0 : i32
    %dma_wait3A_109 = arith.constant 0 : i32
    %dma_wait3A_110 = tpu.memref_slice %arg6[%dma_wait3A_108, %dma_wait3A_109] : memref<10240x128xf32, #tpu.memory_space<vmem_shared>> -> memref<10240x128xf32, #tpu.memory_space<vmem_shared>>
    tpu.wait_indirect_dma semaphore(%arg28 : memref<!tpu.dma_semaphore, #tpu.memory_space<semaphore_mem>>) src(%arg16 : memref<80x128xf32, #tpu.memory_space<vmem>>) dst(%dma_wait3A_110 : memref<10240x128xf32, #tpu.memory_space<vmem_shared>>)
    %dma_wait3A_111 = arith.constant 0 : i32
    %dma_wait3A_112 = arith.constant 0 : i32
    %dma_wait3A_113 = tpu.memref_slice %arg6[%dma_wait3A_111, %dma_wait3A_112] : memref<10240x128xf32, #tpu.memory_space<vmem_shared>> -> memref<10240x128xf32, #tpu.memory_space<vmem_shared>>
    tpu.wait_indirect_dma semaphore(%arg29 : memref<!tpu.dma_semaphore, #tpu.memory_space<semaphore_mem>>) src(%arg17 : memref<80x128xf32, #tpu.memory_space<vmem>>) dst(%dma_wait3A_113 : memref<10240x128xf32, #tpu.memory_space<vmem_shared>>)
    %dma_wait3A_114 = arith.constant 0 : i32
    %dma_wait3A_115 = arith.constant 0 : i32
    %dma_wait3A_116 = tpu.memref_slice %arg6[%dma_wait3A_114, %dma_wait3A_115] : memref<10240x128xf32, #tpu.memory_space<vmem_shared>> -> memref<10240x128xf32, #tpu.memory_space<vmem_shared>>
    tpu.wait_indirect_dma semaphore(%arg30 : memref<!tpu.dma_semaphore, #tpu.memory_space<semaphore_mem>>) src(%arg18 : memref<80x128xf32, #tpu.memory_space<vmem>>) dst(%dma_wait3A_116 : memref<10240x128xf32, #tpu.memory_space<vmem_shared>>)
    %barrier3A_117 = arith.constant 0 : index
    tpu.barrier barrier_id(%barrier3A_117)
    %mul3A_118 = arith.constant 640 : i32
    %mul3A_119 = arith.muli %arg1, %mul3A_118 : i32
    %mul3A_120 = arith.constant 10240 : i32
    %mul3A_121 = arith.muli %arg0, %mul3A_120 : i32
    %add3A_122 = arith.addi %mul3A_121, %mul3A_119 : i32
    "tpu.region"() ({
      %run_scoped3A = tpu.sem_alloc : memref<!tpu.dma_semaphore, #tpu.memory_space<semaphore_mem>>
      %dma_start3A_123 = arith.constant 0 : i32
      %dma_start3A_124 = tpu.memref_slice %arg5[%add3A_122, %dma_start3A_123] : memref<20480x128xf32, #tpu.memory_space<hbm>> -> memref<640x128xf32, #tpu.memory_space<hbm>>
      %dma_start3A_125 = arith.constant 0 : i32
      %dma_start3A_126 = tpu.memref_slice %arg6[%mul3A_119, %dma_start3A_125] : memref<10240x128xf32, #tpu.memory_space<vmem_shared>> -> memref<640x128xf32, #tpu.memory_space<vmem_shared>>
      tpu.enqueue_dma source(%dma_start3A_126 : memref<640x128xf32, #tpu.memory_space<vmem_shared>>) target(%dma_start3A_124 : memref<640x128xf32, #tpu.memory_space<hbm>>) target_semaphore(%run_scoped3A : memref<!tpu.dma_semaphore, #tpu.memory_space<semaphore_mem>>)
      %dma_wait3A_127 = arith.constant 0 : i32
      %dma_wait3A_128 = tpu.memref_slice %arg5[%add3A_122, %dma_wait3A_127] : memref<20480x128xf32, #tpu.memory_space<hbm>> -> memref<640x128xf32, #tpu.memory_space<hbm>>
      %dma_wait3A_129 = arith.constant 0 : i32
      %dma_wait3A_130 = tpu.memref_slice %arg6[%mul3A_119, %dma_wait3A_129] : memref<10240x128xf32, #tpu.memory_space<vmem_shared>> -> memref<640x128xf32, #tpu.memory_space<vmem_shared>>
      tpu.wait_dma2 semaphore(%run_scoped3A : memref<!tpu.dma_semaphore, #tpu.memory_space<semaphore_mem>>) src(%dma_wait3A_130 : memref<640x128xf32, #tpu.memory_space<vmem_shared>>) dst(%dma_wait3A_128 : memref<640x128xf32, #tpu.memory_space<hbm>>)
      tpu.yield
    }) : () -> ()
    return
  }
}

module attributes {stable_mosaic.version = 14 : i64} {
  func.func @_combine_mid_body(%arg0: i32, %arg1: memref<1x2000x128xf32, #tpu.memory_space<vmem>>, %arg2: memref<1x2000x128xf32, #tpu.memory_space<vmem>>, %arg3: memref<2000x128xf32, #tpu.memory_space<vmem>>, %arg4: memref<128x128xf32, #tpu.memory_space<vmem>>, %arg5: memref<128x128xf32, #tpu.memory_space<vmem>>, %arg6: memref<1x128xf32, #tpu.memory_space<vmem>>, %arg7: memref<2000x128xf32, #tpu.memory_space<vmem>>) attributes {dimension_semantics = [#tpu.dimension_semantics<arbitrary>], iteration_bounds = array<i64: 5>, scalar_prefetch = 0 : i64, scratch_operands = 0 : i64, tpu.core_type = #tpu.core_type<tc>, window_params = [{transform_indices = @transform_0, window_bounds = array<i64: 1, 2000, 128>}, {transform_indices = @transform_1, window_bounds = array<i64: 1, 2000, 128>}, {transform_indices = @transform_2, window_bounds = array<i64: 2000, 128>}, {pipeline_mode = #tpu.pipeline_mode<synchronous>, transform_indices = @transform_3, window_bounds = array<i64: 128, 128>}, {pipeline_mode = #tpu.pipeline_mode<synchronous>, transform_indices = @transform_4, window_bounds = array<i64: 128, 128>}, {pipeline_mode = #tpu.pipeline_mode<synchronous>, transform_indices = @transform_5, window_bounds = array<i64: 1, 128>}, {transform_indices = @transform_6, window_bounds = array<i64: 2000, 128>}]} {
    %get3A = arith.constant 0 : index
    %get3A_0 = arith.constant 0 : index
    %get3A_1 = arith.constant 0 : index
    %get3A_2 = vector.load %arg1[%get3A, %get3A_0, %get3A_1] : memref<1x2000x128xf32, #tpu.memory_space<vmem>>, vector<1x2000x128xf32>
    %get3A_3 = vector.shape_cast %get3A_2 : vector<1x2000x128xf32> to vector<2000x128xf32>
    %get3A_4 = arith.constant 0 : index
    %get3A_5 = arith.constant 0 : index
    %get3A_6 = arith.constant 0 : index
    %get3A_7 = vector.load %arg2[%get3A_4, %get3A_5, %get3A_6] : memref<1x2000x128xf32, #tpu.memory_space<vmem>>, vector<1x2000x128xf32>
    %get3A_8 = vector.shape_cast %get3A_7 : vector<1x2000x128xf32> to vector<2000x128xf32>
    %add3A = arith.addf %get3A_3, %get3A_8 : vector<2000x128xf32>
    %get3A_9 = arith.constant 0 : index
    %get3A_10 = arith.constant 0 : index
    %get3A_11 = vector.load %arg4[%get3A_9, %get3A_10] : memref<128x128xf32, #tpu.memory_space<vmem>>, vector<128x128xf32>
    %dot_general3A = arith.constant dense<0.000000e+00> : vector<2000x128xf32>
    %dot_general3A_12 = tpu.matmul %add3A, %get3A_11, %dot_general3A {dimension_numbers = #tpu.dot_dimension_numbers<[1], [0], [0], [1], [0, 0, 1, 1], [], []>, transpose_lhs_hint = false} : vector<2000x128xf32>, vector<128x128xf32>, vector<2000x128xf32> -> vector<2000x128xf32>
    %get3A_13 = arith.constant 0 : index
    %get3A_14 = arith.constant 0 : index
    %get3A_15 = vector.load %arg3[%get3A_13, %get3A_14] : memref<2000x128xf32, #tpu.memory_space<vmem>>, vector<2000x128xf32>
    %get3A_16 = arith.constant 0 : index
    %get3A_17 = arith.constant 0 : index
    %get3A_18 = vector.load %arg5[%get3A_16, %get3A_17] : memref<128x128xf32, #tpu.memory_space<vmem>>, vector<128x128xf32>
    %dot_general3A_19 = arith.constant dense<0.000000e+00> : vector<2000x128xf32>
    %dot_general3A_20 = tpu.matmul %get3A_15, %get3A_18, %dot_general3A_19 {dimension_numbers = #tpu.dot_dimension_numbers<[1], [0], [0], [1], [0, 0, 1, 1], [], []>, transpose_lhs_hint = false} : vector<2000x128xf32>, vector<128x128xf32>, vector<2000x128xf32> -> vector<2000x128xf32>
    %add3A_21 = arith.addf %dot_general3A_12, %dot_general3A_20 : vector<2000x128xf32>
    %get3A_22 = arith.constant 0 : index
    %get3A_23 = arith.constant 0 : index
    %get3A_24 = vector.load %arg6[%get3A_22, %get3A_23] : memref<1x128xf32, #tpu.memory_space<vmem>>, vector<1x128xf32>
    %add3A_25 = vector.broadcast %get3A_24 : vector<1x128xf32> to vector<2000x128xf32>
    %add3A_26 = arith.addf %add3A_21, %add3A_25 : vector<2000x128xf32>
    %gt3A = arith.constant 0.000000e+00 : f32
    %gt3A_27 = vector.broadcast %gt3A : f32 to vector<2000x128xf32>
    %gt3A_28 = arith.cmpf ogt, %add3A_26, %gt3A_27 : vector<2000x128xf32>
    %mul3A = arith.constant 0.00999999977 : f32
    %mul3A_29 = vector.broadcast %mul3A : f32 to vector<2000x128xf32>
    %mul3A_30 = arith.mulf %mul3A_29, %add3A_26 : vector<2000x128xf32>
    %select_n3A = arith.select %gt3A_28, %add3A_26, %mul3A_30 : vector<2000x128xi1>, vector<2000x128xf32>
    %swap3A = arith.constant 0 : index
    %swap3A_31 = arith.constant 0 : index
    %swap3A_32 = vector.load %arg7[%swap3A, %swap3A_31] : memref<2000x128xf32, #tpu.memory_space<vmem>>, vector<2000x128xf32>
    tpu.vector_store %arg7[%swap3A, %swap3A_31], %select_n3A {strides = array<i32>} : memref<2000x128xf32, #tpu.memory_space<vmem>>, vector<2000x128xf32>,
    return
  }
  func.func @transform_0(%arg0: i32) -> (i32, i32, i32) {
    %c0_i32 = arith.constant 0 : i32
    %c0_i32_0 = arith.constant 0 : i32
    %c0_i32_1 = arith.constant 0 : i32
    return %c0_i32, %arg0, %c0_i32_0 : i32, i32, i32
  }
  func.func @transform_1(%arg0: i32) -> (i32, i32, i32) {
    %c1_i32 = arith.constant 1 : i32
    %c0_i32 = arith.constant 0 : i32
    %c0_i32_0 = arith.constant 0 : i32
    return %c1_i32, %arg0, %c0_i32 : i32, i32, i32
  }
  func.func @transform_2(%arg0: i32) -> (i32, i32) {
    %c0_i32 = arith.constant 0 : i32
    %c0_i32_0 = arith.constant 0 : i32
    return %arg0, %c0_i32 : i32, i32
  }
  func.func @transform_3(%arg0: i32) -> (i32, i32) {
    %c0_i32 = arith.constant 0 : i32
    %c0_i32_0 = arith.constant 0 : i32
    %c0_i32_1 = arith.constant 0 : i32
    return %c0_i32, %c0_i32_0 : i32, i32
  }
  func.func @transform_4(%arg0: i32) -> (i32, i32) {
    %c0_i32 = arith.constant 0 : i32
    %c0_i32_0 = arith.constant 0 : i32
    %c0_i32_1 = arith.constant 0 : i32
    return %c0_i32, %c0_i32_0 : i32, i32
  }
  func.func @transform_5(%arg0: i32) -> (i32, i32) {
    %c0_i32 = arith.constant 0 : i32
    %c0_i32_0 = arith.constant 0 : i32
    %c0_i32_1 = arith.constant 0 : i32
    return %c0_i32, %c0_i32_0 : i32, i32
  }
  func.func @transform_6(%arg0: i32) -> (i32, i32) {
    %c0_i32 = arith.constant 0 : i32
    %c0_i32_0 = arith.constant 0 : i32
    return %arg0, %c0_i32 : i32, i32
  }
}

module attributes {stable_mosaic.version = 14 : i64} {
  func.func @_combine_last_body(%arg0: i32, %arg1: memref<1x2000x128xf32, #tpu.memory_space<vmem>>, %arg2: memref<1x2000x128xf32, #tpu.memory_space<vmem>>, %arg3: memref<2000x128xf32, #tpu.memory_space<vmem>>, %arg4: memref<128x128xf32, #tpu.memory_space<vmem>>, %arg5: memref<128x128xf32, #tpu.memory_space<vmem>>, %arg6: memref<1x128xf32, #tpu.memory_space<vmem>>, %arg7: memref<2000x128xf32, #tpu.memory_space<vmem>>, %arg8: memref<1x128xf32, #tpu.memory_space<vmem>>) attributes {dimension_semantics = [#tpu.dimension_semantics<arbitrary>], iteration_bounds = array<i64: 5>, scalar_prefetch = 0 : i64, scratch_operands = 0 : i64, tpu.core_type = #tpu.core_type<tc>, window_params = [{transform_indices = @transform_0, window_bounds = array<i64: 1, 2000, 128>}, {transform_indices = @transform_1, window_bounds = array<i64: 1, 2000, 128>}, {transform_indices = @transform_2, window_bounds = array<i64: 2000, 128>}, {pipeline_mode = #tpu.pipeline_mode<synchronous>, transform_indices = @transform_3, window_bounds = array<i64: 128, 128>}, {pipeline_mode = #tpu.pipeline_mode<synchronous>, transform_indices = @transform_4, window_bounds = array<i64: 128, 128>}, {pipeline_mode = #tpu.pipeline_mode<synchronous>, transform_indices = @transform_5, window_bounds = array<i64: 1, 128>}, {transform_indices = @transform_6, window_bounds = array<i64: 2000, 128>}, {pipeline_mode = #tpu.pipeline_mode<synchronous>, transform_indices = @transform_7, window_bounds = array<i64: 1, 128>}]} {
    %get3A = arith.constant 0 : index
    %get3A_0 = arith.constant 0 : index
    %get3A_1 = arith.constant 0 : index
    %get3A_2 = vector.load %arg1[%get3A, %get3A_0, %get3A_1] : memref<1x2000x128xf32, #tpu.memory_space<vmem>>, vector<1x2000x128xf32>
    %get3A_3 = vector.shape_cast %get3A_2 : vector<1x2000x128xf32> to vector<2000x128xf32>
    %get3A_4 = arith.constant 0 : index
    %get3A_5 = arith.constant 0 : index
    %get3A_6 = arith.constant 0 : index
    %get3A_7 = vector.load %arg2[%get3A_4, %get3A_5, %get3A_6] : memref<1x2000x128xf32, #tpu.memory_space<vmem>>, vector<1x2000x128xf32>
    %get3A_8 = vector.shape_cast %get3A_7 : vector<1x2000x128xf32> to vector<2000x128xf32>
    %add3A = arith.addf %get3A_3, %get3A_8 : vector<2000x128xf32>
    %get3A_9 = arith.constant 0 : index
    %get3A_10 = arith.constant 0 : index
    %get3A_11 = vector.load %arg4[%get3A_9, %get3A_10] : memref<128x128xf32, #tpu.memory_space<vmem>>, vector<128x128xf32>
    %dot_general3A = arith.constant dense<0.000000e+00> : vector<2000x128xf32>
    %dot_general3A_12 = tpu.matmul %add3A, %get3A_11, %dot_general3A {dimension_numbers = #tpu.dot_dimension_numbers<[1], [0], [0], [1], [0, 0, 1, 1], [], []>, transpose_lhs_hint = false} : vector<2000x128xf32>, vector<128x128xf32>, vector<2000x128xf32> -> vector<2000x128xf32>
    %get3A_13 = arith.constant 0 : index
    %get3A_14 = arith.constant 0 : index
    %get3A_15 = vector.load %arg3[%get3A_13, %get3A_14] : memref<2000x128xf32, #tpu.memory_space<vmem>>, vector<2000x128xf32>
    %get3A_16 = arith.constant 0 : index
    %get3A_17 = arith.constant 0 : index
    %get3A_18 = vector.load %arg5[%get3A_16, %get3A_17] : memref<128x128xf32, #tpu.memory_space<vmem>>, vector<128x128xf32>
    %dot_general3A_19 = arith.constant dense<0.000000e+00> : vector<2000x128xf32>
    %dot_general3A_20 = tpu.matmul %get3A_15, %get3A_18, %dot_general3A_19 {dimension_numbers = #tpu.dot_dimension_numbers<[1], [0], [0], [1], [0, 0, 1, 1], [], []>, transpose_lhs_hint = false} : vector<2000x128xf32>, vector<128x128xf32>, vector<2000x128xf32> -> vector<2000x128xf32>
    %add3A_21 = arith.addf %dot_general3A_12, %dot_general3A_20 : vector<2000x128xf32>
    %get3A_22 = arith.constant 0 : index
    %get3A_23 = arith.constant 0 : index
    %get3A_24 = vector.load %arg6[%get3A_22, %get3A_23] : memref<1x128xf32, #tpu.memory_space<vmem>>, vector<1x128xf32>
    %add3A_25 = vector.broadcast %get3A_24 : vector<1x128xf32> to vector<2000x128xf32>
    %add3A_26 = arith.addf %add3A_21, %add3A_25 : vector<2000x128xf32>
    %gt3A = arith.constant 0.000000e+00 : f32
    %gt3A_27 = vector.broadcast %gt3A : f32 to vector<2000x128xf32>
    %gt3A_28 = arith.cmpf ogt, %add3A_26, %gt3A_27 : vector<2000x128xf32>
    %mul3A = arith.constant 0.00999999977 : f32
    %mul3A_29 = vector.broadcast %mul3A : f32 to vector<2000x128xf32>
    %mul3A_30 = arith.mulf %mul3A_29, %add3A_26 : vector<2000x128xf32>
    %select_n3A = arith.select %gt3A_28, %add3A_26, %mul3A_30 : vector<2000x128xi1>, vector<2000x128xf32>
    %get3A_31 = arith.constant 0 : index
    %get3A_32 = arith.constant 0 : index
    %get3A_33 = vector.load %arg7[%get3A_31, %get3A_32] : memref<2000x128xf32, #tpu.memory_space<vmem>>, vector<2000x128xf32>
    %add3A_34 = arith.addf %select_n3A, %get3A_33 : vector<2000x128xf32>
    %reduce_sum3A = arith.constant dense<0.000000e+00> : vector<128xf32>
    %reduce_sum3A_35 = vector.multi_reduction <add>, %add3A_34, %reduce_sum3A [0] : vector<2000x128xf32> to vector<128xf32>
    %broadcast_in_dim3A = vector.shape_cast %reduce_sum3A_35 : vector<128xf32> to vector<1x128xf32>
    %eq3A = arith.constant 0 : i32
    %eq3A_36 = arith.cmpi eq, %arg0, %eq3A : i32
    %convert_element_type3A = arith.extui %eq3A_36 : i1 to i32
    %cond3A = arith.constant 0 : i32
    %cond3A_37 = arith.cmpi ne, %convert_element_type3A, %cond3A : i32
    scf.if %cond3A_37 {
      %broadcast_in_dim3A_44 = arith.constant 0.000000e+00 : f32
      %broadcast_in_dim3A_45 = vector.broadcast %broadcast_in_dim3A_44 : f32 to vector<1x128xf32>
      %swap3A_46 = arith.constant 0 : index
      %swap3A_47 = arith.constant 0 : index
      %swap3A_48 = vector.load %arg8[%swap3A_46, %swap3A_47] : memref<1x128xf32, #tpu.memory_space<vmem>>, vector<1x128xf32>
      tpu.vector_store %arg8[%swap3A_46, %swap3A_47], %broadcast_in_dim3A_45 {strides = array<i32>} : memref<1x128xf32, #tpu.memory_space<vmem>>, vector<1x128xf32>,
    } else {
    }
    %get3A_38 = arith.constant 0 : index
    %get3A_39 = arith.constant 0 : index
    %get3A_40 = vector.load %arg8[%get3A_38, %get3A_39] : memref<1x128xf32, #tpu.memory_space<vmem>>, vector<1x128xf32>
    %add3A_41 = arith.addf %get3A_40, %broadcast_in_dim3A : vector<1x128xf32>
    %swap3A = arith.constant 0 : index
    %swap3A_42 = arith.constant 0 : index
    %swap3A_43 = vector.load %arg8[%swap3A, %swap3A_42] : memref<1x128xf32, #tpu.memory_space<vmem>>, vector<1x128xf32>
    tpu.vector_store %arg8[%swap3A, %swap3A_42], %add3A_41 {strides = array<i32>} : memref<1x128xf32, #tpu.memory_space<vmem>>, vector<1x128xf32>,
    return
  }
  func.func @transform_0(%arg0: i32) -> (i32, i32, i32) {
    %c0_i32 = arith.constant 0 : i32
    %c0_i32_0 = arith.constant 0 : i32
    %c0_i32_1 = arith.constant 0 : i32
    return %c0_i32, %arg0, %c0_i32_0 : i32, i32, i32
  }
  func.func @transform_1(%arg0: i32) -> (i32, i32, i32) {
    %c1_i32 = arith.constant 1 : i32
    %c0_i32 = arith.constant 0 : i32
    %c0_i32_0 = arith.constant 0 : i32
    return %c1_i32, %arg0, %c0_i32 : i32, i32, i32
  }
  func.func @transform_2(%arg0: i32) -> (i32, i32) {
    %c0_i32 = arith.constant 0 : i32
    %c0_i32_0 = arith.constant 0 : i32
    return %arg0, %c0_i32 : i32, i32
  }
  func.func @transform_3(%arg0: i32) -> (i32, i32) {
    %c0_i32 = arith.constant 0 : i32
    %c0_i32_0 = arith.constant 0 : i32
    %c0_i32_1 = arith.constant 0 : i32
    return %c0_i32, %c0_i32_0 : i32, i32
  }
  func.func @transform_4(%arg0: i32) -> (i32, i32) {
    %c0_i32 = arith.constant 0 : i32
    %c0_i32_0 = arith.constant 0 : i32
    %c0_i32_1 = arith.constant 0 : i32
    return %c0_i32, %c0_i32_0 : i32, i32
  }
  func.func @transform_5(%arg0: i32) -> (i32, i32) {
    %c0_i32 = arith.constant 0 : i32
    %c0_i32_0 = arith.constant 0 : i32
    %c0_i32_1 = arith.constant 0 : i32
    return %c0_i32, %c0_i32_0 : i32, i32
  }
  func.func @transform_6(%arg0: i32) -> (i32, i32) {
    %c0_i32 = arith.constant 0 : i32
    %c0_i32_0 = arith.constant 0 : i32
    return %arg0, %c0_i32 : i32, i32
  }
  func.func @transform_7(%arg0: i32) -> (i32, i32) {
    %c0_i32 = arith.constant 0 : i32
    %c0_i32_0 = arith.constant 0 : i32
    %c0_i32_1 = arith.constant 0 : i32
    return %c0_i32, %c0_i32_0 : i32, i32
  }
}

module attributes {stable_mosaic.version = 14 : i64} {
  func.func @_decoder_body(%arg0: memref<1x128xf32, #tpu.memory_space<vmem>>, %arg1: memref<128x64xf32, #tpu.memory_space<vmem>>, %arg2: memref<64x16xf32, #tpu.memory_space<vmem>>, %arg3: memref<1x16xf32, #tpu.memory_space<vmem>>) attributes {dimension_semantics = [], scalar_prefetch = 0 : i64, scratch_operands = 0 : i64, tpu.core_type = #tpu.core_type<tc>} {
    %get3A = arith.constant 0 : index
    %get3A_0 = arith.constant 0 : index
    %get3A_1 = vector.load %arg0[%get3A, %get3A_0] : memref<1x128xf32, #tpu.memory_space<vmem>>, vector<1x128xf32>
    %mul3A = arith.constant 9.99999974E-5 : f32
    %mul3A_2 = vector.broadcast %mul3A : f32 to vector<1x128xf32>
    %mul3A_3 = arith.mulf %get3A_1, %mul3A_2 : vector<1x128xf32>
    %get3A_4 = arith.constant 0 : index
    %get3A_5 = arith.constant 0 : index
    %get3A_6 = vector.load %arg1[%get3A_4, %get3A_5] : memref<128x64xf32, #tpu.memory_space<vmem>>, vector<128x64xf32>
    %dot_general3A = arith.constant dense<0.000000e+00> : vector<1x64xf32>
    %dot_general3A_7 = tpu.matmul %mul3A_3, %get3A_6, %dot_general3A {dimension_numbers = #tpu.dot_dimension_numbers<[1], [0], [0], [1], [0, 0, 1, 1], [], []>, transpose_lhs_hint = false} : vector<1x128xf32>, vector<128x64xf32>, vector<1x64xf32> -> vector<1x64xf32>
    %gt3A = arith.constant 0.000000e+00 : f32
    %gt3A_8 = vector.broadcast %gt3A : f32 to vector<1x64xf32>
    %gt3A_9 = arith.cmpf ogt, %dot_general3A_7, %gt3A_8 : vector<1x64xf32>
    %mul3A_10 = arith.constant 1.000000e-03 : f32
    %mul3A_11 = vector.broadcast %mul3A_10 : f32 to vector<1x64xf32>
    %mul3A_12 = arith.mulf %mul3A_11, %dot_general3A_7 : vector<1x64xf32>
    %select_n3A = arith.select %gt3A_9, %dot_general3A_7, %mul3A_12 : vector<1x64xi1>, vector<1x64xf32>
    %get3A_13 = arith.constant 0 : index
    %get3A_14 = arith.constant 0 : index
    %get3A_15 = vector.load %arg2[%get3A_13, %get3A_14] : memref<64x16xf32, #tpu.memory_space<vmem>>, vector<64x16xf32>
    %dot_general3A_16 = arith.constant dense<0.000000e+00> : vector<1x16xf32>
    %dot_general3A_17 = tpu.matmul %select_n3A, %get3A_15, %dot_general3A_16 {dimension_numbers = #tpu.dot_dimension_numbers<[1], [0], [0], [1], [0, 0, 1, 1], [], []>, transpose_lhs_hint = false} : vector<1x64xf32>, vector<64x16xf32>, vector<1x16xf32> -> vector<1x16xf32>
    %reduce_max3A = arith.constant dense<0xFF800000> : vector<1xf32>
    %reduce_max3A_18 = vector.multi_reduction <maximumf>, %dot_general3A_17, %reduce_max3A [1] : vector<1x16xf32> to vector<1xf32>
    %broadcast_in_dim3A = vector.shape_cast %reduce_max3A_18 : vector<1xf32> to vector<1x1xf32>
    %sub3A = vector.broadcast %broadcast_in_dim3A : vector<1x1xf32> to vector<1x16xf32>
    %sub3A_19 = arith.subf %dot_general3A_17, %sub3A : vector<1x16xf32>
    %exp3A = math.exp %sub3A_19 : vector<1x16xf32>
    %reduce_sum3A = arith.constant dense<0.000000e+00> : vector<1xf32>
    %reduce_sum3A_20 = vector.multi_reduction <add>, %exp3A, %reduce_sum3A [1] : vector<1x16xf32> to vector<1xf32>
    %broadcast_in_dim3A_21 = vector.shape_cast %reduce_sum3A_20 : vector<1xf32> to vector<1x1xf32>
    %div3A = vector.broadcast %broadcast_in_dim3A_21 : vector<1x1xf32> to vector<1x16xf32>
    %div3A_22 = arith.divf %exp3A, %div3A : vector<1x16xf32>
    %swap3A = arith.constant 0 : index
    %swap3A_23 = arith.constant 0 : index
    %swap3A_24 = vector.load %arg3[%swap3A, %swap3A_23] : memref<1x16xf32, #tpu.memory_space<vmem>>, vector<1x16xf32>
    tpu.vector_store %arg3[%swap3A, %swap3A_23], %div3A_22 {strides = array<i32>} : memref<1x16xf32, #tpu.memory_space<vmem>>, vector<1x16xf32>,
    return
  }
}

</mosaic_0001>

<sc_bundles>
// kernel: kernel.11.cloned.1.call-start
scs
__scs_entry_jumppad:
0x0: {  	(pc) =	sbr.rel $0x88, $3  }
0x1: {  	(tag) =	ssettag $0x0;
	lr =	simm.s32 $0x1  }
0x2: {  	[smem:$0x3F91] =	sst lr;
	_ =	strace $0xD0000000  }
0x3: {  	_ = 	snop  }
0x4: {  	_ = 	snop  }
0x5: {  	_ = 	snop  }
0x6: {  	_ = 	snop  }
0x7: {  	_ = 	snop  }
__scs_overlays_trampoline_lowered:
0x8: {  	[smem:$0x3FA0] =	sst s0  }
0x9: {  	[smem:$0x3FA1] =	sst s1  }
0xa: {  	[smem:$0x3FA2] =	sst s2  }
0xb: {  	[smem:$0x3FA3] =	sst s3  }
0xc: {  	[smem:$0x3FA4] =	sst s4  }
0xd: {  	[smem:$0x3FA5] =	sst s5  }
0xe: {  	[smem:$0x3FA6] =	sst s6  }
0xf: {  	[smem:$0x3FA7] =	sst s7  }
0x10: {  	[smem:$0x3FA8] =	sst s8  }
0x11: {  	[smem:$0x3FA9] =	sst s9;
	s0 =	simm.s32 @!p0 $0x0  }
0x12: {  	s1 =	sld [smem:$0x3F8F];
	s0 =	simm.s32 @p0 $0x1  }
0x13: {  	[smem:$0x3FAA] =	sst s0;
	s0 =	simm.s32 @!p1 $0x0  }
0x14: {  	s2 =	sld [smem:$0x3F8E];
	s0 =	simm.s32 @p1 $0x1  }
0x15: {  	[smem:$0x3FAB] =	sst s0;
	s0 =	simm.s32 @!p2 $0x0  }
0x16: {  	s3 =	sld [smem:$0x3FDB];
	s0 =	simm.s32 @p2 $0x1  }
0x17: {  	s4 =	simm.s32 $0x1BF5;
	[smem:$0x3FAD] =	sst s0  }
0x18: {  	s0 =	sld [smem:$0x3F90];
	_ =	swait.ge [sflag:s4], $0x0  }
0x19: {  	s7 =	sld [smem:$0x3F91]  }
0x1a: {  	s8 =	sadd.s32 $0xFFFFE003, lr  }
0x1b: {  	s9 =	sadd.s32 $0xFFFFFEF7, lr;
	s5 =	simm.s32 $0xFFFFFFFF;
	p2 =	slt.u32 s8, $0xFFFFF086  }
0x1c: {  	p1 =	slt.u32 s9, $0xF7A;
	s5 =	simm.s32 @!p2 $0x0  }
0x1d: {  	s5 =	simm.s32 @p1 $0x1;
	p0 =	seq.s32 s7, s2  }
0x1e: {  	s7 =	smul.u32 @!p0 $0xF7A, s2;
	p2 =	seq.s32 @!p0 s5, $0x0  }
0x1f: {  	s9 =	smul.u32 $0xF7A, s1;
	s8 =	simm.s32 @!p0 $0x1BF5;
	p2 =	por !p2, p0  }
0x20: {  	[sflag:s8] =	ssyncset.s32 @!p0 $0xFFFFF086;
	s6 =	sadd.s32 @!p0 s3, s7;
	s7 =	simm.s32 @!p0 $0x108  }
0x21: {  	s3 =	sadd.s32 s3, s9;
	s6 =	sadd.s32 @!p0 $0x88, s6;
	s7 =	simm.s32 @p2 $0x1082  }
0x22: {  	[simem:s7], [sflag:s8] =	dma.local @!p0 [hbm:s6], $0xF7A  }
0x23: {  	s9 =	sor.u32 $0xD0000000, s2;
	s6 =	simm.s32 $0x108;
	_ =	swait.ge @!p0 [sflag:s8], $0x0  }
0x24: {  	s3 =	sadd.s32 $0x88, s3;
	s6 =	simm.s32 @!p1 $0x1082;
	[sflag:s4] =	ssyncset.s32 $0xFFFFF086  }
0x25: {  	[simem:s6], [sflag:s4] =	dma.local [hbm:s3], $0xF7A  }
0x26: {  	[smem:$0x3F91] =	sst s1;
	(tag) =	ssettag s2;
	_ =	strace s9  }
0x27: {  	s1 =	sld [smem:$0x3FA1]  }
0x28: {  	s2 =	sld [smem:$0x3FA2]  }
0x29: {  	s4 =	sld [smem:$0x3FA4]  }
0x2a: {  	p0 =	seq.s32 s5, $0x0;
	s5 =	sld [smem:$0x3FA5]  }
0x2b: {  	s6 =	sld [smem:$0x3FA6]  }
0x2c: {  	s7 =	sld [smem:$0x3FA7]  }
0x2d: {  	s3 =	simm.s32 $0x108;
	s8 =	sld [smem:$0x3FA8]  }
0x2e: {  	s3 =	simm.s32 @!p0 $0x1082;
	s9 =	sld [smem:$0x3FA9]  }
0x2f: {  	lr =	sadd.s32 s0, s3;
	s0 =	sld [smem:$0x3FA0]  }
0x30: {  	s3 =	sld [smem:$0x3FA3]  }
0x31: {  	[smem:$0x3FAC] =	sst s10  }
0x32: {  	s10 =	sld [smem:$0x3FAA];
	_ =	sdelay $0x3  }
0x33: {  	p0 =	seq.s32 s10, $0x1;
	s10 =	sld [smem:$0x3FAC];
	_ =	sdelay $0x3  }
0x34: {  	[smem:$0x3FAC] =	sst s10  }
0x35: {  	s10 =	sld [smem:$0x3FAB];
	_ =	sdelay $0x3  }
0x36: {  	p1 =	seq.s32 s10, $0x1;
	s10 =	sld [smem:$0x3FAC];
	_ =	sdelay $0x3  }
0x37: {  	[smem:$0x3FAC] =	sst s10  }
0x38: {  	s10 =	sld [smem:$0x3FAD]  }
0x39: {  	_ = 	snop;
	(pc) =	sbr.ind lr, $3  }
0x3a: {  	_ = 	snop  }
0x3b: {  	_ = 	snop  }
0x3c: {  	p2 =	seq.s32 s10, $0x1;
	s10 =	sld [smem:$0x3FAC]  }
0x3d: {  	_ =	shalt  }
0x3e: {  	_ =	shalt  }
0x3f: {  	_ =	shalt  }
0x40: {  	_ =	shalt  }
0x41: {  	_ =	shalt  }
0x42: {  	_ =	shalt  }
0x43: {  	_ =	shalt  }
0x44: {  	_ =	shalt  }
0x45: {  	_ =	shalt  }
0x46: {  	_ =	shalt  }
0x47: {  	_ =	shalt  }
0x48: {  	_ =	shalt  }
0x49: {  	_ =	shalt  }
0x4a: {  	_ =	shalt  }
0x4b: {  	_ =	shalt  }
0x4c: {  	_ =	shalt  }
0x4d: {  	_ =	shalt  }
0x4e: {  	_ =	shalt  }
0x4f: {  	_ =	shalt  }
0x50: {  	_ =	shalt  }
0x51: {  	_ =	shalt  }
0x52: {  	_ =	shalt  }
0x53: {  	_ =	shalt  }
0x54: {  	_ =	shalt  }
0x55: {  	_ =	shalt  }
0x56: {  	_ =	shalt  }
0x57: {  	_ =	shalt  }
0x58: {  	_ =	shalt  }
0x59: {  	_ =	shalt  }
0x5a: {  	_ =	shalt  }
0x5b: {  	_ =	shalt  }
0x5c: {  	_ =	shalt  }
0x5d: {  	_ =	shalt  }
0x5e: {  	_ =	shalt  }
0x5f: {  	_ =	shalt  }
0x60: {  	_ =	shalt  }
0x61: {  	_ =	shalt  }
0x62: {  	_ =	shalt  }
0x63: {  	_ =	shalt  }
0x64: {  	_ =	shalt  }
0x65: {  	_ =	shalt  }
0x66: {  	_ =	shalt  }
0x67: {  	_ =	shalt  }
0x68: {  	_ =	shalt  }
0x69: {  	_ =	shalt  }
0x6a: {  	_ =	shalt  }
0x6b: {  	_ =	shalt  }
0x6c: {  	_ =	shalt  }
0x6d: {  	_ =	shalt  }
0x6e: {  	_ =	shalt  }
0x6f: {  	_ =	shalt  }
0x70: {  	_ =	shalt  }
0x71: {  	_ =	shalt  }
0x72: {  	_ =	shalt  }
0x73: {  	_ =	shalt  }
0x74: {  	_ =	shalt  }
0x75: {  	_ =	shalt  }
0x76: {  	_ =	shalt  }
0x77: {  	_ =	shalt  }
0x78: {  	_ =	shalt  }
0x79: {  	_ =	shalt  }
0x7a: {  	_ =	shalt  }
0x7b: {  	_ =	shalt  }
0x7c: {  	_ =	shalt  }
0x7d: {  	_ =	shalt  }
0x7e: {  	_ =	shalt  }
0x7f: {  	_ =	shalt  }
0x80: {  	_ =	shalt  }
0x81: {  	_ =	shalt  }
0x82: {  	_ =	shalt  }
0x83: {  	_ =	shalt  }
0x84: {  	_ =	shalt  }
0x85: {  	_ =	shalt  }
0x86: {  	_ =	shalt  }
0x87: {  	_ =	shalt  }
.Lfunc_end0:
.L_simem_size_0:
called_computation_lowered:
.L_overlay_start_0:
0x88: {  	s2 =	sld [smem:$0x3FD9]  }
0x89: {  	s3 =	sld [smem:$0x3FFE];
	_ =	sdelay $0x1  }
0x8a: {  	s1 =	srdreg.scid  }
0x8b: {  	s0 =	sand.u32 $0x1, s1  }
0x8c: {  	s17 =	sshll.u32 s0, $0xA;
	s2 =	sadd.s32 s3, s2  }
0x8d: {  	s2 =	sadd.s32 s2, s17  }
0x8e: {  	[smem:$0x3FB8] =	sst s2  }
0x8f: {  	_ = 	snop  }
0x90: {  	s2 =	sld [smem:$0x3FC9];
	(tm) =	ssettm $0x1  }
0x91: {  	s18 =	sld [smem:$0x3FFB];
	_ =	sdelay $0x3  }
0x92: {  	_ =	strace s18  }
0x93: {  	s3 =	sld [smem:$0x3FFC];
	_ =	sdelay $0x3  }
0x94: {  	_ =	strace s3  }
0x95: {  	s3 =	sld [smem:$0x3FFD];
	_ =	sdelay $0x3  }
0x96: {  	_ =	strace s3  }
0x97: {  	_ =	strace $0x8FFFFFFF  }
0x98: {  	s19 =	sld [smem:$0x3FDB];
	_ =	sdelay $0x1  }
0x99: {  	s4 =	simm.s32 $_scs_section_size  }
0x9a: {  	s5 =	simm.s32 $_size__tile_overlayer_lowered;
	s6 =	simm.s32 $_tile_overlayer_lowered  }
0x9b: {  	s22 =	simm.s32 $0x1BFF;
	s21 =	sshll.u32 s6, $0x1;
	s3 =	sadd.s32 s4, s19  }
0x9c: {  	s7 =	simm.s32 $0x0;
	s20 =	sshll.u32 s5, $0x1;
	s5 =	sadd.s32 s21, s3  }
0x9d: {  	[timem:s7], [sflag:s22] =	dma.local [hbm:s5], s20  }
0x9e: {  	_ =	swait.ge [sflag:s22], s20  }
0x9f: {  	s4 =	ssub.s32 $0x0, s20;
	[sflag:s22] =	ssyncset.done $0x0  }
0xa0: {  	[sflag:s22] =	ssyncadd.s32 s4;
	_ =	sdelay $0x1  }
0xa1: {  	s23 =	simm.s32 $0x1B8B  }
0xa2: {  	_ =	swait.ge [sflag:s23], $0x1  }
0xa3: {  	[sflag:s23] =	ssyncset.done $0x0  }
0xa4: {  	s25 =	simm.s32 $0x1B8E;
	s24 =	sld [smem:$0x3FFE];
	[sflag:s23] =	ssyncadd.s32 $0xFFFFFFFF  }
0xa5: {  	s26 =	simm.s32 $execute0_lowered;
	[smem:$0x3FD2] =	sst s25  }
0xa6: {  	s5 =	sshll.u32 s26, $0x1;
	_ =	strace $0x80000046;
	[dreg:$0x1] =	wrdreg $0xFFFFFFFF  }
0xa7: {  	s28 =	simm.s32 $_size_execute0_lowered;
	s3 =	sadd.s32 s3, s5;
	[dreg:$0x0] =	wrdreg $0x0  }
0xa8: {  	s5 =	sshll.u32 s28, $0x1;
	[dreg:$0x2] =	wrdreg s3  }
0xa9: {  	[dreg:$0x3] =	wrdreg s5  }
0xaa: {  	[dreg:$0x4] =	wrdreg $0xC0  }
0xab: {  	_ =	task [dreg:s7], $0x5FFFF  }
0xac: {  	[dreg:$0x1] =	wrdreg $0xFFFFFFFF  }
0xad: {  	[dreg:$0x0] =	wrdreg $0x60  }
0xae: {  	[dreg:$0x2] =	wrdreg s2  }
0xaf: {  	[dreg:$0x3] =	wrdreg s24  }
0xb0: {  	[dreg:$0x4] =	wrdreg $0x0  }
0xb1: {  	[dreg:$0x5] =	wrdreg $0x9  }
0xb2: {  	_ =	task.clear_ibuf [dreg:s7], $0x6FFFF;
	_ =	strace $0x90000046  }
0xb3: {  	s29 =	simm.s32 $0x9;
	_ =	strace $0x80000048  }
0xb4: {  	_ =	swait.ge [sflag:s29], $0x1  }
0xb5: {  	[sflag:s29] =	ssyncadd.s32 $0xFFFFFFFF  }
0xb6: {  	_ =	strace $0x90000048  }
0xb7: {  	_ =	sfence  }
0xb8: {  	s30 =	sld [smem:$0x0];
	_ =	sdelay $0x2  }
0xb9: {  	s31 =	sshll.u32 s1, $0xD;
	s1 =	sshrl.u32 s1, $0x2  }
0xba: {  	s3 =	sand.u32 $0x4000, s31;
	s1 =	sadd.s32 s1, s30  }
0xbb: {  	s0 =	sor.u32 s3, s0;
	s1 =	sshll.u32 s1, $0x11  }
0xbc: {  	s0 =	sor.u32 s1, s0  }
0xbd: {  	s0 =	sadd.s32 $0x8F2B, s0  }
0xbe: {  	[sflag:s0] =	ssyncadd.remote.s32 $0x1  }
0xbf: {  	_ =	sfence.sel $0xFFFF  }
0xc0: {  	[dreg:$0x0] =	wrdreg $0xFFFFFFFF;
	(pc) =	sbr.abs _section_cstart, $3  }
0xc1: {  	[dreg:$0x1] =	wrdreg $0xFFFFFFFF  }
0xc2: {  	_ =	task.clear_ibuf [dreg:s7], $0x2FFFF;
	_ =	strace $0x9FFFFFFF  }
0xc3: {  	(tm) =	ssettm $0x7FFFFFFF  }
tec
execute0_lowered:
.L_overlay_start_1:
0x0: {  	(tag) =	ssettag $0x1  }
0x1: {  	s1 =	rddreg [dreg:$0x0]  }
0x2: {  	s0 =	rddreg [dreg:$0x1];
	s11 =	stileid.u32  }
0x3: {  	s3 =	rddreg [dreg:$0x2];
	s7 =	smul.u32 $0x2800, s11  }
0x4: {  	s4 =	simm.s32 $0x0;
	s2 =	srdreg.scid;
	s23 =	smul.u32 $0x50000, s11  }
0x5: {  	s2 =	sand.u32 $0x1, s2;
	s5 =	sshll.u32 s11, $0x1;
	s11 =	smul.u32 $0x4E20, s11  }
0x6: {  	s28 =	simm.s32 $0x1BC00;
	s29 =	simm.s32 $0x4;
	s8 =	smul.u32 $0x28000, s2  }
0x7: {  	s6 =	sor.u32 s2, s5;
	s18 =	ssub.s32 $0x2, s2;
	s2 =	smul.u32 $0x2710, s2  }
0x8: {  	[smem:$0x7FF] =	sst s4;
	s16 =	sadd.s32 $0xDE00, s0;
	s9 =	smul.u32 $0x2710, s6  }
0x9: {  	s17 =	sadd.s32 $0x4000, s0;
	_ =	strace $0x80000047;
	s2 =	sadd.s32 s2, s11  }
0xa: {  	s19 =	sshrl.u32 s18, $0x1;
	s9 =	sshrl.u32 s9, $0x3;
	s14 =	sadd.s32 $0x140, s2  }
0xb: {  	s7 =	sadd.s32 s7, s8;
	s20 =	sadd.s32 s16, s9;
	[dreg:$0x11] =	wrdreg s14  }
0xc: {  	s0 =	sadd.s32 s7, s0;
	s10 =	sadd.s32 s17, s9;
	[dreg:$0x4] =	wrdreg s20  }
0xd: {  	s7 =	ssub.s32 s18, s19;
	s0 =	sadd.s32 $0x17C00, s0;
	[dreg:$0x5] =	wrdreg s10  }
0xe: {  	s21 =	sadd.s32 $0xA, s9;
	s7 =	smax.u32 s7, $0x1;
	[dreg:$0xe] =	wrdreg s0  }
0xf: {  	s30 =	simm.s32 $0x5;
	s22 =	sadd.s32 s16, s21;
	[dreg:$0xf] =	wrdreg s7  }
0x10: {  	s24 =	sadd.s32 $0x14, s9;
	s8 =	sadd.s32 s17, s21;
	[dreg:$0x6] =	wrdreg s22  }
0x11: {  	s9 =	sadd.s32 $0x1E, s9;
	s12 =	sadd.s32 s16, s24;
	[dreg:$0x7] =	wrdreg s8  }
0x12: {  	s31 =	simm.s32 $0x6;
	s25 =	sadd.s32 s16, s9;
	[dreg:$0x8] =	wrdreg s12  }
0x13: {  	s26 =	sshrl.u32 s23, $0x2;
	s9 =	sadd.s32 s17, s9;
	[dreg:$0xa] =	wrdreg s25  }
0x14: {  	s6 =	smov.u32 s16;
	s10 =	sadd.s32 s26, s3;
	[dreg:$0xb] =	wrdreg s9  }
0x15: {  	s19 =	smov.u32 s17;
	s8 =	sadd.s32 s17, s24;
	[dreg:$0xc] =	wrdreg s10  }
0x16: {  	s14 =	simm.s32 $0x0;
	s15 =	sadd.s32 $0x5000, s10;
	[dreg:$0x9] =	wrdreg s8  }
0x17: {  	s9 =	sadd.s32 $0x1E0, s2;
	s18 =	sadd.s32 $0xC800, s10;
	[dreg:$0x12] =	wrdreg s15  }
0x18: {  	s12 =	sadd.s32 $0x190, s2;
	s25 =	sadd.s32 $0xF000, s10;
	[dreg:$0x15] =	wrdreg s18  }
0x19: {  	s26 =	sadd.s32 $0x11800, s10;
	s8 =	sadd.s32 $0x2800, s10;
	[dreg:$0x16] =	wrdreg s25  }
0x1a: {  	s7 =	sshrl.u32 s9, $0x3;
	s13 =	sshrl.u32 s12, $0x3;
	[dreg:$0x17] =	wrdreg s26  }
0x1b: {  	s9 =	simm.s32 $0x14080;
	s12 =	simm.s32 $0x50;
	s18 =	simm.s32 $0x14180  }
0x1c: {  	s26 =	simm.s32 $0x14380;
	[dreg:$0xd] =	wrdreg s8;
	s8 =	sadd.s32 $0x230, s2  }
0x1d: {  	s21 =	sadd.s32 s7, s17;
	s22 =	sadd.s32 s7, s16;
	s23 =	sadd.s32 s13, s17  }
0x1e: {  	s24 =	sadd.s32 s13, s16;
	s2 =	simm.s32 $0x14000;
	s0 =	sshrl.u32 s8, $0x3  }
.Ltmp0:
0x1f: {  	s7 =	simm.s32 $0x14200;
	s11 =	sadd.s32 s0, s17;
	(pc) =	sbr.rel .LBB2_1-.Ltmp0, $4  }
0x20: {  	s20 =	sadd.s32 s0, s16;
	s16 =	sadd.s32 $0x7800, s10;
	[dreg:$0x10] =	wrdreg s11  }
0x21: {  	s13 =	simm.s32 $0x14400;
	s17 =	sadd.s32 $0xA000, s10;
	[dreg:$0x13] =	wrdreg s16  }
0x22: {  	s8 =	simm.s32 $0x9;
	s0 =	simm.s32 $0x8;
	[dreg:$0x14] =	wrdreg s17  }
0x23: {  	v0 =	vimm.f32 $0.0e+00;
	s16 =	simm.s32 $0x14100;
	s11 =	simm.s32 $0x1;
	s17 =	simm.s32 $0xD  }
.LBB2_6:
0x24: {  	_ =	swait.ge [sflag:s30], $0x2800  }
0x25: {  	[sflag:s30] =	ssyncset.done $0x0  }
0x26: {  	[sflag:s30] =	ssyncadd.s32 $0xFFFFD800  }
0x27: {  	[spmem:s3] =	stream.indirect.scatter.add.f32 [tilespmem:s13], [sflag:$0x9], $0x80, s7, s12, $0xb8;
	[tilespmem:$0x1E400] =	vst v63  }
0x28: {  	_ =	swait.ge [sflag:s8], $0x2800  }
0x29: {  	[sflag:s8] =	ssyncset.done $0x0  }
0x2a: {  	s5 =	simm.s32 $0xA;
	[sflag:s8] =	ssyncadd.s32 $0xFFFFD800  }
0x2b: {  	_ =	swait.ge [sflag:s5], $0x2800  }
0x2c: {  	[sflag:s5] =	ssyncset.done $0x0  }
0x2d: {  	s10 =	simm.s32 $0xB;
	[sflag:s5] =	ssyncadd.s32 $0xFFFFD800  }
0x2e: {  	_ =	swait.ge [sflag:s10], $0x2800  }
0x2f: {  	[sflag:s10] =	ssyncset.done $0x0  }
0x30: {  	s14 =	simm.s32 $0xC;
	[sflag:s10] =	ssyncadd.s32 $0xFFFFD800  }
0x31: {  	_ =	swait.ge [sflag:s14], $0x2800  }
0x32: {  	[sflag:s14] =	ssyncset.done $0x0  }
0x33: {  	[sflag:s14] =	ssyncadd.s32 $0xFFFFD800  }
0x34: {  	s15 =	stileid.u32;
	[bflag:$0x0] =	sbarrier.arrive $0xFFFF  }
0x35: {  	s17 =	simm.s32 $0xD;
	s5 =	sshll.u32 s15, $0x6;
	s10 =	rddreg [dreg:$0xc]  }
0x36: {  	s5 =	sor.u32 $0x1C0D, s5;
	s14 =	rddreg [dreg:$0xe];
	s9 =	sshrl.u32 s10, $0x3  }
0x37: {  	[hbm:s14], [sflag:s5] =	dma.local [spmem:s9], $0x2800  }
0x38: {  	_ =	swait.ge [sflag:s17], $0x2800  }
0x39: {  	s16 =	rddreg [dreg:$0x18]  }
0x3a: {  	s25 =	rddreg [dreg:$0xf];
	s14 =	sadd.s32 $0x1, s16  }
0x3b: {  	p0 =	sne.s32 s14, s25  }
.Ltmp1:
0x3c: {  	_ = 	snop;
	(pc) =	sbr.rel @!p0 .LBB2_7-.Ltmp1, $3  }
0x3d: {  	_ =	sdelay $0x1  }
0x3e: {  	[sflag:s17] =	ssyncset.done $0x0  }
0x3f: {  	s9 =	simm.s32 $0x14080;
	[sflag:s17] =	ssyncadd.s32 $0xFFFFD800;
	s16 =	simm.s32 $0x14100  }
.LBB2_1:
0x40: {  	[dreg:$0x18] =	wrdreg s14  }
0x41: {  	s5 =	rddreg [dreg:$0x4]  }
0x42: {  	[tilespmem:s2], [sflag:$0x1] =	stream.linear.gather [hbm4b:s5+s4], $0x50, $0x38;
	[tilespmem:$0x1E400] =	vst v63  }
0x43: {  	s25 =	rddreg [dreg:$0x5]  }
0x44: {  	[tilespmem:s7], [sflag:$0x1] =	stream.linear.gather [hbm4b:s25+s4], $0x50, $0x38;
	[tilespmem:$0x1E400] =	vst v63  }
0x45: {  	s14 =	rddreg [dreg:$0x6]  }
0x46: {  	[tilespmem:s9], [sflag:$0x2] =	stream.linear.gather [hbm4b:s14+s4], $0x50, $0x38;
	[tilespmem:$0x1E400] =	vst v63  }
0x47: {  	s15 =	rddreg [dreg:$0x7];
	s25 =	simm.s32 $0x14280  }
0x48: {  	[tilespmem:s25], [sflag:$0x2] =	stream.linear.gather [hbm4b:s15+s4], $0x50, $0x38;
	[tilespmem:$0x1E400] =	vst v63  }
0x49: {  	s14 =	rddreg [dreg:$0x8]  }
0x4a: {  	[tilespmem:s16], [sflag:$0x3] =	stream.linear.gather [hbm4b:s14+s4], $0x50, $0x38;
	[tilespmem:$0x1E400] =	vst v63  }
0x4b: {  	s15 =	rddreg [dreg:$0x9];
	s25 =	simm.s32 $0x14300  }
0x4c: {  	[tilespmem:s25], [sflag:$0x3] =	stream.linear.gather [hbm4b:s15+s4], $0x50, $0x38;
	[tilespmem:$0x1E400] =	vst v63  }
0x4d: {  	s14 =	simm.s32 $0x0;
	s15 =	simm.s32 $0x200  }
.LBB2_2:
0x4e: {  	p0 =	sne.s32 s15, $0x9E00;
	[tilespmem:s14+$0x1BC70] =	vst v0  }
0x4f: {  	[tilespmem:s14+$0x1BC00] =	vst v0  }
0x50: {  	[tilespmem:s14+$0x1BC10] =	vst v0  }
.Ltmp2:
0x51: {  	[tilespmem:s14+$0x1BC20] =	vst v0;
	(pc) =	sbr.rel @p0 .LBB2_2-.Ltmp2, $4  }
0x52: {  	[tilespmem:s14+$0x1BC30] =	vst v0  }
0x53: {  	[tilespmem:s14+$0x1BC40] =	vst v0  }
0x54: {  	[tilespmem:s14+$0x1BC50] =	vst v0  }
0x55: {  	[tilespmem:s14+$0x1BC60] =	vst v0;
	s14 =	sshra.s32 s15, $0x2;
	s15 =	sadd.s32 $0x200, s15  }
0x56: {  	[tilespmem:s14+$0x1BC70] =	vst v0  }
0x57: {  	[tilespmem:s14+$0x1BC00] =	vst v0  }
0x58: {  	[tilespmem:s14+$0x1BC10] =	vst v0  }
0x59: {  	[tilespmem:s14+$0x1BC20] =	vst v0  }
0x5a: {  	[tilespmem:s14+$0x1BC30] =	vst v0  }
0x5b: {  	[tilespmem:s14+$0x1BC40] =	vst v0  }
0x5c: {  	[tilespmem:s14+$0x1BC50] =	vst v0  }
0x5d: {  	[tilespmem:s14+$0x1BC60] =	vst v0  }
0x5e: {  	_ =	swait.ge [sflag:s11], $0x50  }
0x5f: {  	[sflag:s11] =	ssyncset.done $0x0  }
0x60: {  	[sflag:s11] =	ssyncadd.s32 $0xFFFFFFB0  }
0x61: {  	_ =	swait.ge [sflag:s11], $0x50  }
0x62: {  	[sflag:s11] =	ssyncset.done $0x0  }
0x63: {  	s5 =	simm.s32 $0x2;
	[sflag:s11] =	ssyncadd.s32 $0xFFFFFFB0  }
0x64: {  	[tilespmem:s13], [sflag:$0x5] =	stream.indirect.gather [hbm4b:s1+s12], $0x80, s2, s12, $0xb8;
	[tilespmem:$0x1E400] =	vst v63  }
0x65: {  	_ =	swait.ge [sflag:s5], $0x50  }
0x66: {  	[sflag:s5] =	ssyncset.done $0x0  }
0x67: {  	[sflag:s5] =	ssyncadd.s32 $0xFFFFFFB0  }
0x68: {  	_ =	swait.ge [sflag:s5], $0x50  }
0x69: {  	[sflag:s5] =	ssyncset.done $0x0  }
0x6a: {  	s14 =	simm.s32 $0x16C00;
	s15 =	simm.s32 $0x3;
	[sflag:s5] =	ssyncadd.s32 $0xFFFFFFB0  }
0x6b: {  	[tilespmem:s14], [sflag:$0x6] =	stream.indirect.gather [hbm4b:s1+s12], $0x80, s9, s12, $0xb8;
	[tilespmem:$0x1E400] =	vst v63  }
0x6c: {  	_ =	swait.ge [sflag:s15], $0x50  }
0x6d: {  	[sflag:s15] =	ssyncset.done $0x0  }
0x6e: {  	[sflag:s15] =	ssyncadd.s32 $0xFFFFFFB0  }
0x6f: {  	_ =	swait.ge [sflag:s15], $0x50  }
0x70: {  	[sflag:s15] =	ssyncset.done $0x0  }
0x71: {  	s25 =	simm.s32 $0x19400;
	[sflag:s15] =	ssyncadd.s32 $0xFFFFFFB0  }
0x72: {  	[tilespmem:s25], [sflag:$0x7] =	stream.indirect.gather [hbm4b:s1+s12], $0x80, s16, s12, $0xb8;
	[tilespmem:$0x1E400] =	vst v63  }
0x73: {  	s9 =	rddreg [dreg:$0xa];
	s15 =	simm.s32 $0x0  }
0x74: {  	[tilespmem:s18], [sflag:$0x4] =	stream.linear.gather [hbm4b:s9+s15], $0x50, $0x38;
	[tilespmem:$0x1E400] =	vst v63  }
0x75: {  	s14 =	rddreg [dreg:$0xb]  }
0x76: {  	[tilespmem:s26], [sflag:$0x4] =	stream.linear.gather [hbm4b:s14+s15], $0x50, $0x38;
	[tilespmem:$0x1E400] =	vst v63  }
0x77: {  	_ = 	snop  }
0x78: {  	[spmem:s10] =	stream.linear.scatter [tilespmem:s28], [sflag:$0xD], $0x2800, $0x38;
	[tilespmem:$0x1E400] =	vst v63  }
0x79: {  	_ =	swait.ge [sflag:s17], $0x2800  }
0x7a: {  	[sflag:s17] =	ssyncset.done $0x0  }
0x7b: {  	s16 =	rddreg [dreg:$0xd];
	[sflag:s17] =	ssyncadd.s32 $0xFFFFD800  }
0x7c: {  	[spmem:s16] =	stream.linear.scatter [tilespmem:s28], [sflag:$0xD], $0x2800, $0x38;
	[tilespmem:$0x1E400] =	vst v63  }
0x7d: {  	_ =	swait.ge [sflag:s17], $0x2800  }
0x7e: {  	[sflag:s17] =	ssyncset.done $0x0  }
0x7f: {  	s25 =	rddreg [dreg:$0x12];
	[sflag:s17] =	ssyncadd.s32 $0xFFFFD800  }
0x80: {  	[spmem:s25] =	stream.linear.scatter [tilespmem:s28], [sflag:$0xD], $0x2800, $0x38;
	[tilespmem:$0x1E400] =	vst v63  }
0x81: {  	_ =	swait.ge [sflag:s17], $0x2800  }
0x82: {  	[sflag:s17] =	ssyncset.done $0x0  }
0x83: {  	s9 =	rddreg [dreg:$0x13];
	[sflag:s17] =	ssyncadd.s32 $0xFFFFD800  }
0x84: {  	[spmem:s9] =	stream.linear.scatter [tilespmem:s28], [sflag:$0xD], $0x2800, $0x38;
	[tilespmem:$0x1E400] =	vst v63  }
0x85: {  	_ =	swait.ge [sflag:s17], $0x2800  }
0x86: {  	[sflag:s17] =	ssyncset.done $0x0  }
0x87: {  	s10 =	rddreg [dreg:$0x14];
	[sflag:s17] =	ssyncadd.s32 $0xFFFFD800  }
0x88: {  	[spmem:s10] =	stream.linear.scatter [tilespmem:s28], [sflag:$0xD], $0x2800, $0x38;
	[tilespmem:$0x1E400] =	vst v63  }
0x89: {  	_ =	swait.ge [sflag:s17], $0x2800  }
0x8a: {  	[sflag:s17] =	ssyncset.done $0x0  }
0x8b: {  	s14 =	rddreg [dreg:$0x15];
	[sflag:s17] =	ssyncadd.s32 $0xFFFFD800  }
0x8c: {  	[spmem:s14] =	stream.linear.scatter [tilespmem:s28], [sflag:$0xD], $0x2800, $0x38;
	[tilespmem:$0x1E400] =	vst v63  }
0x8d: {  	_ =	swait.ge [sflag:s17], $0x2800  }
0x8e: {  	[sflag:s17] =	ssyncset.done $0x0  }
0x8f: {  	s16 =	rddreg [dreg:$0x16];
	[sflag:s17] =	ssyncadd.s32 $0xFFFFD800  }
0x90: {  	[spmem:s16] =	stream.linear.scatter [tilespmem:s28], [sflag:$0xD], $0x2800, $0x38;
	[tilespmem:$0x1E400] =	vst v63  }
0x91: {  	_ =	swait.ge [sflag:s17], $0x2800  }
0x92: {  	[sflag:s17] =	ssyncset.done $0x0  }
0x93: {  	s25 =	rddreg [dreg:$0x17];
	[sflag:s17] =	ssyncadd.s32 $0xFFFFD800  }
0x94: {  	[spmem:s25] =	stream.linear.scatter [tilespmem:s28], [sflag:$0xD], $0x2800, $0x38;
	[tilespmem:$0x1E400] =	vst v63  }
0x95: {  	_ =	swait.ge [sflag:s17], $0x2800  }
0x96: {  	[sflag:s17] =	ssyncset.done $0x0  }
0x97: {  	[sflag:s17] =	ssyncadd.s32 $0xFFFFD800  }
0x98: {  	[bflag:$0x0] =	sbarrier.arrive $0xFFFF  }
0x99: {  	s14 =	rddreg [dreg:$0x11]  }
.LBB2_4:
0x9a: {  	_ =	swait.ge [sflag:s29], $0x50  }
0x9b: {  	[sflag:s29] =	ssyncset.done $0x0  }
0x9c: {  	[sflag:s29] =	ssyncadd.s32 $0xFFFFFFB0  }
0x9d: {  	_ =	swait.ge [sflag:s29], $0x50  }
0x9e: {  	p0 =	seq.s32 s15, $0x0;
	[sflag:s29] =	ssyncset.done $0x0  }
0x9f: {  	s17 =	simm.s32 @!p0 $0xC;
	[sflag:s29] =	ssyncadd.s32 $0xFFFFFFB0  }
0xa0: {  	_ =	swait.ge @!p0 [sflag:s17], $0x2800  }
0xa1: {  	[sflag:s17] =	ssyncset.done @!p0 $0x0  }
0xa2: {  	[sflag:s17] =	ssyncadd.s32 @!p0 $0xFFFFD800  }
0xa3: {  	[tilespmem:s28], [sflag:$0x8] =	stream.indirect.gather [hbm4b:s1+s12], $0x80, s18, s12, $0xb8;
	[tilespmem:$0x1E400] =	vst v63  }
0xa4: {  	_ =	swait.ge [sflag:s30], $0x2800  }
0xa5: {  	[sflag:s30] =	ssyncset.done $0x0  }
0xa6: {  	s16 =	sshrl.u32 s14, $0x3;
	[sflag:s30] =	ssyncadd.s32 $0xFFFFD800  }
0xa7: {  	[spmem:s3] =	stream.indirect.scatter.add.f32 [tilespmem:s13], [sflag:$0x9], $0x80, s7, s12, $0xb8;
	[tilespmem:$0x1E400] =	vst v63  }
0xa8: {  	s10 =	sadd.s32 s6, s16  }
0xa9: {  	[tilespmem:s2], [sflag:$0x1] =	stream.linear.gather [hbm4b:s10+s4], $0x50, $0x38;
	[tilespmem:$0x1E400] =	vst v63  }
0xaa: {  	s25 =	sadd.s32 s19, s16  }
0xab: {  	[tilespmem:s7], [sflag:$0x1] =	stream.linear.gather [hbm4b:s25+s4], $0x50, $0x38;
	[tilespmem:$0x1E400] =	vst v63  }
0xac: {  	_ =	swait.ge [sflag:s11], $0x50  }
0xad: {  	[sflag:s11] =	ssyncset.done $0x0  }
0xae: {  	[sflag:s11] =	ssyncadd.s32 $0xFFFFFFB0  }
0xaf: {  	_ =	swait.ge [sflag:s11], $0x50  }
0xb0: {  	[sflag:s11] =	ssyncset.done $0x0  }
0xb1: {  	[sflag:s11] =	ssyncadd.s32 $0xFFFFFFB0  }
0xb2: {  	_ =	swait.ge [sflag:s8], $0x2800  }
0xb3: {  	[sflag:s8] =	ssyncset.done $0x0  }
0xb4: {  	[sflag:s8] =	ssyncadd.s32 $0xFFFFD800  }
0xb5: {  	[tilespmem:s13], [sflag:$0x5] =	stream.indirect.gather [hbm4b:s1+s12], $0x80, s2, s12, $0xb8;
	[tilespmem:$0x1E400] =	vst v63  }
0xb6: {  	_ =	swait.ge [sflag:s31], $0x2800  }
0xb7: {  	s5 =	simm.s32 $0x14280;
	p0 =	seq.s32 s15, $0x4B0;
	[sflag:s31] =	ssyncset.done $0x0  }
0xb8: {  	s9 =	simm.s32 $0x16C00;
	s10 =	simm.s32 @p0 $0x7;
	[sflag:s31] =	ssyncadd.s32 $0xFFFFD800  }
0xb9: {  	[spmem:s3] =	stream.indirect.scatter.add.f32 [tilespmem:s9], [sflag:$0xA], $0x80, s5, s12, $0xb8;
	[tilespmem:$0x1E400] =	vst v63  }
0xba: {  	_ =	swait.ge @p0 [sflag:s10], $0x2800  }
0xbb: {  	s17 =	simm.s32 @p0 $0x14300;
	[sflag:s10] =	ssyncset.done @p0 $0x0  }
0xbc: {  	s25 =	simm.s32 @p0 $0x19400;
	[sflag:s10] =	ssyncadd.s32 @p0 $0xFFFFD800;
	s10 =	simm.s32 @p0 $0x50  }
0xbd: {  	[spmem:s3] =	stream.indirect.scatter.add.f32 @p0 [tilespmem:s25], [sflag:$0xB], $0x80, s17, s10, $0xb8;
	[tilespmem:$0x1E400] =	vst v63  }
0xbe: {  	s10 =	sadd.s32 @!p0 s15, s24;
	s17 =	simm.s32 @!p0 $0x0;
	s25 =	simm.s32 @!p0 $0x14080  }
0xbf: {  	[tilespmem:s25], [sflag:$0x2] =	stream.linear.gather @!p0 [hbm4b:s10+s17], $0x50, $0x38;
	[tilespmem:$0x1E400] =	vst v63  }
0xc0: {  	s9 =	simm.s32 @!p0 $0x14280;
	s10 =	sadd.s32 @!p0 s15, s23  }
0xc1: {  	[tilespmem:s9], [sflag:$0x2] =	stream.linear.gather @!p0 [hbm4b:s10+s17], $0x50, $0x38;
	[tilespmem:$0x1E400] =	vst v63  }
0xc2: {  	s9 =	simm.s32 @!p0 $0x2  }
0xc3: {  	_ =	swait.ge @!p0 [sflag:s9], $0x50  }
0xc4: {  	[sflag:s9] =	ssyncset.done @!p0 $0x0  }
0xc5: {  	[sflag:s9] =	ssyncadd.s32 @!p0 $0xFFFFFFB0  }
0xc6: {  	_ =	swait.ge @!p0 [sflag:s9], $0x50  }
0xc7: {  	[sflag:s9] =	ssyncset.done @!p0 $0x0  }
0xc8: {  	[sflag:s9] =	ssyncadd.s32 @!p0 $0xFFFFFFB0;
	s9 =	simm.s32 @!p0 $0xA  }
0xc9: {  	_ =	swait.ge @!p0 [sflag:s9], $0x2800  }
0xca: {  	[sflag:s9] =	ssyncset.done @!p0 $0x0  }
0xcb: {  	s10 =	simm.s32 @!p0 $0x16C00;
	[sflag:s9] =	ssyncadd.s32 @!p0 $0xFFFFD800;
	s9 =	simm.s32 @!p0 $0x50  }
0xcc: {  	[tilespmem:s10], [sflag:$0x6] =	stream.indirect.gather @!p0 [hbm4b:s1+s9], $0x80, s25, s9, $0xb8;
	[tilespmem:$0x1E400] =	vst v63  }
0xcd: {  	s10 =	simm.s32 @!p0 $0x7  }
0xce: {  	_ =	swait.ge @!p0 [sflag:s10], $0x2800  }
0xcf: {  	[sflag:s10] =	ssyncset.done @!p0 $0x0  }
0xd0: {  	s25 =	simm.s32 @!p0 $0x19400;
	[sflag:s10] =	ssyncadd.s32 @!p0 $0xFFFFD800;
	s10 =	simm.s32 @!p0 $0x14300  }
0xd1: {  	[spmem:s3] =	stream.indirect.scatter.add.f32 @!p0 [tilespmem:s25], [sflag:$0xB], $0x80, s10, s9, $0xb8;
	[tilespmem:$0x1E400] =	vst v63  }
0xd2: {  	s16 =	sadd.s32 @!p0 s15, s22;
	s5 =	simm.s32 @!p0 $0x14100  }
0xd3: {  	[tilespmem:s5], [sflag:$0x3] =	stream.linear.gather @!p0 [hbm4b:s16+s17], $0x50, $0x38;
	[tilespmem:$0x1E400] =	vst v63  }
0xd4: {  	s16 =	sadd.s32 @!p0 s15, s21  }
0xd5: {  	[tilespmem:s10], [sflag:$0x3] =	stream.linear.gather @!p0 [hbm4b:s16+s17], $0x50, $0x38;
	[tilespmem:$0x1E400] =	vst v63  }
0xd6: {  	s10 =	simm.s32 @!p0 $0x3  }
0xd7: {  	_ =	swait.ge @!p0 [sflag:s10], $0x50  }
0xd8: {  	[sflag:s10] =	ssyncset.done @!p0 $0x0  }
0xd9: {  	[sflag:s10] =	ssyncadd.s32 @!p0 $0xFFFFFFB0  }
0xda: {  	_ =	swait.ge @!p0 [sflag:s10], $0x50  }
0xdb: {  	[sflag:s10] =	ssyncset.done @!p0 $0x0  }
0xdc: {  	[sflag:s10] =	ssyncadd.s32 @!p0 $0xFFFFFFB0;
	s10 =	simm.s32 @!p0 $0xB  }
0xdd: {  	_ =	swait.ge @!p0 [sflag:s10], $0x2800  }
0xde: {  	[sflag:s10] =	ssyncset.done @!p0 $0x0  }
0xdf: {  	[sflag:s10] =	ssyncadd.s32 @!p0 $0xFFFFD800  }
0xe0: {  	[tilespmem:s25], [sflag:$0x7] =	stream.indirect.gather @!p0 [hbm4b:s1+s9], $0x80, s5, s9, $0xb8;
	[tilespmem:$0x1E400] =	vst v63  }
.Ltmp3:
0xe1: {  	_ = 	snop;
	(pc) =	sbr.rel @p0 .LBB2_6-.Ltmp3, $4  }
0xe2: {  	_ =	swait.ge [sflag:s0], $0x2800  }
0xe3: {  	[sflag:s0] =	ssyncset.done $0x0  }
0xe4: {  	[sflag:s0] =	ssyncadd.s32 $0xFFFFD800  }
0xe5: {  	[spmem:s3] =	stream.indirect.scatter.add.f32 [tilespmem:s28], [sflag:$0xC], $0x80, s26, s12, $0xb8;
	[tilespmem:$0x1E400] =	vst v63  }
.Ltmp4:
0xe6: {  	(pc) =	sbr.rel .LBB2_4-.Ltmp4, $4  }
0xe7: {  	s5 =	sadd.s32 s15, s20;
	s25 =	rddreg [dreg:$0x10]  }
0xe8: {  	[tilespmem:s18], [sflag:$0x4] =	stream.linear.gather [hbm4b:s5+s4], $0x50, $0x38;
	[tilespmem:$0x1E400] =	vst v63  }
0xe9: {  	s14 =	sadd.s32 $0x140, s14;
	s5 =	sadd.s32 s15, s25;
	s15 =	sadd.s32 $0x28, s15  }
0xea: {  	[tilespmem:s26], [sflag:$0x4] =	stream.linear.gather [hbm4b:s5+s4], $0x50, $0x38;
	[tilespmem:$0x1E400] =	vst v63  }
.LBB2_7:
0xeb: {  	_ =	sfence.sel $0x180000  }
0xec: {  	[bflag:$0x0] =	sbarrier.arrive $0xFFFF  }
0xed: {  	_ =	strace $0x90000047  }
0xee: {  	s0 =	stileid.u32;
	[bflag:$0x2] =	sbarrier.arrive $0xFFFF  }
0xef: {  	p0 =	sne.s32 s0, $0x0;
	s0 =	rddreg [dreg:$0x3]  }
0xf0: {  	s0 =	sadd.s32 @!p0 $0x100000, s0  }
0xf1: {  	[sflag:s0] =	ssyncadd.tile.s32 @!p0 $0x1;
	_ =	shalt  }
.Lfunc_end2:
_tile_overlayer_lowered:
.L_overlay_start_2:
0xf2: {  	(tag) =	ssettag $0x2  }
0xf3: {  	s0 =	rddreg [dreg:$0x0];
	s2 =	stileid.u32  }
0xf4: {  	s1 =	rddreg [dreg:$0x1];
	p0 =	sne.s32 s2, $0x0  }
0xf5: {  	s3 =	rddreg [dreg:$0x2];
	[bflag:$0x3] =	sbarrier.arrive $0xFFFF;
	s2 =	simm.s32 @!p0 $0x1C0D  }
0xf6: {  	[timem:s3], [sflag:s2] =	dma.local @!p0 [hbm:s0], s1  }
0xf7: {  	s0 =	simm.s32 @!p0 $0xD  }
0xf8: {  	_ =	swait.ge @!p0 [sflag:s0], s1  }
0xf9: {  	s1 =	ssub.s32 @!p0 $0x0, s1;
	[sflag:s0] =	ssyncset.done @!p0 $0x0  }
0xfa: {  	[sflag:s0] =	ssyncadd.s32 @!p0 s1  }
0xfb: {  	[bflag:$0x3] =	sbarrier.arrive $0xFFFF  }
0xfc: {  	_ =	shalt  }

// kernel: kernel.14.cloned.1.call-start
scs
__scs_entry_jumppad:
0x0: {  	(pc) =	sbr.rel $0x88, $3  }
0x1: {  	(tag) =	ssettag $0x0;
	lr =	simm.s32 $0x1  }
0x2: {  	[smem:$0x3F91] =	sst lr;
	_ =	strace $0xD0000000  }
0x3: {  	_ = 	snop  }
0x4: {  	_ = 	snop  }
0x5: {  	_ = 	snop  }
0x6: {  	_ = 	snop  }
0x7: {  	_ = 	snop  }
__scs_overlays_trampoline_lowered:
0x8: {  	[smem:$0x3FA0] =	sst s0  }
0x9: {  	[smem:$0x3FA1] =	sst s1  }
0xa: {  	[smem:$0x3FA2] =	sst s2  }
0xb: {  	[smem:$0x3FA3] =	sst s3  }
0xc: {  	[smem:$0x3FA4] =	sst s4  }
0xd: {  	[smem:$0x3FA5] =	sst s5  }
0xe: {  	[smem:$0x3FA6] =	sst s6  }
0xf: {  	[smem:$0x3FA7] =	sst s7  }
0x10: {  	[smem:$0x3FA8] =	sst s8  }
0x11: {  	[smem:$0x3FA9] =	sst s9;
	s0 =	simm.s32 @!p0 $0x0  }
0x12: {  	s1 =	sld [smem:$0x3F8F];
	s0 =	simm.s32 @p0 $0x1  }
0x13: {  	[smem:$0x3FAA] =	sst s0;
	s0 =	simm.s32 @!p1 $0x0  }
0x14: {  	s2 =	sld [smem:$0x3F8E];
	s0 =	simm.s32 @p1 $0x1  }
0x15: {  	[smem:$0x3FAB] =	sst s0;
	s0 =	simm.s32 @!p2 $0x0  }
0x16: {  	s3 =	sld [smem:$0x3FDB];
	s0 =	simm.s32 @p2 $0x1  }
0x17: {  	s4 =	simm.s32 $0x1BF5;
	[smem:$0x3FAD] =	sst s0  }
0x18: {  	s0 =	sld [smem:$0x3F90];
	_ =	swait.ge [sflag:s4], $0x0  }
0x19: {  	s7 =	sld [smem:$0x3F91]  }
0x1a: {  	s8 =	sadd.s32 $0xFFFFE003, lr  }
0x1b: {  	s9 =	sadd.s32 $0xFFFFFEF7, lr;
	s5 =	simm.s32 $0xFFFFFFFF;
	p2 =	slt.u32 s8, $0xFFFFF086  }
0x1c: {  	p1 =	slt.u32 s9, $0xF7A;
	s5 =	simm.s32 @!p2 $0x0  }
0x1d: {  	s5 =	simm.s32 @p1 $0x1;
	p0 =	seq.s32 s7, s2  }
0x1e: {  	s7 =	smul.u32 @!p0 $0xF7A, s2;
	p2 =	seq.s32 @!p0 s5, $0x0  }
0x1f: {  	s9 =	smul.u32 $0xF7A, s1;
	s8 =	simm.s32 @!p0 $0x1BF5;
	p2 =	por !p2, p0  }
0x20: {  	[sflag:s8] =	ssyncset.s32 @!p0 $0xFFFFF086;
	s6 =	sadd.s32 @!p0 s3, s7;
	s7 =	simm.s32 @!p0 $0x108  }
0x21: {  	s3 =	sadd.s32 s3, s9;
	s6 =	sadd.s32 @!p0 $0x88, s6;
	s7 =	simm.s32 @p2 $0x1082  }
0x22: {  	[simem:s7], [sflag:s8] =	dma.local @!p0 [hbm:s6], $0xF7A  }
0x23: {  	s9 =	sor.u32 $0xD0000000, s2;
	s6 =	simm.s32 $0x108;
	_ =	swait.ge @!p0 [sflag:s8], $0x0  }
0x24: {  	s3 =	sadd.s32 $0x88, s3;
	s6 =	simm.s32 @!p1 $0x1082;
	[sflag:s4] =	ssyncset.s32 $0xFFFFF086  }
0x25: {  	[simem:s6], [sflag:s4] =	dma.local [hbm:s3], $0xF7A  }
0x26: {  	[smem:$0x3F91] =	sst s1;
	(tag) =	ssettag s2;
	_ =	strace s9  }
0x27: {  	s1 =	sld [smem:$0x3FA1]  }
0x28: {  	s2 =	sld [smem:$0x3FA2]  }
0x29: {  	s4 =	sld [smem:$0x3FA4]  }
0x2a: {  	p0 =	seq.s32 s5, $0x0;
	s5 =	sld [smem:$0x3FA5]  }
0x2b: {  	s6 =	sld [smem:$0x3FA6]  }
0x2c: {  	s7 =	sld [smem:$0x3FA7]  }
0x2d: {  	s3 =	simm.s32 $0x108;
	s8 =	sld [smem:$0x3FA8]  }
0x2e: {  	s3 =	simm.s32 @!p0 $0x1082;
	s9 =	sld [smem:$0x3FA9]  }
0x2f: {  	lr =	sadd.s32 s0, s3;
	s0 =	sld [smem:$0x3FA0]  }
0x30: {  	s3 =	sld [smem:$0x3FA3]  }
0x31: {  	[smem:$0x3FAC] =	sst s10  }
0x32: {  	s10 =	sld [smem:$0x3FAA];
	_ =	sdelay $0x3  }
0x33: {  	p0 =	seq.s32 s10, $0x1;
	s10 =	sld [smem:$0x3FAC];
	_ =	sdelay $0x3  }
0x34: {  	[smem:$0x3FAC] =	sst s10  }
0x35: {  	s10 =	sld [smem:$0x3FAB];
	_ =	sdelay $0x3  }
0x36: {  	p1 =	seq.s32 s10, $0x1;
	s10 =	sld [smem:$0x3FAC];
	_ =	sdelay $0x3  }
0x37: {  	[smem:$0x3FAC] =	sst s10  }
0x38: {  	s10 =	sld [smem:$0x3FAD]  }
0x39: {  	_ = 	snop;
	(pc) =	sbr.ind lr, $3  }
0x3a: {  	_ = 	snop  }
0x3b: {  	_ = 	snop  }
0x3c: {  	p2 =	seq.s32 s10, $0x1;
	s10 =	sld [smem:$0x3FAC]  }
0x3d: {  	_ =	shalt  }
0x3e: {  	_ =	shalt  }
0x3f: {  	_ =	shalt  }
0x40: {  	_ =	shalt  }
0x41: {  	_ =	shalt  }
0x42: {  	_ =	shalt  }
0x43: {  	_ =	shalt  }
0x44: {  	_ =	shalt  }
0x45: {  	_ =	shalt  }
0x46: {  	_ =	shalt  }
0x47: {  	_ =	shalt  }
0x48: {  	_ =	shalt  }
0x49: {  	_ =	shalt  }
0x4a: {  	_ =	shalt  }
0x4b: {  	_ =	shalt  }
0x4c: {  	_ =	shalt  }
0x4d: {  	_ =	shalt  }
0x4e: {  	_ =	shalt  }
0x4f: {  	_ =	shalt  }
0x50: {  	_ =	shalt  }
0x51: {  	_ =	shalt  }
0x52: {  	_ =	shalt  }
0x53: {  	_ =	shalt  }
0x54: {  	_ =	shalt  }
0x55: {  	_ =	shalt  }
0x56: {  	_ =	shalt  }
0x57: {  	_ =	shalt  }
0x58: {  	_ =	shalt  }
0x59: {  	_ =	shalt  }
0x5a: {  	_ =	shalt  }
0x5b: {  	_ =	shalt  }
0x5c: {  	_ =	shalt  }
0x5d: {  	_ =	shalt  }
0x5e: {  	_ =	shalt  }
0x5f: {  	_ =	shalt  }
0x60: {  	_ =	shalt  }
0x61: {  	_ =	shalt  }
0x62: {  	_ =	shalt  }
0x63: {  	_ =	shalt  }
0x64: {  	_ =	shalt  }
0x65: {  	_ =	shalt  }
0x66: {  	_ =	shalt  }
0x67: {  	_ =	shalt  }
0x68: {  	_ =	shalt  }
0x69: {  	_ =	shalt  }
0x6a: {  	_ =	shalt  }
0x6b: {  	_ =	shalt  }
0x6c: {  	_ =	shalt  }
0x6d: {  	_ =	shalt  }
0x6e: {  	_ =	shalt  }
0x6f: {  	_ =	shalt  }
0x70: {  	_ =	shalt  }
0x71: {  	_ =	shalt  }
0x72: {  	_ =	shalt  }
0x73: {  	_ =	shalt  }
0x74: {  	_ =	shalt  }
0x75: {  	_ =	shalt  }
0x76: {  	_ =	shalt  }
0x77: {  	_ =	shalt  }
0x78: {  	_ =	shalt  }
0x79: {  	_ =	shalt  }
0x7a: {  	_ =	shalt  }
0x7b: {  	_ =	shalt  }
0x7c: {  	_ =	shalt  }
0x7d: {  	_ =	shalt  }
0x7e: {  	_ =	shalt  }
0x7f: {  	_ =	shalt  }
0x80: {  	_ =	shalt  }
0x81: {  	_ =	shalt  }
0x82: {  	_ =	shalt  }
0x83: {  	_ =	shalt  }
0x84: {  	_ =	shalt  }
0x85: {  	_ =	shalt  }
0x86: {  	_ =	shalt  }
0x87: {  	_ =	shalt  }
.Lfunc_end0:
.L_simem_size_0:
called_computation.1_lowered:
.L_overlay_start_0:
0x88: {  	s2 =	sld [smem:$0x3FD9]  }
0x89: {  	s3 =	sld [smem:$0x3FFE];
	_ =	sdelay $0x1  }
0x8a: {  	s1 =	srdreg.scid  }
0x8b: {  	s0 =	sand.u32 $0x1, s1  }
0x8c: {  	s16 =	sshll.u32 s0, $0xA;
	s2 =	sadd.s32 s3, s2  }
0x8d: {  	s2 =	sadd.s32 s2, s16  }
0x8e: {  	[smem:$0x3FB8] =	sst s2  }
0x8f: {  	_ = 	snop  }
0x90: {  	(tm) =	ssettm $0x1  }
0x91: {  	s17 =	sld [smem:$0x3FFB];
	_ =	sdelay $0x3  }
0x92: {  	_ =	strace s17  }
0x93: {  	s2 =	sld [smem:$0x3FFC];
	_ =	sdelay $0x3  }
0x94: {  	_ =	strace s2  }
0x95: {  	s2 =	sld [smem:$0x3FFD];
	_ =	sdelay $0x3  }
0x96: {  	_ =	strace s2  }
0x97: {  	_ =	strace $0x8FFFFFFF  }
0x98: {  	s18 =	sld [smem:$0x3FDB];
	_ =	sdelay $0x1  }
0x99: {  	s19 =	simm.s32 $_scs_section_size  }
0x9a: {  	s4 =	simm.s32 $_size__tile_overlayer_lowered;
	s5 =	simm.s32 $_tile_overlayer_lowered  }
0x9b: {  	s22 =	simm.s32 $0x1BFF;
	s21 =	sshll.u32 s5, $0x1;
	s2 =	sadd.s32 s19, s18  }
0x9c: {  	s6 =	simm.s32 $0x0;
	s20 =	sshll.u32 s4, $0x1;
	s4 =	sadd.s32 s21, s2  }
0x9d: {  	[timem:s6], [sflag:s22] =	dma.local [hbm:s4], s20  }
0x9e: {  	_ =	swait.ge [sflag:s22], s20  }
0x9f: {  	s3 =	ssub.s32 $0x0, s20;
	[sflag:s22] =	ssyncset.done $0x0  }
0xa0: {  	[sflag:s22] =	ssyncadd.s32 s3;
	_ =	sdelay $0x1  }
0xa1: {  	s23 =	simm.s32 $0x1B8B  }
0xa2: {  	_ =	swait.ge [sflag:s23], $0x1  }
0xa3: {  	[sflag:s23] =	ssyncset.done $0x0  }
0xa4: {  	s25 =	simm.s32 $0x1B8E;
	s24 =	sld [smem:$0x3FFE];
	[sflag:s23] =	ssyncadd.s32 $0xFFFFFFFF  }
0xa5: {  	s26 =	simm.s32 $execute0_lowered;
	[smem:$0x3FD2] =	sst s25  }
0xa6: {  	s4 =	sshll.u32 s26, $0x1;
	_ =	strace $0x80000049;
	[dreg:$0x1] =	wrdreg $0xFFFFFFFF  }
0xa7: {  	s28 =	simm.s32 $_size_execute0_lowered;
	s2 =	sadd.s32 s2, s4;
	[dreg:$0x0] =	wrdreg $0x0  }
0xa8: {  	s4 =	sshll.u32 s28, $0x1;
	[dreg:$0x2] =	wrdreg s2  }
0xa9: {  	[dreg:$0x3] =	wrdreg s4  }
0xaa: {  	[dreg:$0x4] =	wrdreg $0xC0  }
0xab: {  	_ =	task [dreg:s6], $0x5FFFF  }
0xac: {  	[dreg:$0x1] =	wrdreg $0xFFFFFFFF  }
0xad: {  	[dreg:$0x0] =	wrdreg $0x60  }
0xae: {  	[dreg:$0x2] =	wrdreg s24  }
0xaf: {  	[dreg:$0x3] =	wrdreg $0x0  }
0xb0: {  	[dreg:$0x4] =	wrdreg $0x9  }
0xb1: {  	_ =	task.clear_ibuf [dreg:s6], $0x5FFFF;
	_ =	strace $0x90000049  }
0xb2: {  	s29 =	simm.s32 $0x9;
	_ =	strace $0x8000004B  }
0xb3: {  	_ =	swait.ge [sflag:s29], $0x1  }
0xb4: {  	[sflag:s29] =	ssyncadd.s32 $0xFFFFFFFF  }
0xb5: {  	_ =	strace $0x9000004B  }
0xb6: {  	_ =	sfence  }
0xb7: {  	s30 =	sld [smem:$0x0];
	_ =	sdelay $0x2  }
0xb8: {  	s31 =	sshll.u32 s1, $0xD;
	s1 =	sshrl.u32 s1, $0x2  }
0xb9: {  	s3 =	sand.u32 $0x4000, s31;
	s1 =	sadd.s32 s1, s30  }
0xba: {  	s0 =	sor.u32 s3, s0;
	s1 =	sshll.u32 s1, $0x11  }
0xbb: {  	s0 =	sor.u32 s1, s0  }
0xbc: {  	s0 =	sadd.s32 $0x8F2B, s0  }
0xbd: {  	[sflag:s0] =	ssyncadd.remote.s32 $0x1  }
0xbe: {  	_ =	sfence.sel $0xFFFF  }
0xbf: {  	[dreg:$0x0] =	wrdreg $0xFFFFFFFF;
	(pc) =	sbr.abs _section_cstart, $3  }
0xc0: {  	[dreg:$0x1] =	wrdreg $0xFFFFFFFF  }
0xc1: {  	_ =	task.clear_ibuf [dreg:s6], $0x2FFFF;
	_ =	strace $0x9FFFFFFF  }
0xc2: {  	(tm) =	ssettm $0x7FFFFFFF  }
0xc3: {  	_ =	shalt  }
tec
execute0_lowered:
.L_overlay_start_1:
0x0: {  	(tag) =	ssettag $0x1  }
0x1: {  	s0 =	rddreg [dreg:$0x0]  }
0x2: {  	s1 =	rddreg [dreg:$0x1]  }
0x3: {  	s3 =	simm.s32 $0x0;
	s2 =	srdreg.scid;
	s5 =	stileid.u32  }
0x4: {  	s28 =	simm.s32 $0x1BC00;
	s29 =	simm.s32 $0x4;
	s7 =	smul.u32 $0x2800, s5  }
0x5: {  	s30 =	simm.s32 $0x5;
	s31 =	simm.s32 $0x6;
	s18 =	smul.u32 $0x50000, s5  }
0x6: {  	[smem:$0x7FF] =	sst s3;
	s2 =	sand.u32 $0x1, s2;
	s11 =	smul.u32 $0x4E20, s5  }
0x7: {  	s4 =	sshll.u32 s5, $0x1;
	s12 =	sadd.s32 $0xDE00, s0;
	s8 =	smul.u32 $0x28000, s2  }
0x8: {  	s6 =	sor.u32 s2, s4;
	s13 =	ssub.s32 $0x2, s2;
	s2 =	smul.u32 $0x2710, s2  }
0x9: {  	_ =	strace $0x8000004A;
	s4 =	sadd.s32 $0x17C00, s0;
	s9 =	smul.u32 $0x2710, s6  }
0xa: {  	s6 =	sadd.s32 $0x4000, s0;
	s14 =	sshrl.u32 s13, $0x1;
	s7 =	sadd.s32 s7, s8  }
0xb: {  	s23 =	sshrl.u32 s18, $0x2;
	s2 =	sadd.s32 s2, s11;
	s0 =	sadd.s32 s7, s0  }
0xc: {  	s9 =	sshrl.u32 s9, $0x3;
	s7 =	ssub.s32 s13, s14;
	s14 =	sadd.s32 $0x140, s2  }
0xd: {  	s26 =	sadd.s32 $0x230, s2;
	s15 =	sadd.s32 s12, s9;
	[dreg:$0x10] =	wrdreg s14  }
0xe: {  	s11 =	sadd.s32 $0x190, s2;
	s10 =	sadd.s32 s6, s9;
	[dreg:$0x3] =	wrdreg s15  }
0xf: {  	s16 =	sadd.s32 $0xA, s9;
	s0 =	sadd.s32 $0x3EE00, s0;
	[dreg:$0x4] =	wrdreg s10  }
0x10: {  	s19 =	sadd.s32 $0x14, s9;
	s7 =	smax.u32 s7, $0x1;
	[dreg:$0xd] =	wrdreg s0  }
0x11: {  	s9 =	sadd.s32 $0x1E, s9;
	s17 =	sadd.s32 s12, s16;
	[dreg:$0xe] =	wrdreg s7  }
0x12: {  	s13 =	sshrl.u32 s11, $0x3;
	s8 =	sadd.s32 s6, s16;
	[dreg:$0x5] =	wrdreg s17  }
0x13: {  	s11 =	simm.s32 $0x1;
	s20 =	sadd.s32 s12, s19;
	[dreg:$0x6] =	wrdreg s8  }
0x14: {  	s14 =	simm.s32 $0x0;
	s21 =	sadd.s32 s6, s19;
	[dreg:$0x7] =	wrdreg s20  }
0x15: {  	s22 =	sadd.s32 s12, s9;
	s24 =	sadd.s32 s6, s9;
	[dreg:$0x8] =	wrdreg s21  }
0x16: {  	s10 =	sadd.s32 s23, s1;
	s0 =	sshrl.u32 s26, $0x3;
	[dreg:$0x9] =	wrdreg s22  }
0x17: {  	s19 =	smov.u32 s6;
	s23 =	sadd.s32 s13, s6;
	[dreg:$0xa] =	wrdreg s24  }
0x18: {  	s25 =	sadd.s32 $0x2800, s10;
	s8 =	sadd.s32 $0x1E0, s2;
	[dreg:$0xb] =	wrdreg s10  }
0x19: {  	s9 =	sadd.s32 s0, s6;
	s20 =	sadd.s32 s0, s12;
	[dreg:$0xc] =	wrdreg s25  }
0x1a: {  	s24 =	sadd.s32 s13, s12;
	s15 =	sadd.s32 $0x5000, s10;
	[dreg:$0xf] =	wrdreg s9  }
0x1b: {  	s16 =	sadd.s32 $0x7800, s10;
	s17 =	sadd.s32 $0xA000, s10;
	[dreg:$0x11] =	wrdreg s15  }
0x1c: {  	s18 =	sadd.s32 $0xC800, s10;
	s26 =	sadd.s32 $0x11800, s10;
	[dreg:$0x12] =	wrdreg s16  }
0x1d: {  	s2 =	simm.s32 $0x14000;
	s13 =	simm.s32 $0x14400;
	[dreg:$0x13] =	wrdreg s17  }
0x1e: {  	s0 =	simm.s32 $0x8;
	s7 =	sshrl.u32 s8, $0x3;
	[dreg:$0x14] =	wrdreg s18  }
.Ltmp0:
0x1f: {  	s25 =	sadd.s32 $0xF000, s10;
	[dreg:$0x16] =	wrdreg s26;
	(pc) =	sbr.rel .LBB2_1-.Ltmp0, $4  }
0x20: {  	s9 =	simm.s32 $0x14080;
	s16 =	simm.s32 $0x14100;
	s18 =	simm.s32 $0x14180  }
0x21: {  	s26 =	simm.s32 $0x14380;
	s17 =	simm.s32 $0xD;
	s8 =	simm.s32 $0x9  }
0x22: {  	s21 =	sadd.s32 s7, s6;
	s22 =	sadd.s32 s7, s12;
	s6 =	smov.u32 s12  }
0x23: {  	v0 =	vimm.f32 $0.0e+00;
	[dreg:$0x15] =	wrdreg s25;
	s7 =	simm.s32 $0x14200;
	s12 =	simm.s32 $0x50  }
.LBB2_6:
0x24: {  	_ =	swait.ge [sflag:s30], $0x2800  }
0x25: {  	[sflag:s30] =	ssyncset.done $0x0  }
0x26: {  	[sflag:s30] =	ssyncadd.s32 $0xFFFFD800  }
0x27: {  	[spmem:s1] =	stream.indirect.scatter.add.f32 [tilespmem:s13], [sflag:$0x9], $0x80, s7, s12, $0xb8;
	[tilespmem:$0x1E400] =	vst v63  }
0x28: {  	_ =	swait.ge [sflag:s8], $0x2800  }
0x29: {  	[sflag:s8] =	ssyncset.done $0x0  }
0x2a: {  	s5 =	simm.s32 $0xA;
	[sflag:s8] =	ssyncadd.s32 $0xFFFFD800  }
0x2b: {  	_ =	swait.ge [sflag:s5], $0x2800  }
0x2c: {  	[sflag:s5] =	ssyncset.done $0x0  }
0x2d: {  	s10 =	simm.s32 $0xB;
	[sflag:s5] =	ssyncadd.s32 $0xFFFFD800  }
0x2e: {  	_ =	swait.ge [sflag:s10], $0x2800  }
0x2f: {  	[sflag:s10] =	ssyncset.done $0x0  }
0x30: {  	s14 =	simm.s32 $0xC;
	[sflag:s10] =	ssyncadd.s32 $0xFFFFD800  }
0x31: {  	_ =	swait.ge [sflag:s14], $0x2800  }
0x32: {  	[sflag:s14] =	ssyncset.done $0x0  }
0x33: {  	[sflag:s14] =	ssyncadd.s32 $0xFFFFD800  }
0x34: {  	s15 =	stileid.u32;
	[bflag:$0x0] =	sbarrier.arrive $0xFFFF  }
0x35: {  	s17 =	simm.s32 $0xD;
	s5 =	sshll.u32 s15, $0x6;
	s10 =	rddreg [dreg:$0xb]  }
0x36: {  	s5 =	sor.u32 $0x1C0D, s5;
	s14 =	rddreg [dreg:$0xd];
	s9 =	sshrl.u32 s10, $0x3  }
0x37: {  	[hbm:s14], [sflag:s5] =	dma.local [spmem:s9], $0x2800  }
0x38: {  	_ =	swait.ge [sflag:s17], $0x2800  }
0x39: {  	s16 =	rddreg [dreg:$0x17]  }
0x3a: {  	s25 =	rddreg [dreg:$0xe];
	s14 =	sadd.s32 $0x1, s16  }
0x3b: {  	p0 =	sne.s32 s14, s25  }
.Ltmp1:
0x3c: {  	_ = 	snop;
	(pc) =	sbr.rel @!p0 .LBB2_7-.Ltmp1, $3  }
0x3d: {  	_ =	sdelay $0x1  }
0x3e: {  	[sflag:s17] =	ssyncset.done $0x0  }
0x3f: {  	s9 =	simm.s32 $0x14080;
	[sflag:s17] =	ssyncadd.s32 $0xFFFFD800;
	s16 =	simm.s32 $0x14100  }
.LBB2_1:
0x40: {  	[dreg:$0x17] =	wrdreg s14  }
0x41: {  	s5 =	rddreg [dreg:$0x3]  }
0x42: {  	[tilespmem:s2], [sflag:$0x1] =	stream.linear.gather [hbm4b:s5+s3], $0x50, $0x38;
	[tilespmem:$0x1E400] =	vst v63  }
0x43: {  	s25 =	rddreg [dreg:$0x4]  }
0x44: {  	[tilespmem:s7], [sflag:$0x1] =	stream.linear.gather [hbm4b:s25+s3], $0x50, $0x38;
	[tilespmem:$0x1E400] =	vst v63  }
0x45: {  	s14 =	rddreg [dreg:$0x5]  }
0x46: {  	[tilespmem:s9], [sflag:$0x2] =	stream.linear.gather [hbm4b:s14+s3], $0x50, $0x38;
	[tilespmem:$0x1E400] =	vst v63  }
0x47: {  	s15 =	rddreg [dreg:$0x6];
	s25 =	simm.s32 $0x14280  }
0x48: {  	[tilespmem:s25], [sflag:$0x2] =	stream.linear.gather [hbm4b:s15+s3], $0x50, $0x38;
	[tilespmem:$0x1E400] =	vst v63  }
0x49: {  	s14 =	rddreg [dreg:$0x7]  }
0x4a: {  	[tilespmem:s16], [sflag:$0x3] =	stream.linear.gather [hbm4b:s14+s3], $0x50, $0x38;
	[tilespmem:$0x1E400] =	vst v63  }
0x4b: {  	s15 =	rddreg [dreg:$0x8];
	s25 =	simm.s32 $0x14300  }
0x4c: {  	[tilespmem:s25], [sflag:$0x3] =	stream.linear.gather [hbm4b:s15+s3], $0x50, $0x38;
	[tilespmem:$0x1E400] =	vst v63  }
0x4d: {  	s14 =	simm.s32 $0x0;
	s15 =	simm.s32 $0x200  }
.LBB2_2:
0x4e: {  	p0 =	sne.s32 s15, $0x9E00;
	[tilespmem:s14+$0x1BC70] =	vst v0  }
0x4f: {  	[tilespmem:s14+$0x1BC00] =	vst v0  }
0x50: {  	[tilespmem:s14+$0x1BC10] =	vst v0  }
.Ltmp2:
0x51: {  	[tilespmem:s14+$0x1BC20] =	vst v0;
	(pc) =	sbr.rel @p0 .LBB2_2-.Ltmp2, $4  }
0x52: {  	[tilespmem:s14+$0x1BC30] =	vst v0  }
0x53: {  	[tilespmem:s14+$0x1BC40] =	vst v0  }
0x54: {  	[tilespmem:s14+$0x1BC50] =	vst v0  }
0x55: {  	[tilespmem:s14+$0x1BC60] =	vst v0;
	s14 =	sshra.s32 s15, $0x2;
	s15 =	sadd.s32 $0x200, s15  }
0x56: {  	[tilespmem:s14+$0x1BC70] =	vst v0  }
0x57: {  	[tilespmem:s14+$0x1BC00] =	vst v0  }
0x58: {  	[tilespmem:s14+$0x1BC10] =	vst v0  }
0x59: {  	[tilespmem:s14+$0x1BC20] =	vst v0  }
0x5a: {  	[tilespmem:s14+$0x1BC30] =	vst v0  }
0x5b: {  	[tilespmem:s14+$0x1BC40] =	vst v0  }
0x5c: {  	[tilespmem:s14+$0x1BC50] =	vst v0  }
0x5d: {  	[tilespmem:s14+$0x1BC60] =	vst v0  }
0x5e: {  	_ =	swait.ge [sflag:s11], $0x50  }
0x5f: {  	[sflag:s11] =	ssyncset.done $0x0  }
0x60: {  	[sflag:s11] =	ssyncadd.s32 $0xFFFFFFB0  }
0x61: {  	_ =	swait.ge [sflag:s11], $0x50  }
0x62: {  	[sflag:s11] =	ssyncset.done $0x0  }
0x63: {  	s5 =	simm.s32 $0x2;
	[sflag:s11] =	ssyncadd.s32 $0xFFFFFFB0  }
0x64: {  	[tilespmem:s13], [sflag:$0x5] =	stream.indirect.gather [hbm4b:s4+s12], $0x80, s2, s12, $0xb8;
	[tilespmem:$0x1E400] =	vst v63  }
0x65: {  	_ =	swait.ge [sflag:s5], $0x50  }
0x66: {  	[sflag:s5] =	ssyncset.done $0x0  }
0x67: {  	[sflag:s5] =	ssyncadd.s32 $0xFFFFFFB0  }
0x68: {  	_ =	swait.ge [sflag:s5], $0x50  }
0x69: {  	[sflag:s5] =	ssyncset.done $0x0  }
0x6a: {  	s14 =	simm.s32 $0x16C00;
	s15 =	simm.s32 $0x3;
	[sflag:s5] =	ssyncadd.s32 $0xFFFFFFB0  }
0x6b: {  	[tilespmem:s14], [sflag:$0x6] =	stream.indirect.gather [hbm4b:s4+s12], $0x80, s9, s12, $0xb8;
	[tilespmem:$0x1E400] =	vst v63  }
0x6c: {  	_ =	swait.ge [sflag:s15], $0x50  }
0x6d: {  	[sflag:s15] =	ssyncset.done $0x0  }
0x6e: {  	[sflag:s15] =	ssyncadd.s32 $0xFFFFFFB0  }
0x6f: {  	_ =	swait.ge [sflag:s15], $0x50  }
0x70: {  	[sflag:s15] =	ssyncset.done $0x0  }
0x71: {  	s25 =	simm.s32 $0x19400;
	[sflag:s15] =	ssyncadd.s32 $0xFFFFFFB0  }
0x72: {  	[tilespmem:s25], [sflag:$0x7] =	stream.indirect.gather [hbm4b:s4+s12], $0x80, s16, s12, $0xb8;
	[tilespmem:$0x1E400] =	vst v63  }
0x73: {  	s9 =	rddreg [dreg:$0x9];
	s15 =	simm.s32 $0x0  }
0x74: {  	[tilespmem:s18], [sflag:$0x4] =	stream.linear.gather [hbm4b:s9+s15], $0x50, $0x38;
	[tilespmem:$0x1E400] =	vst v63  }
0x75: {  	s14 =	rddreg [dreg:$0xa]  }
0x76: {  	[tilespmem:s26], [sflag:$0x4] =	stream.linear.gather [hbm4b:s14+s15], $0x50, $0x38;
	[tilespmem:$0x1E400] =	vst v63  }
0x77: {  	_ = 	snop  }
0x78: {  	[spmem:s10] =	stream.linear.scatter [tilespmem:s28], [sflag:$0xD], $0x2800, $0x38;
	[tilespmem:$0x1E400] =	vst v63  }
0x79: {  	_ =	swait.ge [sflag:s17], $0x2800  }
0x7a: {  	[sflag:s17] =	ssyncset.done $0x0  }
0x7b: {  	s16 =	rddreg [dreg:$0xc];
	[sflag:s17] =	ssyncadd.s32 $0xFFFFD800  }
0x7c: {  	[spmem:s16] =	stream.linear.scatter [tilespmem:s28], [sflag:$0xD], $0x2800, $0x38;
	[tilespmem:$0x1E400] =	vst v63  }
0x7d: {  	_ =	swait.ge [sflag:s17], $0x2800  }
0x7e: {  	[sflag:s17] =	ssyncset.done $0x0  }
0x7f: {  	s25 =	rddreg [dreg:$0x11];
	[sflag:s17] =	ssyncadd.s32 $0xFFFFD800  }
0x80: {  	[spmem:s25] =	stream.linear.scatter [tilespmem:s28], [sflag:$0xD], $0x2800, $0x38;
	[tilespmem:$0x1E400] =	vst v63  }
0x81: {  	_ =	swait.ge [sflag:s17], $0x2800  }
0x82: {  	[sflag:s17] =	ssyncset.done $0x0  }
0x83: {  	s9 =	rddreg [dreg:$0x12];
	[sflag:s17] =	ssyncadd.s32 $0xFFFFD800  }
0x84: {  	[spmem:s9] =	stream.linear.scatter [tilespmem:s28], [sflag:$0xD], $0x2800, $0x38;
	[tilespmem:$0x1E400] =	vst v63  }
0x85: {  	_ =	swait.ge [sflag:s17], $0x2800  }
0x86: {  	[sflag:s17] =	ssyncset.done $0x0  }
0x87: {  	s10 =	rddreg [dreg:$0x13];
	[sflag:s17] =	ssyncadd.s32 $0xFFFFD800  }
0x88: {  	[spmem:s10] =	stream.linear.scatter [tilespmem:s28], [sflag:$0xD], $0x2800, $0x38;
	[tilespmem:$0x1E400] =	vst v63  }
0x89: {  	_ =	swait.ge [sflag:s17], $0x2800  }
0x8a: {  	[sflag:s17] =	ssyncset.done $0x0  }
0x8b: {  	s14 =	rddreg [dreg:$0x14];
	[sflag:s17] =	ssyncadd.s32 $0xFFFFD800  }
0x8c: {  	[spmem:s14] =	stream.linear.scatter [tilespmem:s28], [sflag:$0xD], $0x2800, $0x38;
	[tilespmem:$0x1E400] =	vst v63  }
0x8d: {  	_ =	swait.ge [sflag:s17], $0x2800  }
0x8e: {  	[sflag:s17] =	ssyncset.done $0x0  }
0x8f: {  	s16 =	rddreg [dreg:$0x15];
	[sflag:s17] =	ssyncadd.s32 $0xFFFFD800  }
0x90: {  	[spmem:s16] =	stream.linear.scatter [tilespmem:s28], [sflag:$0xD], $0x2800, $0x38;
	[tilespmem:$0x1E400] =	vst v63  }
0x91: {  	_ =	swait.ge [sflag:s17], $0x2800  }
0x92: {  	[sflag:s17] =	ssyncset.done $0x0  }
0x93: {  	s25 =	rddreg [dreg:$0x16];
	[sflag:s17] =	ssyncadd.s32 $0xFFFFD800  }
0x94: {  	[spmem:s25] =	stream.linear.scatter [tilespmem:s28], [sflag:$0xD], $0x2800, $0x38;
	[tilespmem:$0x1E400] =	vst v63  }
0x95: {  	_ =	swait.ge [sflag:s17], $0x2800  }
0x96: {  	[sflag:s17] =	ssyncset.done $0x0  }
0x97: {  	[sflag:s17] =	ssyncadd.s32 $0xFFFFD800  }
0x98: {  	[bflag:$0x0] =	sbarrier.arrive $0xFFFF  }
0x99: {  	s14 =	rddreg [dreg:$0x10]  }
.LBB2_4:
0x9a: {  	_ =	swait.ge [sflag:s29], $0x50  }
0x9b: {  	[sflag:s29] =	ssyncset.done $0x0  }
0x9c: {  	[sflag:s29] =	ssyncadd.s32 $0xFFFFFFB0  }
0x9d: {  	_ =	swait.ge [sflag:s29], $0x50  }
0x9e: {  	p0 =	seq.s32 s15, $0x0;
	[sflag:s29] =	ssyncset.done $0x0  }
0x9f: {  	s17 =	simm.s32 @!p0 $0xC;
	[sflag:s29] =	ssyncadd.s32 $0xFFFFFFB0  }
0xa0: {  	_ =	swait.ge @!p0 [sflag:s17], $0x2800  }
0xa1: {  	[sflag:s17] =	ssyncset.done @!p0 $0x0  }
0xa2: {  	[sflag:s17] =	ssyncadd.s32 @!p0 $0xFFFFD800  }
0xa3: {  	[tilespmem:s28], [sflag:$0x8] =	stream.indirect.gather [hbm4b:s4+s12], $0x80, s18, s12, $0xb8;
	[tilespmem:$0x1E400] =	vst v63  }
0xa4: {  	_ =	swait.ge [sflag:s30], $0x2800  }
0xa5: {  	[sflag:s30] =	ssyncset.done $0x0  }
0xa6: {  	s16 =	sshrl.u32 s14, $0x3;
	[sflag:s30] =	ssyncadd.s32 $0xFFFFD800  }
0xa7: {  	[spmem:s1] =	stream.indirect.scatter.add.f32 [tilespmem:s13], [sflag:$0x9], $0x80, s7, s12, $0xb8;
	[tilespmem:$0x1E400] =	vst v63  }
0xa8: {  	s10 =	sadd.s32 s6, s16  }
0xa9: {  	[tilespmem:s2], [sflag:$0x1] =	stream.linear.gather [hbm4b:s10+s3], $0x50, $0x38;
	[tilespmem:$0x1E400] =	vst v63  }
0xaa: {  	s25 =	sadd.s32 s19, s16  }
0xab: {  	[tilespmem:s7], [sflag:$0x1] =	stream.linear.gather [hbm4b:s25+s3], $0x50, $0x38;
	[tilespmem:$0x1E400] =	vst v63  }
0xac: {  	_ =	swait.ge [sflag:s11], $0x50  }
0xad: {  	[sflag:s11] =	ssyncset.done $0x0  }
0xae: {  	[sflag:s11] =	ssyncadd.s32 $0xFFFFFFB0  }
0xaf: {  	_ =	swait.ge [sflag:s11], $0x50  }
0xb0: {  	[sflag:s11] =	ssyncset.done $0x0  }
0xb1: {  	[sflag:s11] =	ssyncadd.s32 $0xFFFFFFB0  }
0xb2: {  	_ =	swait.ge [sflag:s8], $0x2800  }
0xb3: {  	[sflag:s8] =	ssyncset.done $0x0  }
0xb4: {  	[sflag:s8] =	ssyncadd.s32 $0xFFFFD800  }
0xb5: {  	[tilespmem:s13], [sflag:$0x5] =	stream.indirect.gather [hbm4b:s4+s12], $0x80, s2, s12, $0xb8;
	[tilespmem:$0x1E400] =	vst v63  }
0xb6: {  	_ =	swait.ge [sflag:s31], $0x2800  }
0xb7: {  	s5 =	simm.s32 $0x14280;
	p0 =	seq.s32 s15, $0x4B0;
	[sflag:s31] =	ssyncset.done $0x0  }
0xb8: {  	s9 =	simm.s32 $0x16C00;
	s10 =	simm.s32 @p0 $0x7;
	[sflag:s31] =	ssyncadd.s32 $0xFFFFD800  }
0xb9: {  	[spmem:s1] =	stream.indirect.scatter.add.f32 [tilespmem:s9], [sflag:$0xA], $0x80, s5, s12, $0xb8;
	[tilespmem:$0x1E400] =	vst v63  }
0xba: {  	_ =	swait.ge @p0 [sflag:s10], $0x2800  }
0xbb: {  	s17 =	simm.s32 @p0 $0x14300;
	[sflag:s10] =	ssyncset.done @p0 $0x0  }
0xbc: {  	s25 =	simm.s32 @p0 $0x19400;
	[sflag:s10] =	ssyncadd.s32 @p0 $0xFFFFD800;
	s10 =	simm.s32 @p0 $0x50  }
0xbd: {  	[spmem:s1] =	stream.indirect.scatter.add.f32 @p0 [tilespmem:s25], [sflag:$0xB], $0x80, s17, s10, $0xb8;
	[tilespmem:$0x1E400] =	vst v63  }
0xbe: {  	s10 =	sadd.s32 @!p0 s15, s24;
	s17 =	simm.s32 @!p0 $0x0;
	s25 =	simm.s32 @!p0 $0x14080  }
0xbf: {  	[tilespmem:s25], [sflag:$0x2] =	stream.linear.gather @!p0 [hbm4b:s10+s17], $0x50, $0x38;
	[tilespmem:$0x1E400] =	vst v63  }
0xc0: {  	s9 =	simm.s32 @!p0 $0x14280;
	s10 =	sadd.s32 @!p0 s15, s23  }
0xc1: {  	[tilespmem:s9], [sflag:$0x2] =	stream.linear.gather @!p0 [hbm4b:s10+s17], $0x50, $0x38;
	[tilespmem:$0x1E400] =	vst v63  }
0xc2: {  	s9 =	simm.s32 @!p0 $0x2  }
0xc3: {  	_ =	swait.ge @!p0 [sflag:s9], $0x50  }
0xc4: {  	[sflag:s9] =	ssyncset.done @!p0 $0x0  }
0xc5: {  	[sflag:s9] =	ssyncadd.s32 @!p0 $0xFFFFFFB0  }
0xc6: {  	_ =	swait.ge @!p0 [sflag:s9], $0x50  }
0xc7: {  	[sflag:s9] =	ssyncset.done @!p0 $0x0  }
0xc8: {  	[sflag:s9] =	ssyncadd.s32 @!p0 $0xFFFFFFB0;
	s9 =	simm.s32 @!p0 $0xA  }
0xc9: {  	_ =	swait.ge @!p0 [sflag:s9], $0x2800  }
0xca: {  	[sflag:s9] =	ssyncset.done @!p0 $0x0  }
0xcb: {  	s10 =	simm.s32 @!p0 $0x16C00;
	[sflag:s9] =	ssyncadd.s32 @!p0 $0xFFFFD800;
	s9 =	simm.s32 @!p0 $0x50  }
0xcc: {  	[tilespmem:s10], [sflag:$0x6] =	stream.indirect.gather @!p0 [hbm4b:s4+s9], $0x80, s25, s9, $0xb8;
	[tilespmem:$0x1E400] =	vst v63  }
0xcd: {  	s10 =	simm.s32 @!p0 $0x7  }
0xce: {  	_ =	swait.ge @!p0 [sflag:s10], $0x2800  }
0xcf: {  	[sflag:s10] =	ssyncset.done @!p0 $0x0  }
0xd0: {  	s25 =	simm.s32 @!p0 $0x19400;
	[sflag:s10] =	ssyncadd.s32 @!p0 $0xFFFFD800;
	s10 =	simm.s32 @!p0 $0x14300  }
0xd1: {  	[spmem:s1] =	stream.indirect.scatter.add.f32 @!p0 [tilespmem:s25], [sflag:$0xB], $0x80, s10, s9, $0xb8;
	[tilespmem:$0x1E400] =	vst v63  }
0xd2: {  	s16 =	sadd.s32 @!p0 s15, s22;
	s5 =	simm.s32 @!p0 $0x14100  }
0xd3: {  	[tilespmem:s5], [sflag:$0x3] =	stream.linear.gather @!p0 [hbm4b:s16+s17], $0x50, $0x38;
	[tilespmem:$0x1E400] =	vst v63  }
0xd4: {  	s16 =	sadd.s32 @!p0 s15, s21  }
0xd5: {  	[tilespmem:s10], [sflag:$0x3] =	stream.linear.gather @!p0 [hbm4b:s16+s17], $0x50, $0x38;
	[tilespmem:$0x1E400] =	vst v63  }
0xd6: {  	s10 =	simm.s32 @!p0 $0x3  }
0xd7: {  	_ =	swait.ge @!p0 [sflag:s10], $0x50  }
0xd8: {  	[sflag:s10] =	ssyncset.done @!p0 $0x0  }
0xd9: {  	[sflag:s10] =	ssyncadd.s32 @!p0 $0xFFFFFFB0  }
0xda: {  	_ =	swait.ge @!p0 [sflag:s10], $0x50  }
0xdb: {  	[sflag:s10] =	ssyncset.done @!p0 $0x0  }
0xdc: {  	[sflag:s10] =	ssyncadd.s32 @!p0 $0xFFFFFFB0;
	s10 =	simm.s32 @!p0 $0xB  }
0xdd: {  	_ =	swait.ge @!p0 [sflag:s10], $0x2800  }
0xde: {  	[sflag:s10] =	ssyncset.done @!p0 $0x0  }
0xdf: {  	[sflag:s10] =	ssyncadd.s32 @!p0 $0xFFFFD800  }
0xe0: {  	[tilespmem:s25], [sflag:$0x7] =	stream.indirect.gather @!p0 [hbm4b:s4+s9], $0x80, s5, s9, $0xb8;
	[tilespmem:$0x1E400] =	vst v63  }
.Ltmp3:
0xe1: {  	_ = 	snop;
	(pc) =	sbr.rel @p0 .LBB2_6-.Ltmp3, $4  }
0xe2: {  	_ =	swait.ge [sflag:s0], $0x2800  }
0xe3: {  	[sflag:s0] =	ssyncset.done $0x0  }
0xe4: {  	[sflag:s0] =	ssyncadd.s32 $0xFFFFD800  }
0xe5: {  	[spmem:s1] =	stream.indirect.scatter.add.f32 [tilespmem:s28], [sflag:$0xC], $0x80, s26, s12, $0xb8;
	[tilespmem:$0x1E400] =	vst v63  }
.Ltmp4:
0xe6: {  	(pc) =	sbr.rel .LBB2_4-.Ltmp4, $4  }
0xe7: {  	s5 =	sadd.s32 s15, s20;
	s25 =	rddreg [dreg:$0xf]  }
0xe8: {  	[tilespmem:s18], [sflag:$0x4] =	stream.linear.gather [hbm4b:s5+s3], $0x50, $0x38;
	[tilespmem:$0x1E400] =	vst v63  }
0xe9: {  	s14 =	sadd.s32 $0x140, s14;
	s5 =	sadd.s32 s15, s25;
	s15 =	sadd.s32 $0x28, s15  }
0xea: {  	[tilespmem:s26], [sflag:$0x4] =	stream.linear.gather [hbm4b:s5+s3], $0x50, $0x38;
	[tilespmem:$0x1E400] =	vst v63  }
.LBB2_7:
0xeb: {  	_ =	sfence.sel $0x180000  }
0xec: {  	[bflag:$0x0] =	sbarrier.arrive $0xFFFF  }
0xed: {  	_ =	strace $0x9000004A  }
0xee: {  	s0 =	stileid.u32;
	[bflag:$0x2] =	sbarrier.arrive $0xFFFF  }
0xef: {  	p0 =	sne.s32 s0, $0x0;
	s0 =	rddreg [dreg:$0x2]  }
0xf0: {  	s0 =	sadd.s32 @!p0 $0x100000, s0  }
0xf1: {  	[sflag:s0] =	ssyncadd.tile.s32 @!p0 $0x1;
	_ =	shalt  }
.Lfunc_end2:
_tile_overlayer_lowered:
.L_overlay_start_2:
0xf2: {  	(tag) =	ssettag $0x2  }
0xf3: {  	s0 =	rddreg [dreg:$0x0];
	s2 =	stileid.u32  }
0xf4: {  	s1 =	rddreg [dreg:$0x1];
	p0 =	sne.s32 s2, $0x0  }
0xf5: {  	s3 =	rddreg [dreg:$0x2];
	[bflag:$0x3] =	sbarrier.arrive $0xFFFF;
	s2 =	simm.s32 @!p0 $0x1C0D  }
0xf6: {  	[timem:s3], [sflag:s2] =	dma.local @!p0 [hbm:s0], s1  }
0xf7: {  	s0 =	simm.s32 @!p0 $0xD  }
0xf8: {  	_ =	swait.ge @!p0 [sflag:s0], s1  }
0xf9: {  	s1 =	ssub.s32 @!p0 $0x0, s1;
	[sflag:s0] =	ssyncset.done @!p0 $0x0  }
0xfa: {  	[sflag:s0] =	ssyncadd.s32 @!p0 s1  }
0xfb: {  	[bflag:$0x3] =	sbarrier.arrive $0xFFFF  }
0xfc: {  	_ =	shalt  }

// kernel: kernel.17.cloned.1.call-start
scs
__scs_entry_jumppad:
0x0: {  	(pc) =	sbr.rel $0x88, $3  }
0x1: {  	(tag) =	ssettag $0x0;
	lr =	simm.s32 $0x1  }
0x2: {  	[smem:$0x3F91] =	sst lr;
	_ =	strace $0xD0000000  }
0x3: {  	_ = 	snop  }
0x4: {  	_ = 	snop  }
0x5: {  	_ = 	snop  }
0x6: {  	_ = 	snop  }
0x7: {  	_ = 	snop  }
__scs_overlays_trampoline_lowered:
0x8: {  	[smem:$0x3FA0] =	sst s0  }
0x9: {  	[smem:$0x3FA1] =	sst s1  }
0xa: {  	[smem:$0x3FA2] =	sst s2  }
0xb: {  	[smem:$0x3FA3] =	sst s3  }
0xc: {  	[smem:$0x3FA4] =	sst s4  }
0xd: {  	[smem:$0x3FA5] =	sst s5  }
0xe: {  	[smem:$0x3FA6] =	sst s6  }
0xf: {  	[smem:$0x3FA7] =	sst s7  }
0x10: {  	[smem:$0x3FA8] =	sst s8  }
0x11: {  	[smem:$0x3FA9] =	sst s9;
	s0 =	simm.s32 @!p0 $0x0  }
0x12: {  	s1 =	sld [smem:$0x3F8F];
	s0 =	simm.s32 @p0 $0x1  }
0x13: {  	[smem:$0x3FAA] =	sst s0;
	s0 =	simm.s32 @!p1 $0x0  }
0x14: {  	s2 =	sld [smem:$0x3F8E];
	s0 =	simm.s32 @p1 $0x1  }
0x15: {  	[smem:$0x3FAB] =	sst s0;
	s0 =	simm.s32 @!p2 $0x0  }
0x16: {  	s3 =	sld [smem:$0x3FDB];
	s0 =	simm.s32 @p2 $0x1  }
0x17: {  	s4 =	simm.s32 $0x1BF5;
	[smem:$0x3FAD] =	sst s0  }
0x18: {  	s0 =	sld [smem:$0x3F90];
	_ =	swait.ge [sflag:s4], $0x0  }
0x19: {  	s7 =	sld [smem:$0x3F91]  }
0x1a: {  	s8 =	sadd.s32 $0xFFFFE003, lr  }
0x1b: {  	s9 =	sadd.s32 $0xFFFFFEF7, lr;
	s5 =	simm.s32 $0xFFFFFFFF;
	p2 =	slt.u32 s8, $0xFFFFF086  }
0x1c: {  	p1 =	slt.u32 s9, $0xF7A;
	s5 =	simm.s32 @!p2 $0x0  }
0x1d: {  	s5 =	simm.s32 @p1 $0x1;
	p0 =	seq.s32 s7, s2  }
0x1e: {  	s7 =	smul.u32 @!p0 $0xF7A, s2;
	p2 =	seq.s32 @!p0 s5, $0x0  }
0x1f: {  	s9 =	smul.u32 $0xF7A, s1;
	s8 =	simm.s32 @!p0 $0x1BF5;
	p2 =	por !p2, p0  }
0x20: {  	[sflag:s8] =	ssyncset.s32 @!p0 $0xFFFFF086;
	s6 =	sadd.s32 @!p0 s3, s7;
	s7 =	simm.s32 @!p0 $0x108  }
0x21: {  	s3 =	sadd.s32 s3, s9;
	s6 =	sadd.s32 @!p0 $0x88, s6;
	s7 =	simm.s32 @p2 $0x1082  }
0x22: {  	[simem:s7], [sflag:s8] =	dma.local @!p0 [hbm:s6], $0xF7A  }
0x23: {  	s9 =	sor.u32 $0xD0000000, s2;
	s6 =	simm.s32 $0x108;
	_ =	swait.ge @!p0 [sflag:s8], $0x0  }
0x24: {  	s3 =	sadd.s32 $0x88, s3;
	s6 =	simm.s32 @!p1 $0x1082;
	[sflag:s4] =	ssyncset.s32 $0xFFFFF086  }
0x25: {  	[simem:s6], [sflag:s4] =	dma.local [hbm:s3], $0xF7A  }
0x26: {  	[smem:$0x3F91] =	sst s1;
	(tag) =	ssettag s2;
	_ =	strace s9  }
0x27: {  	s1 =	sld [smem:$0x3FA1]  }
0x28: {  	s2 =	sld [smem:$0x3FA2]  }
0x29: {  	s4 =	sld [smem:$0x3FA4]  }
0x2a: {  	p0 =	seq.s32 s5, $0x0;
	s5 =	sld [smem:$0x3FA5]  }
0x2b: {  	s6 =	sld [smem:$0x3FA6]  }
0x2c: {  	s7 =	sld [smem:$0x3FA7]  }
0x2d: {  	s3 =	simm.s32 $0x108;
	s8 =	sld [smem:$0x3FA8]  }
0x2e: {  	s3 =	simm.s32 @!p0 $0x1082;
	s9 =	sld [smem:$0x3FA9]  }
0x2f: {  	lr =	sadd.s32 s0, s3;
	s0 =	sld [smem:$0x3FA0]  }
0x30: {  	s3 =	sld [smem:$0x3FA3]  }
0x31: {  	[smem:$0x3FAC] =	sst s10  }
0x32: {  	s10 =	sld [smem:$0x3FAA];
	_ =	sdelay $0x3  }
0x33: {  	p0 =	seq.s32 s10, $0x1;
	s10 =	sld [smem:$0x3FAC];
	_ =	sdelay $0x3  }
0x34: {  	[smem:$0x3FAC] =	sst s10  }
0x35: {  	s10 =	sld [smem:$0x3FAB];
	_ =	sdelay $0x3  }
0x36: {  	p1 =	seq.s32 s10, $0x1;
	s10 =	sld [smem:$0x3FAC];
	_ =	sdelay $0x3  }
0x37: {  	[smem:$0x3FAC] =	sst s10  }
0x38: {  	s10 =	sld [smem:$0x3FAD]  }
0x39: {  	_ = 	snop;
	(pc) =	sbr.ind lr, $3  }
0x3a: {  	_ = 	snop  }
0x3b: {  	_ = 	snop  }
0x3c: {  	p2 =	seq.s32 s10, $0x1;
	s10 =	sld [smem:$0x3FAC]  }
0x3d: {  	_ =	shalt  }
0x3e: {  	_ =	shalt  }
0x3f: {  	_ =	shalt  }
0x40: {  	_ =	shalt  }
0x41: {  	_ =	shalt  }
0x42: {  	_ =	shalt  }
0x43: {  	_ =	shalt  }
0x44: {  	_ =	shalt  }
0x45: {  	_ =	shalt  }
0x46: {  	_ =	shalt  }
0x47: {  	_ =	shalt  }
0x48: {  	_ =	shalt  }
0x49: {  	_ =	shalt  }
0x4a: {  	_ =	shalt  }
0x4b: {  	_ =	shalt  }
0x4c: {  	_ =	shalt  }
0x4d: {  	_ =	shalt  }
0x4e: {  	_ =	shalt  }
0x4f: {  	_ =	shalt  }
0x50: {  	_ =	shalt  }
0x51: {  	_ =	shalt  }
0x52: {  	_ =	shalt  }
0x53: {  	_ =	shalt  }
0x54: {  	_ =	shalt  }
0x55: {  	_ =	shalt  }
0x56: {  	_ =	shalt  }
0x57: {  	_ =	shalt  }
0x58: {  	_ =	shalt  }
0x59: {  	_ =	shalt  }
0x5a: {  	_ =	shalt  }
0x5b: {  	_ =	shalt  }
0x5c: {  	_ =	shalt  }
0x5d: {  	_ =	shalt  }
0x5e: {  	_ =	shalt  }
0x5f: {  	_ =	shalt  }
0x60: {  	_ =	shalt  }
0x61: {  	_ =	shalt  }
0x62: {  	_ =	shalt  }
0x63: {  	_ =	shalt  }
0x64: {  	_ =	shalt  }
0x65: {  	_ =	shalt  }
0x66: {  	_ =	shalt  }
0x67: {  	_ =	shalt  }
0x68: {  	_ =	shalt  }
0x69: {  	_ =	shalt  }
0x6a: {  	_ =	shalt  }
0x6b: {  	_ =	shalt  }
0x6c: {  	_ =	shalt  }
0x6d: {  	_ =	shalt  }
0x6e: {  	_ =	shalt  }
0x6f: {  	_ =	shalt  }
0x70: {  	_ =	shalt  }
0x71: {  	_ =	shalt  }
0x72: {  	_ =	shalt  }
0x73: {  	_ =	shalt  }
0x74: {  	_ =	shalt  }
0x75: {  	_ =	shalt  }
0x76: {  	_ =	shalt  }
0x77: {  	_ =	shalt  }
0x78: {  	_ =	shalt  }
0x79: {  	_ =	shalt  }
0x7a: {  	_ =	shalt  }
0x7b: {  	_ =	shalt  }
0x7c: {  	_ =	shalt  }
0x7d: {  	_ =	shalt  }
0x7e: {  	_ =	shalt  }
0x7f: {  	_ =	shalt  }
0x80: {  	_ =	shalt  }
0x81: {  	_ =	shalt  }
0x82: {  	_ =	shalt  }
0x83: {  	_ =	shalt  }
0x84: {  	_ =	shalt  }
0x85: {  	_ =	shalt  }
0x86: {  	_ =	shalt  }
0x87: {  	_ =	shalt  }
.Lfunc_end0:
.L_simem_size_0:
called_computation.2_lowered:
.L_overlay_start_0:
0x88: {  	s2 =	sld [smem:$0x3FD9]  }
0x89: {  	s3 =	sld [smem:$0x3FFE];
	_ =	sdelay $0x1  }
0x8a: {  	s1 =	srdreg.scid  }
0x8b: {  	s0 =	sand.u32 $0x1, s1  }
0x8c: {  	s16 =	sshll.u32 s0, $0xA;
	s2 =	sadd.s32 s3, s2  }
0x8d: {  	s2 =	sadd.s32 s2, s16  }
0x8e: {  	[smem:$0x3FB8] =	sst s2  }
0x8f: {  	_ = 	snop  }
0x90: {  	(tm) =	ssettm $0x1  }
0x91: {  	s17 =	sld [smem:$0x3FFB];
	_ =	sdelay $0x3  }
0x92: {  	_ =	strace s17  }
0x93: {  	s2 =	sld [smem:$0x3FFC];
	_ =	sdelay $0x3  }
0x94: {  	_ =	strace s2  }
0x95: {  	s2 =	sld [smem:$0x3FFD];
	_ =	sdelay $0x3  }
0x96: {  	_ =	strace s2  }
0x97: {  	_ =	strace $0x8FFFFFFF  }
0x98: {  	s18 =	sld [smem:$0x3FDB];
	_ =	sdelay $0x1  }
0x99: {  	s19 =	simm.s32 $_scs_section_size  }
0x9a: {  	s4 =	simm.s32 $_size__tile_overlayer_lowered;
	s5 =	simm.s32 $_tile_overlayer_lowered  }
0x9b: {  	s22 =	simm.s32 $0x1BFF;
	s21 =	sshll.u32 s5, $0x1;
	s2 =	sadd.s32 s19, s18  }
0x9c: {  	s6 =	simm.s32 $0x0;
	s20 =	sshll.u32 s4, $0x1;
	s4 =	sadd.s32 s21, s2  }
0x9d: {  	[timem:s6], [sflag:s22] =	dma.local [hbm:s4], s20  }
0x9e: {  	_ =	swait.ge [sflag:s22], s20  }
0x9f: {  	s3 =	ssub.s32 $0x0, s20;
	[sflag:s22] =	ssyncset.done $0x0  }
0xa0: {  	[sflag:s22] =	ssyncadd.s32 s3;
	_ =	sdelay $0x1  }
0xa1: {  	s23 =	simm.s32 $0x1B8B  }
0xa2: {  	_ =	swait.ge [sflag:s23], $0x1  }
0xa3: {  	[sflag:s23] =	ssyncset.done $0x0  }
0xa4: {  	s25 =	simm.s32 $0x1B8E;
	s24 =	sld [smem:$0x3FFE];
	[sflag:s23] =	ssyncadd.s32 $0xFFFFFFFF  }
0xa5: {  	s26 =	simm.s32 $execute0_lowered;
	[smem:$0x3FD2] =	sst s25  }
0xa6: {  	s4 =	sshll.u32 s26, $0x1;
	_ =	strace $0x8000004C;
	[dreg:$0x1] =	wrdreg $0xFFFFFFFF  }
0xa7: {  	s28 =	simm.s32 $_size_execute0_lowered;
	s2 =	sadd.s32 s2, s4;
	[dreg:$0x0] =	wrdreg $0x0  }
0xa8: {  	s4 =	sshll.u32 s28, $0x1;
	[dreg:$0x2] =	wrdreg s2  }
0xa9: {  	[dreg:$0x3] =	wrdreg s4  }
0xaa: {  	[dreg:$0x4] =	wrdreg $0xC0  }
0xab: {  	_ =	task [dreg:s6], $0x5FFFF  }
0xac: {  	[dreg:$0x1] =	wrdreg $0xFFFFFFFF  }
0xad: {  	[dreg:$0x0] =	wrdreg $0x60  }
0xae: {  	[dreg:$0x2] =	wrdreg s24  }
0xaf: {  	[dreg:$0x3] =	wrdreg $0x0  }
0xb0: {  	[dreg:$0x4] =	wrdreg $0x9  }
0xb1: {  	_ =	task.clear_ibuf [dreg:s6], $0x5FFFF;
	_ =	strace $0x9000004C  }
0xb2: {  	s29 =	simm.s32 $0x9;
	_ =	strace $0x8000004E  }
0xb3: {  	_ =	swait.ge [sflag:s29], $0x1  }
0xb4: {  	[sflag:s29] =	ssyncadd.s32 $0xFFFFFFFF  }
0xb5: {  	_ =	strace $0x9000004E  }
0xb6: {  	_ =	sfence  }
0xb7: {  	s30 =	sld [smem:$0x0];
	_ =	sdelay $0x2  }
0xb8: {  	s31 =	sshll.u32 s1, $0xD;
	s1 =	sshrl.u32 s1, $0x2  }
0xb9: {  	s3 =	sand.u32 $0x4000, s31;
	s1 =	sadd.s32 s1, s30  }
0xba: {  	s0 =	sor.u32 s3, s0;
	s1 =	sshll.u32 s1, $0x11  }
0xbb: {  	s0 =	sor.u32 s1, s0  }
0xbc: {  	s0 =	sadd.s32 $0x8F2B, s0  }
0xbd: {  	[sflag:s0] =	ssyncadd.remote.s32 $0x1  }
0xbe: {  	_ =	sfence.sel $0xFFFF  }
0xbf: {  	[dreg:$0x0] =	wrdreg $0xFFFFFFFF;
	(pc) =	sbr.abs _section_cstart, $3  }
0xc0: {  	[dreg:$0x1] =	wrdreg $0xFFFFFFFF  }
0xc1: {  	_ =	task.clear_ibuf [dreg:s6], $0x2FFFF;
	_ =	strace $0x9FFFFFFF  }
0xc2: {  	(tm) =	ssettm $0x7FFFFFFF  }
0xc3: {  	_ =	shalt  }
tec
execute0_lowered:
.L_overlay_start_1:
0x0: {  	(tag) =	ssettag $0x1  }
0x1: {  	s0 =	rddreg [dreg:$0x0]  }
0x2: {  	s1 =	rddreg [dreg:$0x1]  }
0x3: {  	s3 =	simm.s32 $0x0;
	s2 =	srdreg.scid;
	s5 =	stileid.u32  }
0x4: {  	s28 =	simm.s32 $0x1BC00;
	s29 =	simm.s32 $0x4;
	s7 =	smul.u32 $0x2800, s5  }
0x5: {  	s30 =	simm.s32 $0x5;
	s31 =	simm.s32 $0x6;
	s18 =	smul.u32 $0x50000, s5  }
0x6: {  	[smem:$0x7FF] =	sst s3;
	s2 =	sand.u32 $0x1, s2;
	s11 =	smul.u32 $0x4E20, s5  }
0x7: {  	s4 =	sshll.u32 s5, $0x1;
	s12 =	sadd.s32 $0xDE00, s0;
	s8 =	smul.u32 $0x28000, s2  }
0x8: {  	s6 =	sor.u32 s2, s4;
	s13 =	ssub.s32 $0x2, s2;
	s2 =	smul.u32 $0x2710, s2  }
0x9: {  	_ =	strace $0x8000004D;
	s4 =	sadd.s32 $0x17C00, s0;
	s9 =	smul.u32 $0x2710, s6  }
0xa: {  	s6 =	sadd.s32 $0x4000, s0;
	s14 =	sshrl.u32 s13, $0x1;
	s7 =	sadd.s32 s7, s8  }
0xb: {  	s23 =	sshrl.u32 s18, $0x2;
	s2 =	sadd.s32 s2, s11;
	s0 =	sadd.s32 s7, s0  }
0xc: {  	s9 =	sshrl.u32 s9, $0x3;
	s7 =	ssub.s32 s13, s14;
	s14 =	sadd.s32 $0x140, s2  }
0xd: {  	s26 =	sadd.s32 $0x230, s2;
	s15 =	sadd.s32 s12, s9;
	[dreg:$0x10] =	wrdreg s14  }
0xe: {  	s11 =	sadd.s32 $0x190, s2;
	s10 =	sadd.s32 s6, s9;
	[dreg:$0x3] =	wrdreg s15  }
0xf: {  	s16 =	sadd.s32 $0xA, s9;
	s0 =	sadd.s32 $0x3EE00, s0;
	[dreg:$0x4] =	wrdreg s10  }
0x10: {  	s19 =	sadd.s32 $0x14, s9;
	s7 =	smax.u32 s7, $0x1;
	[dreg:$0xd] =	wrdreg s0  }
0x11: {  	s9 =	sadd.s32 $0x1E, s9;
	s17 =	sadd.s32 s12, s16;
	[dreg:$0xe] =	wrdreg s7  }
0x12: {  	s13 =	sshrl.u32 s11, $0x3;
	s8 =	sadd.s32 s6, s16;
	[dreg:$0x5] =	wrdreg s17  }
0x13: {  	s11 =	simm.s32 $0x1;
	s20 =	sadd.s32 s12, s19;
	[dreg:$0x6] =	wrdreg s8  }
0x14: {  	s14 =	simm.s32 $0x0;
	s21 =	sadd.s32 s6, s19;
	[dreg:$0x7] =	wrdreg s20  }
0x15: {  	s22 =	sadd.s32 s12, s9;
	s24 =	sadd.s32 s6, s9;
	[dreg:$0x8] =	wrdreg s21  }
0x16: {  	s10 =	sadd.s32 s23, s1;
	s0 =	sshrl.u32 s26, $0x3;
	[dreg:$0x9] =	wrdreg s22  }
0x17: {  	s19 =	smov.u32 s6;
	s23 =	sadd.s32 s13, s6;
	[dreg:$0xa] =	wrdreg s24  }
0x18: {  	s25 =	sadd.s32 $0x2800, s10;
	s8 =	sadd.s32 $0x1E0, s2;
	[dreg:$0xb] =	wrdreg s10  }
0x19: {  	s9 =	sadd.s32 s0, s6;
	s20 =	sadd.s32 s0, s12;
	[dreg:$0xc] =	wrdreg s25  }
0x1a: {  	s24 =	sadd.s32 s13, s12;
	s15 =	sadd.s32 $0x5000, s10;
	[dreg:$0xf] =	wrdreg s9  }
0x1b: {  	s16 =	sadd.s32 $0x7800, s10;
	s17 =	sadd.s32 $0xA000, s10;
	[dreg:$0x11] =	wrdreg s15  }
0x1c: {  	s18 =	sadd.s32 $0xC800, s10;
	s26 =	sadd.s32 $0x11800, s10;
	[dreg:$0x12] =	wrdreg s16  }
0x1d: {  	s2 =	simm.s32 $0x14000;
	s13 =	simm.s32 $0x14400;
	[dreg:$0x13] =	wrdreg s17  }
0x1e: {  	s0 =	simm.s32 $0x8;
	s7 =	sshrl.u32 s8, $0x3;
	[dreg:$0x14] =	wrdreg s18  }
.Ltmp0:
0x1f: {  	s25 =	sadd.s32 $0xF000, s10;
	[dreg:$0x16] =	wrdreg s26;
	(pc) =	sbr.rel .LBB2_1-.Ltmp0, $4  }
0x20: {  	s9 =	simm.s32 $0x14080;
	s16 =	simm.s32 $0x14100;
	s18 =	simm.s32 $0x14180  }
0x21: {  	s26 =	simm.s32 $0x14380;
	s17 =	simm.s32 $0xD;
	s8 =	simm.s32 $0x9  }
0x22: {  	s21 =	sadd.s32 s7, s6;
	s22 =	sadd.s32 s7, s12;
	s6 =	smov.u32 s12  }
0x23: {  	v0 =	vimm.f32 $0.0e+00;
	[dreg:$0x15] =	wrdreg s25;
	s7 =	simm.s32 $0x14200;
	s12 =	simm.s32 $0x50  }
.LBB2_6:
0x24: {  	_ =	swait.ge [sflag:s30], $0x2800  }
0x25: {  	[sflag:s30] =	ssyncset.done $0x0  }
0x26: {  	[sflag:s30] =	ssyncadd.s32 $0xFFFFD800  }
0x27: {  	[spmem:s1] =	stream.indirect.scatter.add.f32 [tilespmem:s13], [sflag:$0x9], $0x80, s7, s12, $0xb8;
	[tilespmem:$0x1E400] =	vst v63  }
0x28: {  	_ =	swait.ge [sflag:s8], $0x2800  }
0x29: {  	[sflag:s8] =	ssyncset.done $0x0  }
0x2a: {  	s5 =	simm.s32 $0xA;
	[sflag:s8] =	ssyncadd.s32 $0xFFFFD800  }
0x2b: {  	_ =	swait.ge [sflag:s5], $0x2800  }
0x2c: {  	[sflag:s5] =	ssyncset.done $0x0  }
0x2d: {  	s10 =	simm.s32 $0xB;
	[sflag:s5] =	ssyncadd.s32 $0xFFFFD800  }
0x2e: {  	_ =	swait.ge [sflag:s10], $0x2800  }
0x2f: {  	[sflag:s10] =	ssyncset.done $0x0  }
0x30: {  	s14 =	simm.s32 $0xC;
	[sflag:s10] =	ssyncadd.s32 $0xFFFFD800  }
0x31: {  	_ =	swait.ge [sflag:s14], $0x2800  }
0x32: {  	[sflag:s14] =	ssyncset.done $0x0  }
0x33: {  	[sflag:s14] =	ssyncadd.s32 $0xFFFFD800  }
0x34: {  	s15 =	stileid.u32;
	[bflag:$0x0] =	sbarrier.arrive $0xFFFF  }
0x35: {  	s17 =	simm.s32 $0xD;
	s5 =	sshll.u32 s15, $0x6;
	s10 =	rddreg [dreg:$0xb]  }
0x36: {  	s5 =	sor.u32 $0x1C0D, s5;
	s14 =	rddreg [dreg:$0xd];
	s9 =	sshrl.u32 s10, $0x3  }
0x37: {  	[hbm:s14], [sflag:s5] =	dma.local [spmem:s9], $0x2800  }
0x38: {  	_ =	swait.ge [sflag:s17], $0x2800  }
0x39: {  	s16 =	rddreg [dreg:$0x17]  }
0x3a: {  	s25 =	rddreg [dreg:$0xe];
	s14 =	sadd.s32 $0x1, s16  }
0x3b: {  	p0 =	sne.s32 s14, s25  }
.Ltmp1:
0x3c: {  	_ = 	snop;
	(pc) =	sbr.rel @!p0 .LBB2_7-.Ltmp1, $3  }
0x3d: {  	_ =	sdelay $0x1  }
0x3e: {  	[sflag:s17] =	ssyncset.done $0x0  }
0x3f: {  	s9 =	simm.s32 $0x14080;
	[sflag:s17] =	ssyncadd.s32 $0xFFFFD800;
	s16 =	simm.s32 $0x14100  }
.LBB2_1:
0x40: {  	[dreg:$0x17] =	wrdreg s14  }
0x41: {  	s5 =	rddreg [dreg:$0x3]  }
0x42: {  	[tilespmem:s2], [sflag:$0x1] =	stream.linear.gather [hbm4b:s5+s3], $0x50, $0x38;
	[tilespmem:$0x1E400] =	vst v63  }
0x43: {  	s25 =	rddreg [dreg:$0x4]  }
0x44: {  	[tilespmem:s7], [sflag:$0x1] =	stream.linear.gather [hbm4b:s25+s3], $0x50, $0x38;
	[tilespmem:$0x1E400] =	vst v63  }
0x45: {  	s14 =	rddreg [dreg:$0x5]  }
0x46: {  	[tilespmem:s9], [sflag:$0x2] =	stream.linear.gather [hbm4b:s14+s3], $0x50, $0x38;
	[tilespmem:$0x1E400] =	vst v63  }
0x47: {  	s15 =	rddreg [dreg:$0x6];
	s25 =	simm.s32 $0x14280  }
0x48: {  	[tilespmem:s25], [sflag:$0x2] =	stream.linear.gather [hbm4b:s15+s3], $0x50, $0x38;
	[tilespmem:$0x1E400] =	vst v63  }
0x49: {  	s14 =	rddreg [dreg:$0x7]  }
0x4a: {  	[tilespmem:s16], [sflag:$0x3] =	stream.linear.gather [hbm4b:s14+s3], $0x50, $0x38;
	[tilespmem:$0x1E400] =	vst v63  }
0x4b: {  	s15 =	rddreg [dreg:$0x8];
	s25 =	simm.s32 $0x14300  }
0x4c: {  	[tilespmem:s25], [sflag:$0x3] =	stream.linear.gather [hbm4b:s15+s3], $0x50, $0x38;
	[tilespmem:$0x1E400] =	vst v63  }
0x4d: {  	s14 =	simm.s32 $0x0;
	s15 =	simm.s32 $0x200  }
.LBB2_2:
0x4e: {  	p0 =	sne.s32 s15, $0x9E00;
	[tilespmem:s14+$0x1BC70] =	vst v0  }
0x4f: {  	[tilespmem:s14+$0x1BC00] =	vst v0  }
0x50: {  	[tilespmem:s14+$0x1BC10] =	vst v0  }
.Ltmp2:
0x51: {  	[tilespmem:s14+$0x1BC20] =	vst v0;
	(pc) =	sbr.rel @p0 .LBB2_2-.Ltmp2, $4  }
0x52: {  	[tilespmem:s14+$0x1BC30] =	vst v0  }
0x53: {  	[tilespmem:s14+$0x1BC40] =	vst v0  }
0x54: {  	[tilespmem:s14+$0x1BC50] =	vst v0  }
0x55: {  	[tilespmem:s14+$0x1BC60] =	vst v0;
	s14 =	sshra.s32 s15, $0x2;
	s15 =	sadd.s32 $0x200, s15  }
0x56: {  	[tilespmem:s14+$0x1BC70] =	vst v0  }
0x57: {  	[tilespmem:s14+$0x1BC00] =	vst v0  }
0x58: {  	[tilespmem:s14+$0x1BC10] =	vst v0  }
0x59: {  	[tilespmem:s14+$0x1BC20] =	vst v0  }
0x5a: {  	[tilespmem:s14+$0x1BC30] =	vst v0  }
0x5b: {  	[tilespmem:s14+$0x1BC40] =	vst v0  }
0x5c: {  	[tilespmem:s14+$0x1BC50] =	vst v0  }
0x5d: {  	[tilespmem:s14+$0x1BC60] =	vst v0  }
0x5e: {  	_ =	swait.ge [sflag:s11], $0x50  }
0x5f: {  	[sflag:s11] =	ssyncset.done $0x0  }
0x60: {  	[sflag:s11] =	ssyncadd.s32 $0xFFFFFFB0  }
0x61: {  	_ =	swait.ge [sflag:s11], $0x50  }
0x62: {  	[sflag:s11] =	ssyncset.done $0x0  }
0x63: {  	s5 =	simm.s32 $0x2;
	[sflag:s11] =	ssyncadd.s32 $0xFFFFFFB0  }
0x64: {  	[tilespmem:s13], [sflag:$0x5] =	stream.indirect.gather [hbm4b:s4+s12], $0x80, s2, s12, $0xb8;
	[tilespmem:$0x1E400] =	vst v63  }
0x65: {  	_ =	swait.ge [sflag:s5], $0x50  }
0x66: {  	[sflag:s5] =	ssyncset.done $0x0  }
0x67: {  	[sflag:s5] =	ssyncadd.s32 $0xFFFFFFB0  }
0x68: {  	_ =	swait.ge [sflag:s5], $0x50  }
0x69: {  	[sflag:s5] =	ssyncset.done $0x0  }
0x6a: {  	s14 =	simm.s32 $0x16C00;
	s15 =	simm.s32 $0x3;
	[sflag:s5] =	ssyncadd.s32 $0xFFFFFFB0  }
0x6b: {  	[tilespmem:s14], [sflag:$0x6] =	stream.indirect.gather [hbm4b:s4+s12], $0x80, s9, s12, $0xb8;
	[tilespmem:$0x1E400] =	vst v63  }
0x6c: {  	_ =	swait.ge [sflag:s15], $0x50  }
0x6d: {  	[sflag:s15] =	ssyncset.done $0x0  }
0x6e: {  	[sflag:s15] =	ssyncadd.s32 $0xFFFFFFB0  }
0x6f: {  	_ =	swait.ge [sflag:s15], $0x50  }
0x70: {  	[sflag:s15] =	ssyncset.done $0x0  }
0x71: {  	s25 =	simm.s32 $0x19400;
	[sflag:s15] =	ssyncadd.s32 $0xFFFFFFB0  }
0x72: {  	[tilespmem:s25], [sflag:$0x7] =	stream.indirect.gather [hbm4b:s4+s12], $0x80, s16, s12, $0xb8;
	[tilespmem:$0x1E400] =	vst v63  }
0x73: {  	s9 =	rddreg [dreg:$0x9];
	s15 =	simm.s32 $0x0  }
0x74: {  	[tilespmem:s18], [sflag:$0x4] =	stream.linear.gather [hbm4b:s9+s15], $0x50, $0x38;
	[tilespmem:$0x1E400] =	vst v63  }
0x75: {  	s14 =	rddreg [dreg:$0xa]  }
0x76: {  	[tilespmem:s26], [sflag:$0x4] =	stream.linear.gather [hbm4b:s14+s15], $0x50, $0x38;
	[tilespmem:$0x1E400] =	vst v63  }
0x77: {  	_ = 	snop  }
0x78: {  	[spmem:s10] =	stream.linear.scatter [tilespmem:s28], [sflag:$0xD], $0x2800, $0x38;
	[tilespmem:$0x1E400] =	vst v63  }
0x79: {  	_ =	swait.ge [sflag:s17], $0x2800  }
0x7a: {  	[sflag:s17] =	ssyncset.done $0x0  }
0x7b: {  	s16 =	rddreg [dreg:$0xc];
	[sflag:s17] =	ssyncadd.s32 $0xFFFFD800  }
0x7c: {  	[spmem:s16] =	stream.linear.scatter [tilespmem:s28], [sflag:$0xD], $0x2800, $0x38;
	[tilespmem:$0x1E400] =	vst v63  }
0x7d: {  	_ =	swait.ge [sflag:s17], $0x2800  }
0x7e: {  	[sflag:s17] =	ssyncset.done $0x0  }
0x7f: {  	s25 =	rddreg [dreg:$0x11];
	[sflag:s17] =	ssyncadd.s32 $0xFFFFD800  }
0x80: {  	[spmem:s25] =	stream.linear.scatter [tilespmem:s28], [sflag:$0xD], $0x2800, $0x38;
	[tilespmem:$0x1E400] =	vst v63  }
0x81: {  	_ =	swait.ge [sflag:s17], $0x2800  }
0x82: {  	[sflag:s17] =	ssyncset.done $0x0  }
0x83: {  	s9 =	rddreg [dreg:$0x12];
	[sflag:s17] =	ssyncadd.s32 $0xFFFFD800  }
0x84: {  	[spmem:s9] =	stream.linear.scatter [tilespmem:s28], [sflag:$0xD], $0x2800, $0x38;
	[tilespmem:$0x1E400] =	vst v63  }
0x85: {  	_ =	swait.ge [sflag:s17], $0x2800  }
0x86: {  	[sflag:s17] =	ssyncset.done $0x0  }
0x87: {  	s10 =	rddreg [dreg:$0x13];
	[sflag:s17] =	ssyncadd.s32 $0xFFFFD800  }
0x88: {  	[spmem:s10] =	stream.linear.scatter [tilespmem:s28], [sflag:$0xD], $0x2800, $0x38;
	[tilespmem:$0x1E400] =	vst v63  }
0x89: {  	_ =	swait.ge [sflag:s17], $0x2800  }
0x8a: {  	[sflag:s17] =	ssyncset.done $0x0  }
0x8b: {  	s14 =	rddreg [dreg:$0x14];
	[sflag:s17] =	ssyncadd.s32 $0xFFFFD800  }
0x8c: {  	[spmem:s14] =	stream.linear.scatter [tilespmem:s28], [sflag:$0xD], $0x2800, $0x38;
	[tilespmem:$0x1E400] =	vst v63  }
0x8d: {  	_ =	swait.ge [sflag:s17], $0x2800  }
0x8e: {  	[sflag:s17] =	ssyncset.done $0x0  }
0x8f: {  	s16 =	rddreg [dreg:$0x15];
	[sflag:s17] =	ssyncadd.s32 $0xFFFFD800  }
0x90: {  	[spmem:s16] =	stream.linear.scatter [tilespmem:s28], [sflag:$0xD], $0x2800, $0x38;
	[tilespmem:$0x1E400] =	vst v63  }
0x91: {  	_ =	swait.ge [sflag:s17], $0x2800  }
0x92: {  	[sflag:s17] =	ssyncset.done $0x0  }
0x93: {  	s25 =	rddreg [dreg:$0x16];
	[sflag:s17] =	ssyncadd.s32 $0xFFFFD800  }
0x94: {  	[spmem:s25] =	stream.linear.scatter [tilespmem:s28], [sflag:$0xD], $0x2800, $0x38;
	[tilespmem:$0x1E400] =	vst v63  }
0x95: {  	_ =	swait.ge [sflag:s17], $0x2800  }
0x96: {  	[sflag:s17] =	ssyncset.done $0x0  }
0x97: {  	[sflag:s17] =	ssyncadd.s32 $0xFFFFD800  }
0x98: {  	[bflag:$0x0] =	sbarrier.arrive $0xFFFF  }
0x99: {  	s14 =	rddreg [dreg:$0x10]  }
.LBB2_4:
0x9a: {  	_ =	swait.ge [sflag:s29], $0x50  }
0x9b: {  	[sflag:s29] =	ssyncset.done $0x0  }
0x9c: {  	[sflag:s29] =	ssyncadd.s32 $0xFFFFFFB0  }
0x9d: {  	_ =	swait.ge [sflag:s29], $0x50  }
0x9e: {  	p0 =	seq.s32 s15, $0x0;
	[sflag:s29] =	ssyncset.done $0x0  }
0x9f: {  	s17 =	simm.s32 @!p0 $0xC;
	[sflag:s29] =	ssyncadd.s32 $0xFFFFFFB0  }
0xa0: {  	_ =	swait.ge @!p0 [sflag:s17], $0x2800  }
0xa1: {  	[sflag:s17] =	ssyncset.done @!p0 $0x0  }
0xa2: {  	[sflag:s17] =	ssyncadd.s32 @!p0 $0xFFFFD800  }
0xa3: {  	[tilespmem:s28], [sflag:$0x8] =	stream.indirect.gather [hbm4b:s4+s12], $0x80, s18, s12, $0xb8;
	[tilespmem:$0x1E400] =	vst v63  }
0xa4: {  	_ =	swait.ge [sflag:s30], $0x2800  }
0xa5: {  	[sflag:s30] =	ssyncset.done $0x0  }
0xa6: {  	s16 =	sshrl.u32 s14, $0x3;
	[sflag:s30] =	ssyncadd.s32 $0xFFFFD800  }
0xa7: {  	[spmem:s1] =	stream.indirect.scatter.add.f32 [tilespmem:s13], [sflag:$0x9], $0x80, s7, s12, $0xb8;
	[tilespmem:$0x1E400] =	vst v63  }
0xa8: {  	s10 =	sadd.s32 s6, s16  }
0xa9: {  	[tilespmem:s2], [sflag:$0x1] =	stream.linear.gather [hbm4b:s10+s3], $0x50, $0x38;
	[tilespmem:$0x1E400] =	vst v63  }
0xaa: {  	s25 =	sadd.s32 s19, s16  }
0xab: {  	[tilespmem:s7], [sflag:$0x1] =	stream.linear.gather [hbm4b:s25+s3], $0x50, $0x38;
	[tilespmem:$0x1E400] =	vst v63  }
0xac: {  	_ =	swait.ge [sflag:s11], $0x50  }
0xad: {  	[sflag:s11] =	ssyncset.done $0x0  }
0xae: {  	[sflag:s11] =	ssyncadd.s32 $0xFFFFFFB0  }
0xaf: {  	_ =	swait.ge [sflag:s11], $0x50  }
0xb0: {  	[sflag:s11] =	ssyncset.done $0x0  }
0xb1: {  	[sflag:s11] =	ssyncadd.s32 $0xFFFFFFB0  }
0xb2: {  	_ =	swait.ge [sflag:s8], $0x2800  }
0xb3: {  	[sflag:s8] =	ssyncset.done $0x0  }
0xb4: {  	[sflag:s8] =	ssyncadd.s32 $0xFFFFD800  }
0xb5: {  	[tilespmem:s13], [sflag:$0x5] =	stream.indirect.gather [hbm4b:s4+s12], $0x80, s2, s12, $0xb8;
	[tilespmem:$0x1E400] =	vst v63  }
0xb6: {  	_ =	swait.ge [sflag:s31], $0x2800  }
0xb7: {  	s5 =	simm.s32 $0x14280;
	p0 =	seq.s32 s15, $0x4B0;
	[sflag:s31] =	ssyncset.done $0x0  }
0xb8: {  	s9 =	simm.s32 $0x16C00;
	s10 =	simm.s32 @p0 $0x7;
	[sflag:s31] =	ssyncadd.s32 $0xFFFFD800  }
0xb9: {  	[spmem:s1] =	stream.indirect.scatter.add.f32 [tilespmem:s9], [sflag:$0xA], $0x80, s5, s12, $0xb8;
	[tilespmem:$0x1E400] =	vst v63  }
0xba: {  	_ =	swait.ge @p0 [sflag:s10], $0x2800  }
0xbb: {  	s17 =	simm.s32 @p0 $0x14300;
	[sflag:s10] =	ssyncset.done @p0 $0x0  }
0xbc: {  	s25 =	simm.s32 @p0 $0x19400;
	[sflag:s10] =	ssyncadd.s32 @p0 $0xFFFFD800;
	s10 =	simm.s32 @p0 $0x50  }
0xbd: {  	[spmem:s1] =	stream.indirect.scatter.add.f32 @p0 [tilespmem:s25], [sflag:$0xB], $0x80, s17, s10, $0xb8;
	[tilespmem:$0x1E400] =	vst v63  }
0xbe: {  	s10 =	sadd.s32 @!p0 s15, s24;
	s17 =	simm.s32 @!p0 $0x0;
	s25 =	simm.s32 @!p0 $0x14080  }
0xbf: {  	[tilespmem:s25], [sflag:$0x2] =	stream.linear.gather @!p0 [hbm4b:s10+s17], $0x50, $0x38;
	[tilespmem:$0x1E400] =	vst v63  }
0xc0: {  	s9 =	simm.s32 @!p0 $0x14280;
	s10 =	sadd.s32 @!p0 s15, s23  }
0xc1: {  	[tilespmem:s9], [sflag:$0x2] =	stream.linear.gather @!p0 [hbm4b:s10+s17], $0x50, $0x38;
	[tilespmem:$0x1E400] =	vst v63  }
0xc2: {  	s9 =	simm.s32 @!p0 $0x2  }
0xc3: {  	_ =	swait.ge @!p0 [sflag:s9], $0x50  }
0xc4: {  	[sflag:s9] =	ssyncset.done @!p0 $0x0  }
0xc5: {  	[sflag:s9] =	ssyncadd.s32 @!p0 $0xFFFFFFB0  }
0xc6: {  	_ =	swait.ge @!p0 [sflag:s9], $0x50  }
0xc7: {  	[sflag:s9] =	ssyncset.done @!p0 $0x0  }
0xc8: {  	[sflag:s9] =	ssyncadd.s32 @!p0 $0xFFFFFFB0;
	s9 =	simm.s32 @!p0 $0xA  }
0xc9: {  	_ =	swait.ge @!p0 [sflag:s9], $0x2800  }
0xca: {  	[sflag:s9] =	ssyncset.done @!p0 $0x0  }
0xcb: {  	s10 =	simm.s32 @!p0 $0x16C00;
	[sflag:s9] =	ssyncadd.s32 @!p0 $0xFFFFD800;
	s9 =	simm.s32 @!p0 $0x50  }
0xcc: {  	[tilespmem:s10], [sflag:$0x6] =	stream.indirect.gather @!p0 [hbm4b:s4+s9], $0x80, s25, s9, $0xb8;
	[tilespmem:$0x1E400] =	vst v63  }
0xcd: {  	s10 =	simm.s32 @!p0 $0x7  }
0xce: {  	_ =	swait.ge @!p0 [sflag:s10], $0x2800  }
0xcf: {  	[sflag:s10] =	ssyncset.done @!p0 $0x0  }
0xd0: {  	s25 =	simm.s32 @!p0 $0x19400;
	[sflag:s10] =	ssyncadd.s32 @!p0 $0xFFFFD800;
	s10 =	simm.s32 @!p0 $0x14300  }
0xd1: {  	[spmem:s1] =	stream.indirect.scatter.add.f32 @!p0 [tilespmem:s25], [sflag:$0xB], $0x80, s10, s9, $0xb8;
	[tilespmem:$0x1E400] =	vst v63  }
0xd2: {  	s16 =	sadd.s32 @!p0 s15, s22;
	s5 =	simm.s32 @!p0 $0x14100  }
0xd3: {  	[tilespmem:s5], [sflag:$0x3] =	stream.linear.gather @!p0 [hbm4b:s16+s17], $0x50, $0x38;
	[tilespmem:$0x1E400] =	vst v63  }
0xd4: {  	s16 =	sadd.s32 @!p0 s15, s21  }
0xd5: {  	[tilespmem:s10], [sflag:$0x3] =	stream.linear.gather @!p0 [hbm4b:s16+s17], $0x50, $0x38;
	[tilespmem:$0x1E400] =	vst v63  }
0xd6: {  	s10 =	simm.s32 @!p0 $0x3  }
0xd7: {  	_ =	swait.ge @!p0 [sflag:s10], $0x50  }
0xd8: {  	[sflag:s10] =	ssyncset.done @!p0 $0x0  }
0xd9: {  	[sflag:s10] =	ssyncadd.s32 @!p0 $0xFFFFFFB0  }
0xda: {  	_ =	swait.ge @!p0 [sflag:s10], $0x50  }
0xdb: {  	[sflag:s10] =	ssyncset.done @!p0 $0x0  }
0xdc: {  	[sflag:s10] =	ssyncadd.s32 @!p0 $0xFFFFFFB0;
	s10 =	simm.s32 @!p0 $0xB  }
0xdd: {  	_ =	swait.ge @!p0 [sflag:s10], $0x2800  }
0xde: {  	[sflag:s10] =	ssyncset.done @!p0 $0x0  }
0xdf: {  	[sflag:s10] =	ssyncadd.s32 @!p0 $0xFFFFD800  }
0xe0: {  	[tilespmem:s25], [sflag:$0x7] =	stream.indirect.gather @!p0 [hbm4b:s4+s9], $0x80, s5, s9, $0xb8;
	[tilespmem:$0x1E400] =	vst v63  }
.Ltmp3:
0xe1: {  	_ = 	snop;
	(pc) =	sbr.rel @p0 .LBB2_6-.Ltmp3, $4  }
0xe2: {  	_ =	swait.ge [sflag:s0], $0x2800  }
0xe3: {  	[sflag:s0] =	ssyncset.done $0x0  }
0xe4: {  	[sflag:s0] =	ssyncadd.s32 $0xFFFFD800  }
0xe5: {  	[spmem:s1] =	stream.indirect.scatter.add.f32 [tilespmem:s28], [sflag:$0xC], $0x80, s26, s12, $0xb8;
	[tilespmem:$0x1E400] =	vst v63  }
.Ltmp4:
0xe6: {  	(pc) =	sbr.rel .LBB2_4-.Ltmp4, $4  }
0xe7: {  	s5 =	sadd.s32 s15, s20;
	s25 =	rddreg [dreg:$0xf]  }
0xe8: {  	[tilespmem:s18], [sflag:$0x4] =	stream.linear.gather [hbm4b:s5+s3], $0x50, $0x38;
	[tilespmem:$0x1E400] =	vst v63  }
0xe9: {  	s14 =	sadd.s32 $0x140, s14;
	s5 =	sadd.s32 s15, s25;
	s15 =	sadd.s32 $0x28, s15  }
0xea: {  	[tilespmem:s26], [sflag:$0x4] =	stream.linear.gather [hbm4b:s5+s3], $0x50, $0x38;
	[tilespmem:$0x1E400] =	vst v63  }
.LBB2_7:
0xeb: {  	_ =	sfence.sel $0x180000  }
0xec: {  	[bflag:$0x0] =	sbarrier.arrive $0xFFFF  }
0xed: {  	_ =	strace $0x9000004D  }
0xee: {  	s0 =	stileid.u32;
	[bflag:$0x2] =	sbarrier.arrive $0xFFFF  }
0xef: {  	p0 =	sne.s32 s0, $0x0;
	s0 =	rddreg [dreg:$0x2]  }
0xf0: {  	s0 =	sadd.s32 @!p0 $0x100000, s0  }
0xf1: {  	[sflag:s0] =	ssyncadd.tile.s32 @!p0 $0x1;
	_ =	shalt  }
.Lfunc_end2:
_tile_overlayer_lowered:
.L_overlay_start_2:
0xf2: {  	(tag) =	ssettag $0x2  }
0xf3: {  	s0 =	rddreg [dreg:$0x0];
	s2 =	stileid.u32  }
0xf4: {  	s1 =	rddreg [dreg:$0x1];
	p0 =	sne.s32 s2, $0x0  }
0xf5: {  	s3 =	rddreg [dreg:$0x2];
	[bflag:$0x3] =	sbarrier.arrive $0xFFFF;
	s2 =	simm.s32 @!p0 $0x1C0D  }
0xf6: {  	[timem:s3], [sflag:s2] =	dma.local @!p0 [hbm:s0], s1  }
0xf7: {  	s0 =	simm.s32 @!p0 $0xD  }
0xf8: {  	_ =	swait.ge @!p0 [sflag:s0], s1  }
0xf9: {  	s1 =	ssub.s32 @!p0 $0x0, s1;
	[sflag:s0] =	ssyncset.done @!p0 $0x0  }
0xfa: {  	[sflag:s0] =	ssyncadd.s32 @!p0 s1  }
0xfb: {  	[bflag:$0x3] =	sbarrier.arrive $0xFFFF  }
0xfc: {  	_ =	shalt  }

// kernel: kernel.20.cloned.1.call-start
scs
__scs_entry_jumppad:
0x0: {  	(pc) =	sbr.rel $0x88, $3  }
0x1: {  	(tag) =	ssettag $0x0;
	lr =	simm.s32 $0x1  }
0x2: {  	[smem:$0x3F91] =	sst lr;
	_ =	strace $0xD0000000  }
0x3: {  	_ = 	snop  }
0x4: {  	_ = 	snop  }
0x5: {  	_ = 	snop  }
0x6: {  	_ = 	snop  }
0x7: {  	_ = 	snop  }
__scs_overlays_trampoline_lowered:
0x8: {  	[smem:$0x3FA0] =	sst s0  }
0x9: {  	[smem:$0x3FA1] =	sst s1  }
0xa: {  	[smem:$0x3FA2] =	sst s2  }
0xb: {  	[smem:$0x3FA3] =	sst s3  }
0xc: {  	[smem:$0x3FA4] =	sst s4  }
0xd: {  	[smem:$0x3FA5] =	sst s5  }
0xe: {  	[smem:$0x3FA6] =	sst s6  }
0xf: {  	[smem:$0x3FA7] =	sst s7  }
0x10: {  	[smem:$0x3FA8] =	sst s8  }
0x11: {  	[smem:$0x3FA9] =	sst s9;
	s0 =	simm.s32 @!p0 $0x0  }
0x12: {  	s1 =	sld [smem:$0x3F8F];
	s0 =	simm.s32 @p0 $0x1  }
0x13: {  	[smem:$0x3FAA] =	sst s0;
	s0 =	simm.s32 @!p1 $0x0  }
0x14: {  	s2 =	sld [smem:$0x3F8E];
	s0 =	simm.s32 @p1 $0x1  }
0x15: {  	[smem:$0x3FAB] =	sst s0;
	s0 =	simm.s32 @!p2 $0x0  }
0x16: {  	s3 =	sld [smem:$0x3FDB];
	s0 =	simm.s32 @p2 $0x1  }
0x17: {  	s4 =	simm.s32 $0x1BF5;
	[smem:$0x3FAD] =	sst s0  }
0x18: {  	s0 =	sld [smem:$0x3F90];
	_ =	swait.ge [sflag:s4], $0x0  }
0x19: {  	s7 =	sld [smem:$0x3F91]  }
0x1a: {  	s8 =	sadd.s32 $0xFFFFE003, lr  }
0x1b: {  	s9 =	sadd.s32 $0xFFFFFEF7, lr;
	s5 =	simm.s32 $0xFFFFFFFF;
	p2 =	slt.u32 s8, $0xFFFFF086  }
0x1c: {  	p1 =	slt.u32 s9, $0xF7A;
	s5 =	simm.s32 @!p2 $0x0  }
0x1d: {  	s5 =	simm.s32 @p1 $0x1;
	p0 =	seq.s32 s7, s2  }
0x1e: {  	s7 =	smul.u32 @!p0 $0xF7A, s2;
	p2 =	seq.s32 @!p0 s5, $0x0  }
0x1f: {  	s9 =	smul.u32 $0xF7A, s1;
	s8 =	simm.s32 @!p0 $0x1BF5;
	p2 =	por !p2, p0  }
0x20: {  	[sflag:s8] =	ssyncset.s32 @!p0 $0xFFFFF086;
	s6 =	sadd.s32 @!p0 s3, s7;
	s7 =	simm.s32 @!p0 $0x108  }
0x21: {  	s3 =	sadd.s32 s3, s9;
	s6 =	sadd.s32 @!p0 $0x88, s6;
	s7 =	simm.s32 @p2 $0x1082  }
0x22: {  	[simem:s7], [sflag:s8] =	dma.local @!p0 [hbm:s6], $0xF7A  }
0x23: {  	s9 =	sor.u32 $0xD0000000, s2;
	s6 =	simm.s32 $0x108;
	_ =	swait.ge @!p0 [sflag:s8], $0x0  }
0x24: {  	s3 =	sadd.s32 $0x88, s3;
	s6 =	simm.s32 @!p1 $0x1082;
	[sflag:s4] =	ssyncset.s32 $0xFFFFF086  }
0x25: {  	[simem:s6], [sflag:s4] =	dma.local [hbm:s3], $0xF7A  }
0x26: {  	[smem:$0x3F91] =	sst s1;
	(tag) =	ssettag s2;
	_ =	strace s9  }
0x27: {  	s1 =	sld [smem:$0x3FA1]  }
0x28: {  	s2 =	sld [smem:$0x3FA2]  }
0x29: {  	s4 =	sld [smem:$0x3FA4]  }
0x2a: {  	p0 =	seq.s32 s5, $0x0;
	s5 =	sld [smem:$0x3FA5]  }
0x2b: {  	s6 =	sld [smem:$0x3FA6]  }
0x2c: {  	s7 =	sld [smem:$0x3FA7]  }
0x2d: {  	s3 =	simm.s32 $0x108;
	s8 =	sld [smem:$0x3FA8]  }
0x2e: {  	s3 =	simm.s32 @!p0 $0x1082;
	s9 =	sld [smem:$0x3FA9]  }
0x2f: {  	lr =	sadd.s32 s0, s3;
	s0 =	sld [smem:$0x3FA0]  }
0x30: {  	s3 =	sld [smem:$0x3FA3]  }
0x31: {  	[smem:$0x3FAC] =	sst s10  }
0x32: {  	s10 =	sld [smem:$0x3FAA];
	_ =	sdelay $0x3  }
0x33: {  	p0 =	seq.s32 s10, $0x1;
	s10 =	sld [smem:$0x3FAC];
	_ =	sdelay $0x3  }
0x34: {  	[smem:$0x3FAC] =	sst s10  }
0x35: {  	s10 =	sld [smem:$0x3FAB];
	_ =	sdelay $0x3  }
0x36: {  	p1 =	seq.s32 s10, $0x1;
	s10 =	sld [smem:$0x3FAC];
	_ =	sdelay $0x3  }
0x37: {  	[smem:$0x3FAC] =	sst s10  }
0x38: {  	s10 =	sld [smem:$0x3FAD]  }
0x39: {  	_ = 	snop;
	(pc) =	sbr.ind lr, $3  }
0x3a: {  	_ = 	snop  }
0x3b: {  	_ = 	snop  }
0x3c: {  	p2 =	seq.s32 s10, $0x1;
	s10 =	sld [smem:$0x3FAC]  }
0x3d: {  	_ =	shalt  }
0x3e: {  	_ =	shalt  }
0x3f: {  	_ =	shalt  }
0x40: {  	_ =	shalt  }
0x41: {  	_ =	shalt  }
0x42: {  	_ =	shalt  }
0x43: {  	_ =	shalt  }
0x44: {  	_ =	shalt  }
0x45: {  	_ =	shalt  }
0x46: {  	_ =	shalt  }
0x47: {  	_ =	shalt  }
0x48: {  	_ =	shalt  }
0x49: {  	_ =	shalt  }
0x4a: {  	_ =	shalt  }
0x4b: {  	_ =	shalt  }
0x4c: {  	_ =	shalt  }
0x4d: {  	_ =	shalt  }
0x4e: {  	_ =	shalt  }
0x4f: {  	_ =	shalt  }
0x50: {  	_ =	shalt  }
0x51: {  	_ =	shalt  }
0x52: {  	_ =	shalt  }
0x53: {  	_ =	shalt  }
0x54: {  	_ =	shalt  }
0x55: {  	_ =	shalt  }
0x56: {  	_ =	shalt  }
0x57: {  	_ =	shalt  }
0x58: {  	_ =	shalt  }
0x59: {  	_ =	shalt  }
0x5a: {  	_ =	shalt  }
0x5b: {  	_ =	shalt  }
0x5c: {  	_ =	shalt  }
0x5d: {  	_ =	shalt  }
0x5e: {  	_ =	shalt  }
0x5f: {  	_ =	shalt  }
0x60: {  	_ =	shalt  }
0x61: {  	_ =	shalt  }
0x62: {  	_ =	shalt  }
0x63: {  	_ =	shalt  }
0x64: {  	_ =	shalt  }
0x65: {  	_ =	shalt  }
0x66: {  	_ =	shalt  }
0x67: {  	_ =	shalt  }
0x68: {  	_ =	shalt  }
0x69: {  	_ =	shalt  }
0x6a: {  	_ =	shalt  }
0x6b: {  	_ =	shalt  }
0x6c: {  	_ =	shalt  }
0x6d: {  	_ =	shalt  }
0x6e: {  	_ =	shalt  }
0x6f: {  	_ =	shalt  }
0x70: {  	_ =	shalt  }
0x71: {  	_ =	shalt  }
0x72: {  	_ =	shalt  }
0x73: {  	_ =	shalt  }
0x74: {  	_ =	shalt  }
0x75: {  	_ =	shalt  }
0x76: {  	_ =	shalt  }
0x77: {  	_ =	shalt  }
0x78: {  	_ =	shalt  }
0x79: {  	_ =	shalt  }
0x7a: {  	_ =	shalt  }
0x7b: {  	_ =	shalt  }
0x7c: {  	_ =	shalt  }
0x7d: {  	_ =	shalt  }
0x7e: {  	_ =	shalt  }
0x7f: {  	_ =	shalt  }
0x80: {  	_ =	shalt  }
0x81: {  	_ =	shalt  }
0x82: {  	_ =	shalt  }
0x83: {  	_ =	shalt  }
0x84: {  	_ =	shalt  }
0x85: {  	_ =	shalt  }
0x86: {  	_ =	shalt  }
0x87: {  	_ =	shalt  }
.Lfunc_end0:
.L_simem_size_0:
called_computation.3_lowered:
.L_overlay_start_0:
0x88: {  	s2 =	sld [smem:$0x3FD9]  }
0x89: {  	s3 =	sld [smem:$0x3FFE];
	_ =	sdelay $0x1  }
0x8a: {  	s1 =	srdreg.scid  }
0x8b: {  	s0 =	sand.u32 $0x1, s1  }
0x8c: {  	s16 =	sshll.u32 s0, $0xA;
	s2 =	sadd.s32 s3, s2  }
0x8d: {  	s2 =	sadd.s32 s2, s16  }
0x8e: {  	[smem:$0x3FB8] =	sst s2  }
0x8f: {  	_ = 	snop  }
0x90: {  	(tm) =	ssettm $0x1  }
0x91: {  	s17 =	sld [smem:$0x3FFB];
	_ =	sdelay $0x3  }
0x92: {  	_ =	strace s17  }
0x93: {  	s2 =	sld [smem:$0x3FFC];
	_ =	sdelay $0x3  }
0x94: {  	_ =	strace s2  }
0x95: {  	s2 =	sld [smem:$0x3FFD];
	_ =	sdelay $0x3  }
0x96: {  	_ =	strace s2  }
0x97: {  	_ =	strace $0x8FFFFFFF  }
0x98: {  	s18 =	sld [smem:$0x3FDB];
	_ =	sdelay $0x1  }
0x99: {  	s19 =	simm.s32 $_scs_section_size  }
0x9a: {  	s4 =	simm.s32 $_size__tile_overlayer_lowered;
	s5 =	simm.s32 $_tile_overlayer_lowered  }
0x9b: {  	s22 =	simm.s32 $0x1BFF;
	s21 =	sshll.u32 s5, $0x1;
	s2 =	sadd.s32 s19, s18  }
0x9c: {  	s6 =	simm.s32 $0x0;
	s20 =	sshll.u32 s4, $0x1;
	s4 =	sadd.s32 s21, s2  }
0x9d: {  	[timem:s6], [sflag:s22] =	dma.local [hbm:s4], s20  }
0x9e: {  	_ =	swait.ge [sflag:s22], s20  }
0x9f: {  	s3 =	ssub.s32 $0x0, s20;
	[sflag:s22] =	ssyncset.done $0x0  }
0xa0: {  	[sflag:s22] =	ssyncadd.s32 s3;
	_ =	sdelay $0x1  }
0xa1: {  	s23 =	simm.s32 $0x1B8B  }
0xa2: {  	_ =	swait.ge [sflag:s23], $0x1  }
0xa3: {  	[sflag:s23] =	ssyncset.done $0x0  }
0xa4: {  	s25 =	simm.s32 $0x1B8E;
	s24 =	sld [smem:$0x3FFE];
	[sflag:s23] =	ssyncadd.s32 $0xFFFFFFFF  }
0xa5: {  	s26 =	simm.s32 $execute0_lowered;
	[smem:$0x3FD2] =	sst s25  }
0xa6: {  	s4 =	sshll.u32 s26, $0x1;
	_ =	strace $0x8000004F;
	[dreg:$0x1] =	wrdreg $0xFFFFFFFF  }
0xa7: {  	s28 =	simm.s32 $_size_execute0_lowered;
	s2 =	sadd.s32 s2, s4;
	[dreg:$0x0] =	wrdreg $0x0  }
0xa8: {  	s4 =	sshll.u32 s28, $0x1;
	[dreg:$0x2] =	wrdreg s2  }
0xa9: {  	[dreg:$0x3] =	wrdreg s4  }
0xaa: {  	[dreg:$0x4] =	wrdreg $0xC0  }
0xab: {  	_ =	task [dreg:s6], $0x5FFFF  }
0xac: {  	[dreg:$0x1] =	wrdreg $0xFFFFFFFF  }
0xad: {  	[dreg:$0x0] =	wrdreg $0x60  }
0xae: {  	[dreg:$0x2] =	wrdreg s24  }
0xaf: {  	[dreg:$0x3] =	wrdreg $0x0  }
0xb0: {  	[dreg:$0x4] =	wrdreg $0x9  }
0xb1: {  	_ =	task.clear_ibuf [dreg:s6], $0x5FFFF;
	_ =	strace $0x9000004F  }
0xb2: {  	s29 =	simm.s32 $0x9;
	_ =	strace $0x80000051  }
0xb3: {  	_ =	swait.ge [sflag:s29], $0x1  }
0xb4: {  	[sflag:s29] =	ssyncadd.s32 $0xFFFFFFFF  }
0xb5: {  	_ =	strace $0x90000051  }
0xb6: {  	_ =	sfence  }
0xb7: {  	s30 =	sld [smem:$0x0];
	_ =	sdelay $0x2  }
0xb8: {  	s31 =	sshll.u32 s1, $0xD;
	s1 =	sshrl.u32 s1, $0x2  }
0xb9: {  	s3 =	sand.u32 $0x4000, s31;
	s1 =	sadd.s32 s1, s30  }
0xba: {  	s0 =	sor.u32 s3, s0;
	s1 =	sshll.u32 s1, $0x11  }
0xbb: {  	s0 =	sor.u32 s1, s0  }
0xbc: {  	s0 =	sadd.s32 $0x8F2B, s0  }
0xbd: {  	[sflag:s0] =	ssyncadd.remote.s32 $0x1  }
0xbe: {  	_ =	sfence.sel $0xFFFF  }
0xbf: {  	[dreg:$0x0] =	wrdreg $0xFFFFFFFF;
	(pc) =	sbr.abs _section_cstart, $3  }
0xc0: {  	[dreg:$0x1] =	wrdreg $0xFFFFFFFF  }
0xc1: {  	_ =	task.clear_ibuf [dreg:s6], $0x2FFFF;
	_ =	strace $0x9FFFFFFF  }
0xc2: {  	(tm) =	ssettm $0x7FFFFFFF  }
0xc3: {  	_ =	shalt  }
tec
execute0_lowered:
.L_overlay_start_1:
0x0: {  	(tag) =	ssettag $0x1  }
0x1: {  	s0 =	rddreg [dreg:$0x0]  }
0x2: {  	s1 =	rddreg [dreg:$0x1]  }
0x3: {  	s3 =	simm.s32 $0x0;
	s2 =	srdreg.scid;
	s5 =	stileid.u32  }
0x4: {  	s28 =	simm.s32 $0x1BC00;
	s29 =	simm.s32 $0x4;
	s7 =	smul.u32 $0x2800, s5  }
0x5: {  	s30 =	simm.s32 $0x5;
	s31 =	simm.s32 $0x6;
	s18 =	smul.u32 $0x50000, s5  }
0x6: {  	[smem:$0x7FF] =	sst s3;
	s2 =	sand.u32 $0x1, s2;
	s11 =	smul.u32 $0x4E20, s5  }
0x7: {  	s4 =	sshll.u32 s5, $0x1;
	s12 =	sadd.s32 $0xDE00, s0;
	s8 =	smul.u32 $0x28000, s2  }
0x8: {  	s6 =	sor.u32 s2, s4;
	s13 =	ssub.s32 $0x2, s2;
	s2 =	smul.u32 $0x2710, s2  }
0x9: {  	_ =	strace $0x80000050;
	s4 =	sadd.s32 $0x17C00, s0;
	s9 =	smul.u32 $0x2710, s6  }
0xa: {  	s6 =	sadd.s32 $0x4000, s0;
	s14 =	sshrl.u32 s13, $0x1;
	s7 =	sadd.s32 s7, s8  }
0xb: {  	s23 =	sshrl.u32 s18, $0x2;
	s2 =	sadd.s32 s2, s11;
	s0 =	sadd.s32 s7, s0  }
0xc: {  	s9 =	sshrl.u32 s9, $0x3;
	s7 =	ssub.s32 s13, s14;
	s14 =	sadd.s32 $0x140, s2  }
0xd: {  	s26 =	sadd.s32 $0x230, s2;
	s15 =	sadd.s32 s12, s9;
	[dreg:$0x10] =	wrdreg s14  }
0xe: {  	s11 =	sadd.s32 $0x190, s2;
	s10 =	sadd.s32 s6, s9;
	[dreg:$0x3] =	wrdreg s15  }
0xf: {  	s16 =	sadd.s32 $0xA, s9;
	s0 =	sadd.s32 $0x3EE00, s0;
	[dreg:$0x4] =	wrdreg s10  }
0x10: {  	s19 =	sadd.s32 $0x14, s9;
	s7 =	smax.u32 s7, $0x1;
	[dreg:$0xd] =	wrdreg s0  }
0x11: {  	s9 =	sadd.s32 $0x1E, s9;
	s17 =	sadd.s32 s12, s16;
	[dreg:$0xe] =	wrdreg s7  }
0x12: {  	s13 =	sshrl.u32 s11, $0x3;
	s8 =	sadd.s32 s6, s16;
	[dreg:$0x5] =	wrdreg s17  }
0x13: {  	s11 =	simm.s32 $0x1;
	s20 =	sadd.s32 s12, s19;
	[dreg:$0x6] =	wrdreg s8  }
0x14: {  	s14 =	simm.s32 $0x0;
	s21 =	sadd.s32 s6, s19;
	[dreg:$0x7] =	wrdreg s20  }
0x15: {  	s22 =	sadd.s32 s12, s9;
	s24 =	sadd.s32 s6, s9;
	[dreg:$0x8] =	wrdreg s21  }
0x16: {  	s10 =	sadd.s32 s23, s1;
	s0 =	sshrl.u32 s26, $0x3;
	[dreg:$0x9] =	wrdreg s22  }
0x17: {  	s19 =	smov.u32 s6;
	s23 =	sadd.s32 s13, s6;
	[dreg:$0xa] =	wrdreg s24  }
0x18: {  	s25 =	sadd.s32 $0x2800, s10;
	s8 =	sadd.s32 $0x1E0, s2;
	[dreg:$0xb] =	wrdreg s10  }
0x19: {  	s9 =	sadd.s32 s0, s6;
	s20 =	sadd.s32 s0, s12;
	[dreg:$0xc] =	wrdreg s25  }
0x1a: {  	s24 =	sadd.s32 s13, s12;
	s15 =	sadd.s32 $0x5000, s10;
	[dreg:$0xf] =	wrdreg s9  }
0x1b: {  	s16 =	sadd.s32 $0x7800, s10;
	s17 =	sadd.s32 $0xA000, s10;
	[dreg:$0x11] =	wrdreg s15  }
0x1c: {  	s18 =	sadd.s32 $0xC800, s10;
	s26 =	sadd.s32 $0x11800, s10;
	[dreg:$0x12] =	wrdreg s16  }
0x1d: {  	s2 =	simm.s32 $0x14000;
	s13 =	simm.s32 $0x14400;
	[dreg:$0x13] =	wrdreg s17  }
0x1e: {  	s0 =	simm.s32 $0x8;
	s7 =	sshrl.u32 s8, $0x3;
	[dreg:$0x14] =	wrdreg s18  }
.Ltmp0:
0x1f: {  	s25 =	sadd.s32 $0xF000, s10;
	[dreg:$0x16] =	wrdreg s26;
	(pc) =	sbr.rel .LBB2_1-.Ltmp0, $4  }
0x20: {  	s9 =	simm.s32 $0x14080;
	s16 =	simm.s32 $0x14100;
	s18 =	simm.s32 $0x14180  }
0x21: {  	s26 =	simm.s32 $0x14380;
	s17 =	simm.s32 $0xD;
	s8 =	simm.s32 $0x9  }
0x22: {  	s21 =	sadd.s32 s7, s6;
	s22 =	sadd.s32 s7, s12;
	s6 =	smov.u32 s12  }
0x23: {  	v0 =	vimm.f32 $0.0e+00;
	[dreg:$0x15] =	wrdreg s25;
	s7 =	simm.s32 $0x14200;
	s12 =	simm.s32 $0x50  }
.LBB2_6:
0x24: {  	_ =	swait.ge [sflag:s30], $0x2800  }
0x25: {  	[sflag:s30] =	ssyncset.done $0x0  }
0x26: {  	[sflag:s30] =	ssyncadd.s32 $0xFFFFD800  }
0x27: {  	[spmem:s1] =	stream.indirect.scatter.add.f32 [tilespmem:s13], [sflag:$0x9], $0x80, s7, s12, $0xb8;
	[tilespmem:$0x1E400] =	vst v63  }
0x28: {  	_ =	swait.ge [sflag:s8], $0x2800  }
0x29: {  	[sflag:s8] =	ssyncset.done $0x0  }
0x2a: {  	s5 =	simm.s32 $0xA;
	[sflag:s8] =	ssyncadd.s32 $0xFFFFD800  }
0x2b: {  	_ =	swait.ge [sflag:s5], $0x2800  }
0x2c: {  	[sflag:s5] =	ssyncset.done $0x0  }
0x2d: {  	s10 =	simm.s32 $0xB;
	[sflag:s5] =	ssyncadd.s32 $0xFFFFD800  }
0x2e: {  	_ =	swait.ge [sflag:s10], $0x2800  }
0x2f: {  	[sflag:s10] =	ssyncset.done $0x0  }
0x30: {  	s14 =	simm.s32 $0xC;
	[sflag:s10] =	ssyncadd.s32 $0xFFFFD800  }
0x31: {  	_ =	swait.ge [sflag:s14], $0x2800  }
0x32: {  	[sflag:s14] =	ssyncset.done $0x0  }
0x33: {  	[sflag:s14] =	ssyncadd.s32 $0xFFFFD800  }
0x34: {  	s15 =	stileid.u32;
	[bflag:$0x0] =	sbarrier.arrive $0xFFFF  }
0x35: {  	s17 =	simm.s32 $0xD;
	s5 =	sshll.u32 s15, $0x6;
	s10 =	rddreg [dreg:$0xb]  }
0x36: {  	s5 =	sor.u32 $0x1C0D, s5;
	s14 =	rddreg [dreg:$0xd];
	s9 =	sshrl.u32 s10, $0x3  }
0x37: {  	[hbm:s14], [sflag:s5] =	dma.local [spmem:s9], $0x2800  }
0x38: {  	_ =	swait.ge [sflag:s17], $0x2800  }
0x39: {  	s16 =	rddreg [dreg:$0x17]  }
0x3a: {  	s25 =	rddreg [dreg:$0xe];
	s14 =	sadd.s32 $0x1, s16  }
0x3b: {  	p0 =	sne.s32 s14, s25  }
.Ltmp1:
0x3c: {  	_ = 	snop;
	(pc) =	sbr.rel @!p0 .LBB2_7-.Ltmp1, $3  }
0x3d: {  	_ =	sdelay $0x1  }
0x3e: {  	[sflag:s17] =	ssyncset.done $0x0  }
0x3f: {  	s9 =	simm.s32 $0x14080;
	[sflag:s17] =	ssyncadd.s32 $0xFFFFD800;
	s16 =	simm.s32 $0x14100  }
.LBB2_1:
0x40: {  	[dreg:$0x17] =	wrdreg s14  }
0x41: {  	s5 =	rddreg [dreg:$0x3]  }
0x42: {  	[tilespmem:s2], [sflag:$0x1] =	stream.linear.gather [hbm4b:s5+s3], $0x50, $0x38;
	[tilespmem:$0x1E400] =	vst v63  }
0x43: {  	s25 =	rddreg [dreg:$0x4]  }
0x44: {  	[tilespmem:s7], [sflag:$0x1] =	stream.linear.gather [hbm4b:s25+s3], $0x50, $0x38;
	[tilespmem:$0x1E400] =	vst v63  }
0x45: {  	s14 =	rddreg [dreg:$0x5]  }
0x46: {  	[tilespmem:s9], [sflag:$0x2] =	stream.linear.gather [hbm4b:s14+s3], $0x50, $0x38;
	[tilespmem:$0x1E400] =	vst v63  }
0x47: {  	s15 =	rddreg [dreg:$0x6];
	s25 =	simm.s32 $0x14280  }
0x48: {  	[tilespmem:s25], [sflag:$0x2] =	stream.linear.gather [hbm4b:s15+s3], $0x50, $0x38;
	[tilespmem:$0x1E400] =	vst v63  }
0x49: {  	s14 =	rddreg [dreg:$0x7]  }
0x4a: {  	[tilespmem:s16], [sflag:$0x3] =	stream.linear.gather [hbm4b:s14+s3], $0x50, $0x38;
	[tilespmem:$0x1E400] =	vst v63  }
0x4b: {  	s15 =	rddreg [dreg:$0x8];
	s25 =	simm.s32 $0x14300  }
0x4c: {  	[tilespmem:s25], [sflag:$0x3] =	stream.linear.gather [hbm4b:s15+s3], $0x50, $0x38;
	[tilespmem:$0x1E400] =	vst v63  }
0x4d: {  	s14 =	simm.s32 $0x0;
	s15 =	simm.s32 $0x200  }
.LBB2_2:
0x4e: {  	p0 =	sne.s32 s15, $0x9E00;
	[tilespmem:s14+$0x1BC70] =	vst v0  }
0x4f: {  	[tilespmem:s14+$0x1BC00] =	vst v0  }
0x50: {  	[tilespmem:s14+$0x1BC10] =	vst v0  }
.Ltmp2:
0x51: {  	[tilespmem:s14+$0x1BC20] =	vst v0;
	(pc) =	sbr.rel @p0 .LBB2_2-.Ltmp2, $4  }
0x52: {  	[tilespmem:s14+$0x1BC30] =	vst v0  }
0x53: {  	[tilespmem:s14+$0x1BC40] =	vst v0  }
0x54: {  	[tilespmem:s14+$0x1BC50] =	vst v0  }
0x55: {  	[tilespmem:s14+$0x1BC60] =	vst v0;
	s14 =	sshra.s32 s15, $0x2;
	s15 =	sadd.s32 $0x200, s15  }
0x56: {  	[tilespmem:s14+$0x1BC70] =	vst v0  }
0x57: {  	[tilespmem:s14+$0x1BC00] =	vst v0  }
0x58: {  	[tilespmem:s14+$0x1BC10] =	vst v0  }
0x59: {  	[tilespmem:s14+$0x1BC20] =	vst v0  }
0x5a: {  	[tilespmem:s14+$0x1BC30] =	vst v0  }
0x5b: {  	[tilespmem:s14+$0x1BC40] =	vst v0  }
0x5c: {  	[tilespmem:s14+$0x1BC50] =	vst v0  }
0x5d: {  	[tilespmem:s14+$0x1BC60] =	vst v0  }
0x5e: {  	_ =	swait.ge [sflag:s11], $0x50  }
0x5f: {  	[sflag:s11] =	ssyncset.done $0x0  }
0x60: {  	[sflag:s11] =	ssyncadd.s32 $0xFFFFFFB0  }
0x61: {  	_ =	swait.ge [sflag:s11], $0x50  }
0x62: {  	[sflag:s11] =	ssyncset.done $0x0  }
0x63: {  	s5 =	simm.s32 $0x2;
	[sflag:s11] =	ssyncadd.s32 $0xFFFFFFB0  }
0x64: {  	[tilespmem:s13], [sflag:$0x5] =	stream.indirect.gather [hbm4b:s4+s12], $0x80, s2, s12, $0xb8;
	[tilespmem:$0x1E400] =	vst v63  }
0x65: {  	_ =	swait.ge [sflag:s5], $0x50  }
0x66: {  	[sflag:s5] =	ssyncset.done $0x0  }
0x67: {  	[sflag:s5] =	ssyncadd.s32 $0xFFFFFFB0  }
0x68: {  	_ =	swait.ge [sflag:s5], $0x50  }
0x69: {  	[sflag:s5] =	ssyncset.done $0x0  }
0x6a: {  	s14 =	simm.s32 $0x16C00;
	s15 =	simm.s32 $0x3;
	[sflag:s5] =	ssyncadd.s32 $0xFFFFFFB0  }
0x6b: {  	[tilespmem:s14], [sflag:$0x6] =	stream.indirect.gather [hbm4b:s4+s12], $0x80, s9, s12, $0xb8;
	[tilespmem:$0x1E400] =	vst v63  }
0x6c: {  	_ =	swait.ge [sflag:s15], $0x50  }
0x6d: {  	[sflag:s15] =	ssyncset.done $0x0  }
0x6e: {  	[sflag:s15] =	ssyncadd.s32 $0xFFFFFFB0  }
0x6f: {  	_ =	swait.ge [sflag:s15], $0x50  }
0x70: {  	[sflag:s15] =	ssyncset.done $0x0  }
0x71: {  	s25 =	simm.s32 $0x19400;
	[sflag:s15] =	ssyncadd.s32 $0xFFFFFFB0  }
0x72: {  	[tilespmem:s25], [sflag:$0x7] =	stream.indirect.gather [hbm4b:s4+s12], $0x80, s16, s12, $0xb8;
	[tilespmem:$0x1E400] =	vst v63  }
0x73: {  	s9 =	rddreg [dreg:$0x9];
	s15 =	simm.s32 $0x0  }
0x74: {  	[tilespmem:s18], [sflag:$0x4] =	stream.linear.gather [hbm4b:s9+s15], $0x50, $0x38;
	[tilespmem:$0x1E400] =	vst v63  }
0x75: {  	s14 =	rddreg [dreg:$0xa]  }
0x76: {  	[tilespmem:s26], [sflag:$0x4] =	stream.linear.gather [hbm4b:s14+s15], $0x50, $0x38;
	[tilespmem:$0x1E400] =	vst v63  }
0x77: {  	_ = 	snop  }
0x78: {  	[spmem:s10] =	stream.linear.scatter [tilespmem:s28], [sflag:$0xD], $0x2800, $0x38;
	[tilespmem:$0x1E400] =	vst v63  }
0x79: {  	_ =	swait.ge [sflag:s17], $0x2800  }
0x7a: {  	[sflag:s17] =	ssyncset.done $0x0  }
0x7b: {  	s16 =	rddreg [dreg:$0xc];
	[sflag:s17] =	ssyncadd.s32 $0xFFFFD800  }
0x7c: {  	[spmem:s16] =	stream.linear.scatter [tilespmem:s28], [sflag:$0xD], $0x2800, $0x38;
	[tilespmem:$0x1E400] =	vst v63  }
0x7d: {  	_ =	swait.ge [sflag:s17], $0x2800  }
0x7e: {  	[sflag:s17] =	ssyncset.done $0x0  }
0x7f: {  	s25 =	rddreg [dreg:$0x11];
	[sflag:s17] =	ssyncadd.s32 $0xFFFFD800  }
0x80: {  	[spmem:s25] =	stream.linear.scatter [tilespmem:s28], [sflag:$0xD], $0x2800, $0x38;
	[tilespmem:$0x1E400] =	vst v63  }
0x81: {  	_ =	swait.ge [sflag:s17], $0x2800  }
0x82: {  	[sflag:s17] =	ssyncset.done $0x0  }
0x83: {  	s9 =	rddreg [dreg:$0x12];
	[sflag:s17] =	ssyncadd.s32 $0xFFFFD800  }
0x84: {  	[spmem:s9] =	stream.linear.scatter [tilespmem:s28], [sflag:$0xD], $0x2800, $0x38;
	[tilespmem:$0x1E400] =	vst v63  }
0x85: {  	_ =	swait.ge [sflag:s17], $0x2800  }
0x86: {  	[sflag:s17] =	ssyncset.done $0x0  }
0x87: {  	s10 =	rddreg [dreg:$0x13];
	[sflag:s17] =	ssyncadd.s32 $0xFFFFD800  }
0x88: {  	[spmem:s10] =	stream.linear.scatter [tilespmem:s28], [sflag:$0xD], $0x2800, $0x38;
	[tilespmem:$0x1E400] =	vst v63  }
0x89: {  	_ =	swait.ge [sflag:s17], $0x2800  }
0x8a: {  	[sflag:s17] =	ssyncset.done $0x0  }
0x8b: {  	s14 =	rddreg [dreg:$0x14];
	[sflag:s17] =	ssyncadd.s32 $0xFFFFD800  }
0x8c: {  	[spmem:s14] =	stream.linear.scatter [tilespmem:s28], [sflag:$0xD], $0x2800, $0x38;
	[tilespmem:$0x1E400] =	vst v63  }
0x8d: {  	_ =	swait.ge [sflag:s17], $0x2800  }
0x8e: {  	[sflag:s17] =	ssyncset.done $0x0  }
0x8f: {  	s16 =	rddreg [dreg:$0x15];
	[sflag:s17] =	ssyncadd.s32 $0xFFFFD800  }
0x90: {  	[spmem:s16] =	stream.linear.scatter [tilespmem:s28], [sflag:$0xD], $0x2800, $0x38;
	[tilespmem:$0x1E400] =	vst v63  }
0x91: {  	_ =	swait.ge [sflag:s17], $0x2800  }
0x92: {  	[sflag:s17] =	ssyncset.done $0x0  }
0x93: {  	s25 =	rddreg [dreg:$0x16];
	[sflag:s17] =	ssyncadd.s32 $0xFFFFD800  }
0x94: {  	[spmem:s25] =	stream.linear.scatter [tilespmem:s28], [sflag:$0xD], $0x2800, $0x38;
	[tilespmem:$0x1E400] =	vst v63  }
0x95: {  	_ =	swait.ge [sflag:s17], $0x2800  }
0x96: {  	[sflag:s17] =	ssyncset.done $0x0  }
0x97: {  	[sflag:s17] =	ssyncadd.s32 $0xFFFFD800  }
0x98: {  	[bflag:$0x0] =	sbarrier.arrive $0xFFFF  }
0x99: {  	s14 =	rddreg [dreg:$0x10]  }
.LBB2_4:
0x9a: {  	_ =	swait.ge [sflag:s29], $0x50  }
0x9b: {  	[sflag:s29] =	ssyncset.done $0x0  }
0x9c: {  	[sflag:s29] =	ssyncadd.s32 $0xFFFFFFB0  }
0x9d: {  	_ =	swait.ge [sflag:s29], $0x50  }
0x9e: {  	p0 =	seq.s32 s15, $0x0;
	[sflag:s29] =	ssyncset.done $0x0  }
0x9f: {  	s17 =	simm.s32 @!p0 $0xC;
	[sflag:s29] =	ssyncadd.s32 $0xFFFFFFB0  }
0xa0: {  	_ =	swait.ge @!p0 [sflag:s17], $0x2800  }
0xa1: {  	[sflag:s17] =	ssyncset.done @!p0 $0x0  }
0xa2: {  	[sflag:s17] =	ssyncadd.s32 @!p0 $0xFFFFD800  }
0xa3: {  	[tilespmem:s28], [sflag:$0x8] =	stream.indirect.gather [hbm4b:s4+s12], $0x80, s18, s12, $0xb8;
	[tilespmem:$0x1E400] =	vst v63  }
0xa4: {  	_ =	swait.ge [sflag:s30], $0x2800  }
0xa5: {  	[sflag:s30] =	ssyncset.done $0x0  }
0xa6: {  	s16 =	sshrl.u32 s14, $0x3;
	[sflag:s30] =	ssyncadd.s32 $0xFFFFD800  }
0xa7: {  	[spmem:s1] =	stream.indirect.scatter.add.f32 [tilespmem:s13], [sflag:$0x9], $0x80, s7, s12, $0xb8;
	[tilespmem:$0x1E400] =	vst v63  }
0xa8: {  	s10 =	sadd.s32 s6, s16  }
0xa9: {  	[tilespmem:s2], [sflag:$0x1] =	stream.linear.gather [hbm4b:s10+s3], $0x50, $0x38;
	[tilespmem:$0x1E400] =	vst v63  }
0xaa: {  	s25 =	sadd.s32 s19, s16  }
0xab: {  	[tilespmem:s7], [sflag:$0x1] =	stream.linear.gather [hbm4b:s25+s3], $0x50, $0x38;
	[tilespmem:$0x1E400] =	vst v63  }
0xac: {  	_ =	swait.ge [sflag:s11], $0x50  }
0xad: {  	[sflag:s11] =	ssyncset.done $0x0  }
0xae: {  	[sflag:s11] =	ssyncadd.s32 $0xFFFFFFB0  }
0xaf: {  	_ =	swait.ge [sflag:s11], $0x50  }
0xb0: {  	[sflag:s11] =	ssyncset.done $0x0  }
0xb1: {  	[sflag:s11] =	ssyncadd.s32 $0xFFFFFFB0  }
0xb2: {  	_ =	swait.ge [sflag:s8], $0x2800  }
0xb3: {  	[sflag:s8] =	ssyncset.done $0x0  }
0xb4: {  	[sflag:s8] =	ssyncadd.s32 $0xFFFFD800  }
0xb5: {  	[tilespmem:s13], [sflag:$0x5] =	stream.indirect.gather [hbm4b:s4+s12], $0x80, s2, s12, $0xb8;
	[tilespmem:$0x1E400] =	vst v63  }
0xb6: {  	_ =	swait.ge [sflag:s31], $0x2800  }
0xb7: {  	s5 =	simm.s32 $0x14280;
	p0 =	seq.s32 s15, $0x4B0;
	[sflag:s31] =	ssyncset.done $0x0  }
0xb8: {  	s9 =	simm.s32 $0x16C00;
	s10 =	simm.s32 @p0 $0x7;
	[sflag:s31] =	ssyncadd.s32 $0xFFFFD800  }
0xb9: {  	[spmem:s1] =	stream.indirect.scatter.add.f32 [tilespmem:s9], [sflag:$0xA], $0x80, s5, s12, $0xb8;
	[tilespmem:$0x1E400] =	vst v63  }
0xba: {  	_ =	swait.ge @p0 [sflag:s10], $0x2800  }
0xbb: {  	s17 =	simm.s32 @p0 $0x14300;
	[sflag:s10] =	ssyncset.done @p0 $0x0  }
0xbc: {  	s25 =	simm.s32 @p0 $0x19400;
	[sflag:s10] =	ssyncadd.s32 @p0 $0xFFFFD800;
	s10 =	simm.s32 @p0 $0x50  }
0xbd: {  	[spmem:s1] =	stream.indirect.scatter.add.f32 @p0 [tilespmem:s25], [sflag:$0xB], $0x80, s17, s10, $0xb8;
	[tilespmem:$0x1E400] =	vst v63  }
0xbe: {  	s10 =	sadd.s32 @!p0 s15, s24;
	s17 =	simm.s32 @!p0 $0x0;
	s25 =	simm.s32 @!p0 $0x14080  }
0xbf: {  	[tilespmem:s25], [sflag:$0x2] =	stream.linear.gather @!p0 [hbm4b:s10+s17], $0x50, $0x38;
	[tilespmem:$0x1E400] =	vst v63  }
0xc0: {  	s9 =	simm.s32 @!p0 $0x14280;
	s10 =	sadd.s32 @!p0 s15, s23  }
0xc1: {  	[tilespmem:s9], [sflag:$0x2] =	stream.linear.gather @!p0 [hbm4b:s10+s17], $0x50, $0x38;
	[tilespmem:$0x1E400] =	vst v63  }
0xc2: {  	s9 =	simm.s32 @!p0 $0x2  }
0xc3: {  	_ =	swait.ge @!p0 [sflag:s9], $0x50  }
0xc4: {  	[sflag:s9] =	ssyncset.done @!p0 $0x0  }
0xc5: {  	[sflag:s9] =	ssyncadd.s32 @!p0 $0xFFFFFFB0  }
0xc6: {  	_ =	swait.ge @!p0 [sflag:s9], $0x50  }
0xc7: {  	[sflag:s9] =	ssyncset.done @!p0 $0x0  }
0xc8: {  	[sflag:s9] =	ssyncadd.s32 @!p0 $0xFFFFFFB0;
	s9 =	simm.s32 @!p0 $0xA  }
0xc9: {  	_ =	swait.ge @!p0 [sflag:s9], $0x2800  }
0xca: {  	[sflag:s9] =	ssyncset.done @!p0 $0x0  }
0xcb: {  	s10 =	simm.s32 @!p0 $0x16C00;
	[sflag:s9] =	ssyncadd.s32 @!p0 $0xFFFFD800;
	s9 =	simm.s32 @!p0 $0x50  }
0xcc: {  	[tilespmem:s10], [sflag:$0x6] =	stream.indirect.gather @!p0 [hbm4b:s4+s9], $0x80, s25, s9, $0xb8;
	[tilespmem:$0x1E400] =	vst v63  }
0xcd: {  	s10 =	simm.s32 @!p0 $0x7  }
0xce: {  	_ =	swait.ge @!p0 [sflag:s10], $0x2800  }
0xcf: {  	[sflag:s10] =	ssyncset.done @!p0 $0x0  }
0xd0: {  	s25 =	simm.s32 @!p0 $0x19400;
	[sflag:s10] =	ssyncadd.s32 @!p0 $0xFFFFD800;
	s10 =	simm.s32 @!p0 $0x14300  }
0xd1: {  	[spmem:s1] =	stream.indirect.scatter.add.f32 @!p0 [tilespmem:s25], [sflag:$0xB], $0x80, s10, s9, $0xb8;
	[tilespmem:$0x1E400] =	vst v63  }
0xd2: {  	s16 =	sadd.s32 @!p0 s15, s22;
	s5 =	simm.s32 @!p0 $0x14100  }
0xd3: {  	[tilespmem:s5], [sflag:$0x3] =	stream.linear.gather @!p0 [hbm4b:s16+s17], $0x50, $0x38;
	[tilespmem:$0x1E400] =	vst v63  }
0xd4: {  	s16 =	sadd.s32 @!p0 s15, s21  }
0xd5: {  	[tilespmem:s10], [sflag:$0x3] =	stream.linear.gather @!p0 [hbm4b:s16+s17], $0x50, $0x38;
	[tilespmem:$0x1E400] =	vst v63  }
0xd6: {  	s10 =	simm.s32 @!p0 $0x3  }
0xd7: {  	_ =	swait.ge @!p0 [sflag:s10], $0x50  }
0xd8: {  	[sflag:s10] =	ssyncset.done @!p0 $0x0  }
0xd9: {  	[sflag:s10] =	ssyncadd.s32 @!p0 $0xFFFFFFB0  }
0xda: {  	_ =	swait.ge @!p0 [sflag:s10], $0x50  }
0xdb: {  	[sflag:s10] =	ssyncset.done @!p0 $0x0  }
0xdc: {  	[sflag:s10] =	ssyncadd.s32 @!p0 $0xFFFFFFB0;
	s10 =	simm.s32 @!p0 $0xB  }
0xdd: {  	_ =	swait.ge @!p0 [sflag:s10], $0x2800  }
0xde: {  	[sflag:s10] =	ssyncset.done @!p0 $0x0  }
0xdf: {  	[sflag:s10] =	ssyncadd.s32 @!p0 $0xFFFFD800  }
0xe0: {  	[tilespmem:s25], [sflag:$0x7] =	stream.indirect.gather @!p0 [hbm4b:s4+s9], $0x80, s5, s9, $0xb8;
	[tilespmem:$0x1E400] =	vst v63  }
.Ltmp3:
0xe1: {  	_ = 	snop;
	(pc) =	sbr.rel @p0 .LBB2_6-.Ltmp3, $4  }
0xe2: {  	_ =	swait.ge [sflag:s0], $0x2800  }
0xe3: {  	[sflag:s0] =	ssyncset.done $0x0  }
0xe4: {  	[sflag:s0] =	ssyncadd.s32 $0xFFFFD800  }
0xe5: {  	[spmem:s1] =	stream.indirect.scatter.add.f32 [tilespmem:s28], [sflag:$0xC], $0x80, s26, s12, $0xb8;
	[tilespmem:$0x1E400] =	vst v63  }
.Ltmp4:
0xe6: {  	(pc) =	sbr.rel .LBB2_4-.Ltmp4, $4  }
0xe7: {  	s5 =	sadd.s32 s15, s20;
	s25 =	rddreg [dreg:$0xf]  }
0xe8: {  	[tilespmem:s18], [sflag:$0x4] =	stream.linear.gather [hbm4b:s5+s3], $0x50, $0x38;
	[tilespmem:$0x1E400] =	vst v63  }
0xe9: {  	s14 =	sadd.s32 $0x140, s14;
	s5 =	sadd.s32 s15, s25;
	s15 =	sadd.s32 $0x28, s15  }
0xea: {  	[tilespmem:s26], [sflag:$0x4] =	stream.linear.gather [hbm4b:s5+s3], $0x50, $0x38;
	[tilespmem:$0x1E400] =	vst v63  }
.LBB2_7:
0xeb: {  	_ =	sfence.sel $0x180000  }
0xec: {  	[bflag:$0x0] =	sbarrier.arrive $0xFFFF  }
0xed: {  	_ =	strace $0x90000050  }
0xee: {  	s0 =	stileid.u32;
	[bflag:$0x2] =	sbarrier.arrive $0xFFFF  }
0xef: {  	p0 =	sne.s32 s0, $0x0;
	s0 =	rddreg [dreg:$0x2]  }
0xf0: {  	s0 =	sadd.s32 @!p0 $0x100000, s0  }
0xf1: {  	[sflag:s0] =	ssyncadd.tile.s32 @!p0 $0x1;
	_ =	shalt  }
.Lfunc_end2:
_tile_overlayer_lowered:
.L_overlay_start_2:
0xf2: {  	(tag) =	ssettag $0x2  }
0xf3: {  	s0 =	rddreg [dreg:$0x0];
	s2 =	stileid.u32  }
0xf4: {  	s1 =	rddreg [dreg:$0x1];
	p0 =	sne.s32 s2, $0x0  }
0xf5: {  	s3 =	rddreg [dreg:$0x2];
	[bflag:$0x3] =	sbarrier.arrive $0xFFFF;
	s2 =	simm.s32 @!p0 $0x1C0D  }
0xf6: {  	[timem:s3], [sflag:s2] =	dma.local @!p0 [hbm:s0], s1  }
0xf7: {  	s0 =	simm.s32 @!p0 $0xD  }
0xf8: {  	_ =	swait.ge @!p0 [sflag:s0], s1  }
0xf9: {  	s1 =	ssub.s32 @!p0 $0x0, s1;
	[sflag:s0] =	ssyncset.done @!p0 $0x0  }
0xfa: {  	[sflag:s0] =	ssyncadd.s32 @!p0 s1  }
0xfb: {  	[bflag:$0x3] =	sbarrier.arrive $0xFFFF  }
0xfc: {  	_ =	shalt  }

</sc_bundles>
